<compile_context>
chip_gen: v7x
topology: tpu7x:2x2x1
jax: 0.10.2.dev20260603
libtpu: 0.0.44.dev20260713+nightly
codegen_flags: <defaults>
</compile_context>

<pallas_src>
import functools

import jax
import jax.numpy as jnp
from jax import lax
from jax.experimental import pallas as pl
from jax.experimental.pallas import tpu as pltpu
from jax.experimental.pallas import tpu_sc as plsc

B, N, C, F, H = 2, 10000, 512, 20000, 256
E3 = 3 * F
FP = 20480
TF = B * FP
PADQ = TF
WPB = 16
PW = FP // WPB

_mesh = plsc.VectorSubcoreMesh(core_axis_name="c", subcore_axis_name="s")


def _gbase():
    wid = lax.axis_index("s") * 2 + lax.axis_index("c")
    return wid * PW


@functools.partial(
    pl.kernel,
    out_type=jax.ShapeDtypeStruct((TF, C), jnp.float32),
    mesh=_mesh,
    scratch_types=(
        pltpu.VMEM((96,), jnp.int32),
        pltpu.VMEM((96, C), jnp.float32),
        pltpu.VMEM((32, C), jnp.float32),
        pltpu.SemaphoreType.DMA,
    ),
)
def _sc_hsum(faceg, x_rows, hsum_o, fidx_v, xrows_v, hs_v, sem):
    gb = _gbase()

    def chunk(ci, _):
        pltpu.sync_copy(faceg.at[pl.ds((gb + ci * 32) * 3, 96)], fidx_v)
        pltpu.async_copy(x_rows.at[fidx_v], xrows_v, sem).wait()

        def row(i, _):
            for l in range(C // 16):
                v = (xrows_v[3 * i, pl.ds(16 * l, 16)]
                     + xrows_v[3 * i + 1, pl.ds(16 * l, 16)]
                     + xrows_v[3 * i + 2, pl.ds(16 * l, 16)])
                hs_v[i, pl.ds(16 * l, 16)] = v
            return 0

        lax.fori_loop(0, 32, row, 0)
        pltpu.sync_copy(hs_v, hsum_o.at[pl.ds(gb + ci * 32, 32)])
        return 0

    lax.fori_loop(0, PW // 32, chunk, 0)


def _make_agg(WR, WO):
    @functools.partial(
        pl.kernel,
        out_type=jax.ShapeDtypeStruct((TF, WO), jnp.float32),
        mesh=_mesh,
        scratch_types=(
            pltpu.VMEM((224,), jnp.int32),
            pltpu.VMEM((224, WR), jnp.float32),
            pltpu.VMEM((32, WO), jnp.float32),
            pltpu.SemaphoreType.DMA,
        ),
    )
    def agg(q_ext, nbrc, s_o, nidx_v, rows_v, s_v, sem):
        gb = _gbase()

        def chunk(ci, _):
            pltpu.sync_copy(nbrc.at[pl.ds((gb // 32 + ci) * 224, 224)], nidx_v)
            pltpu.async_copy(q_ext.at[nidx_v], rows_v, sem).wait()

            def row(i, _):
                for l in range(WO // 16):
                    v = rows_v[i, pl.ds(16 * l, 16)]
                    for r in range(1, 7):
                        v = v + rows_v[r * 32 + i, pl.ds(16 * l, 16)]
                    s_v[i, pl.ds(16 * l, 16)] = v
                return 0

            lax.fori_loop(0, 32, row, 0)
            pltpu.sync_copy(s_v, s_o.at[pl.ds(gb + ci * 32, 32)])
            return 0

        lax.fori_loop(0, PW // 32, chunk, 0)

    return agg


_sc_agg_h = _make_agg(H, H)
_sc_agg_s = _make_agg(128, 16)


def _tc_q_fn(hs_ref, dv_ref, w_ref, o_ref):
    fx = hs_ref[...] / 3.0
    h1 = jnp.dot(fx, w_ref[...], preferred_element_type=jnp.float32)
    o_ref[...] = dv_ref[...] * h1


def _tc_out1_fn(s_ref, dv_ref, b1_ref, w2_ref, o_ref):
    out1 = jnp.maximum(dv_ref[...] * s_ref[...] + b1_ref[...], 0.0)
    h2 = jnp.dot(out1, w2_ref[...], preferred_element_type=jnp.float32)
    o_ref[...] = jnp.broadcast_to(dv_ref[...] * h2, (h2.shape[0], 128))


def _tc_mask_fn(t_ref, dv_ref, b2_ref, o_ref):
    o = dv_ref[...] * t_ref[:, 0:1] + b2_ref[...]
    o_ref[...] = jnp.where(o > 0.0, 1.0, 0.0)


def kernel(input, face, W1, b1, W2, b2):
    return _impl(input, face, W1, b1, W2, b2)


@jax.jit
def _impl(input, face, W1, b1, W2, b2):
    f32, i32 = jnp.float32, jnp.int32
    X = input.reshape(B * N, C)

    e = jnp.concatenate([face[:, :, (0, 1)], face[:, :, (1, 2)],
                         face[:, :, (2, 0)]], axis=1)
    lo = jnp.minimum(e[:, :, 0], e[:, :, 1])
    hi = jnp.maximum(e[:, :, 0], e[:, :, 1])
    keys = (lo * N + hi).astype(i32)
    order = jnp.argsort(keys, axis=1).astype(i32)
    ks = jnp.take_along_axis(keys, order, axis=1)
    ar = jnp.broadcast_to(jnp.arange(E3, dtype=i32), (B, E3))
    inv = jnp.zeros((B, E3), i32).at[jnp.arange(B)[:, None], order].set(ar)

    P = inv.reshape(B, 3, F)
    K0 = keys.reshape(B, 3, F)
    Pp = jnp.minimum(P + 1, E3 - 1).reshape(B, 3 * F)
    Pm = jnp.maximum(P - 1, 0).reshape(B, 3 * F)
    Kp = jnp.take_along_axis(ks, Pp, axis=1).reshape(B, 3, F)
    Km = jnp.take_along_axis(ks, Pm, axis=1).reshape(B, 3, F)
    Op = jnp.take_along_axis(order, Pp, axis=1).reshape(B, 3, F)
    Om = jnp.take_along_axis(order, Pm, axis=1).reshape(B, 3, F)
    fwd = (P < E3 - 1) & (K0 == Kp)
    bwd = (P > 0) & (Km == K0)
    bq = (jnp.arange(B, dtype=i32) * FP)[:, None, None]
    nbf = jnp.where(fwd, bq + Op % F, 0)
    nbb = jnp.where(bwd, bq + Om % F, 0)
    selfq = bq[:, 0] + jnp.arange(F, dtype=i32)[None, :]
    nbr7 = jnp.concatenate([nbf, nbb, selfq[:, None, :]], axis=1)
    val7 = jnp.concatenate([fwd, bwd, jnp.ones((B, 1, F), bool)], axis=1)
    gf = bq + jnp.arange(F, dtype=i32)[None, None, :]
    rr = jnp.arange(7, dtype=i32)[None, :, None]
    spread = PADQ + (7 * gf + rr) % 512
    nbr7 = jnp.where(val7, nbr7, spread)
    gfp = (jnp.arange(B, dtype=i32) * FP)[:, None, None] + \
        jnp.arange(FP, dtype=i32)[None, None, :]
    padfill = PADQ + (7 * gfp + rr) % 512
    nbrt = padfill.transpose(1, 0, 2).at[:, :, :F].set(
        nbr7.transpose(1, 0, 2)).reshape(7, TF)
    nbrc = nbrt.reshape(7, TF // 32, 32).transpose(1, 0, 2).reshape(-1)
    deg = 1.0 + (fwd.sum(axis=1) + bwd.sum(axis=1)).astype(f32)
    dinv = lax.rsqrt(jnp.maximum(deg, 1.0))
    dinv = jnp.concatenate([dinv, jnp.ones((B, FP - F), f32)], axis=1)
    dinv2d = dinv.reshape(TF, 1)

    facep = jnp.concatenate([face.astype(i32),
                             jnp.zeros((B, FP - F, 3), i32)], axis=1)
    faceg = (facep + (jnp.arange(B, dtype=i32) * N)[:, None, None]).reshape(-1)

    hsum = _sc_hsum(faceg, X)

    q = pl.pallas_call(
        _tc_q_fn,
        grid=(TF // 512,),
        in_specs=[pl.BlockSpec((512, C), lambda i: (i, 0)),
                  pl.BlockSpec((512, 1), lambda i: (i, 0)),
                  pl.BlockSpec((C, H), lambda i: (0, 0))],
        out_specs=pl.BlockSpec((512, H), lambda i: (i, 0)),
        out_shape=jax.ShapeDtypeStruct((TF, H), f32),
    )(hsum, dinv2d, W1)
    q_ext = jnp.concatenate([q, jnp.zeros((512, H), f32)], axis=0)

    s = _sc_agg_h(q_ext, nbrc)

    q2 = pl.pallas_call(
        _tc_out1_fn,
        grid=(TF // 512,),
        in_specs=[pl.BlockSpec((512, H), lambda i: (i, 0)),
                  pl.BlockSpec((512, 1), lambda i: (i, 0)),
                  pl.BlockSpec((1, H), lambda i: (0, 0)),
                  pl.BlockSpec((H, 1), lambda i: (0, 0))],
        out_specs=pl.BlockSpec((512, 128), lambda i: (i, 0)),
        out_shape=jax.ShapeDtypeStruct((TF, 128), f32),
    )(s, dinv2d, b1.reshape(1, H), W2)
    q2_ext = jnp.concatenate([q2, jnp.zeros((512, 128), f32)], axis=0)

    t = _sc_agg_s(q2_ext, nbrc)

    masks = pl.pallas_call(
        _tc_mask_fn,
        grid=(TF // 512,),
        in_specs=[pl.BlockSpec((512, 16), lambda i: (i, 0)),
                  pl.BlockSpec((512, 1), lambda i: (i, 0)),
                  pl.BlockSpec((1, 1), lambda i: (0, 0))],
        out_specs=pl.BlockSpec((512, 1), lambda i: (i, 0)),
        out_shape=jax.ShapeDtypeStruct((TF, 1), f32),
    )(t, dinv2d, b2.reshape(1, 1))
    return masks.reshape(B, FP)[:, :F]

# --- scband reference (transcript-rebuilt; emitter-appended) ---
"""Pipeline reference for scband-gface-mask-19799799234722 (READ-ONLY COPY).

The authoritative reference and input builder live on the scoring server;
editing this copy changes nothing except your own understanding.
"""

import jax, jax.numpy as jnp
import numpy as np


def dual_mesh(x, face):
    # x: [N, C] vertex features, face: [F, 3] vertex indices
    N = x.shape[0]
    Fc = face.shape[0]
    # dual-graph node features: mean of the 3 vertex features per face
    fx = jnp.mean(x[face], axis=1)  # [F, C]
    # dual-graph edges: faces sharing a mesh edge
    edges = jnp.concatenate([face[:, [0, 1]], face[:, [1, 2]], face[:, [2, 0]]], axis=0)  # [3F, 2]
    lo = jnp.minimum(edges[:, 0], edges[:, 1])
    hi = jnp.maximum(edges[:, 0], edges[:, 1])
    keys = lo * N + hi
    fids = jnp.tile(jnp.arange(Fc, dtype=jnp.int32), 3)
    order = jnp.argsort(keys)
    ks = keys[order]
    fs = fids[order]
    match = (ks[:-1] == ks[1:])
    src = fs[:-1]
    dst = fs[1:]
    edge_index = jnp.stack([jnp.concatenate([src, dst]), jnp.concatenate([dst, src])], axis=0)
    edge_weight = jnp.concatenate([match, match]).astype(x.dtype)
    return fx, edge_index, edge_weight


def gsn_conv(x, edge_index, edge_weight, W, b):
    # GCN-style symmetric-normalized conv with self loops
    Fn = x.shape[0]
    loops = jnp.arange(Fn, dtype=edge_index.dtype)
    row = jnp.concatenate([edge_index[0], loops])
    col = jnp.concatenate([edge_index[1], loops])
    w = jnp.concatenate([edge_weight, jnp.ones((Fn,), x.dtype)])
    deg = jnp.bincount(row, weights=w, length=Fn).astype(x.dtype)
    dinv = jax.lax.rsqrt(jnp.maximum(deg, 1.0))
    h = x @ W
    msg = (w * dinv[row] * dinv[col])[:, None] * h[col]
    out = jnp.zeros((Fn, W.shape[1]), x.dtype).at[row].add(msg)
    return out + b


def setup_inputs(seed: int = 0):
    key = jax.random.key(seed)
    k1, k2, k3, k4 = jax.random.split(key, 4)
    B, N, C, Fc, H = 2, 10000, 512, 20000, 256
    inp = jax.random.normal(k1, (B, N, C), dtype=jnp.float32)
    face = jax.random.randint(k2, (B, Fc, 3), 0, N, dtype=jnp.int32)
    W1 = jax.random.normal(k3, (C, H), dtype=jnp.float32) * (1.0 / np.sqrt(C))
    b1 = jnp.zeros((H,), dtype=jnp.float32)
    W2 = jax.random.normal(k4, (H, 1), dtype=jnp.float32) * (1.0 / np.sqrt(H))
    b2 = jnp.zeros((1,), dtype=jnp.float32)
    return {"input": inp, "face": face, "W1": W1, "b1": b1, "W2": W2, "b2": b2}


def reference(input, face, W1, b1, W2, b2):
    B = input.shape[0]
    mask_list = []
    for b in range(B):
        x, edge, ew = dual_mesh(input[b], face[b])
        x = jax.nn.relu(gsn_conv(x, edge, ew, W1, b1))
        output = jnp.tanh(gsn_conv(x, edge, ew, W2, b2))
        ones = jnp.ones_like(output)
        zeros = jnp.zeros_like(output)
        mask = jnp.where(output > 0, ones, zeros)
        mask_list.append(mask)
    masks = jnp.stack(mask_list, 0).squeeze(-1)
    return masks

if __name__ == "__main__":
    import jax
    _d = setup_inputs()
    print(jax.jit(kernel)(*tuple(_d.values())))

</pallas_src>

<mosaic_0001>
#map = affine_map<(d0, d1) -> (0, 0)>
#map1 = affine_map<(d0, d1) -> (0)>
module attributes {stable_mosaic.version = 14 : i64} {
  func.func @agg(%arg0: i32, %arg1: i32, %arg2: memref<41472x256xf32, #tpu.memory_space<hbm>>, %arg3: memref<286720xi32, #tpu.memory_space<hbm>>, %arg4: memref<40960x256xf32, #tpu.memory_space<hbm>>, %arg5: memref<224xi32, #tpu.memory_space<vmem>>, %arg6: memref<224x256xf32, #tpu.memory_space<vmem>>, %arg7: memref<32x256xf32, #tpu.memory_space<vmem>>, %arg8: memref<!tpu.dma_semaphore, #tpu.memory_space<semaphore_mem>>) attributes {dimension_semantics = [#tpu.dimension_semantics<core_parallel>, #tpu.dimension_semantics<subcore_parallel>], iteration_bounds = array<i64: 2, 16>, scalar_prefetch = 0 : i64, scratch_operands = 4 : i64, tpu.core_type = #tpu.core_type<sc_vector_subcore>, window_params = [{transform_indices = #map}, {transform_indices = #map1}, {transform_indices = #map}]} {
    %mul3A = arith.constant 2 : i32
    %mul3A_0 = arith.muli %arg1, %mul3A : i32
    %add3A = arith.addi %mul3A_0, %arg0 : i32
    %mul3A_1 = arith.constant 1280 : i32
    %mul3A_2 = arith.muli %add3A, %mul3A_1 : i32
    %scan3A = arith.constant 0 : i32
    %scan3A_3 = arith.constant 0 : i32
    %scan3A_4 = arith.constant 40 : i32
    %scan3A_5 = arith.addi %scan3A_3, %scan3A_4 : i32
    %scan3A_6 = arith.constant 1 : i32
    %scan3A_7 = scf.for %scan3A_9 = %scan3A_3 to %scan3A_5 step %scan3A_6 iter_args(%scan3A_10 = %scan3A) -> (i32)  : i32 {
      %jit3A = arith.constant 32 : i32
      %div3A = arith.divsi %mul3A_2, %jit3A : i32
      %sign3A = arith.constant 0 : i32
      %sign3A_11 = arith.cmpi sgt, %mul3A_2, %sign3A : i32
      %sign3A_12 = arith.extui %sign3A_11 : i1 to i32
      %sign3A_13 = arith.constant 0 : i32
      %sign3A_14 = arith.cmpi slt, %mul3A_2, %sign3A_13 : i32
      %sign3A_15 = arith.extui %sign3A_14 : i1 to i32
      %sign3A_16 = arith.subi %sign3A_12, %sign3A_15 : i32
      %sign3A_17 = arith.constant 0 : i32
      %sign3A_18 = arith.cmpi sgt, %jit3A, %sign3A_17 : i32
      %sign3A_19 = arith.extui %sign3A_18 : i1 to i32
      %sign3A_20 = arith.constant 0 : i32
      %sign3A_21 = arith.cmpi slt, %jit3A, %sign3A_20 : i32
      %sign3A_22 = arith.extui %sign3A_21 : i1 to i32
      %sign3A_23 = arith.subi %sign3A_19, %sign3A_22 : i32
      %ne3A = arith.cmpi ne, %sign3A_16, %sign3A_23 : i32
      %rem3A = arith.remsi %mul3A_2, %jit3A : i32
      %ne3A_24 = arith.constant 0 : i32
      %ne3A_25 = arith.cmpi ne, %rem3A, %ne3A_24 : i32
      %and3A = arith.andi %ne3A, %ne3A_25 : i1
      %sub3A = arith.constant 1 : i32
      %sub3A_26 = arith.subi %div3A, %sub3A : i32
      %select_n3A = arith.select %and3A, %sub3A_26, %div3A : i32
      %add3A_27 = arith.addi %select_n3A, %scan3A_9 : i32
      %mul3A_28 = arith.constant 224 : i32
      %mul3A_29 = arith.muli %add3A_27, %mul3A_28 : i32
      "tpu.region"() ({
        %run_scoped3A = tpu.sem_alloc : memref<!tpu.dma_semaphore, #tpu.memory_space<semaphore_mem>>
        %dma_start3A_45 = tpu.memref_slice %arg3[%mul3A_29] : memref<286720xi32, #tpu.memory_space<hbm>> -> memref<224xi32, #tpu.memory_space<hbm>>
        %dma_start3A_46 = tpu.memref_slice %arg3[%mul3A_29] : memref<286720xi32, #tpu.memory_space<hbm>> -> memref<224xi32, #tpu.memory_space<hbm>>
        tpu.enqueue_dma source(%dma_start3A_46 : memref<224xi32, #tpu.memory_space<hbm>>) target(%arg5 : memref<224xi32, #tpu.memory_space<vmem>>) target_semaphore(%run_scoped3A : memref<!tpu.dma_semaphore, #tpu.memory_space<semaphore_mem>>)
        %dma_wait3A_47 = tpu.memref_slice %arg3[%mul3A_29] : memref<286720xi32, #tpu.memory_space<hbm>> -> memref<224xi32, #tpu.memory_space<hbm>>
        %dma_wait3A_48 = tpu.memref_slice %arg3[%mul3A_29] : memref<286720xi32, #tpu.memory_space<hbm>> -> memref<224xi32, #tpu.memory_space<hbm>>
        tpu.wait_dma2 semaphore(%run_scoped3A : memref<!tpu.dma_semaphore, #tpu.memory_space<semaphore_mem>>) src(%dma_wait3A_48 : memref<224xi32, #tpu.memory_space<hbm>>) dst(%arg5 : memref<224xi32, #tpu.memory_space<vmem>>)
        tpu.yield
      }) : () -> ()
      %dma_start3A = arith.constant 0 : i32
      %dma_start3A_30 = arith.constant 0 : i32
      %dma_start3A_31 = tpu.memref_slice %arg2[%dma_start3A, %dma_start3A_30] : memref<41472x256xf32, #tpu.memory_space<hbm>> -> memref<41472x256xf32, #tpu.memory_space<hbm>>
      tpu.enqueue_indirect_dma source(%dma_start3A_31 : memref<41472x256xf32, #tpu.memory_space<hbm>>) target(%arg6 : memref<224x256xf32, #tpu.memory_space<vmem>>) offsets(%arg5 : memref<224xi32, #tpu.memory_space<vmem>>) semaphore(%arg8 : memref<!tpu.dma_semaphore, #tpu.memory_space<semaphore_mem>>)
      %dma_wait3A = arith.constant 0 : i32
      %dma_wait3A_32 = arith.constant 0 : i32
      %dma_wait3A_33 = tpu.memref_slice %arg2[%dma_wait3A, %dma_wait3A_32] : memref<41472x256xf32, #tpu.memory_space<hbm>> -> memref<41472x256xf32, #tpu.memory_space<hbm>>
      tpu.wait_indirect_dma semaphore(%arg8 : memref<!tpu.dma_semaphore, #tpu.memory_space<semaphore_mem>>) src(%dma_wait3A_33 : memref<41472x256xf32, #tpu.memory_space<hbm>>) dst(%arg6 : memref<224x256xf32, #tpu.memory_space<vmem>>)
      %scan3A_34 = arith.constant 0 : i32
      %scan3A_35 = arith.constant 0 : i32
      %scan3A_36 = arith.constant 32 : i32
      %scan3A_37 = arith.addi %scan3A_35, %scan3A_36 : i32
      %scan3A_38 = arith.constant 1 : i32
      %scan3A_39 = scf.for %scan3A_45 = %scan3A_35 to %scan3A_37 step %scan3A_38 iter_args(%scan3A_46 = %scan3A_34) -> (i32)  : i32 {
        %get3A = arith.index_cast %scan3A_45 : i32 to index
        %get3A_47 = arith.constant 0 : index
        %get3A_48 = tpu.vector_load %arg6[%get3A, %get3A_47] {strides = array<i32>} : memref<224x256xf32, #tpu.memory_space<vmem>>, vector<1x16xf32>,
        %get3A_49 = vector.shape_cast %get3A_48 : vector<1x16xf32> to vector<16xf32>
        %add3A_50 = arith.constant 32 : i32
        %add3A_51 = arith.addi %add3A_50, %scan3A_45 : i32
        %get3A_52 = arith.index_cast %add3A_51 : i32 to index
        %get3A_53 = arith.constant 0 : index
        %get3A_54 = tpu.vector_load %arg6[%get3A_52, %get3A_53] {strides = array<i32>} : memref<224x256xf32, #tpu.memory_space<vmem>>, vector<1x16xf32>,
        %get3A_55 = vector.shape_cast %get3A_54 : vector<1x16xf32> to vector<16xf32>
        %add3A_56 = arith.addf %get3A_49, %get3A_55 : vector<16xf32>
        %add3A_57 = arith.constant 64 : i32
        %add3A_58 = arith.addi %add3A_57, %scan3A_45 : i32
        %get3A_59 = arith.index_cast %add3A_58 : i32 to index
        %get3A_60 = arith.constant 0 : index
        %get3A_61 = tpu.vector_load %arg6[%get3A_59, %get3A_60] {strides = array<i32>} : memref<224x256xf32, #tpu.memory_space<vmem>>, vector<1x16xf32>,
        %get3A_62 = vector.shape_cast %get3A_61 : vector<1x16xf32> to vector<16xf32>
        %add3A_63 = arith.addf %add3A_56, %get3A_62 : vector<16xf32>
        %add3A_64 = arith.constant 96 : i32
        %add3A_65 = arith.addi %add3A_64, %scan3A_45 : i32
        %get3A_66 = arith.index_cast %add3A_65 : i32 to index
        %get3A_67 = arith.constant 0 : index
        %get3A_68 = tpu.vector_load %arg6[%get3A_66, %get3A_67] {strides = array<i32>} : memref<224x256xf32, #tpu.memory_space<vmem>>, vector<1x16xf32>,
        %get3A_69 = vector.shape_cast %get3A_68 : vector<1x16xf32> to vector<16xf32>
        %add3A_70 = arith.addf %add3A_63, %get3A_69 : vector<16xf32>
        %add3A_71 = arith.constant 128 : i32
        %add3A_72 = arith.addi %add3A_71, %scan3A_45 : i32
        %get3A_73 = arith.index_cast %add3A_72 : i32 to index
        %get3A_74 = arith.constant 0 : index
        %get3A_75 = tpu.vector_load %arg6[%get3A_73, %get3A_74] {strides = array<i32>} : memref<224x256xf32, #tpu.memory_space<vmem>>, vector<1x16xf32>,
        %get3A_76 = vector.shape_cast %get3A_75 : vector<1x16xf32> to vector<16xf32>
        %add3A_77 = arith.addf %add3A_70, %get3A_76 : vector<16xf32>
        %add3A_78 = arith.constant 160 : i32
        %add3A_79 = arith.addi %add3A_78, %scan3A_45 : i32
        %get3A_80 = arith.index_cast %add3A_79 : i32 to index
        %get3A_81 = arith.constant 0 : index
        %get3A_82 = tpu.vector_load %arg6[%get3A_80, %get3A_81] {strides = array<i32>} : memref<224x256xf32, #tpu.memory_space<vmem>>, vector<1x16xf32>,
        %get3A_83 = vector.shape_cast %get3A_82 : vector<1x16xf32> to vector<16xf32>
        %add3A_84 = arith.addf %add3A_77, %get3A_83 : vector<16xf32>
        %add3A_85 = arith.constant 192 : i32
        %add3A_86 = arith.addi %add3A_85, %scan3A_45 : i32
        %get3A_87 = arith.index_cast %add3A_86 : i32 to index
        %get3A_88 = arith.constant 0 : index
        %get3A_89 = tpu.vector_load %arg6[%get3A_87, %get3A_88] {strides = array<i32>} : memref<224x256xf32, #tpu.memory_space<vmem>>, vector<1x16xf32>,
        %get3A_90 = vector.shape_cast %get3A_89 : vector<1x16xf32> to vector<16xf32>
        %add3A_91 = arith.addf %add3A_84, %get3A_90 : vector<16xf32>
        %swap3A = arith.index_cast %scan3A_45 : i32 to index
        %swap3A_92 = arith.constant 0 : index
        %swap3A_93 = tpu.vector_load %arg7[%swap3A, %swap3A_92] {strides = array<i32>} : memref<32x256xf32, #tpu.memory_space<vmem>>, vector<1x16xf32>,
        %swap3A_94 = vector.shape_cast %swap3A_93 : vector<1x16xf32> to vector<16xf32>
        %swap3A_95 = vector.shape_cast %add3A_91 : vector<16xf32> to vector<1x16xf32>
        tpu.vector_store %arg7[%swap3A, %swap3A_92], %swap3A_95 {strides = array<i32>} : memref<32x256xf32, #tpu.memory_space<vmem>>, vector<1x16xf32>,
        %get3A_96 = arith.index_cast %scan3A_45 : i32 to index
        %get3A_97 = arith.constant 16 : index
        %get3A_98 = tpu.vector_load %arg6[%get3A_96, %get3A_97] {strides = array<i32>} : memref<224x256xf32, #tpu.memory_space<vmem>>, vector<1x16xf32>,
        %get3A_99 = vector.shape_cast %get3A_98 : vector<1x16xf32> to vector<16xf32>
        %add3A_100 = arith.constant 32 : i32
        %add3A_101 = arith.addi %add3A_100, %scan3A_45 : i32
        %get3A_102 = arith.index_cast %add3A_101 : i32 to index
        %get3A_103 = arith.constant 16 : index
        %get3A_104 = tpu.vector_load %arg6[%get3A_102, %get3A_103] {strides = array<i32>} : memref<224x256xf32, #tpu.memory_space<vmem>>, vector<1x16xf32>,
        %get3A_105 = vector.shape_cast %get3A_104 : vector<1x16xf32> to vector<16xf32>
        %add3A_106 = arith.addf %get3A_99, %get3A_105 : vector<16xf32>
        %add3A_107 = arith.constant 64 : i32
        %add3A_108 = arith.addi %add3A_107, %scan3A_45 : i32
        %get3A_109 = arith.index_cast %add3A_108 : i32 to index
        %get3A_110 = arith.constant 16 : index
        %get3A_111 = tpu.vector_load %arg6[%get3A_109, %get3A_110] {strides = array<i32>} : memref<224x256xf32, #tpu.memory_space<vmem>>, vector<1x16xf32>,
        %get3A_112 = vector.shape_cast %get3A_111 : vector<1x16xf32> to vector<16xf32>
        %add3A_113 = arith.addf %add3A_106, %get3A_112 : vector<16xf32>
        %add3A_114 = arith.constant 96 : i32
        %add3A_115 = arith.addi %add3A_114, %scan3A_45 : i32
        %get3A_116 = arith.index_cast %add3A_115 : i32 to index
        %get3A_117 = arith.constant 16 : index
        %get3A_118 = tpu.vector_load %arg6[%get3A_116, %get3A_117] {strides = array<i32>} : memref<224x256xf32, #tpu.memory_space<vmem>>, vector<1x16xf32>,
        %get3A_119 = vector.shape_cast %get3A_118 : vector<1x16xf32> to vector<16xf32>
        %add3A_120 = arith.addf %add3A_113, %get3A_119 : vector<16xf32>
        %add3A_121 = arith.constant 128 : i32
        %add3A_122 = arith.addi %add3A_121, %scan3A_45 : i32
        %get3A_123 = arith.index_cast %add3A_122 : i32 to index
        %get3A_124 = arith.constant 16 : index
        %get3A_125 = tpu.vector_load %arg6[%get3A_123, %get3A_124] {strides = array<i32>} : memref<224x256xf32, #tpu.memory_space<vmem>>, vector<1x16xf32>,
        %get3A_126 = vector.shape_cast %get3A_125 : vector<1x16xf32> to vector<16xf32>
        %add3A_127 = arith.addf %add3A_120, %get3A_126 : vector<16xf32>
        %add3A_128 = arith.constant 160 : i32
        %add3A_129 = arith.addi %add3A_128, %scan3A_45 : i32
        %get3A_130 = arith.index_cast %add3A_129 : i32 to index
        %get3A_131 = arith.constant 16 : index
        %get3A_132 = tpu.vector_load %arg6[%get3A_130, %get3A_131] {strides = array<i32>} : memref<224x256xf32, #tpu.memory_space<vmem>>, vector<1x16xf32>,
        %get3A_133 = vector.shape_cast %get3A_132 : vector<1x16xf32> to vector<16xf32>
        %add3A_134 = arith.addf %add3A_127, %get3A_133 : vector<16xf32>
        %add3A_135 = arith.constant 192 : i32
        %add3A_136 = arith.addi %add3A_135, %scan3A_45 : i32
        %get3A_137 = arith.index_cast %add3A_136 : i32 to index
        %get3A_138 = arith.constant 16 : index
        %get3A_139 = tpu.vector_load %arg6[%get3A_137, %get3A_138] {strides = array<i32>} : memref<224x256xf32, #tpu.memory_space<vmem>>, vector<1x16xf32>,
        %get3A_140 = vector.shape_cast %get3A_139 : vector<1x16xf32> to vector<16xf32>
        %add3A_141 = arith.addf %add3A_134, %get3A_140 : vector<16xf32>
        %swap3A_142 = arith.index_cast %scan3A_45 : i32 to index
        %swap3A_143 = arith.constant 16 : index
        %swap3A_144 = tpu.vector_load %arg7[%swap3A_142, %swap3A_143] {strides = array<i32>} : memref<32x256xf32, #tpu.memory_space<vmem>>, vector<1x16xf32>,
        %swap3A_145 = vector.shape_cast %swap3A_144 : vector<1x16xf32> to vector<16xf32>
        %swap3A_146 = vector.shape_cast %add3A_141 : vector<16xf32> to vector<1x16xf32>
        tpu.vector_store %arg7[%swap3A_142, %swap3A_143], %swap3A_146 {strides = array<i32>} : memref<32x256xf32, #tpu.memory_space<vmem>>, vector<1x16xf32>,
        %get3A_147 = arith.index_cast %scan3A_45 : i32 to index
        %get3A_148 = arith.constant 32 : index
        %get3A_149 = tpu.vector_load %arg6[%get3A_147, %get3A_148] {strides = array<i32>} : memref<224x256xf32, #tpu.memory_space<vmem>>, vector<1x16xf32>,
        %get3A_150 = vector.shape_cast %get3A_149 : vector<1x16xf32> to vector<16xf32>
        %add3A_151 = arith.constant 32 : i32
        %add3A_152 = arith.addi %add3A_151, %scan3A_45 : i32
        %get3A_153 = arith.index_cast %add3A_152 : i32 to index
        %get3A_154 = arith.constant 32 : index
        %get3A_155 = tpu.vector_load %arg6[%get3A_153, %get3A_154] {strides = array<i32>} : memref<224x256xf32, #tpu.memory_space<vmem>>, vector<1x16xf32>,
        %get3A_156 = vector.shape_cast %get3A_155 : vector<1x16xf32> to vector<16xf32>
        %add3A_157 = arith.addf %get3A_150, %get3A_156 : vector<16xf32>
        %add3A_158 = arith.constant 64 : i32
        %add3A_159 = arith.addi %add3A_158, %scan3A_45 : i32
        %get3A_160 = arith.index_cast %add3A_159 : i32 to index
        %get3A_161 = arith.constant 32 : index
        %get3A_162 = tpu.vector_load %arg6[%get3A_160, %get3A_161] {strides = array<i32>} : memref<224x256xf32, #tpu.memory_space<vmem>>, vector<1x16xf32>,
        %get3A_163 = vector.shape_cast %get3A_162 : vector<1x16xf32> to vector<16xf32>
        %add3A_164 = arith.addf %add3A_157, %get3A_163 : vector<16xf32>
        %add3A_165 = arith.constant 96 : i32
        %add3A_166 = arith.addi %add3A_165, %scan3A_45 : i32
        %get3A_167 = arith.index_cast %add3A_166 : i32 to index
        %get3A_168 = arith.constant 32 : index
        %get3A_169 = tpu.vector_load %arg6[%get3A_167, %get3A_168] {strides = array<i32>} : memref<224x256xf32, #tpu.memory_space<vmem>>, vector<1x16xf32>,
        %get3A_170 = vector.shape_cast %get3A_169 : vector<1x16xf32> to vector<16xf32>
        %add3A_171 = arith.addf %add3A_164, %get3A_170 : vector<16xf32>
        %add3A_172 = arith.constant 128 : i32
        %add3A_173 = arith.addi %add3A_172, %scan3A_45 : i32
        %get3A_174 = arith.index_cast %add3A_173 : i32 to index
        %get3A_175 = arith.constant 32 : index
        %get3A_176 = tpu.vector_load %arg6[%get3A_174, %get3A_175] {strides = array<i32>} : memref<224x256xf32, #tpu.memory_space<vmem>>, vector<1x16xf32>,
        %get3A_177 = vector.shape_cast %get3A_176 : vector<1x16xf32> to vector<16xf32>
        %add3A_178 = arith.addf %add3A_171, %get3A_177 : vector<16xf32>
        %add3A_179 = arith.constant 160 : i32
        %add3A_180 = arith.addi %add3A_179, %scan3A_45 : i32
        %get3A_181 = arith.index_cast %add3A_180 : i32 to index
        %get3A_182 = arith.constant 32 : index
        %get3A_183 = tpu.vector_load %arg6[%get3A_181, %get3A_182] {strides = array<i32>} : memref<224x256xf32, #tpu.memory_space<vmem>>, vector<1x16xf32>,
        %get3A_184 = vector.shape_cast %get3A_183 : vector<1x16xf32> to vector<16xf32>
        %add3A_185 = arith.addf %add3A_178, %get3A_184 : vector<16xf32>
        %add3A_186 = arith.constant 192 : i32
        %add3A_187 = arith.addi %add3A_186, %scan3A_45 : i32
        %get3A_188 = arith.index_cast %add3A_187 : i32 to index
        %get3A_189 = arith.constant 32 : index
        %get3A_190 = tpu.vector_load %arg6[%get3A_188, %get3A_189] {strides = array<i32>} : memref<224x256xf32, #tpu.memory_space<vmem>>, vector<1x16xf32>,
        %get3A_191 = vector.shape_cast %get3A_190 : vector<1x16xf32> to vector<16xf32>
        %add3A_192 = arith.addf %add3A_185, %get3A_191 : vector<16xf32>
        %swap3A_193 = arith.index_cast %scan3A_45 : i32 to index
        %swap3A_194 = arith.constant 32 : index
        %swap3A_195 = tpu.vector_load %arg7[%swap3A_193, %swap3A_194] {strides = array<i32>} : memref<32x256xf32, #tpu.memory_space<vmem>>, vector<1x16xf32>,
        %swap3A_196 = vector.shape_cast %swap3A_195 : vector<1x16xf32> to vector<16xf32>
        %swap3A_197 = vector.shape_cast %add3A_192 : vector<16xf32> to vector<1x16xf32>
        tpu.vector_store %arg7[%swap3A_193, %swap3A_194], %swap3A_197 {strides = array<i32>} : memref<32x256xf32, #tpu.memory_space<vmem>>, vector<1x16xf32>,
        %get3A_198 = arith.index_cast %scan3A_45 : i32 to index
        %get3A_199 = arith.constant 48 : index
        %get3A_200 = tpu.vector_load %arg6[%get3A_198, %get3A_199] {strides = array<i32>} : memref<224x256xf32, #tpu.memory_space<vmem>>, vector<1x16xf32>,
        %get3A_201 = vector.shape_cast %get3A_200 : vector<1x16xf32> to vector<16xf32>
        %add3A_202 = arith.constant 32 : i32
        %add3A_203 = arith.addi %add3A_202, %scan3A_45 : i32
        %get3A_204 = arith.index_cast %add3A_203 : i32 to index
        %get3A_205 = arith.constant 48 : index
        %get3A_206 = tpu.vector_load %arg6[%get3A_204, %get3A_205] {strides = array<i32>} : memref<224x256xf32, #tpu.memory_space<vmem>>, vector<1x16xf32>,
        %get3A_207 = vector.shape_cast %get3A_206 : vector<1x16xf32> to vector<16xf32>
        %add3A_208 = arith.addf %get3A_201, %get3A_207 : vector<16xf32>
        %add3A_209 = arith.constant 64 : i32
        %add3A_210 = arith.addi %add3A_209, %scan3A_45 : i32
        %get3A_211 = arith.index_cast %add3A_210 : i32 to index
        %get3A_212 = arith.constant 48 : index
        %get3A_213 = tpu.vector_load %arg6[%get3A_211, %get3A_212] {strides = array<i32>} : memref<224x256xf32, #tpu.memory_space<vmem>>, vector<1x16xf32>,
        %get3A_214 = vector.shape_cast %get3A_213 : vector<1x16xf32> to vector<16xf32>
        %add3A_215 = arith.addf %add3A_208, %get3A_214 : vector<16xf32>
        %add3A_216 = arith.constant 96 : i32
        %add3A_217 = arith.addi %add3A_216, %scan3A_45 : i32
        %get3A_218 = arith.index_cast %add3A_217 : i32 to index
        %get3A_219 = arith.constant 48 : index
        %get3A_220 = tpu.vector_load %arg6[%get3A_218, %get3A_219] {strides = array<i32>} : memref<224x256xf32, #tpu.memory_space<vmem>>, vector<1x16xf32>,
        %get3A_221 = vector.shape_cast %get3A_220 : vector<1x16xf32> to vector<16xf32>
        %add3A_222 = arith.addf %add3A_215, %get3A_221 : vector<16xf32>
        %add3A_223 = arith.constant 128 : i32
        %add3A_224 = arith.addi %add3A_223, %scan3A_45 : i32
        %get3A_225 = arith.index_cast %add3A_224 : i32 to index
        %get3A_226 = arith.constant 48 : index
        %get3A_227 = tpu.vector_load %arg6[%get3A_225, %get3A_226] {strides = array<i32>} : memref<224x256xf32, #tpu.memory_space<vmem>>, vector<1x16xf32>,
        %get3A_228 = vector.shape_cast %get3A_227 : vector<1x16xf32> to vector<16xf32>
        %add3A_229 = arith.addf %add3A_222, %get3A_228 : vector<16xf32>
        %add3A_230 = arith.constant 160 : i32
        %add3A_231 = arith.addi %add3A_230, %scan3A_45 : i32
        %get3A_232 = arith.index_cast %add3A_231 : i32 to index
        %get3A_233 = arith.constant 48 : index
        %get3A_234 = tpu.vector_load %arg6[%get3A_232, %get3A_233] {strides = array<i32>} : memref<224x256xf32, #tpu.memory_space<vmem>>, vector<1x16xf32>,
        %get3A_235 = vector.shape_cast %get3A_234 : vector<1x16xf32> to vector<16xf32>
        %add3A_236 = arith.addf %add3A_229, %get3A_235 : vector<16xf32>
        %add3A_237 = arith.constant 192 : i32
        %add3A_238 = arith.addi %add3A_237, %scan3A_45 : i32
        %get3A_239 = arith.index_cast %add3A_238 : i32 to index
        %get3A_240 = arith.constant 48 : index
        %get3A_241 = tpu.vector_load %arg6[%get3A_239, %get3A_240] {strides = array<i32>} : memref<224x256xf32, #tpu.memory_space<vmem>>, vector<1x16xf32>,
        %get3A_242 = vector.shape_cast %get3A_241 : vector<1x16xf32> to vector<16xf32>
        %add3A_243 = arith.addf %add3A_236, %get3A_242 : vector<16xf32>
        %swap3A_244 = arith.index_cast %scan3A_45 : i32 to index
        %swap3A_245 = arith.constant 48 : index
        %swap3A_246 = tpu.vector_load %arg7[%swap3A_244, %swap3A_245] {strides = array<i32>} : memref<32x256xf32, #tpu.memory_space<vmem>>, vector<1x16xf32>,
        %swap3A_247 = vector.shape_cast %swap3A_246 : vector<1x16xf32> to vector<16xf32>
        %swap3A_248 = vector.shape_cast %add3A_243 : vector<16xf32> to vector<1x16xf32>
        tpu.vector_store %arg7[%swap3A_244, %swap3A_245], %swap3A_248 {strides = array<i32>} : memref<32x256xf32, #tpu.memory_space<vmem>>, vector<1x16xf32>,
        %get3A_249 = arith.index_cast %scan3A_45 : i32 to index
        %get3A_250 = arith.constant 64 : index
        %get3A_251 = tpu.vector_load %arg6[%get3A_249, %get3A_250] {strides = array<i32>} : memref<224x256xf32, #tpu.memory_space<vmem>>, vector<1x16xf32>,
        %get3A_252 = vector.shape_cast %get3A_251 : vector<1x16xf32> to vector<16xf32>
        %add3A_253 = arith.constant 32 : i32
        %add3A_254 = arith.addi %add3A_253, %scan3A_45 : i32
        %get3A_255 = arith.index_cast %add3A_254 : i32 to index
        %get3A_256 = arith.constant 64 : index
        %get3A_257 = tpu.vector_load %arg6[%get3A_255, %get3A_256] {strides = array<i32>} : memref<224x256xf32, #tpu.memory_space<vmem>>, vector<1x16xf32>,
        %get3A_258 = vector.shape_cast %get3A_257 : vector<1x16xf32> to vector<16xf32>
        %add3A_259 = arith.addf %get3A_252, %get3A_258 : vector<16xf32>
        %add3A_260 = arith.constant 64 : i32
        %add3A_261 = arith.addi %add3A_260, %scan3A_45 : i32
        %get3A_262 = arith.index_cast %add3A_261 : i32 to index
        %get3A_263 = arith.constant 64 : index
        %get3A_264 = tpu.vector_load %arg6[%get3A_262, %get3A_263] {strides = array<i32>} : memref<224x256xf32, #tpu.memory_space<vmem>>, vector<1x16xf32>,
        %get3A_265 = vector.shape_cast %get3A_264 : vector<1x16xf32> to vector<16xf32>
        %add3A_266 = arith.addf %add3A_259, %get3A_265 : vector<16xf32>
        %add3A_267 = arith.constant 96 : i32
        %add3A_268 = arith.addi %add3A_267, %scan3A_45 : i32
        %get3A_269 = arith.index_cast %add3A_268 : i32 to index
        %get3A_270 = arith.constant 64 : index
        %get3A_271 = tpu.vector_load %arg6[%get3A_269, %get3A_270] {strides = array<i32>} : memref<224x256xf32, #tpu.memory_space<vmem>>, vector<1x16xf32>,
        %get3A_272 = vector.shape_cast %get3A_271 : vector<1x16xf32> to vector<16xf32>
        %add3A_273 = arith.addf %add3A_266, %get3A_272 : vector<16xf32>
        %add3A_274 = arith.constant 128 : i32
        %add3A_275 = arith.addi %add3A_274, %scan3A_45 : i32
        %get3A_276 = arith.index_cast %add3A_275 : i32 to index
        %get3A_277 = arith.constant 64 : index
        %get3A_278 = tpu.vector_load %arg6[%get3A_276, %get3A_277] {strides = array<i32>} : memref<224x256xf32, #tpu.memory_space<vmem>>, vector<1x16xf32>,
        %get3A_279 = vector.shape_cast %get3A_278 : vector<1x16xf32> to vector<16xf32>
        %add3A_280 = arith.addf %add3A_273, %get3A_279 : vector<16xf32>
        %add3A_281 = arith.constant 160 : i32
        %add3A_282 = arith.addi %add3A_281, %scan3A_45 : i32
        %get3A_283 = arith.index_cast %add3A_282 : i32 to index
        %get3A_284 = arith.constant 64 : index
        %get3A_285 = tpu.vector_load %arg6[%get3A_283, %get3A_284] {strides = array<i32>} : memref<224x256xf32, #tpu.memory_space<vmem>>, vector<1x16xf32>,
        %get3A_286 = vector.shape_cast %get3A_285 : vector<1x16xf32> to vector<16xf32>
        %add3A_287 = arith.addf %add3A_280, %get3A_286 : vector<16xf32>
        %add3A_288 = arith.constant 192 : i32
        %add3A_289 = arith.addi %add3A_288, %scan3A_45 : i32
        %get3A_290 = arith.index_cast %add3A_289 : i32 to index
        %get3A_291 = arith.constant 64 : index
        %get3A_292 = tpu.vector_load %arg6[%get3A_290, %get3A_291] {strides = array<i32>} : memref<224x256xf32, #tpu.memory_space<vmem>>, vector<1x16xf32>,
        %get3A_293 = vector.shape_cast %get3A_292 : vector<1x16xf32> to vector<16xf32>
        %add3A_294 = arith.addf %add3A_287, %get3A_293 : vector<16xf32>
        %swap3A_295 = arith.index_cast %scan3A_45 : i32 to index
        %swap3A_296 = arith.constant 64 : index
        %swap3A_297 = tpu.vector_load %arg7[%swap3A_295, %swap3A_296] {strides = array<i32>} : memref<32x256xf32, #tpu.memory_space<vmem>>, vector<1x16xf32>,
        %swap3A_298 = vector.shape_cast %swap3A_297 : vector<1x16xf32> to vector<16xf32>
        %swap3A_299 = vector.shape_cast %add3A_294 : vector<16xf32> to vector<1x16xf32>
        tpu.vector_store %arg7[%swap3A_295, %swap3A_296], %swap3A_299 {strides = array<i32>} : memref<32x256xf32, #tpu.memory_space<vmem>>, vector<1x16xf32>,
        %get3A_300 = arith.index_cast %scan3A_45 : i32 to index
        %get3A_301 = arith.constant 80 : index
        %get3A_302 = tpu.vector_load %arg6[%get3A_300, %get3A_301] {strides = array<i32>} : memref<224x256xf32, #tpu.memory_space<vmem>>, vector<1x16xf32>,
        %get3A_303 = vector.shape_cast %get3A_302 : vector<1x16xf32> to vector<16xf32>
        %add3A_304 = arith.constant 32 : i32
        %add3A_305 = arith.addi %add3A_304, %scan3A_45 : i32
        %get3A_306 = arith.index_cast %add3A_305 : i32 to index
        %get3A_307 = arith.constant 80 : index
        %get3A_308 = tpu.vector_load %arg6[%get3A_306, %get3A_307] {strides = array<i32>} : memref<224x256xf32, #tpu.memory_space<vmem>>, vector<1x16xf32>,
        %get3A_309 = vector.shape_cast %get3A_308 : vector<1x16xf32> to vector<16xf32>
        %add3A_310 = arith.addf %get3A_303, %get3A_309 : vector<16xf32>
        %add3A_311 = arith.constant 64 : i32
        %add3A_312 = arith.addi %add3A_311, %scan3A_45 : i32
        %get3A_313 = arith.index_cast %add3A_312 : i32 to index
        %get3A_314 = arith.constant 80 : index
        %get3A_315 = tpu.vector_load %arg6[%get3A_313, %get3A_314] {strides = array<i32>} : memref<224x256xf32, #tpu.memory_space<vmem>>, vector<1x16xf32>,
        %get3A_316 = vector.shape_cast %get3A_315 : vector<1x16xf32> to vector<16xf32>
        %add3A_317 = arith.addf %add3A_310, %get3A_316 : vector<16xf32>
        %add3A_318 = arith.constant 96 : i32
        %add3A_319 = arith.addi %add3A_318, %scan3A_45 : i32
        %get3A_320 = arith.index_cast %add3A_319 : i32 to index
        %get3A_321 = arith.constant 80 : index
        %get3A_322 = tpu.vector_load %arg6[%get3A_320, %get3A_321] {strides = array<i32>} : memref<224x256xf32, #tpu.memory_space<vmem>>, vector<1x16xf32>,
        %get3A_323 = vector.shape_cast %get3A_322 : vector<1x16xf32> to vector<16xf32>
        %add3A_324 = arith.addf %add3A_317, %get3A_323 : vector<16xf32>
        %add3A_325 = arith.constant 128 : i32
        %add3A_326 = arith.addi %add3A_325, %scan3A_45 : i32
        %get3A_327 = arith.index_cast %add3A_326 : i32 to index
        %get3A_328 = arith.constant 80 : index
        %get3A_329 = tpu.vector_load %arg6[%get3A_327, %get3A_328] {strides = array<i32>} : memref<224x256xf32, #tpu.memory_space<vmem>>, vector<1x16xf32>,
        %get3A_330 = vector.shape_cast %get3A_329 : vector<1x16xf32> to vector<16xf32>
        %add3A_331 = arith.addf %add3A_324, %get3A_330 : vector<16xf32>
        %add3A_332 = arith.constant 160 : i32
        %add3A_333 = arith.addi %add3A_332, %scan3A_45 : i32
        %get3A_334 = arith.index_cast %add3A_333 : i32 to index
        %get3A_335 = arith.constant 80 : index
        %get3A_336 = tpu.vector_load %arg6[%get3A_334, %get3A_335] {strides = array<i32>} : memref<224x256xf32, #tpu.memory_space<vmem>>, vector<1x16xf32>,
        %get3A_337 = vector.shape_cast %get3A_336 : vector<1x16xf32> to vector<16xf32>
        %add3A_338 = arith.addf %add3A_331, %get3A_337 : vector<16xf32>
        %add3A_339 = arith.constant 192 : i32
        %add3A_340 = arith.addi %add3A_339, %scan3A_45 : i32
        %get3A_341 = arith.index_cast %add3A_340 : i32 to index
        %get3A_342 = arith.constant 80 : index
        %get3A_343 = tpu.vector_load %arg6[%get3A_341, %get3A_342] {strides = array<i32>} : memref<224x256xf32, #tpu.memory_space<vmem>>, vector<1x16xf32>,
        %get3A_344 = vector.shape_cast %get3A_343 : vector<1x16xf32> to vector<16xf32>
        %add3A_345 = arith.addf %add3A_338, %get3A_344 : vector<16xf32>
        %swap3A_346 = arith.index_cast %scan3A_45 : i32 to index
        %swap3A_347 = arith.constant 80 : index
        %swap3A_348 = tpu.vector_load %arg7[%swap3A_346, %swap3A_347] {strides = array<i32>} : memref<32x256xf32, #tpu.memory_space<vmem>>, vector<1x16xf32>,
        %swap3A_349 = vector.shape_cast %swap3A_348 : vector<1x16xf32> to vector<16xf32>
        %swap3A_350 = vector.shape_cast %add3A_345 : vector<16xf32> to vector<1x16xf32>
        tpu.vector_store %arg7[%swap3A_346, %swap3A_347], %swap3A_350 {strides = array<i32>} : memref<32x256xf32, #tpu.memory_space<vmem>>, vector<1x16xf32>,
        %get3A_351 = arith.index_cast %scan3A_45 : i32 to index
        %get3A_352 = arith.constant 96 : index
        %get3A_353 = tpu.vector_load %arg6[%get3A_351, %get3A_352] {strides = array<i32>} : memref<224x256xf32, #tpu.memory_space<vmem>>, vector<1x16xf32>,
        %get3A_354 = vector.shape_cast %get3A_353 : vector<1x16xf32> to vector<16xf32>
        %add3A_355 = arith.constant 32 : i32
        %add3A_356 = arith.addi %add3A_355, %scan3A_45 : i32
        %get3A_357 = arith.index_cast %add3A_356 : i32 to index
        %get3A_358 = arith.constant 96 : index
        %get3A_359 = tpu.vector_load %arg6[%get3A_357, %get3A_358] {strides = array<i32>} : memref<224x256xf32, #tpu.memory_space<vmem>>, vector<1x16xf32>,
        %get3A_360 = vector.shape_cast %get3A_359 : vector<1x16xf32> to vector<16xf32>
        %add3A_361 = arith.addf %get3A_354, %get3A_360 : vector<16xf32>
        %add3A_362 = arith.constant 64 : i32
        %add3A_363 = arith.addi %add3A_362, %scan3A_45 : i32
        %get3A_364 = arith.index_cast %add3A_363 : i32 to index
        %get3A_365 = arith.constant 96 : index
        %get3A_366 = tpu.vector_load %arg6[%get3A_364, %get3A_365] {strides = array<i32>} : memref<224x256xf32, #tpu.memory_space<vmem>>, vector<1x16xf32>,
        %get3A_367 = vector.shape_cast %get3A_366 : vector<1x16xf32> to vector<16xf32>
        %add3A_368 = arith.addf %add3A_361, %get3A_367 : vector<16xf32>
        %add3A_369 = arith.constant 96 : i32
        %add3A_370 = arith.addi %add3A_369, %scan3A_45 : i32
        %get3A_371 = arith.index_cast %add3A_370 : i32 to index
        %get3A_372 = arith.constant 96 : index
        %get3A_373 = tpu.vector_load %arg6[%get3A_371, %get3A_372] {strides = array<i32>} : memref<224x256xf32, #tpu.memory_space<vmem>>, vector<1x16xf32>,
        %get3A_374 = vector.shape_cast %get3A_373 : vector<1x16xf32> to vector<16xf32>
        %add3A_375 = arith.addf %add3A_368, %get3A_374 : vector<16xf32>
        %add3A_376 = arith.constant 128 : i32
        %add3A_377 = arith.addi %add3A_376, %scan3A_45 : i32
        %get3A_378 = arith.index_cast %add3A_377 : i32 to index
        %get3A_379 = arith.constant 96 : index
        %get3A_380 = tpu.vector_load %arg6[%get3A_378, %get3A_379] {strides = array<i32>} : memref<224x256xf32, #tpu.memory_space<vmem>>, vector<1x16xf32>,
        %get3A_381 = vector.shape_cast %get3A_380 : vector<1x16xf32> to vector<16xf32>
        %add3A_382 = arith.addf %add3A_375, %get3A_381 : vector<16xf32>
        %add3A_383 = arith.constant 160 : i32
        %add3A_384 = arith.addi %add3A_383, %scan3A_45 : i32
        %get3A_385 = arith.index_cast %add3A_384 : i32 to index
        %get3A_386 = arith.constant 96 : index
        %get3A_387 = tpu.vector_load %arg6[%get3A_385, %get3A_386] {strides = array<i32>} : memref<224x256xf32, #tpu.memory_space<vmem>>, vector<1x16xf32>,
        %get3A_388 = vector.shape_cast %get3A_387 : vector<1x16xf32> to vector<16xf32>
        %add3A_389 = arith.addf %add3A_382, %get3A_388 : vector<16xf32>
        %add3A_390 = arith.constant 192 : i32
        %add3A_391 = arith.addi %add3A_390, %scan3A_45 : i32
        %get3A_392 = arith.index_cast %add3A_391 : i32 to index
        %get3A_393 = arith.constant 96 : index
        %get3A_394 = tpu.vector_load %arg6[%get3A_392, %get3A_393] {strides = array<i32>} : memref<224x256xf32, #tpu.memory_space<vmem>>, vector<1x16xf32>,
        %get3A_395 = vector.shape_cast %get3A_394 : vector<1x16xf32> to vector<16xf32>
        %add3A_396 = arith.addf %add3A_389, %get3A_395 : vector<16xf32>
        %swap3A_397 = arith.index_cast %scan3A_45 : i32 to index
        %swap3A_398 = arith.constant 96 : index
        %swap3A_399 = tpu.vector_load %arg7[%swap3A_397, %swap3A_398] {strides = array<i32>} : memref<32x256xf32, #tpu.memory_space<vmem>>, vector<1x16xf32>,
        %swap3A_400 = vector.shape_cast %swap3A_399 : vector<1x16xf32> to vector<16xf32>
        %swap3A_401 = vector.shape_cast %add3A_396 : vector<16xf32> to vector<1x16xf32>
        tpu.vector_store %arg7[%swap3A_397, %swap3A_398], %swap3A_401 {strides = array<i32>} : memref<32x256xf32, #tpu.memory_space<vmem>>, vector<1x16xf32>,
        %get3A_402 = arith.index_cast %scan3A_45 : i32 to index
        %get3A_403 = arith.constant 112 : index
        %get3A_404 = tpu.vector_load %arg6[%get3A_402, %get3A_403] {strides = array<i32>} : memref<224x256xf32, #tpu.memory_space<vmem>>, vector<1x16xf32>,
        %get3A_405 = vector.shape_cast %get3A_404 : vector<1x16xf32> to vector<16xf32>
        %add3A_406 = arith.constant 32 : i32
        %add3A_407 = arith.addi %add3A_406, %scan3A_45 : i32
        %get3A_408 = arith.index_cast %add3A_407 : i32 to index
        %get3A_409 = arith.constant 112 : index
        %get3A_410 = tpu.vector_load %arg6[%get3A_408, %get3A_409] {strides = array<i32>} : memref<224x256xf32, #tpu.memory_space<vmem>>, vector<1x16xf32>,
        %get3A_411 = vector.shape_cast %get3A_410 : vector<1x16xf32> to vector<16xf32>
        %add3A_412 = arith.addf %get3A_405, %get3A_411 : vector<16xf32>
        %add3A_413 = arith.constant 64 : i32
        %add3A_414 = arith.addi %add3A_413, %scan3A_45 : i32
        %get3A_415 = arith.index_cast %add3A_414 : i32 to index
        %get3A_416 = arith.constant 112 : index
        %get3A_417 = tpu.vector_load %arg6[%get3A_415, %get3A_416] {strides = array<i32>} : memref<224x256xf32, #tpu.memory_space<vmem>>, vector<1x16xf32>,
        %get3A_418 = vector.shape_cast %get3A_417 : vector<1x16xf32> to vector<16xf32>
        %add3A_419 = arith.addf %add3A_412, %get3A_418 : vector<16xf32>
        %add3A_420 = arith.constant 96 : i32
        %add3A_421 = arith.addi %add3A_420, %scan3A_45 : i32
        %get3A_422 = arith.index_cast %add3A_421 : i32 to index
        %get3A_423 = arith.constant 112 : index
        %get3A_424 = tpu.vector_load %arg6[%get3A_422, %get3A_423] {strides = array<i32>} : memref<224x256xf32, #tpu.memory_space<vmem>>, vector<1x16xf32>,
        %get3A_425 = vector.shape_cast %get3A_424 : vector<1x16xf32> to vector<16xf32>
        %add3A_426 = arith.addf %add3A_419, %get3A_425 : vector<16xf32>
        %add3A_427 = arith.constant 128 : i32
        %add3A_428 = arith.addi %add3A_427, %scan3A_45 : i32
        %get3A_429 = arith.index_cast %add3A_428 : i32 to index
        %get3A_430 = arith.constant 112 : index
        %get3A_431 = tpu.vector_load %arg6[%get3A_429, %get3A_430] {strides = array<i32>} : memref<224x256xf32, #tpu.memory_space<vmem>>, vector<1x16xf32>,
        %get3A_432 = vector.shape_cast %get3A_431 : vector<1x16xf32> to vector<16xf32>
        %add3A_433 = arith.addf %add3A_426, %get3A_432 : vector<16xf32>
        %add3A_434 = arith.constant 160 : i32
        %add3A_435 = arith.addi %add3A_434, %scan3A_45 : i32
        %get3A_436 = arith.index_cast %add3A_435 : i32 to index
        %get3A_437 = arith.constant 112 : index
        %get3A_438 = tpu.vector_load %arg6[%get3A_436, %get3A_437] {strides = array<i32>} : memref<224x256xf32, #tpu.memory_space<vmem>>, vector<1x16xf32>,
        %get3A_439 = vector.shape_cast %get3A_438 : vector<1x16xf32> to vector<16xf32>
        %add3A_440 = arith.addf %add3A_433, %get3A_439 : vector<16xf32>
        %add3A_441 = arith.constant 192 : i32
        %add3A_442 = arith.addi %add3A_441, %scan3A_45 : i32
        %get3A_443 = arith.index_cast %add3A_442 : i32 to index
        %get3A_444 = arith.constant 112 : index
        %get3A_445 = tpu.vector_load %arg6[%get3A_443, %get3A_444] {strides = array<i32>} : memref<224x256xf32, #tpu.memory_space<vmem>>, vector<1x16xf32>,
        %get3A_446 = vector.shape_cast %get3A_445 : vector<1x16xf32> to vector<16xf32>
        %add3A_447 = arith.addf %add3A_440, %get3A_446 : vector<16xf32>
        %swap3A_448 = arith.index_cast %scan3A_45 : i32 to index
        %swap3A_449 = arith.constant 112 : index
        %swap3A_450 = tpu.vector_load %arg7[%swap3A_448, %swap3A_449] {strides = array<i32>} : memref<32x256xf32, #tpu.memory_space<vmem>>, vector<1x16xf32>,
        %swap3A_451 = vector.shape_cast %swap3A_450 : vector<1x16xf32> to vector<16xf32>
        %swap3A_452 = vector.shape_cast %add3A_447 : vector<16xf32> to vector<1x16xf32>
        tpu.vector_store %arg7[%swap3A_448, %swap3A_449], %swap3A_452 {strides = array<i32>} : memref<32x256xf32, #tpu.memory_space<vmem>>, vector<1x16xf32>,
        %get3A_453 = arith.index_cast %scan3A_45 : i32 to index
        %get3A_454 = arith.constant 128 : index
        %get3A_455 = tpu.vector_load %arg6[%get3A_453, %get3A_454] {strides = array<i32>} : memref<224x256xf32, #tpu.memory_space<vmem>>, vector<1x16xf32>,
        %get3A_456 = vector.shape_cast %get3A_455 : vector<1x16xf32> to vector<16xf32>
        %add3A_457 = arith.constant 32 : i32
        %add3A_458 = arith.addi %add3A_457, %scan3A_45 : i32
        %get3A_459 = arith.index_cast %add3A_458 : i32 to index
        %get3A_460 = arith.constant 128 : index
        %get3A_461 = tpu.vector_load %arg6[%get3A_459, %get3A_460] {strides = array<i32>} : memref<224x256xf32, #tpu.memory_space<vmem>>, vector<1x16xf32>,
        %get3A_462 = vector.shape_cast %get3A_461 : vector<1x16xf32> to vector<16xf32>
        %add3A_463 = arith.addf %get3A_456, %get3A_462 : vector<16xf32>
        %add3A_464 = arith.constant 64 : i32
        %add3A_465 = arith.addi %add3A_464, %scan3A_45 : i32
        %get3A_466 = arith.index_cast %add3A_465 : i32 to index
        %get3A_467 = arith.constant 128 : index
        %get3A_468 = tpu.vector_load %arg6[%get3A_466, %get3A_467] {strides = array<i32>} : memref<224x256xf32, #tpu.memory_space<vmem>>, vector<1x16xf32>,
        %get3A_469 = vector.shape_cast %get3A_468 : vector<1x16xf32> to vector<16xf32>
        %add3A_470 = arith.addf %add3A_463, %get3A_469 : vector<16xf32>
        %add3A_471 = arith.constant 96 : i32
        %add3A_472 = arith.addi %add3A_471, %scan3A_45 : i32
        %get3A_473 = arith.index_cast %add3A_472 : i32 to index
        %get3A_474 = arith.constant 128 : index
        %get3A_475 = tpu.vector_load %arg6[%get3A_473, %get3A_474] {strides = array<i32>} : memref<224x256xf32, #tpu.memory_space<vmem>>, vector<1x16xf32>,
        %get3A_476 = vector.shape_cast %get3A_475 : vector<1x16xf32> to vector<16xf32>
        %add3A_477 = arith.addf %add3A_470, %get3A_476 : vector<16xf32>
        %add3A_478 = arith.constant 128 : i32
        %add3A_479 = arith.addi %add3A_478, %scan3A_45 : i32
        %get3A_480 = arith.index_cast %add3A_479 : i32 to index
        %get3A_481 = arith.constant 128 : index
        %get3A_482 = tpu.vector_load %arg6[%get3A_480, %get3A_481] {strides = array<i32>} : memref<224x256xf32, #tpu.memory_space<vmem>>, vector<1x16xf32>,
        %get3A_483 = vector.shape_cast %get3A_482 : vector<1x16xf32> to vector<16xf32>
        %add3A_484 = arith.addf %add3A_477, %get3A_483 : vector<16xf32>
        %add3A_485 = arith.constant 160 : i32
        %add3A_486 = arith.addi %add3A_485, %scan3A_45 : i32
        %get3A_487 = arith.index_cast %add3A_486 : i32 to index
        %get3A_488 = arith.constant 128 : index
        %get3A_489 = tpu.vector_load %arg6[%get3A_487, %get3A_488] {strides = array<i32>} : memref<224x256xf32, #tpu.memory_space<vmem>>, vector<1x16xf32>,
        %get3A_490 = vector.shape_cast %get3A_489 : vector<1x16xf32> to vector<16xf32>
        %add3A_491 = arith.addf %add3A_484, %get3A_490 : vector<16xf32>
        %add3A_492 = arith.constant 192 : i32
        %add3A_493 = arith.addi %add3A_492, %scan3A_45 : i32
        %get3A_494 = arith.index_cast %add3A_493 : i32 to index
        %get3A_495 = arith.constant 128 : index
        %get3A_496 = tpu.vector_load %arg6[%get3A_494, %get3A_495] {strides = array<i32>} : memref<224x256xf32, #tpu.memory_space<vmem>>, vector<1x16xf32>,
        %get3A_497 = vector.shape_cast %get3A_496 : vector<1x16xf32> to vector<16xf32>
        %add3A_498 = arith.addf %add3A_491, %get3A_497 : vector<16xf32>
        %swap3A_499 = arith.index_cast %scan3A_45 : i32 to index
        %swap3A_500 = arith.constant 128 : index
        %swap3A_501 = tpu.vector_load %arg7[%swap3A_499, %swap3A_500] {strides = array<i32>} : memref<32x256xf32, #tpu.memory_space<vmem>>, vector<1x16xf32>,
        %swap3A_502 = vector.shape_cast %swap3A_501 : vector<1x16xf32> to vector<16xf32>
        %swap3A_503 = vector.shape_cast %add3A_498 : vector<16xf32> to vector<1x16xf32>
        tpu.vector_store %arg7[%swap3A_499, %swap3A_500], %swap3A_503 {strides = array<i32>} : memref<32x256xf32, #tpu.memory_space<vmem>>, vector<1x16xf32>,
        %get3A_504 = arith.index_cast %scan3A_45 : i32 to index
        %get3A_505 = arith.constant 144 : index
        %get3A_506 = tpu.vector_load %arg6[%get3A_504, %get3A_505] {strides = array<i32>} : memref<224x256xf32, #tpu.memory_space<vmem>>, vector<1x16xf32>,
        %get3A_507 = vector.shape_cast %get3A_506 : vector<1x16xf32> to vector<16xf32>
        %add3A_508 = arith.constant 32 : i32
        %add3A_509 = arith.addi %add3A_508, %scan3A_45 : i32
        %get3A_510 = arith.index_cast %add3A_509 : i32 to index
        %get3A_511 = arith.constant 144 : index
        %get3A_512 = tpu.vector_load %arg6[%get3A_510, %get3A_511] {strides = array<i32>} : memref<224x256xf32, #tpu.memory_space<vmem>>, vector<1x16xf32>,
        %get3A_513 = vector.shape_cast %get3A_512 : vector<1x16xf32> to vector<16xf32>
        %add3A_514 = arith.addf %get3A_507, %get3A_513 : vector<16xf32>
        %add3A_515 = arith.constant 64 : i32
        %add3A_516 = arith.addi %add3A_515, %scan3A_45 : i32
        %get3A_517 = arith.index_cast %add3A_516 : i32 to index
        %get3A_518 = arith.constant 144 : index
        %get3A_519 = tpu.vector_load %arg6[%get3A_517, %get3A_518] {strides = array<i32>} : memref<224x256xf32, #tpu.memory_space<vmem>>, vector<1x16xf32>,
        %get3A_520 = vector.shape_cast %get3A_519 : vector<1x16xf32> to vector<16xf32>
        %add3A_521 = arith.addf %add3A_514, %get3A_520 : vector<16xf32>
        %add3A_522 = arith.constant 96 : i32
        %add3A_523 = arith.addi %add3A_522, %scan3A_45 : i32
        %get3A_524 = arith.index_cast %add3A_523 : i32 to index
        %get3A_525 = arith.constant 144 : index
        %get3A_526 = tpu.vector_load %arg6[%get3A_524, %get3A_525] {strides = array<i32>} : memref<224x256xf32, #tpu.memory_space<vmem>>, vector<1x16xf32>,
        %get3A_527 = vector.shape_cast %get3A_526 : vector<1x16xf32> to vector<16xf32>
        %add3A_528 = arith.addf %add3A_521, %get3A_527 : vector<16xf32>
        %add3A_529 = arith.constant 128 : i32
        %add3A_530 = arith.addi %add3A_529, %scan3A_45 : i32
        %get3A_531 = arith.index_cast %add3A_530 : i32 to index
        %get3A_532 = arith.constant 144 : index
        %get3A_533 = tpu.vector_load %arg6[%get3A_531, %get3A_532] {strides = array<i32>} : memref<224x256xf32, #tpu.memory_space<vmem>>, vector<1x16xf32>,
        %get3A_534 = vector.shape_cast %get3A_533 : vector<1x16xf32> to vector<16xf32>
        %add3A_535 = arith.addf %add3A_528, %get3A_534 : vector<16xf32>
        %add3A_536 = arith.constant 160 : i32
        %add3A_537 = arith.addi %add3A_536, %scan3A_45 : i32
        %get3A_538 = arith.index_cast %add3A_537 : i32 to index
        %get3A_539 = arith.constant 144 : index
        %get3A_540 = tpu.vector_load %arg6[%get3A_538, %get3A_539] {strides = array<i32>} : memref<224x256xf32, #tpu.memory_space<vmem>>, vector<1x16xf32>,
        %get3A_541 = vector.shape_cast %get3A_540 : vector<1x16xf32> to vector<16xf32>
        %add3A_542 = arith.addf %add3A_535, %get3A_541 : vector<16xf32>
        %add3A_543 = arith.constant 192 : i32
        %add3A_544 = arith.addi %add3A_543, %scan3A_45 : i32
        %get3A_545 = arith.index_cast %add3A_544 : i32 to index
        %get3A_546 = arith.constant 144 : index
        %get3A_547 = tpu.vector_load %arg6[%get3A_545, %get3A_546] {strides = array<i32>} : memref<224x256xf32, #tpu.memory_space<vmem>>, vector<1x16xf32>,
        %get3A_548 = vector.shape_cast %get3A_547 : vector<1x16xf32> to vector<16xf32>
        %add3A_549 = arith.addf %add3A_542, %get3A_548 : vector<16xf32>
        %swap3A_550 = arith.index_cast %scan3A_45 : i32 to index
        %swap3A_551 = arith.constant 144 : index
        %swap3A_552 = tpu.vector_load %arg7[%swap3A_550, %swap3A_551] {strides = array<i32>} : memref<32x256xf32, #tpu.memory_space<vmem>>, vector<1x16xf32>,
        %swap3A_553 = vector.shape_cast %swap3A_552 : vector<1x16xf32> to vector<16xf32>
        %swap3A_554 = vector.shape_cast %add3A_549 : vector<16xf32> to vector<1x16xf32>
        tpu.vector_store %arg7[%swap3A_550, %swap3A_551], %swap3A_554 {strides = array<i32>} : memref<32x256xf32, #tpu.memory_space<vmem>>, vector<1x16xf32>,
        %get3A_555 = arith.index_cast %scan3A_45 : i32 to index
        %get3A_556 = arith.constant 160 : index
        %get3A_557 = tpu.vector_load %arg6[%get3A_555, %get3A_556] {strides = array<i32>} : memref<224x256xf32, #tpu.memory_space<vmem>>, vector<1x16xf32>,
        %get3A_558 = vector.shape_cast %get3A_557 : vector<1x16xf32> to vector<16xf32>
        %add3A_559 = arith.constant 32 : i32
        %add3A_560 = arith.addi %add3A_559, %scan3A_45 : i32
        %get3A_561 = arith.index_cast %add3A_560 : i32 to index
        %get3A_562 = arith.constant 160 : index
        %get3A_563 = tpu.vector_load %arg6[%get3A_561, %get3A_562] {strides = array<i32>} : memref<224x256xf32, #tpu.memory_space<vmem>>, vector<1x16xf32>,
        %get3A_564 = vector.shape_cast %get3A_563 : vector<1x16xf32> to vector<16xf32>
        %add3A_565 = arith.addf %get3A_558, %get3A_564 : vector<16xf32>
        %add3A_566 = arith.constant 64 : i32
        %add3A_567 = arith.addi %add3A_566, %scan3A_45 : i32
        %get3A_568 = arith.index_cast %add3A_567 : i32 to index
        %get3A_569 = arith.constant 160 : index
        %get3A_570 = tpu.vector_load %arg6[%get3A_568, %get3A_569] {strides = array<i32>} : memref<224x256xf32, #tpu.memory_space<vmem>>, vector<1x16xf32>,
        %get3A_571 = vector.shape_cast %get3A_570 : vector<1x16xf32> to vector<16xf32>
        %add3A_572 = arith.addf %add3A_565, %get3A_571 : vector<16xf32>
        %add3A_573 = arith.constant 96 : i32
        %add3A_574 = arith.addi %add3A_573, %scan3A_45 : i32
        %get3A_575 = arith.index_cast %add3A_574 : i32 to index
        %get3A_576 = arith.constant 160 : index
        %get3A_577 = tpu.vector_load %arg6[%get3A_575, %get3A_576] {strides = array<i32>} : memref<224x256xf32, #tpu.memory_space<vmem>>, vector<1x16xf32>,
        %get3A_578 = vector.shape_cast %get3A_577 : vector<1x16xf32> to vector<16xf32>
        %add3A_579 = arith.addf %add3A_572, %get3A_578 : vector<16xf32>
        %add3A_580 = arith.constant 128 : i32
        %add3A_581 = arith.addi %add3A_580, %scan3A_45 : i32
        %get3A_582 = arith.index_cast %add3A_581 : i32 to index
        %get3A_583 = arith.constant 160 : index
        %get3A_584 = tpu.vector_load %arg6[%get3A_582, %get3A_583] {strides = array<i32>} : memref<224x256xf32, #tpu.memory_space<vmem>>, vector<1x16xf32>,
        %get3A_585 = vector.shape_cast %get3A_584 : vector<1x16xf32> to vector<16xf32>
        %add3A_586 = arith.addf %add3A_579, %get3A_585 : vector<16xf32>
        %add3A_587 = arith.constant 160 : i32
        %add3A_588 = arith.addi %add3A_587, %scan3A_45 : i32
        %get3A_589 = arith.index_cast %add3A_588 : i32 to index
        %get3A_590 = arith.constant 160 : index
        %get3A_591 = tpu.vector_load %arg6[%get3A_589, %get3A_590] {strides = array<i32>} : memref<224x256xf32, #tpu.memory_space<vmem>>, vector<1x16xf32>,
        %get3A_592 = vector.shape_cast %get3A_591 : vector<1x16xf32> to vector<16xf32>
        %add3A_593 = arith.addf %add3A_586, %get3A_592 : vector<16xf32>
        %add3A_594 = arith.constant 192 : i32
        %add3A_595 = arith.addi %add3A_594, %scan3A_45 : i32
        %get3A_596 = arith.index_cast %add3A_595 : i32 to index
        %get3A_597 = arith.constant 160 : index
        %get3A_598 = tpu.vector_load %arg6[%get3A_596, %get3A_597] {strides = array<i32>} : memref<224x256xf32, #tpu.memory_space<vmem>>, vector<1x16xf32>,
        %get3A_599 = vector.shape_cast %get3A_598 : vector<1x16xf32> to vector<16xf32>
        %add3A_600 = arith.addf %add3A_593, %get3A_599 : vector<16xf32>
        %swap3A_601 = arith.index_cast %scan3A_45 : i32 to index
        %swap3A_602 = arith.constant 160 : index
        %swap3A_603 = tpu.vector_load %arg7[%swap3A_601, %swap3A_602] {strides = array<i32>} : memref<32x256xf32, #tpu.memory_space<vmem>>, vector<1x16xf32>,
        %swap3A_604 = vector.shape_cast %swap3A_603 : vector<1x16xf32> to vector<16xf32>
        %swap3A_605 = vector.shape_cast %add3A_600 : vector<16xf32> to vector<1x16xf32>
        tpu.vector_store %arg7[%swap3A_601, %swap3A_602], %swap3A_605 {strides = array<i32>} : memref<32x256xf32, #tpu.memory_space<vmem>>, vector<1x16xf32>,
        %get3A_606 = arith.index_cast %scan3A_45 : i32 to index
        %get3A_607 = arith.constant 176 : index
        %get3A_608 = tpu.vector_load %arg6[%get3A_606, %get3A_607] {strides = array<i32>} : memref<224x256xf32, #tpu.memory_space<vmem>>, vector<1x16xf32>,
        %get3A_609 = vector.shape_cast %get3A_608 : vector<1x16xf32> to vector<16xf32>
        %add3A_610 = arith.constant 32 : i32
        %add3A_611 = arith.addi %add3A_610, %scan3A_45 : i32
        %get3A_612 = arith.index_cast %add3A_611 : i32 to index
        %get3A_613 = arith.constant 176 : index
        %get3A_614 = tpu.vector_load %arg6[%get3A_612, %get3A_613] {strides = array<i32>} : memref<224x256xf32, #tpu.memory_space<vmem>>, vector<1x16xf32>,
        %get3A_615 = vector.shape_cast %get3A_614 : vector<1x16xf32> to vector<16xf32>
        %add3A_616 = arith.addf %get3A_609, %get3A_615 : vector<16xf32>
        %add3A_617 = arith.constant 64 : i32
        %add3A_618 = arith.addi %add3A_617, %scan3A_45 : i32
        %get3A_619 = arith.index_cast %add3A_618 : i32 to index
        %get3A_620 = arith.constant 176 : index
        %get3A_621 = tpu.vector_load %arg6[%get3A_619, %get3A_620] {strides = array<i32>} : memref<224x256xf32, #tpu.memory_space<vmem>>, vector<1x16xf32>,
        %get3A_622 = vector.shape_cast %get3A_621 : vector<1x16xf32> to vector<16xf32>
        %add3A_623 = arith.addf %add3A_616, %get3A_622 : vector<16xf32>
        %add3A_624 = arith.constant 96 : i32
        %add3A_625 = arith.addi %add3A_624, %scan3A_45 : i32
        %get3A_626 = arith.index_cast %add3A_625 : i32 to index
        %get3A_627 = arith.constant 176 : index
        %get3A_628 = tpu.vector_load %arg6[%get3A_626, %get3A_627] {strides = array<i32>} : memref<224x256xf32, #tpu.memory_space<vmem>>, vector<1x16xf32>,
        %get3A_629 = vector.shape_cast %get3A_628 : vector<1x16xf32> to vector<16xf32>
        %add3A_630 = arith.addf %add3A_623, %get3A_629 : vector<16xf32>
        %add3A_631 = arith.constant 128 : i32
        %add3A_632 = arith.addi %add3A_631, %scan3A_45 : i32
        %get3A_633 = arith.index_cast %add3A_632 : i32 to index
        %get3A_634 = arith.constant 176 : index
        %get3A_635 = tpu.vector_load %arg6[%get3A_633, %get3A_634] {strides = array<i32>} : memref<224x256xf32, #tpu.memory_space<vmem>>, vector<1x16xf32>,
        %get3A_636 = vector.shape_cast %get3A_635 : vector<1x16xf32> to vector<16xf32>
        %add3A_637 = arith.addf %add3A_630, %get3A_636 : vector<16xf32>
        %add3A_638 = arith.constant 160 : i32
        %add3A_639 = arith.addi %add3A_638, %scan3A_45 : i32
        %get3A_640 = arith.index_cast %add3A_639 : i32 to index
        %get3A_641 = arith.constant 176 : index
        %get3A_642 = tpu.vector_load %arg6[%get3A_640, %get3A_641] {strides = array<i32>} : memref<224x256xf32, #tpu.memory_space<vmem>>, vector<1x16xf32>,
        %get3A_643 = vector.shape_cast %get3A_642 : vector<1x16xf32> to vector<16xf32>
        %add3A_644 = arith.addf %add3A_637, %get3A_643 : vector<16xf32>
        %add3A_645 = arith.constant 192 : i32
        %add3A_646 = arith.addi %add3A_645, %scan3A_45 : i32
        %get3A_647 = arith.index_cast %add3A_646 : i32 to index
        %get3A_648 = arith.constant 176 : index
        %get3A_649 = tpu.vector_load %arg6[%get3A_647, %get3A_648] {strides = array<i32>} : memref<224x256xf32, #tpu.memory_space<vmem>>, vector<1x16xf32>,
        %get3A_650 = vector.shape_cast %get3A_649 : vector<1x16xf32> to vector<16xf32>
        %add3A_651 = arith.addf %add3A_644, %get3A_650 : vector<16xf32>
        %swap3A_652 = arith.index_cast %scan3A_45 : i32 to index
        %swap3A_653 = arith.constant 176 : index
        %swap3A_654 = tpu.vector_load %arg7[%swap3A_652, %swap3A_653] {strides = array<i32>} : memref<32x256xf32, #tpu.memory_space<vmem>>, vector<1x16xf32>,
        %swap3A_655 = vector.shape_cast %swap3A_654 : vector<1x16xf32> to vector<16xf32>
        %swap3A_656 = vector.shape_cast %add3A_651 : vector<16xf32> to vector<1x16xf32>
        tpu.vector_store %arg7[%swap3A_652, %swap3A_653], %swap3A_656 {strides = array<i32>} : memref<32x256xf32, #tpu.memory_space<vmem>>, vector<1x16xf32>,
        %get3A_657 = arith.index_cast %scan3A_45 : i32 to index
        %get3A_658 = arith.constant 192 : index
        %get3A_659 = tpu.vector_load %arg6[%get3A_657, %get3A_658] {strides = array<i32>} : memref<224x256xf32, #tpu.memory_space<vmem>>, vector<1x16xf32>,
        %get3A_660 = vector.shape_cast %get3A_659 : vector<1x16xf32> to vector<16xf32>
        %add3A_661 = arith.constant 32 : i32
        %add3A_662 = arith.addi %add3A_661, %scan3A_45 : i32
        %get3A_663 = arith.index_cast %add3A_662 : i32 to index
        %get3A_664 = arith.constant 192 : index
        %get3A_665 = tpu.vector_load %arg6[%get3A_663, %get3A_664] {strides = array<i32>} : memref<224x256xf32, #tpu.memory_space<vmem>>, vector<1x16xf32>,
        %get3A_666 = vector.shape_cast %get3A_665 : vector<1x16xf32> to vector<16xf32>
        %add3A_667 = arith.addf %get3A_660, %get3A_666 : vector<16xf32>
        %add3A_668 = arith.constant 64 : i32
        %add3A_669 = arith.addi %add3A_668, %scan3A_45 : i32
        %get3A_670 = arith.index_cast %add3A_669 : i32 to index
        %get3A_671 = arith.constant 192 : index
        %get3A_672 = tpu.vector_load %arg6[%get3A_670, %get3A_671] {strides = array<i32>} : memref<224x256xf32, #tpu.memory_space<vmem>>, vector<1x16xf32>,
        %get3A_673 = vector.shape_cast %get3A_672 : vector<1x16xf32> to vector<16xf32>
        %add3A_674 = arith.addf %add3A_667, %get3A_673 : vector<16xf32>
        %add3A_675 = arith.constant 96 : i32
        %add3A_676 = arith.addi %add3A_675, %scan3A_45 : i32
        %get3A_677 = arith.index_cast %add3A_676 : i32 to index
        %get3A_678 = arith.constant 192 : index
        %get3A_679 = tpu.vector_load %arg6[%get3A_677, %get3A_678] {strides = array<i32>} : memref<224x256xf32, #tpu.memory_space<vmem>>, vector<1x16xf32>,
        %get3A_680 = vector.shape_cast %get3A_679 : vector<1x16xf32> to vector<16xf32>
        %add3A_681 = arith.addf %add3A_674, %get3A_680 : vector<16xf32>
        %add3A_682 = arith.constant 128 : i32
        %add3A_683 = arith.addi %add3A_682, %scan3A_45 : i32
        %get3A_684 = arith.index_cast %add3A_683 : i32 to index
        %get3A_685 = arith.constant 192 : index
        %get3A_686 = tpu.vector_load %arg6[%get3A_684, %get3A_685] {strides = array<i32>} : memref<224x256xf32, #tpu.memory_space<vmem>>, vector<1x16xf32>,
        %get3A_687 = vector.shape_cast %get3A_686 : vector<1x16xf32> to vector<16xf32>
        %add3A_688 = arith.addf %add3A_681, %get3A_687 : vector<16xf32>
        %add3A_689 = arith.constant 160 : i32
        %add3A_690 = arith.addi %add3A_689, %scan3A_45 : i32
        %get3A_691 = arith.index_cast %add3A_690 : i32 to index
        %get3A_692 = arith.constant 192 : index
        %get3A_693 = tpu.vector_load %arg6[%get3A_691, %get3A_692] {strides = array<i32>} : memref<224x256xf32, #tpu.memory_space<vmem>>, vector<1x16xf32>,
        %get3A_694 = vector.shape_cast %get3A_693 : vector<1x16xf32> to vector<16xf32>
        %add3A_695 = arith.addf %add3A_688, %get3A_694 : vector<16xf32>
        %add3A_696 = arith.constant 192 : i32
        %add3A_697 = arith.addi %add3A_696, %scan3A_45 : i32
        %get3A_698 = arith.index_cast %add3A_697 : i32 to index
        %get3A_699 = arith.constant 192 : index
        %get3A_700 = tpu.vector_load %arg6[%get3A_698, %get3A_699] {strides = array<i32>} : memref<224x256xf32, #tpu.memory_space<vmem>>, vector<1x16xf32>,
        %get3A_701 = vector.shape_cast %get3A_700 : vector<1x16xf32> to vector<16xf32>
        %add3A_702 = arith.addf %add3A_695, %get3A_701 : vector<16xf32>
        %swap3A_703 = arith.index_cast %scan3A_45 : i32 to index
        %swap3A_704 = arith.constant 192 : index
        %swap3A_705 = tpu.vector_load %arg7[%swap3A_703, %swap3A_704] {strides = array<i32>} : memref<32x256xf32, #tpu.memory_space<vmem>>, vector<1x16xf32>,
        %swap3A_706 = vector.shape_cast %swap3A_705 : vector<1x16xf32> to vector<16xf32>
        %swap3A_707 = vector.shape_cast %add3A_702 : vector<16xf32> to vector<1x16xf32>
        tpu.vector_store %arg7[%swap3A_703, %swap3A_704], %swap3A_707 {strides = array<i32>} : memref<32x256xf32, #tpu.memory_space<vmem>>, vector<1x16xf32>,
        %get3A_708 = arith.index_cast %scan3A_45 : i32 to index
        %get3A_709 = arith.constant 208 : index
        %get3A_710 = tpu.vector_load %arg6[%get3A_708, %get3A_709] {strides = array<i32>} : memref<224x256xf32, #tpu.memory_space<vmem>>, vector<1x16xf32>,
        %get3A_711 = vector.shape_cast %get3A_710 : vector<1x16xf32> to vector<16xf32>
        %add3A_712 = arith.constant 32 : i32
        %add3A_713 = arith.addi %add3A_712, %scan3A_45 : i32
        %get3A_714 = arith.index_cast %add3A_713 : i32 to index
        %get3A_715 = arith.constant 208 : index
        %get3A_716 = tpu.vector_load %arg6[%get3A_714, %get3A_715] {strides = array<i32>} : memref<224x256xf32, #tpu.memory_space<vmem>>, vector<1x16xf32>,
        %get3A_717 = vector.shape_cast %get3A_716 : vector<1x16xf32> to vector<16xf32>
        %add3A_718 = arith.addf %get3A_711, %get3A_717 : vector<16xf32>
        %add3A_719 = arith.constant 64 : i32
        %add3A_720 = arith.addi %add3A_719, %scan3A_45 : i32
        %get3A_721 = arith.index_cast %add3A_720 : i32 to index
        %get3A_722 = arith.constant 208 : index
        %get3A_723 = tpu.vector_load %arg6[%get3A_721, %get3A_722] {strides = array<i32>} : memref<224x256xf32, #tpu.memory_space<vmem>>, vector<1x16xf32>,
        %get3A_724 = vector.shape_cast %get3A_723 : vector<1x16xf32> to vector<16xf32>
        %add3A_725 = arith.addf %add3A_718, %get3A_724 : vector<16xf32>
        %add3A_726 = arith.constant 96 : i32
        %add3A_727 = arith.addi %add3A_726, %scan3A_45 : i32
        %get3A_728 = arith.index_cast %add3A_727 : i32 to index
        %get3A_729 = arith.constant 208 : index
        %get3A_730 = tpu.vector_load %arg6[%get3A_728, %get3A_729] {strides = array<i32>} : memref<224x256xf32, #tpu.memory_space<vmem>>, vector<1x16xf32>,
        %get3A_731 = vector.shape_cast %get3A_730 : vector<1x16xf32> to vector<16xf32>
        %add3A_732 = arith.addf %add3A_725, %get3A_731 : vector<16xf32>
        %add3A_733 = arith.constant 128 : i32
        %add3A_734 = arith.addi %add3A_733, %scan3A_45 : i32
        %get3A_735 = arith.index_cast %add3A_734 : i32 to index
        %get3A_736 = arith.constant 208 : index
        %get3A_737 = tpu.vector_load %arg6[%get3A_735, %get3A_736] {strides = array<i32>} : memref<224x256xf32, #tpu.memory_space<vmem>>, vector<1x16xf32>,
        %get3A_738 = vector.shape_cast %get3A_737 : vector<1x16xf32> to vector<16xf32>
        %add3A_739 = arith.addf %add3A_732, %get3A_738 : vector<16xf32>
        %add3A_740 = arith.constant 160 : i32
        %add3A_741 = arith.addi %add3A_740, %scan3A_45 : i32
        %get3A_742 = arith.index_cast %add3A_741 : i32 to index
        %get3A_743 = arith.constant 208 : index
        %get3A_744 = tpu.vector_load %arg6[%get3A_742, %get3A_743] {strides = array<i32>} : memref<224x256xf32, #tpu.memory_space<vmem>>, vector<1x16xf32>,
        %get3A_745 = vector.shape_cast %get3A_744 : vector<1x16xf32> to vector<16xf32>
        %add3A_746 = arith.addf %add3A_739, %get3A_745 : vector<16xf32>
        %add3A_747 = arith.constant 192 : i32
        %add3A_748 = arith.addi %add3A_747, %scan3A_45 : i32
        %get3A_749 = arith.index_cast %add3A_748 : i32 to index
        %get3A_750 = arith.constant 208 : index
        %get3A_751 = tpu.vector_load %arg6[%get3A_749, %get3A_750] {strides = array<i32>} : memref<224x256xf32, #tpu.memory_space<vmem>>, vector<1x16xf32>,
        %get3A_752 = vector.shape_cast %get3A_751 : vector<1x16xf32> to vector<16xf32>
        %add3A_753 = arith.addf %add3A_746, %get3A_752 : vector<16xf32>
        %swap3A_754 = arith.index_cast %scan3A_45 : i32 to index
        %swap3A_755 = arith.constant 208 : index
        %swap3A_756 = tpu.vector_load %arg7[%swap3A_754, %swap3A_755] {strides = array<i32>} : memref<32x256xf32, #tpu.memory_space<vmem>>, vector<1x16xf32>,
        %swap3A_757 = vector.shape_cast %swap3A_756 : vector<1x16xf32> to vector<16xf32>
        %swap3A_758 = vector.shape_cast %add3A_753 : vector<16xf32> to vector<1x16xf32>
        tpu.vector_store %arg7[%swap3A_754, %swap3A_755], %swap3A_758 {strides = array<i32>} : memref<32x256xf32, #tpu.memory_space<vmem>>, vector<1x16xf32>,
        %get3A_759 = arith.index_cast %scan3A_45 : i32 to index
        %get3A_760 = arith.constant 224 : index
        %get3A_761 = tpu.vector_load %arg6[%get3A_759, %get3A_760] {strides = array<i32>} : memref<224x256xf32, #tpu.memory_space<vmem>>, vector<1x16xf32>,
        %get3A_762 = vector.shape_cast %get3A_761 : vector<1x16xf32> to vector<16xf32>
        %add3A_763 = arith.constant 32 : i32
        %add3A_764 = arith.addi %add3A_763, %scan3A_45 : i32
        %get3A_765 = arith.index_cast %add3A_764 : i32 to index
        %get3A_766 = arith.constant 224 : index
        %get3A_767 = tpu.vector_load %arg6[%get3A_765, %get3A_766] {strides = array<i32>} : memref<224x256xf32, #tpu.memory_space<vmem>>, vector<1x16xf32>,
        %get3A_768 = vector.shape_cast %get3A_767 : vector<1x16xf32> to vector<16xf32>
        %add3A_769 = arith.addf %get3A_762, %get3A_768 : vector<16xf32>
        %add3A_770 = arith.constant 64 : i32
        %add3A_771 = arith.addi %add3A_770, %scan3A_45 : i32
        %get3A_772 = arith.index_cast %add3A_771 : i32 to index
        %get3A_773 = arith.constant 224 : index
        %get3A_774 = tpu.vector_load %arg6[%get3A_772, %get3A_773] {strides = array<i32>} : memref<224x256xf32, #tpu.memory_space<vmem>>, vector<1x16xf32>,
        %get3A_775 = vector.shape_cast %get3A_774 : vector<1x16xf32> to vector<16xf32>
        %add3A_776 = arith.addf %add3A_769, %get3A_775 : vector<16xf32>
        %add3A_777 = arith.constant 96 : i32
        %add3A_778 = arith.addi %add3A_777, %scan3A_45 : i32
        %get3A_779 = arith.index_cast %add3A_778 : i32 to index
        %get3A_780 = arith.constant 224 : index
        %get3A_781 = tpu.vector_load %arg6[%get3A_779, %get3A_780] {strides = array<i32>} : memref<224x256xf32, #tpu.memory_space<vmem>>, vector<1x16xf32>,
        %get3A_782 = vector.shape_cast %get3A_781 : vector<1x16xf32> to vector<16xf32>
        %add3A_783 = arith.addf %add3A_776, %get3A_782 : vector<16xf32>
        %add3A_784 = arith.constant 128 : i32
        %add3A_785 = arith.addi %add3A_784, %scan3A_45 : i32
        %get3A_786 = arith.index_cast %add3A_785 : i32 to index
        %get3A_787 = arith.constant 224 : index
        %get3A_788 = tpu.vector_load %arg6[%get3A_786, %get3A_787] {strides = array<i32>} : memref<224x256xf32, #tpu.memory_space<vmem>>, vector<1x16xf32>,
        %get3A_789 = vector.shape_cast %get3A_788 : vector<1x16xf32> to vector<16xf32>
        %add3A_790 = arith.addf %add3A_783, %get3A_789 : vector<16xf32>
        %add3A_791 = arith.constant 160 : i32
        %add3A_792 = arith.addi %add3A_791, %scan3A_45 : i32
        %get3A_793 = arith.index_cast %add3A_792 : i32 to index
        %get3A_794 = arith.constant 224 : index
        %get3A_795 = tpu.vector_load %arg6[%get3A_793, %get3A_794] {strides = array<i32>} : memref<224x256xf32, #tpu.memory_space<vmem>>, vector<1x16xf32>,
        %get3A_796 = vector.shape_cast %get3A_795 : vector<1x16xf32> to vector<16xf32>
        %add3A_797 = arith.addf %add3A_790, %get3A_796 : vector<16xf32>
        %add3A_798 = arith.constant 192 : i32
        %add3A_799 = arith.addi %add3A_798, %scan3A_45 : i32
        %get3A_800 = arith.index_cast %add3A_799 : i32 to index
        %get3A_801 = arith.constant 224 : index
        %get3A_802 = tpu.vector_load %arg6[%get3A_800, %get3A_801] {strides = array<i32>} : memref<224x256xf32, #tpu.memory_space<vmem>>, vector<1x16xf32>,
        %get3A_803 = vector.shape_cast %get3A_802 : vector<1x16xf32> to vector<16xf32>
        %add3A_804 = arith.addf %add3A_797, %get3A_803 : vector<16xf32>
        %swap3A_805 = arith.index_cast %scan3A_45 : i32 to index
        %swap3A_806 = arith.constant 224 : index
        %swap3A_807 = tpu.vector_load %arg7[%swap3A_805, %swap3A_806] {strides = array<i32>} : memref<32x256xf32, #tpu.memory_space<vmem>>, vector<1x16xf32>,
        %swap3A_808 = vector.shape_cast %swap3A_807 : vector<1x16xf32> to vector<16xf32>
        %swap3A_809 = vector.shape_cast %add3A_804 : vector<16xf32> to vector<1x16xf32>
        tpu.vector_store %arg7[%swap3A_805, %swap3A_806], %swap3A_809 {strides = array<i32>} : memref<32x256xf32, #tpu.memory_space<vmem>>, vector<1x16xf32>,
        %get3A_810 = arith.index_cast %scan3A_45 : i32 to index
        %get3A_811 = arith.constant 240 : index
        %get3A_812 = tpu.vector_load %arg6[%get3A_810, %get3A_811] {strides = array<i32>} : memref<224x256xf32, #tpu.memory_space<vmem>>, vector<1x16xf32>,
        %get3A_813 = vector.shape_cast %get3A_812 : vector<1x16xf32> to vector<16xf32>
        %add3A_814 = arith.constant 32 : i32
        %add3A_815 = arith.addi %add3A_814, %scan3A_45 : i32
        %get3A_816 = arith.index_cast %add3A_815 : i32 to index
        %get3A_817 = arith.constant 240 : index
        %get3A_818 = tpu.vector_load %arg6[%get3A_816, %get3A_817] {strides = array<i32>} : memref<224x256xf32, #tpu.memory_space<vmem>>, vector<1x16xf32>,
        %get3A_819 = vector.shape_cast %get3A_818 : vector<1x16xf32> to vector<16xf32>
        %add3A_820 = arith.addf %get3A_813, %get3A_819 : vector<16xf32>
        %add3A_821 = arith.constant 64 : i32
        %add3A_822 = arith.addi %add3A_821, %scan3A_45 : i32
        %get3A_823 = arith.index_cast %add3A_822 : i32 to index
        %get3A_824 = arith.constant 240 : index
        %get3A_825 = tpu.vector_load %arg6[%get3A_823, %get3A_824] {strides = array<i32>} : memref<224x256xf32, #tpu.memory_space<vmem>>, vector<1x16xf32>,
        %get3A_826 = vector.shape_cast %get3A_825 : vector<1x16xf32> to vector<16xf32>
        %add3A_827 = arith.addf %add3A_820, %get3A_826 : vector<16xf32>
        %add3A_828 = arith.constant 96 : i32
        %add3A_829 = arith.addi %add3A_828, %scan3A_45 : i32
        %get3A_830 = arith.index_cast %add3A_829 : i32 to index
        %get3A_831 = arith.constant 240 : index
        %get3A_832 = tpu.vector_load %arg6[%get3A_830, %get3A_831] {strides = array<i32>} : memref<224x256xf32, #tpu.memory_space<vmem>>, vector<1x16xf32>,
        %get3A_833 = vector.shape_cast %get3A_832 : vector<1x16xf32> to vector<16xf32>
        %add3A_834 = arith.addf %add3A_827, %get3A_833 : vector<16xf32>
        %add3A_835 = arith.constant 128 : i32
        %add3A_836 = arith.addi %add3A_835, %scan3A_45 : i32
        %get3A_837 = arith.index_cast %add3A_836 : i32 to index
        %get3A_838 = arith.constant 240 : index
        %get3A_839 = tpu.vector_load %arg6[%get3A_837, %get3A_838] {strides = array<i32>} : memref<224x256xf32, #tpu.memory_space<vmem>>, vector<1x16xf32>,
        %get3A_840 = vector.shape_cast %get3A_839 : vector<1x16xf32> to vector<16xf32>
        %add3A_841 = arith.addf %add3A_834, %get3A_840 : vector<16xf32>
        %add3A_842 = arith.constant 160 : i32
        %add3A_843 = arith.addi %add3A_842, %scan3A_45 : i32
        %get3A_844 = arith.index_cast %add3A_843 : i32 to index
        %get3A_845 = arith.constant 240 : index
        %get3A_846 = tpu.vector_load %arg6[%get3A_844, %get3A_845] {strides = array<i32>} : memref<224x256xf32, #tpu.memory_space<vmem>>, vector<1x16xf32>,
        %get3A_847 = vector.shape_cast %get3A_846 : vector<1x16xf32> to vector<16xf32>
        %add3A_848 = arith.addf %add3A_841, %get3A_847 : vector<16xf32>
        %add3A_849 = arith.constant 192 : i32
        %add3A_850 = arith.addi %add3A_849, %scan3A_45 : i32
        %get3A_851 = arith.index_cast %add3A_850 : i32 to index
        %get3A_852 = arith.constant 240 : index
        %get3A_853 = tpu.vector_load %arg6[%get3A_851, %get3A_852] {strides = array<i32>} : memref<224x256xf32, #tpu.memory_space<vmem>>, vector<1x16xf32>,
        %get3A_854 = vector.shape_cast %get3A_853 : vector<1x16xf32> to vector<16xf32>
        %add3A_855 = arith.addf %add3A_848, %get3A_854 : vector<16xf32>
        %swap3A_856 = arith.index_cast %scan3A_45 : i32 to index
        %swap3A_857 = arith.constant 240 : index
        %swap3A_858 = tpu.vector_load %arg7[%swap3A_856, %swap3A_857] {strides = array<i32>} : memref<32x256xf32, #tpu.memory_space<vmem>>, vector<1x16xf32>,
        %swap3A_859 = vector.shape_cast %swap3A_858 : vector<1x16xf32> to vector<16xf32>
        %swap3A_860 = vector.shape_cast %add3A_855 : vector<16xf32> to vector<1x16xf32>
        tpu.vector_store %arg7[%swap3A_856, %swap3A_857], %swap3A_860 {strides = array<i32>} : memref<32x256xf32, #tpu.memory_space<vmem>>, vector<1x16xf32>,
        %scan3A_861 = arith.constant 0 : i32
        scf.yield %scan3A_861 : i32
      }
      %scan3A_40 = arith.constant 32 : i32
      %mul3A_41 = arith.constant 32 : i32
      %mul3A_42 = arith.muli %scan3A_9, %mul3A_41 : i32
      %add3A_43 = arith.addi %mul3A_2, %mul3A_42 : i32
      "tpu.region"() ({
        %run_scoped3A = tpu.sem_alloc : memref<!tpu.dma_semaphore, #tpu.memory_space<semaphore_mem>>
        %dma_start3A_45 = arith.constant 0 : i32
        %dma_start3A_46 = tpu.memref_slice %arg4[%add3A_43, %dma_start3A_45] : memref<40960x256xf32, #tpu.memory_space<hbm>> -> memref<32x256xf32, #tpu.memory_space<hbm>>
        %dma_start3A_47 = arith.constant 0 : i32
        %dma_start3A_48 = tpu.memref_slice %arg4[%add3A_43, %dma_start3A_47] : memref<40960x256xf32, #tpu.memory_space<hbm>> -> memref<32x256xf32, #tpu.memory_space<hbm>>
        tpu.enqueue_dma source(%arg7 : memref<32x256xf32, #tpu.memory_space<vmem>>) target(%dma_start3A_48 : memref<32x256xf32, #tpu.memory_space<hbm>>) target_semaphore(%run_scoped3A : memref<!tpu.dma_semaphore, #tpu.memory_space<semaphore_mem>>)
        %dma_wait3A_49 = arith.constant 0 : i32
        %dma_wait3A_50 = tpu.memref_slice %arg4[%add3A_43, %dma_wait3A_49] : memref<40960x256xf32, #tpu.memory_space<hbm>> -> memref<32x256xf32, #tpu.memory_space<hbm>>
        %dma_wait3A_51 = arith.constant 0 : i32
        %dma_wait3A_52 = tpu.memref_slice %arg4[%add3A_43, %dma_wait3A_51] : memref<40960x256xf32, #tpu.memory_space<hbm>> -> memref<32x256xf32, #tpu.memory_space<hbm>>
        tpu.wait_dma2 semaphore(%run_scoped3A : memref<!tpu.dma_semaphore, #tpu.memory_space<semaphore_mem>>) src(%arg7 : memref<32x256xf32, #tpu.memory_space<vmem>>) dst(%dma_wait3A_52 : memref<32x256xf32, #tpu.memory_space<hbm>>)
        tpu.yield
      }) : () -> ()
      %scan3A_44 = arith.constant 0 : i32
      scf.yield %scan3A_44 : i32
    }
    %scan3A_8 = arith.constant 40 : i32
    return
  }
}

#map = affine_map<(d0, d1) -> (0, 0)>
#map1 = affine_map<(d0, d1) -> (0)>
module attributes {stable_mosaic.version = 14 : i64} {
  func.func @agg(%arg0: i32, %arg1: i32, %arg2: memref<41472x128xf32, #tpu.memory_space<hbm>>, %arg3: memref<286720xi32, #tpu.memory_space<hbm>>, %arg4: memref<40960x16xf32, #tpu.memory_space<hbm>>, %arg5: memref<224xi32, #tpu.memory_space<vmem>>, %arg6: memref<224x128xf32, #tpu.memory_space<vmem>>, %arg7: memref<32x16xf32, #tpu.memory_space<vmem>>, %arg8: memref<!tpu.dma_semaphore, #tpu.memory_space<semaphore_mem>>) attributes {dimension_semantics = [#tpu.dimension_semantics<core_parallel>, #tpu.dimension_semantics<subcore_parallel>], iteration_bounds = array<i64: 2, 16>, scalar_prefetch = 0 : i64, scratch_operands = 4 : i64, tpu.core_type = #tpu.core_type<sc_vector_subcore>, window_params = [{transform_indices = #map}, {transform_indices = #map1}, {transform_indices = #map}]} {
    %mul3A = arith.constant 2 : i32
    %mul3A_0 = arith.muli %arg1, %mul3A : i32
    %add3A = arith.addi %mul3A_0, %arg0 : i32
    %mul3A_1 = arith.constant 1280 : i32
    %mul3A_2 = arith.muli %add3A, %mul3A_1 : i32
    %scan3A = arith.constant 0 : i32
    %scan3A_3 = arith.constant 0 : i32
    %scan3A_4 = arith.constant 40 : i32
    %scan3A_5 = arith.addi %scan3A_3, %scan3A_4 : i32
    %scan3A_6 = arith.constant 1 : i32
    %scan3A_7 = scf.for %scan3A_9 = %scan3A_3 to %scan3A_5 step %scan3A_6 iter_args(%scan3A_10 = %scan3A) -> (i32)  : i32 {
      %jit3A = arith.constant 32 : i32
      %div3A = arith.divsi %mul3A_2, %jit3A : i32
      %sign3A = arith.constant 0 : i32
      %sign3A_11 = arith.cmpi sgt, %mul3A_2, %sign3A : i32
      %sign3A_12 = arith.extui %sign3A_11 : i1 to i32
      %sign3A_13 = arith.constant 0 : i32
      %sign3A_14 = arith.cmpi slt, %mul3A_2, %sign3A_13 : i32
      %sign3A_15 = arith.extui %sign3A_14 : i1 to i32
      %sign3A_16 = arith.subi %sign3A_12, %sign3A_15 : i32
      %sign3A_17 = arith.constant 0 : i32
      %sign3A_18 = arith.cmpi sgt, %jit3A, %sign3A_17 : i32
      %sign3A_19 = arith.extui %sign3A_18 : i1 to i32
      %sign3A_20 = arith.constant 0 : i32
      %sign3A_21 = arith.cmpi slt, %jit3A, %sign3A_20 : i32
      %sign3A_22 = arith.extui %sign3A_21 : i1 to i32
      %sign3A_23 = arith.subi %sign3A_19, %sign3A_22 : i32
      %ne3A = arith.cmpi ne, %sign3A_16, %sign3A_23 : i32
      %rem3A = arith.remsi %mul3A_2, %jit3A : i32
      %ne3A_24 = arith.constant 0 : i32
      %ne3A_25 = arith.cmpi ne, %rem3A, %ne3A_24 : i32
      %and3A = arith.andi %ne3A, %ne3A_25 : i1
      %sub3A = arith.constant 1 : i32
      %sub3A_26 = arith.subi %div3A, %sub3A : i32
      %select_n3A = arith.select %and3A, %sub3A_26, %div3A : i32
      %add3A_27 = arith.addi %select_n3A, %scan3A_9 : i32
      %mul3A_28 = arith.constant 224 : i32
      %mul3A_29 = arith.muli %add3A_27, %mul3A_28 : i32
      "tpu.region"() ({
        %run_scoped3A = tpu.sem_alloc : memref<!tpu.dma_semaphore, #tpu.memory_space<semaphore_mem>>
        %dma_start3A_45 = tpu.memref_slice %arg3[%mul3A_29] : memref<286720xi32, #tpu.memory_space<hbm>> -> memref<224xi32, #tpu.memory_space<hbm>>
        %dma_start3A_46 = tpu.memref_slice %arg3[%mul3A_29] : memref<286720xi32, #tpu.memory_space<hbm>> -> memref<224xi32, #tpu.memory_space<hbm>>
        tpu.enqueue_dma source(%dma_start3A_46 : memref<224xi32, #tpu.memory_space<hbm>>) target(%arg5 : memref<224xi32, #tpu.memory_space<vmem>>) target_semaphore(%run_scoped3A : memref<!tpu.dma_semaphore, #tpu.memory_space<semaphore_mem>>)
        %dma_wait3A_47 = tpu.memref_slice %arg3[%mul3A_29] : memref<286720xi32, #tpu.memory_space<hbm>> -> memref<224xi32, #tpu.memory_space<hbm>>
        %dma_wait3A_48 = tpu.memref_slice %arg3[%mul3A_29] : memref<286720xi32, #tpu.memory_space<hbm>> -> memref<224xi32, #tpu.memory_space<hbm>>
        tpu.wait_dma2 semaphore(%run_scoped3A : memref<!tpu.dma_semaphore, #tpu.memory_space<semaphore_mem>>) src(%dma_wait3A_48 : memref<224xi32, #tpu.memory_space<hbm>>) dst(%arg5 : memref<224xi32, #tpu.memory_space<vmem>>)
        tpu.yield
      }) : () -> ()
      %dma_start3A = arith.constant 0 : i32
      %dma_start3A_30 = arith.constant 0 : i32
      %dma_start3A_31 = tpu.memref_slice %arg2[%dma_start3A, %dma_start3A_30] : memref<41472x128xf32, #tpu.memory_space<hbm>> -> memref<41472x128xf32, #tpu.memory_space<hbm>>
      tpu.enqueue_indirect_dma source(%dma_start3A_31 : memref<41472x128xf32, #tpu.memory_space<hbm>>) target(%arg6 : memref<224x128xf32, #tpu.memory_space<vmem>>) offsets(%arg5 : memref<224xi32, #tpu.memory_space<vmem>>) semaphore(%arg8 : memref<!tpu.dma_semaphore, #tpu.memory_space<semaphore_mem>>)
      %dma_wait3A = arith.constant 0 : i32
      %dma_wait3A_32 = arith.constant 0 : i32
      %dma_wait3A_33 = tpu.memref_slice %arg2[%dma_wait3A, %dma_wait3A_32] : memref<41472x128xf32, #tpu.memory_space<hbm>> -> memref<41472x128xf32, #tpu.memory_space<hbm>>
      tpu.wait_indirect_dma semaphore(%arg8 : memref<!tpu.dma_semaphore, #tpu.memory_space<semaphore_mem>>) src(%dma_wait3A_33 : memref<41472x128xf32, #tpu.memory_space<hbm>>) dst(%arg6 : memref<224x128xf32, #tpu.memory_space<vmem>>)
      %scan3A_34 = arith.constant 0 : i32
      %scan3A_35 = arith.constant 0 : i32
      %scan3A_36 = arith.constant 32 : i32
      %scan3A_37 = arith.addi %scan3A_35, %scan3A_36 : i32
      %scan3A_38 = arith.constant 1 : i32
      %scan3A_39 = scf.for %scan3A_45 = %scan3A_35 to %scan3A_37 step %scan3A_38 iter_args(%scan3A_46 = %scan3A_34) -> (i32)  : i32 {
        %get3A = arith.index_cast %scan3A_45 : i32 to index
        %get3A_47 = arith.constant 0 : index
        %get3A_48 = tpu.vector_load %arg6[%get3A, %get3A_47] {strides = array<i32>} : memref<224x128xf32, #tpu.memory_space<vmem>>, vector<1x16xf32>,
        %get3A_49 = vector.shape_cast %get3A_48 : vector<1x16xf32> to vector<16xf32>
        %add3A_50 = arith.constant 32 : i32
        %add3A_51 = arith.addi %add3A_50, %scan3A_45 : i32
        %get3A_52 = arith.index_cast %add3A_51 : i32 to index
        %get3A_53 = arith.constant 0 : index
        %get3A_54 = tpu.vector_load %arg6[%get3A_52, %get3A_53] {strides = array<i32>} : memref<224x128xf32, #tpu.memory_space<vmem>>, vector<1x16xf32>,
        %get3A_55 = vector.shape_cast %get3A_54 : vector<1x16xf32> to vector<16xf32>
        %add3A_56 = arith.addf %get3A_49, %get3A_55 : vector<16xf32>
        %add3A_57 = arith.constant 64 : i32
        %add3A_58 = arith.addi %add3A_57, %scan3A_45 : i32
        %get3A_59 = arith.index_cast %add3A_58 : i32 to index
        %get3A_60 = arith.constant 0 : index
        %get3A_61 = tpu.vector_load %arg6[%get3A_59, %get3A_60] {strides = array<i32>} : memref<224x128xf32, #tpu.memory_space<vmem>>, vector<1x16xf32>,
        %get3A_62 = vector.shape_cast %get3A_61 : vector<1x16xf32> to vector<16xf32>
        %add3A_63 = arith.addf %add3A_56, %get3A_62 : vector<16xf32>
        %add3A_64 = arith.constant 96 : i32
        %add3A_65 = arith.addi %add3A_64, %scan3A_45 : i32
        %get3A_66 = arith.index_cast %add3A_65 : i32 to index
        %get3A_67 = arith.constant 0 : index
        %get3A_68 = tpu.vector_load %arg6[%get3A_66, %get3A_67] {strides = array<i32>} : memref<224x128xf32, #tpu.memory_space<vmem>>, vector<1x16xf32>,
        %get3A_69 = vector.shape_cast %get3A_68 : vector<1x16xf32> to vector<16xf32>
        %add3A_70 = arith.addf %add3A_63, %get3A_69 : vector<16xf32>
        %add3A_71 = arith.constant 128 : i32
        %add3A_72 = arith.addi %add3A_71, %scan3A_45 : i32
        %get3A_73 = arith.index_cast %add3A_72 : i32 to index
        %get3A_74 = arith.constant 0 : index
        %get3A_75 = tpu.vector_load %arg6[%get3A_73, %get3A_74] {strides = array<i32>} : memref<224x128xf32, #tpu.memory_space<vmem>>, vector<1x16xf32>,
        %get3A_76 = vector.shape_cast %get3A_75 : vector<1x16xf32> to vector<16xf32>
        %add3A_77 = arith.addf %add3A_70, %get3A_76 : vector<16xf32>
        %add3A_78 = arith.constant 160 : i32
        %add3A_79 = arith.addi %add3A_78, %scan3A_45 : i32
        %get3A_80 = arith.index_cast %add3A_79 : i32 to index
        %get3A_81 = arith.constant 0 : index
        %get3A_82 = tpu.vector_load %arg6[%get3A_80, %get3A_81] {strides = array<i32>} : memref<224x128xf32, #tpu.memory_space<vmem>>, vector<1x16xf32>,
        %get3A_83 = vector.shape_cast %get3A_82 : vector<1x16xf32> to vector<16xf32>
        %add3A_84 = arith.addf %add3A_77, %get3A_83 : vector<16xf32>
        %add3A_85 = arith.constant 192 : i32
        %add3A_86 = arith.addi %add3A_85, %scan3A_45 : i32
        %get3A_87 = arith.index_cast %add3A_86 : i32 to index
        %get3A_88 = arith.constant 0 : index
        %get3A_89 = tpu.vector_load %arg6[%get3A_87, %get3A_88] {strides = array<i32>} : memref<224x128xf32, #tpu.memory_space<vmem>>, vector<1x16xf32>,
        %get3A_90 = vector.shape_cast %get3A_89 : vector<1x16xf32> to vector<16xf32>
        %add3A_91 = arith.addf %add3A_84, %get3A_90 : vector<16xf32>
        %swap3A = arith.index_cast %scan3A_45 : i32 to index
        %swap3A_92 = arith.constant 0 : index
        %swap3A_93 = tpu.vector_load %arg7[%swap3A, %swap3A_92] {strides = array<i32>} : memref<32x16xf32, #tpu.memory_space<vmem>>, vector<1x16xf32>,
        %swap3A_94 = vector.shape_cast %swap3A_93 : vector<1x16xf32> to vector<16xf32>
        %swap3A_95 = vector.shape_cast %add3A_91 : vector<16xf32> to vector<1x16xf32>
        tpu.vector_store %arg7[%swap3A, %swap3A_92], %swap3A_95 {strides = array<i32>} : memref<32x16xf32, #tpu.memory_space<vmem>>, vector<1x16xf32>,
        %scan3A_96 = arith.constant 0 : i32
        scf.yield %scan3A_96 : i32
      }
      %scan3A_40 = arith.constant 32 : i32
      %mul3A_41 = arith.constant 32 : i32
      %mul3A_42 = arith.muli %scan3A_9, %mul3A_41 : i32
      %add3A_43 = arith.addi %mul3A_2, %mul3A_42 : i32
      "tpu.region"() ({
        %run_scoped3A = tpu.sem_alloc : memref<!tpu.dma_semaphore, #tpu.memory_space<semaphore_mem>>
        %dma_start3A_45 = arith.constant 0 : i32
        %dma_start3A_46 = tpu.memref_slice %arg4[%add3A_43, %dma_start3A_45] : memref<40960x16xf32, #tpu.memory_space<hbm>> -> memref<32x16xf32, #tpu.memory_space<hbm>>
        %dma_start3A_47 = arith.constant 0 : i32
        %dma_start3A_48 = tpu.memref_slice %arg4[%add3A_43, %dma_start3A_47] : memref<40960x16xf32, #tpu.memory_space<hbm>> -> memref<32x16xf32, #tpu.memory_space<hbm>>
        tpu.enqueue_dma source(%arg7 : memref<32x16xf32, #tpu.memory_space<vmem>>) target(%dma_start3A_48 : memref<32x16xf32, #tpu.memory_space<hbm>>) target_semaphore(%run_scoped3A : memref<!tpu.dma_semaphore, #tpu.memory_space<semaphore_mem>>)
        %dma_wait3A_49 = arith.constant 0 : i32
        %dma_wait3A_50 = tpu.memref_slice %arg4[%add3A_43, %dma_wait3A_49] : memref<40960x16xf32, #tpu.memory_space<hbm>> -> memref<32x16xf32, #tpu.memory_space<hbm>>
        %dma_wait3A_51 = arith.constant 0 : i32
        %dma_wait3A_52 = tpu.memref_slice %arg4[%add3A_43, %dma_wait3A_51] : memref<40960x16xf32, #tpu.memory_space<hbm>> -> memref<32x16xf32, #tpu.memory_space<hbm>>
        tpu.wait_dma2 semaphore(%run_scoped3A : memref<!tpu.dma_semaphore, #tpu.memory_space<semaphore_mem>>) src(%arg7 : memref<32x16xf32, #tpu.memory_space<vmem>>) dst(%dma_wait3A_52 : memref<32x16xf32, #tpu.memory_space<hbm>>)
        tpu.yield
      }) : () -> ()
      %scan3A_44 = arith.constant 0 : i32
      scf.yield %scan3A_44 : i32
    }
    %scan3A_8 = arith.constant 40 : i32
    return
  }
}

#map = affine_map<(d0, d1) -> (0)>
#map1 = affine_map<(d0, d1) -> (0, 0)>
module attributes {stable_mosaic.version = 14 : i64} {
  func.func @_sc_hsum(%arg0: i32, %arg1: i32, %arg2: memref<122880xi32, #tpu.memory_space<hbm>>, %arg3: memref<20000x512xf32, #tpu.memory_space<hbm>>, %arg4: memref<40960x512xf32, #tpu.memory_space<hbm>>, %arg5: memref<96xi32, #tpu.memory_space<vmem>>, %arg6: memref<96x512xf32, #tpu.memory_space<vmem>>, %arg7: memref<32x512xf32, #tpu.memory_space<vmem>>, %arg8: memref<!tpu.dma_semaphore, #tpu.memory_space<semaphore_mem>>) attributes {dimension_semantics = [#tpu.dimension_semantics<core_parallel>, #tpu.dimension_semantics<subcore_parallel>], iteration_bounds = array<i64: 2, 16>, scalar_prefetch = 0 : i64, scratch_operands = 4 : i64, tpu.core_type = #tpu.core_type<sc_vector_subcore>, window_params = [{transform_indices = #map}, {transform_indices = #map1}, {transform_indices = #map1}]} {
    %mul3A = arith.constant 2 : i32
    %mul3A_0 = arith.muli %arg1, %mul3A : i32
    %add3A = arith.addi %mul3A_0, %arg0 : i32
    %mul3A_1 = arith.constant 1280 : i32
    %mul3A_2 = arith.muli %add3A, %mul3A_1 : i32
    %scan3A = arith.constant 0 : i32
    %scan3A_3 = arith.constant 0 : i32
    %scan3A_4 = arith.constant 40 : i32
    %scan3A_5 = arith.addi %scan3A_3, %scan3A_4 : i32
    %scan3A_6 = arith.constant 1 : i32
    %scan3A_7 = scf.for %scan3A_9 = %scan3A_3 to %scan3A_5 step %scan3A_6 iter_args(%scan3A_10 = %scan3A) -> (i32)  : i32 {
      %mul3A_11 = arith.constant 32 : i32
      %mul3A_12 = arith.muli %scan3A_9, %mul3A_11 : i32
      %add3A_13 = arith.addi %mul3A_2, %mul3A_12 : i32
      %mul3A_14 = arith.constant 3 : i32
      %mul3A_15 = arith.muli %add3A_13, %mul3A_14 : i32
      "tpu.region"() ({
        %run_scoped3A = tpu.sem_alloc : memref<!tpu.dma_semaphore, #tpu.memory_space<semaphore_mem>>
        %dma_start3A_31 = tpu.memref_slice %arg2[%mul3A_15] : memref<122880xi32, #tpu.memory_space<hbm>> -> memref<96xi32, #tpu.memory_space<hbm>>
        %dma_start3A_32 = tpu.memref_slice %arg2[%mul3A_15] : memref<122880xi32, #tpu.memory_space<hbm>> -> memref<96xi32, #tpu.memory_space<hbm>>
        tpu.enqueue_dma source(%dma_start3A_32 : memref<96xi32, #tpu.memory_space<hbm>>) target(%arg5 : memref<96xi32, #tpu.memory_space<vmem>>) target_semaphore(%run_scoped3A : memref<!tpu.dma_semaphore, #tpu.memory_space<semaphore_mem>>)
        %dma_wait3A_33 = tpu.memref_slice %arg2[%mul3A_15] : memref<122880xi32, #tpu.memory_space<hbm>> -> memref<96xi32, #tpu.memory_space<hbm>>
        %dma_wait3A_34 = tpu.memref_slice %arg2[%mul3A_15] : memref<122880xi32, #tpu.memory_space<hbm>> -> memref<96xi32, #tpu.memory_space<hbm>>
        tpu.wait_dma2 semaphore(%run_scoped3A : memref<!tpu.dma_semaphore, #tpu.memory_space<semaphore_mem>>) src(%dma_wait3A_34 : memref<96xi32, #tpu.memory_space<hbm>>) dst(%arg5 : memref<96xi32, #tpu.memory_space<vmem>>)
        tpu.yield
      }) : () -> ()
      %dma_start3A = arith.constant 0 : i32
      %dma_start3A_16 = arith.constant 0 : i32
      %dma_start3A_17 = tpu.memref_slice %arg3[%dma_start3A, %dma_start3A_16] : memref<20000x512xf32, #tpu.memory_space<hbm>> -> memref<20000x512xf32, #tpu.memory_space<hbm>>
      tpu.enqueue_indirect_dma source(%dma_start3A_17 : memref<20000x512xf32, #tpu.memory_space<hbm>>) target(%arg6 : memref<96x512xf32, #tpu.memory_space<vmem>>) offsets(%arg5 : memref<96xi32, #tpu.memory_space<vmem>>) semaphore(%arg8 : memref<!tpu.dma_semaphore, #tpu.memory_space<semaphore_mem>>)
      %dma_wait3A = arith.constant 0 : i32
      %dma_wait3A_18 = arith.constant 0 : i32
      %dma_wait3A_19 = tpu.memref_slice %arg3[%dma_wait3A, %dma_wait3A_18] : memref<20000x512xf32, #tpu.memory_space<hbm>> -> memref<20000x512xf32, #tpu.memory_space<hbm>>
      tpu.wait_indirect_dma semaphore(%arg8 : memref<!tpu.dma_semaphore, #tpu.memory_space<semaphore_mem>>) src(%dma_wait3A_19 : memref<20000x512xf32, #tpu.memory_space<hbm>>) dst(%arg6 : memref<96x512xf32, #tpu.memory_space<vmem>>)
      %scan3A_20 = arith.constant 0 : i32
      %scan3A_21 = arith.constant 0 : i32
      %scan3A_22 = arith.constant 32 : i32
      %scan3A_23 = arith.addi %scan3A_21, %scan3A_22 : i32
      %scan3A_24 = arith.constant 1 : i32
      %scan3A_25 = scf.for %scan3A_31 = %scan3A_21 to %scan3A_23 step %scan3A_24 iter_args(%scan3A_32 = %scan3A_20) -> (i32)  : i32 {
        %mul3A_33 = arith.constant 3 : i32
        %mul3A_34 = arith.muli %mul3A_33, %scan3A_31 : i32
        %get3A = arith.index_cast %mul3A_34 : i32 to index
        %get3A_35 = arith.constant 0 : index
        %get3A_36 = tpu.vector_load %arg6[%get3A, %get3A_35] {strides = array<i32>} : memref<96x512xf32, #tpu.memory_space<vmem>>, vector<1x16xf32>,
        %get3A_37 = vector.shape_cast %get3A_36 : vector<1x16xf32> to vector<16xf32>
        %mul3A_38 = arith.constant 3 : i32
        %mul3A_39 = arith.muli %mul3A_38, %scan3A_31 : i32
        %add3A_40 = arith.constant 1 : i32
        %add3A_41 = arith.addi %mul3A_39, %add3A_40 : i32
        %get3A_42 = arith.index_cast %add3A_41 : i32 to index
        %get3A_43 = arith.constant 0 : index
        %get3A_44 = tpu.vector_load %arg6[%get3A_42, %get3A_43] {strides = array<i32>} : memref<96x512xf32, #tpu.memory_space<vmem>>, vector<1x16xf32>,
        %get3A_45 = vector.shape_cast %get3A_44 : vector<1x16xf32> to vector<16xf32>
        %add3A_46 = arith.addf %get3A_37, %get3A_45 : vector<16xf32>
        %mul3A_47 = arith.constant 3 : i32
        %mul3A_48 = arith.muli %mul3A_47, %scan3A_31 : i32
        %add3A_49 = arith.constant 2 : i32
        %add3A_50 = arith.addi %mul3A_48, %add3A_49 : i32
        %get3A_51 = arith.index_cast %add3A_50 : i32 to index
        %get3A_52 = arith.constant 0 : index
        %get3A_53 = tpu.vector_load %arg6[%get3A_51, %get3A_52] {strides = array<i32>} : memref<96x512xf32, #tpu.memory_space<vmem>>, vector<1x16xf32>,
        %get3A_54 = vector.shape_cast %get3A_53 : vector<1x16xf32> to vector<16xf32>
        %add3A_55 = arith.addf %add3A_46, %get3A_54 : vector<16xf32>
        %swap3A = arith.index_cast %scan3A_31 : i32 to index
        %swap3A_56 = arith.constant 0 : index
        %swap3A_57 = tpu.vector_load %arg7[%swap3A, %swap3A_56] {strides = array<i32>} : memref<32x512xf32, #tpu.memory_space<vmem>>, vector<1x16xf32>,
        %swap3A_58 = vector.shape_cast %swap3A_57 : vector<1x16xf32> to vector<16xf32>
        %swap3A_59 = vector.shape_cast %add3A_55 : vector<16xf32> to vector<1x16xf32>
        tpu.vector_store %arg7[%swap3A, %swap3A_56], %swap3A_59 {strides = array<i32>} : memref<32x512xf32, #tpu.memory_space<vmem>>, vector<1x16xf32>,
        %mul3A_60 = arith.constant 3 : i32
        %mul3A_61 = arith.muli %mul3A_60, %scan3A_31 : i32
        %get3A_62 = arith.index_cast %mul3A_61 : i32 to index
        %get3A_63 = arith.constant 16 : index
        %get3A_64 = tpu.vector_load %arg6[%get3A_62, %get3A_63] {strides = array<i32>} : memref<96x512xf32, #tpu.memory_space<vmem>>, vector<1x16xf32>,
        %get3A_65 = vector.shape_cast %get3A_64 : vector<1x16xf32> to vector<16xf32>
        %mul3A_66 = arith.constant 3 : i32
        %mul3A_67 = arith.muli %mul3A_66, %scan3A_31 : i32
        %add3A_68 = arith.constant 1 : i32
        %add3A_69 = arith.addi %mul3A_67, %add3A_68 : i32
        %get3A_70 = arith.index_cast %add3A_69 : i32 to index
        %get3A_71 = arith.constant 16 : index
        %get3A_72 = tpu.vector_load %arg6[%get3A_70, %get3A_71] {strides = array<i32>} : memref<96x512xf32, #tpu.memory_space<vmem>>, vector<1x16xf32>,
        %get3A_73 = vector.shape_cast %get3A_72 : vector<1x16xf32> to vector<16xf32>
        %add3A_74 = arith.addf %get3A_65, %get3A_73 : vector<16xf32>
        %mul3A_75 = arith.constant 3 : i32
        %mul3A_76 = arith.muli %mul3A_75, %scan3A_31 : i32
        %add3A_77 = arith.constant 2 : i32
        %add3A_78 = arith.addi %mul3A_76, %add3A_77 : i32
        %get3A_79 = arith.index_cast %add3A_78 : i32 to index
        %get3A_80 = arith.constant 16 : index
        %get3A_81 = tpu.vector_load %arg6[%get3A_79, %get3A_80] {strides = array<i32>} : memref<96x512xf32, #tpu.memory_space<vmem>>, vector<1x16xf32>,
        %get3A_82 = vector.shape_cast %get3A_81 : vector<1x16xf32> to vector<16xf32>
        %add3A_83 = arith.addf %add3A_74, %get3A_82 : vector<16xf32>
        %swap3A_84 = arith.index_cast %scan3A_31 : i32 to index
        %swap3A_85 = arith.constant 16 : index
        %swap3A_86 = tpu.vector_load %arg7[%swap3A_84, %swap3A_85] {strides = array<i32>} : memref<32x512xf32, #tpu.memory_space<vmem>>, vector<1x16xf32>,
        %swap3A_87 = vector.shape_cast %swap3A_86 : vector<1x16xf32> to vector<16xf32>
        %swap3A_88 = vector.shape_cast %add3A_83 : vector<16xf32> to vector<1x16xf32>
        tpu.vector_store %arg7[%swap3A_84, %swap3A_85], %swap3A_88 {strides = array<i32>} : memref<32x512xf32, #tpu.memory_space<vmem>>, vector<1x16xf32>,
        %mul3A_89 = arith.constant 3 : i32
        %mul3A_90 = arith.muli %mul3A_89, %scan3A_31 : i32
        %get3A_91 = arith.index_cast %mul3A_90 : i32 to index
        %get3A_92 = arith.constant 32 : index
        %get3A_93 = tpu.vector_load %arg6[%get3A_91, %get3A_92] {strides = array<i32>} : memref<96x512xf32, #tpu.memory_space<vmem>>, vector<1x16xf32>,
        %get3A_94 = vector.shape_cast %get3A_93 : vector<1x16xf32> to vector<16xf32>
        %mul3A_95 = arith.constant 3 : i32
        %mul3A_96 = arith.muli %mul3A_95, %scan3A_31 : i32
        %add3A_97 = arith.constant 1 : i32
        %add3A_98 = arith.addi %mul3A_96, %add3A_97 : i32
        %get3A_99 = arith.index_cast %add3A_98 : i32 to index
        %get3A_100 = arith.constant 32 : index
        %get3A_101 = tpu.vector_load %arg6[%get3A_99, %get3A_100] {strides = array<i32>} : memref<96x512xf32, #tpu.memory_space<vmem>>, vector<1x16xf32>,
        %get3A_102 = vector.shape_cast %get3A_101 : vector<1x16xf32> to vector<16xf32>
        %add3A_103 = arith.addf %get3A_94, %get3A_102 : vector<16xf32>
        %mul3A_104 = arith.constant 3 : i32
        %mul3A_105 = arith.muli %mul3A_104, %scan3A_31 : i32
        %add3A_106 = arith.constant 2 : i32
        %add3A_107 = arith.addi %mul3A_105, %add3A_106 : i32
        %get3A_108 = arith.index_cast %add3A_107 : i32 to index
        %get3A_109 = arith.constant 32 : index
        %get3A_110 = tpu.vector_load %arg6[%get3A_108, %get3A_109] {strides = array<i32>} : memref<96x512xf32, #tpu.memory_space<vmem>>, vector<1x16xf32>,
        %get3A_111 = vector.shape_cast %get3A_110 : vector<1x16xf32> to vector<16xf32>
        %add3A_112 = arith.addf %add3A_103, %get3A_111 : vector<16xf32>
        %swap3A_113 = arith.index_cast %scan3A_31 : i32 to index
        %swap3A_114 = arith.constant 32 : index
        %swap3A_115 = tpu.vector_load %arg7[%swap3A_113, %swap3A_114] {strides = array<i32>} : memref<32x512xf32, #tpu.memory_space<vmem>>, vector<1x16xf32>,
        %swap3A_116 = vector.shape_cast %swap3A_115 : vector<1x16xf32> to vector<16xf32>
        %swap3A_117 = vector.shape_cast %add3A_112 : vector<16xf32> to vector<1x16xf32>
        tpu.vector_store %arg7[%swap3A_113, %swap3A_114], %swap3A_117 {strides = array<i32>} : memref<32x512xf32, #tpu.memory_space<vmem>>, vector<1x16xf32>,
        %mul3A_118 = arith.constant 3 : i32
        %mul3A_119 = arith.muli %mul3A_118, %scan3A_31 : i32
        %get3A_120 = arith.index_cast %mul3A_119 : i32 to index
        %get3A_121 = arith.constant 48 : index
        %get3A_122 = tpu.vector_load %arg6[%get3A_120, %get3A_121] {strides = array<i32>} : memref<96x512xf32, #tpu.memory_space<vmem>>, vector<1x16xf32>,
        %get3A_123 = vector.shape_cast %get3A_122 : vector<1x16xf32> to vector<16xf32>
        %mul3A_124 = arith.constant 3 : i32
        %mul3A_125 = arith.muli %mul3A_124, %scan3A_31 : i32
        %add3A_126 = arith.constant 1 : i32
        %add3A_127 = arith.addi %mul3A_125, %add3A_126 : i32
        %get3A_128 = arith.index_cast %add3A_127 : i32 to index
        %get3A_129 = arith.constant 48 : index
        %get3A_130 = tpu.vector_load %arg6[%get3A_128, %get3A_129] {strides = array<i32>} : memref<96x512xf32, #tpu.memory_space<vmem>>, vector<1x16xf32>,
        %get3A_131 = vector.shape_cast %get3A_130 : vector<1x16xf32> to vector<16xf32>
        %add3A_132 = arith.addf %get3A_123, %get3A_131 : vector<16xf32>
        %mul3A_133 = arith.constant 3 : i32
        %mul3A_134 = arith.muli %mul3A_133, %scan3A_31 : i32
        %add3A_135 = arith.constant 2 : i32
        %add3A_136 = arith.addi %mul3A_134, %add3A_135 : i32
        %get3A_137 = arith.index_cast %add3A_136 : i32 to index
        %get3A_138 = arith.constant 48 : index
        %get3A_139 = tpu.vector_load %arg6[%get3A_137, %get3A_138] {strides = array<i32>} : memref<96x512xf32, #tpu.memory_space<vmem>>, vector<1x16xf32>,
        %get3A_140 = vector.shape_cast %get3A_139 : vector<1x16xf32> to vector<16xf32>
        %add3A_141 = arith.addf %add3A_132, %get3A_140 : vector<16xf32>
        %swap3A_142 = arith.index_cast %scan3A_31 : i32 to index
        %swap3A_143 = arith.constant 48 : index
        %swap3A_144 = tpu.vector_load %arg7[%swap3A_142, %swap3A_143] {strides = array<i32>} : memref<32x512xf32, #tpu.memory_space<vmem>>, vector<1x16xf32>,
        %swap3A_145 = vector.shape_cast %swap3A_144 : vector<1x16xf32> to vector<16xf32>
        %swap3A_146 = vector.shape_cast %add3A_141 : vector<16xf32> to vector<1x16xf32>
        tpu.vector_store %arg7[%swap3A_142, %swap3A_143], %swap3A_146 {strides = array<i32>} : memref<32x512xf32, #tpu.memory_space<vmem>>, vector<1x16xf32>,
        %mul3A_147 = arith.constant 3 : i32
        %mul3A_148 = arith.muli %mul3A_147, %scan3A_31 : i32
        %get3A_149 = arith.index_cast %mul3A_148 : i32 to index
        %get3A_150 = arith.constant 64 : index
        %get3A_151 = tpu.vector_load %arg6[%get3A_149, %get3A_150] {strides = array<i32>} : memref<96x512xf32, #tpu.memory_space<vmem>>, vector<1x16xf32>,
        %get3A_152 = vector.shape_cast %get3A_151 : vector<1x16xf32> to vector<16xf32>
        %mul3A_153 = arith.constant 3 : i32
        %mul3A_154 = arith.muli %mul3A_153, %scan3A_31 : i32
        %add3A_155 = arith.constant 1 : i32
        %add3A_156 = arith.addi %mul3A_154, %add3A_155 : i32
        %get3A_157 = arith.index_cast %add3A_156 : i32 to index
        %get3A_158 = arith.constant 64 : index
        %get3A_159 = tpu.vector_load %arg6[%get3A_157, %get3A_158] {strides = array<i32>} : memref<96x512xf32, #tpu.memory_space<vmem>>, vector<1x16xf32>,
        %get3A_160 = vector.shape_cast %get3A_159 : vector<1x16xf32> to vector<16xf32>
        %add3A_161 = arith.addf %get3A_152, %get3A_160 : vector<16xf32>
        %mul3A_162 = arith.constant 3 : i32
        %mul3A_163 = arith.muli %mul3A_162, %scan3A_31 : i32
        %add3A_164 = arith.constant 2 : i32
        %add3A_165 = arith.addi %mul3A_163, %add3A_164 : i32
        %get3A_166 = arith.index_cast %add3A_165 : i32 to index
        %get3A_167 = arith.constant 64 : index
        %get3A_168 = tpu.vector_load %arg6[%get3A_166, %get3A_167] {strides = array<i32>} : memref<96x512xf32, #tpu.memory_space<vmem>>, vector<1x16xf32>,
        %get3A_169 = vector.shape_cast %get3A_168 : vector<1x16xf32> to vector<16xf32>
        %add3A_170 = arith.addf %add3A_161, %get3A_169 : vector<16xf32>
        %swap3A_171 = arith.index_cast %scan3A_31 : i32 to index
        %swap3A_172 = arith.constant 64 : index
        %swap3A_173 = tpu.vector_load %arg7[%swap3A_171, %swap3A_172] {strides = array<i32>} : memref<32x512xf32, #tpu.memory_space<vmem>>, vector<1x16xf32>,
        %swap3A_174 = vector.shape_cast %swap3A_173 : vector<1x16xf32> to vector<16xf32>
        %swap3A_175 = vector.shape_cast %add3A_170 : vector<16xf32> to vector<1x16xf32>
        tpu.vector_store %arg7[%swap3A_171, %swap3A_172], %swap3A_175 {strides = array<i32>} : memref<32x512xf32, #tpu.memory_space<vmem>>, vector<1x16xf32>,
        %mul3A_176 = arith.constant 3 : i32
        %mul3A_177 = arith.muli %mul3A_176, %scan3A_31 : i32
        %get3A_178 = arith.index_cast %mul3A_177 : i32 to index
        %get3A_179 = arith.constant 80 : index
        %get3A_180 = tpu.vector_load %arg6[%get3A_178, %get3A_179] {strides = array<i32>} : memref<96x512xf32, #tpu.memory_space<vmem>>, vector<1x16xf32>,
        %get3A_181 = vector.shape_cast %get3A_180 : vector<1x16xf32> to vector<16xf32>
        %mul3A_182 = arith.constant 3 : i32
        %mul3A_183 = arith.muli %mul3A_182, %scan3A_31 : i32
        %add3A_184 = arith.constant 1 : i32
        %add3A_185 = arith.addi %mul3A_183, %add3A_184 : i32
        %get3A_186 = arith.index_cast %add3A_185 : i32 to index
        %get3A_187 = arith.constant 80 : index
        %get3A_188 = tpu.vector_load %arg6[%get3A_186, %get3A_187] {strides = array<i32>} : memref<96x512xf32, #tpu.memory_space<vmem>>, vector<1x16xf32>,
        %get3A_189 = vector.shape_cast %get3A_188 : vector<1x16xf32> to vector<16xf32>
        %add3A_190 = arith.addf %get3A_181, %get3A_189 : vector<16xf32>
        %mul3A_191 = arith.constant 3 : i32
        %mul3A_192 = arith.muli %mul3A_191, %scan3A_31 : i32
        %add3A_193 = arith.constant 2 : i32
        %add3A_194 = arith.addi %mul3A_192, %add3A_193 : i32
        %get3A_195 = arith.index_cast %add3A_194 : i32 to index
        %get3A_196 = arith.constant 80 : index
        %get3A_197 = tpu.vector_load %arg6[%get3A_195, %get3A_196] {strides = array<i32>} : memref<96x512xf32, #tpu.memory_space<vmem>>, vector<1x16xf32>,
        %get3A_198 = vector.shape_cast %get3A_197 : vector<1x16xf32> to vector<16xf32>
        %add3A_199 = arith.addf %add3A_190, %get3A_198 : vector<16xf32>
        %swap3A_200 = arith.index_cast %scan3A_31 : i32 to index
        %swap3A_201 = arith.constant 80 : index
        %swap3A_202 = tpu.vector_load %arg7[%swap3A_200, %swap3A_201] {strides = array<i32>} : memref<32x512xf32, #tpu.memory_space<vmem>>, vector<1x16xf32>,
        %swap3A_203 = vector.shape_cast %swap3A_202 : vector<1x16xf32> to vector<16xf32>
        %swap3A_204 = vector.shape_cast %add3A_199 : vector<16xf32> to vector<1x16xf32>
        tpu.vector_store %arg7[%swap3A_200, %swap3A_201], %swap3A_204 {strides = array<i32>} : memref<32x512xf32, #tpu.memory_space<vmem>>, vector<1x16xf32>,
        %mul3A_205 = arith.constant 3 : i32
        %mul3A_206 = arith.muli %mul3A_205, %scan3A_31 : i32
        %get3A_207 = arith.index_cast %mul3A_206 : i32 to index
        %get3A_208 = arith.constant 96 : index
        %get3A_209 = tpu.vector_load %arg6[%get3A_207, %get3A_208] {strides = array<i32>} : memref<96x512xf32, #tpu.memory_space<vmem>>, vector<1x16xf32>,
        %get3A_210 = vector.shape_cast %get3A_209 : vector<1x16xf32> to vector<16xf32>
        %mul3A_211 = arith.constant 3 : i32
        %mul3A_212 = arith.muli %mul3A_211, %scan3A_31 : i32
        %add3A_213 = arith.constant 1 : i32
        %add3A_214 = arith.addi %mul3A_212, %add3A_213 : i32
        %get3A_215 = arith.index_cast %add3A_214 : i32 to index
        %get3A_216 = arith.constant 96 : index
        %get3A_217 = tpu.vector_load %arg6[%get3A_215, %get3A_216] {strides = array<i32>} : memref<96x512xf32, #tpu.memory_space<vmem>>, vector<1x16xf32>,
        %get3A_218 = vector.shape_cast %get3A_217 : vector<1x16xf32> to vector<16xf32>
        %add3A_219 = arith.addf %get3A_210, %get3A_218 : vector<16xf32>
        %mul3A_220 = arith.constant 3 : i32
        %mul3A_221 = arith.muli %mul3A_220, %scan3A_31 : i32
        %add3A_222 = arith.constant 2 : i32
        %add3A_223 = arith.addi %mul3A_221, %add3A_222 : i32
        %get3A_224 = arith.index_cast %add3A_223 : i32 to index
        %get3A_225 = arith.constant 96 : index
        %get3A_226 = tpu.vector_load %arg6[%get3A_224, %get3A_225] {strides = array<i32>} : memref<96x512xf32, #tpu.memory_space<vmem>>, vector<1x16xf32>,
        %get3A_227 = vector.shape_cast %get3A_226 : vector<1x16xf32> to vector<16xf32>
        %add3A_228 = arith.addf %add3A_219, %get3A_227 : vector<16xf32>
        %swap3A_229 = arith.index_cast %scan3A_31 : i32 to index
        %swap3A_230 = arith.constant 96 : index
        %swap3A_231 = tpu.vector_load %arg7[%swap3A_229, %swap3A_230] {strides = array<i32>} : memref<32x512xf32, #tpu.memory_space<vmem>>, vector<1x16xf32>,
        %swap3A_232 = vector.shape_cast %swap3A_231 : vector<1x16xf32> to vector<16xf32>
        %swap3A_233 = vector.shape_cast %add3A_228 : vector<16xf32> to vector<1x16xf32>
        tpu.vector_store %arg7[%swap3A_229, %swap3A_230], %swap3A_233 {strides = array<i32>} : memref<32x512xf32, #tpu.memory_space<vmem>>, vector<1x16xf32>,
        %mul3A_234 = arith.constant 3 : i32
        %mul3A_235 = arith.muli %mul3A_234, %scan3A_31 : i32
        %get3A_236 = arith.index_cast %mul3A_235 : i32 to index
        %get3A_237 = arith.constant 112 : index
        %get3A_238 = tpu.vector_load %arg6[%get3A_236, %get3A_237] {strides = array<i32>} : memref<96x512xf32, #tpu.memory_space<vmem>>, vector<1x16xf32>,
        %get3A_239 = vector.shape_cast %get3A_238 : vector<1x16xf32> to vector<16xf32>
        %mul3A_240 = arith.constant 3 : i32
        %mul3A_241 = arith.muli %mul3A_240, %scan3A_31 : i32
        %add3A_242 = arith.constant 1 : i32
        %add3A_243 = arith.addi %mul3A_241, %add3A_242 : i32
        %get3A_244 = arith.index_cast %add3A_243 : i32 to index
        %get3A_245 = arith.constant 112 : index
        %get3A_246 = tpu.vector_load %arg6[%get3A_244, %get3A_245] {strides = array<i32>} : memref<96x512xf32, #tpu.memory_space<vmem>>, vector<1x16xf32>,
        %get3A_247 = vector.shape_cast %get3A_246 : vector<1x16xf32> to vector<16xf32>
        %add3A_248 = arith.addf %get3A_239, %get3A_247 : vector<16xf32>
        %mul3A_249 = arith.constant 3 : i32
        %mul3A_250 = arith.muli %mul3A_249, %scan3A_31 : i32
        %add3A_251 = arith.constant 2 : i32
        %add3A_252 = arith.addi %mul3A_250, %add3A_251 : i32
        %get3A_253 = arith.index_cast %add3A_252 : i32 to index
        %get3A_254 = arith.constant 112 : index
        %get3A_255 = tpu.vector_load %arg6[%get3A_253, %get3A_254] {strides = array<i32>} : memref<96x512xf32, #tpu.memory_space<vmem>>, vector<1x16xf32>,
        %get3A_256 = vector.shape_cast %get3A_255 : vector<1x16xf32> to vector<16xf32>
        %add3A_257 = arith.addf %add3A_248, %get3A_256 : vector<16xf32>
        %swap3A_258 = arith.index_cast %scan3A_31 : i32 to index
        %swap3A_259 = arith.constant 112 : index
        %swap3A_260 = tpu.vector_load %arg7[%swap3A_258, %swap3A_259] {strides = array<i32>} : memref<32x512xf32, #tpu.memory_space<vmem>>, vector<1x16xf32>,
        %swap3A_261 = vector.shape_cast %swap3A_260 : vector<1x16xf32> to vector<16xf32>
        %swap3A_262 = vector.shape_cast %add3A_257 : vector<16xf32> to vector<1x16xf32>
        tpu.vector_store %arg7[%swap3A_258, %swap3A_259], %swap3A_262 {strides = array<i32>} : memref<32x512xf32, #tpu.memory_space<vmem>>, vector<1x16xf32>,
        %mul3A_263 = arith.constant 3 : i32
        %mul3A_264 = arith.muli %mul3A_263, %scan3A_31 : i32
        %get3A_265 = arith.index_cast %mul3A_264 : i32 to index
        %get3A_266 = arith.constant 128 : index
        %get3A_267 = tpu.vector_load %arg6[%get3A_265, %get3A_266] {strides = array<i32>} : memref<96x512xf32, #tpu.memory_space<vmem>>, vector<1x16xf32>,
        %get3A_268 = vector.shape_cast %get3A_267 : vector<1x16xf32> to vector<16xf32>
        %mul3A_269 = arith.constant 3 : i32
        %mul3A_270 = arith.muli %mul3A_269, %scan3A_31 : i32
        %add3A_271 = arith.constant 1 : i32
        %add3A_272 = arith.addi %mul3A_270, %add3A_271 : i32
        %get3A_273 = arith.index_cast %add3A_272 : i32 to index
        %get3A_274 = arith.constant 128 : index
        %get3A_275 = tpu.vector_load %arg6[%get3A_273, %get3A_274] {strides = array<i32>} : memref<96x512xf32, #tpu.memory_space<vmem>>, vector<1x16xf32>,
        %get3A_276 = vector.shape_cast %get3A_275 : vector<1x16xf32> to vector<16xf32>
        %add3A_277 = arith.addf %get3A_268, %get3A_276 : vector<16xf32>
        %mul3A_278 = arith.constant 3 : i32
        %mul3A_279 = arith.muli %mul3A_278, %scan3A_31 : i32
        %add3A_280 = arith.constant 2 : i32
        %add3A_281 = arith.addi %mul3A_279, %add3A_280 : i32
        %get3A_282 = arith.index_cast %add3A_281 : i32 to index
        %get3A_283 = arith.constant 128 : index
        %get3A_284 = tpu.vector_load %arg6[%get3A_282, %get3A_283] {strides = array<i32>} : memref<96x512xf32, #tpu.memory_space<vmem>>, vector<1x16xf32>,
        %get3A_285 = vector.shape_cast %get3A_284 : vector<1x16xf32> to vector<16xf32>
        %add3A_286 = arith.addf %add3A_277, %get3A_285 : vector<16xf32>
        %swap3A_287 = arith.index_cast %scan3A_31 : i32 to index
        %swap3A_288 = arith.constant 128 : index
        %swap3A_289 = tpu.vector_load %arg7[%swap3A_287, %swap3A_288] {strides = array<i32>} : memref<32x512xf32, #tpu.memory_space<vmem>>, vector<1x16xf32>,
        %swap3A_290 = vector.shape_cast %swap3A_289 : vector<1x16xf32> to vector<16xf32>
        %swap3A_291 = vector.shape_cast %add3A_286 : vector<16xf32> to vector<1x16xf32>
        tpu.vector_store %arg7[%swap3A_287, %swap3A_288], %swap3A_291 {strides = array<i32>} : memref<32x512xf32, #tpu.memory_space<vmem>>, vector<1x16xf32>,
        %mul3A_292 = arith.constant 3 : i32
        %mul3A_293 = arith.muli %mul3A_292, %scan3A_31 : i32
        %get3A_294 = arith.index_cast %mul3A_293 : i32 to index
        %get3A_295 = arith.constant 144 : index
        %get3A_296 = tpu.vector_load %arg6[%get3A_294, %get3A_295] {strides = array<i32>} : memref<96x512xf32, #tpu.memory_space<vmem>>, vector<1x16xf32>,
        %get3A_297 = vector.shape_cast %get3A_296 : vector<1x16xf32> to vector<16xf32>
        %mul3A_298 = arith.constant 3 : i32
        %mul3A_299 = arith.muli %mul3A_298, %scan3A_31 : i32
        %add3A_300 = arith.constant 1 : i32
        %add3A_301 = arith.addi %mul3A_299, %add3A_300 : i32
        %get3A_302 = arith.index_cast %add3A_301 : i32 to index
        %get3A_303 = arith.constant 144 : index
        %get3A_304 = tpu.vector_load %arg6[%get3A_302, %get3A_303] {strides = array<i32>} : memref<96x512xf32, #tpu.memory_space<vmem>>, vector<1x16xf32>,
        %get3A_305 = vector.shape_cast %get3A_304 : vector<1x16xf32> to vector<16xf32>
        %add3A_306 = arith.addf %get3A_297, %get3A_305 : vector<16xf32>
        %mul3A_307 = arith.constant 3 : i32
        %mul3A_308 = arith.muli %mul3A_307, %scan3A_31 : i32
        %add3A_309 = arith.constant 2 : i32
        %add3A_310 = arith.addi %mul3A_308, %add3A_309 : i32
        %get3A_311 = arith.index_cast %add3A_310 : i32 to index
        %get3A_312 = arith.constant 144 : index
        %get3A_313 = tpu.vector_load %arg6[%get3A_311, %get3A_312] {strides = array<i32>} : memref<96x512xf32, #tpu.memory_space<vmem>>, vector<1x16xf32>,
        %get3A_314 = vector.shape_cast %get3A_313 : vector<1x16xf32> to vector<16xf32>
        %add3A_315 = arith.addf %add3A_306, %get3A_314 : vector<16xf32>
        %swap3A_316 = arith.index_cast %scan3A_31 : i32 to index
        %swap3A_317 = arith.constant 144 : index
        %swap3A_318 = tpu.vector_load %arg7[%swap3A_316, %swap3A_317] {strides = array<i32>} : memref<32x512xf32, #tpu.memory_space<vmem>>, vector<1x16xf32>,
        %swap3A_319 = vector.shape_cast %swap3A_318 : vector<1x16xf32> to vector<16xf32>
        %swap3A_320 = vector.shape_cast %add3A_315 : vector<16xf32> to vector<1x16xf32>
        tpu.vector_store %arg7[%swap3A_316, %swap3A_317], %swap3A_320 {strides = array<i32>} : memref<32x512xf32, #tpu.memory_space<vmem>>, vector<1x16xf32>,
        %mul3A_321 = arith.constant 3 : i32
        %mul3A_322 = arith.muli %mul3A_321, %scan3A_31 : i32
        %get3A_323 = arith.index_cast %mul3A_322 : i32 to index
        %get3A_324 = arith.constant 160 : index
        %get3A_325 = tpu.vector_load %arg6[%get3A_323, %get3A_324] {strides = array<i32>} : memref<96x512xf32, #tpu.memory_space<vmem>>, vector<1x16xf32>,
        %get3A_326 = vector.shape_cast %get3A_325 : vector<1x16xf32> to vector<16xf32>
        %mul3A_327 = arith.constant 3 : i32
        %mul3A_328 = arith.muli %mul3A_327, %scan3A_31 : i32
        %add3A_329 = arith.constant 1 : i32
        %add3A_330 = arith.addi %mul3A_328, %add3A_329 : i32
        %get3A_331 = arith.index_cast %add3A_330 : i32 to index
        %get3A_332 = arith.constant 160 : index
        %get3A_333 = tpu.vector_load %arg6[%get3A_331, %get3A_332] {strides = array<i32>} : memref<96x512xf32, #tpu.memory_space<vmem>>, vector<1x16xf32>,
        %get3A_334 = vector.shape_cast %get3A_333 : vector<1x16xf32> to vector<16xf32>
        %add3A_335 = arith.addf %get3A_326, %get3A_334 : vector<16xf32>
        %mul3A_336 = arith.constant 3 : i32
        %mul3A_337 = arith.muli %mul3A_336, %scan3A_31 : i32
        %add3A_338 = arith.constant 2 : i32
        %add3A_339 = arith.addi %mul3A_337, %add3A_338 : i32
        %get3A_340 = arith.index_cast %add3A_339 : i32 to index
        %get3A_341 = arith.constant 160 : index
        %get3A_342 = tpu.vector_load %arg6[%get3A_340, %get3A_341] {strides = array<i32>} : memref<96x512xf32, #tpu.memory_space<vmem>>, vector<1x16xf32>,
        %get3A_343 = vector.shape_cast %get3A_342 : vector<1x16xf32> to vector<16xf32>
        %add3A_344 = arith.addf %add3A_335, %get3A_343 : vector<16xf32>
        %swap3A_345 = arith.index_cast %scan3A_31 : i32 to index
        %swap3A_346 = arith.constant 160 : index
        %swap3A_347 = tpu.vector_load %arg7[%swap3A_345, %swap3A_346] {strides = array<i32>} : memref<32x512xf32, #tpu.memory_space<vmem>>, vector<1x16xf32>,
        %swap3A_348 = vector.shape_cast %swap3A_347 : vector<1x16xf32> to vector<16xf32>
        %swap3A_349 = vector.shape_cast %add3A_344 : vector<16xf32> to vector<1x16xf32>
        tpu.vector_store %arg7[%swap3A_345, %swap3A_346], %swap3A_349 {strides = array<i32>} : memref<32x512xf32, #tpu.memory_space<vmem>>, vector<1x16xf32>,
        %mul3A_350 = arith.constant 3 : i32
        %mul3A_351 = arith.muli %mul3A_350, %scan3A_31 : i32
        %get3A_352 = arith.index_cast %mul3A_351 : i32 to index
        %get3A_353 = arith.constant 176 : index
        %get3A_354 = tpu.vector_load %arg6[%get3A_352, %get3A_353] {strides = array<i32>} : memref<96x512xf32, #tpu.memory_space<vmem>>, vector<1x16xf32>,
        %get3A_355 = vector.shape_cast %get3A_354 : vector<1x16xf32> to vector<16xf32>
        %mul3A_356 = arith.constant 3 : i32
        %mul3A_357 = arith.muli %mul3A_356, %scan3A_31 : i32
        %add3A_358 = arith.constant 1 : i32
        %add3A_359 = arith.addi %mul3A_357, %add3A_358 : i32
        %get3A_360 = arith.index_cast %add3A_359 : i32 to index
        %get3A_361 = arith.constant 176 : index
        %get3A_362 = tpu.vector_load %arg6[%get3A_360, %get3A_361] {strides = array<i32>} : memref<96x512xf32, #tpu.memory_space<vmem>>, vector<1x16xf32>,
        %get3A_363 = vector.shape_cast %get3A_362 : vector<1x16xf32> to vector<16xf32>
        %add3A_364 = arith.addf %get3A_355, %get3A_363 : vector<16xf32>
        %mul3A_365 = arith.constant 3 : i32
        %mul3A_366 = arith.muli %mul3A_365, %scan3A_31 : i32
        %add3A_367 = arith.constant 2 : i32
        %add3A_368 = arith.addi %mul3A_366, %add3A_367 : i32
        %get3A_369 = arith.index_cast %add3A_368 : i32 to index
        %get3A_370 = arith.constant 176 : index
        %get3A_371 = tpu.vector_load %arg6[%get3A_369, %get3A_370] {strides = array<i32>} : memref<96x512xf32, #tpu.memory_space<vmem>>, vector<1x16xf32>,
        %get3A_372 = vector.shape_cast %get3A_371 : vector<1x16xf32> to vector<16xf32>
        %add3A_373 = arith.addf %add3A_364, %get3A_372 : vector<16xf32>
        %swap3A_374 = arith.index_cast %scan3A_31 : i32 to index
        %swap3A_375 = arith.constant 176 : index
        %swap3A_376 = tpu.vector_load %arg7[%swap3A_374, %swap3A_375] {strides = array<i32>} : memref<32x512xf32, #tpu.memory_space<vmem>>, vector<1x16xf32>,
        %swap3A_377 = vector.shape_cast %swap3A_376 : vector<1x16xf32> to vector<16xf32>
        %swap3A_378 = vector.shape_cast %add3A_373 : vector<16xf32> to vector<1x16xf32>
        tpu.vector_store %arg7[%swap3A_374, %swap3A_375], %swap3A_378 {strides = array<i32>} : memref<32x512xf32, #tpu.memory_space<vmem>>, vector<1x16xf32>,
        %mul3A_379 = arith.constant 3 : i32
        %mul3A_380 = arith.muli %mul3A_379, %scan3A_31 : i32
        %get3A_381 = arith.index_cast %mul3A_380 : i32 to index
        %get3A_382 = arith.constant 192 : index
        %get3A_383 = tpu.vector_load %arg6[%get3A_381, %get3A_382] {strides = array<i32>} : memref<96x512xf32, #tpu.memory_space<vmem>>, vector<1x16xf32>,
        %get3A_384 = vector.shape_cast %get3A_383 : vector<1x16xf32> to vector<16xf32>
        %mul3A_385 = arith.constant 3 : i32
        %mul3A_386 = arith.muli %mul3A_385, %scan3A_31 : i32
        %add3A_387 = arith.constant 1 : i32
        %add3A_388 = arith.addi %mul3A_386, %add3A_387 : i32
        %get3A_389 = arith.index_cast %add3A_388 : i32 to index
        %get3A_390 = arith.constant 192 : index
        %get3A_391 = tpu.vector_load %arg6[%get3A_389, %get3A_390] {strides = array<i32>} : memref<96x512xf32, #tpu.memory_space<vmem>>, vector<1x16xf32>,
        %get3A_392 = vector.shape_cast %get3A_391 : vector<1x16xf32> to vector<16xf32>
        %add3A_393 = arith.addf %get3A_384, %get3A_392 : vector<16xf32>
        %mul3A_394 = arith.constant 3 : i32
        %mul3A_395 = arith.muli %mul3A_394, %scan3A_31 : i32
        %add3A_396 = arith.constant 2 : i32
        %add3A_397 = arith.addi %mul3A_395, %add3A_396 : i32
        %get3A_398 = arith.index_cast %add3A_397 : i32 to index
        %get3A_399 = arith.constant 192 : index
        %get3A_400 = tpu.vector_load %arg6[%get3A_398, %get3A_399] {strides = array<i32>} : memref<96x512xf32, #tpu.memory_space<vmem>>, vector<1x16xf32>,
        %get3A_401 = vector.shape_cast %get3A_400 : vector<1x16xf32> to vector<16xf32>
        %add3A_402 = arith.addf %add3A_393, %get3A_401 : vector<16xf32>
        %swap3A_403 = arith.index_cast %scan3A_31 : i32 to index
        %swap3A_404 = arith.constant 192 : index
        %swap3A_405 = tpu.vector_load %arg7[%swap3A_403, %swap3A_404] {strides = array<i32>} : memref<32x512xf32, #tpu.memory_space<vmem>>, vector<1x16xf32>,
        %swap3A_406 = vector.shape_cast %swap3A_405 : vector<1x16xf32> to vector<16xf32>
        %swap3A_407 = vector.shape_cast %add3A_402 : vector<16xf32> to vector<1x16xf32>
        tpu.vector_store %arg7[%swap3A_403, %swap3A_404], %swap3A_407 {strides = array<i32>} : memref<32x512xf32, #tpu.memory_space<vmem>>, vector<1x16xf32>,
        %mul3A_408 = arith.constant 3 : i32
        %mul3A_409 = arith.muli %mul3A_408, %scan3A_31 : i32
        %get3A_410 = arith.index_cast %mul3A_409 : i32 to index
        %get3A_411 = arith.constant 208 : index
        %get3A_412 = tpu.vector_load %arg6[%get3A_410, %get3A_411] {strides = array<i32>} : memref<96x512xf32, #tpu.memory_space<vmem>>, vector<1x16xf32>,
        %get3A_413 = vector.shape_cast %get3A_412 : vector<1x16xf32> to vector<16xf32>
        %mul3A_414 = arith.constant 3 : i32
        %mul3A_415 = arith.muli %mul3A_414, %scan3A_31 : i32
        %add3A_416 = arith.constant 1 : i32
        %add3A_417 = arith.addi %mul3A_415, %add3A_416 : i32
        %get3A_418 = arith.index_cast %add3A_417 : i32 to index
        %get3A_419 = arith.constant 208 : index
        %get3A_420 = tpu.vector_load %arg6[%get3A_418, %get3A_419] {strides = array<i32>} : memref<96x512xf32, #tpu.memory_space<vmem>>, vector<1x16xf32>,
        %get3A_421 = vector.shape_cast %get3A_420 : vector<1x16xf32> to vector<16xf32>
        %add3A_422 = arith.addf %get3A_413, %get3A_421 : vector<16xf32>
        %mul3A_423 = arith.constant 3 : i32
        %mul3A_424 = arith.muli %mul3A_423, %scan3A_31 : i32
        %add3A_425 = arith.constant 2 : i32
        %add3A_426 = arith.addi %mul3A_424, %add3A_425 : i32
        %get3A_427 = arith.index_cast %add3A_426 : i32 to index
        %get3A_428 = arith.constant 208 : index
        %get3A_429 = tpu.vector_load %arg6[%get3A_427, %get3A_428] {strides = array<i32>} : memref<96x512xf32, #tpu.memory_space<vmem>>, vector<1x16xf32>,
        %get3A_430 = vector.shape_cast %get3A_429 : vector<1x16xf32> to vector<16xf32>
        %add3A_431 = arith.addf %add3A_422, %get3A_430 : vector<16xf32>
        %swap3A_432 = arith.index_cast %scan3A_31 : i32 to index
        %swap3A_433 = arith.constant 208 : index
        %swap3A_434 = tpu.vector_load %arg7[%swap3A_432, %swap3A_433] {strides = array<i32>} : memref<32x512xf32, #tpu.memory_space<vmem>>, vector<1x16xf32>,
        %swap3A_435 = vector.shape_cast %swap3A_434 : vector<1x16xf32> to vector<16xf32>
        %swap3A_436 = vector.shape_cast %add3A_431 : vector<16xf32> to vector<1x16xf32>
        tpu.vector_store %arg7[%swap3A_432, %swap3A_433], %swap3A_436 {strides = array<i32>} : memref<32x512xf32, #tpu.memory_space<vmem>>, vector<1x16xf32>,
        %mul3A_437 = arith.constant 3 : i32
        %mul3A_438 = arith.muli %mul3A_437, %scan3A_31 : i32
        %get3A_439 = arith.index_cast %mul3A_438 : i32 to index
        %get3A_440 = arith.constant 224 : index
        %get3A_441 = tpu.vector_load %arg6[%get3A_439, %get3A_440] {strides = array<i32>} : memref<96x512xf32, #tpu.memory_space<vmem>>, vector<1x16xf32>,
        %get3A_442 = vector.shape_cast %get3A_441 : vector<1x16xf32> to vector<16xf32>
        %mul3A_443 = arith.constant 3 : i32
        %mul3A_444 = arith.muli %mul3A_443, %scan3A_31 : i32
        %add3A_445 = arith.constant 1 : i32
        %add3A_446 = arith.addi %mul3A_444, %add3A_445 : i32
        %get3A_447 = arith.index_cast %add3A_446 : i32 to index
        %get3A_448 = arith.constant 224 : index
        %get3A_449 = tpu.vector_load %arg6[%get3A_447, %get3A_448] {strides = array<i32>} : memref<96x512xf32, #tpu.memory_space<vmem>>, vector<1x16xf32>,
        %get3A_450 = vector.shape_cast %get3A_449 : vector<1x16xf32> to vector<16xf32>
        %add3A_451 = arith.addf %get3A_442, %get3A_450 : vector<16xf32>
        %mul3A_452 = arith.constant 3 : i32
        %mul3A_453 = arith.muli %mul3A_452, %scan3A_31 : i32
        %add3A_454 = arith.constant 2 : i32
        %add3A_455 = arith.addi %mul3A_453, %add3A_454 : i32
        %get3A_456 = arith.index_cast %add3A_455 : i32 to index
        %get3A_457 = arith.constant 224 : index
        %get3A_458 = tpu.vector_load %arg6[%get3A_456, %get3A_457] {strides = array<i32>} : memref<96x512xf32, #tpu.memory_space<vmem>>, vector<1x16xf32>,
        %get3A_459 = vector.shape_cast %get3A_458 : vector<1x16xf32> to vector<16xf32>
        %add3A_460 = arith.addf %add3A_451, %get3A_459 : vector<16xf32>
        %swap3A_461 = arith.index_cast %scan3A_31 : i32 to index
        %swap3A_462 = arith.constant 224 : index
        %swap3A_463 = tpu.vector_load %arg7[%swap3A_461, %swap3A_462] {strides = array<i32>} : memref<32x512xf32, #tpu.memory_space<vmem>>, vector<1x16xf32>,
        %swap3A_464 = vector.shape_cast %swap3A_463 : vector<1x16xf32> to vector<16xf32>
        %swap3A_465 = vector.shape_cast %add3A_460 : vector<16xf32> to vector<1x16xf32>
        tpu.vector_store %arg7[%swap3A_461, %swap3A_462], %swap3A_465 {strides = array<i32>} : memref<32x512xf32, #tpu.memory_space<vmem>>, vector<1x16xf32>,
        %mul3A_466 = arith.constant 3 : i32
        %mul3A_467 = arith.muli %mul3A_466, %scan3A_31 : i32
        %get3A_468 = arith.index_cast %mul3A_467 : i32 to index
        %get3A_469 = arith.constant 240 : index
        %get3A_470 = tpu.vector_load %arg6[%get3A_468, %get3A_469] {strides = array<i32>} : memref<96x512xf32, #tpu.memory_space<vmem>>, vector<1x16xf32>,
        %get3A_471 = vector.shape_cast %get3A_470 : vector<1x16xf32> to vector<16xf32>
        %mul3A_472 = arith.constant 3 : i32
        %mul3A_473 = arith.muli %mul3A_472, %scan3A_31 : i32
        %add3A_474 = arith.constant 1 : i32
        %add3A_475 = arith.addi %mul3A_473, %add3A_474 : i32
        %get3A_476 = arith.index_cast %add3A_475 : i32 to index
        %get3A_477 = arith.constant 240 : index
        %get3A_478 = tpu.vector_load %arg6[%get3A_476, %get3A_477] {strides = array<i32>} : memref<96x512xf32, #tpu.memory_space<vmem>>, vector<1x16xf32>,
        %get3A_479 = vector.shape_cast %get3A_478 : vector<1x16xf32> to vector<16xf32>
        %add3A_480 = arith.addf %get3A_471, %get3A_479 : vector<16xf32>
        %mul3A_481 = arith.constant 3 : i32
        %mul3A_482 = arith.muli %mul3A_481, %scan3A_31 : i32
        %add3A_483 = arith.constant 2 : i32
        %add3A_484 = arith.addi %mul3A_482, %add3A_483 : i32
        %get3A_485 = arith.index_cast %add3A_484 : i32 to index
        %get3A_486 = arith.constant 240 : index
        %get3A_487 = tpu.vector_load %arg6[%get3A_485, %get3A_486] {strides = array<i32>} : memref<96x512xf32, #tpu.memory_space<vmem>>, vector<1x16xf32>,
        %get3A_488 = vector.shape_cast %get3A_487 : vector<1x16xf32> to vector<16xf32>
        %add3A_489 = arith.addf %add3A_480, %get3A_488 : vector<16xf32>
        %swap3A_490 = arith.index_cast %scan3A_31 : i32 to index
        %swap3A_491 = arith.constant 240 : index
        %swap3A_492 = tpu.vector_load %arg7[%swap3A_490, %swap3A_491] {strides = array<i32>} : memref<32x512xf32, #tpu.memory_space<vmem>>, vector<1x16xf32>,
        %swap3A_493 = vector.shape_cast %swap3A_492 : vector<1x16xf32> to vector<16xf32>
        %swap3A_494 = vector.shape_cast %add3A_489 : vector<16xf32> to vector<1x16xf32>
        tpu.vector_store %arg7[%swap3A_490, %swap3A_491], %swap3A_494 {strides = array<i32>} : memref<32x512xf32, #tpu.memory_space<vmem>>, vector<1x16xf32>,
        %mul3A_495 = arith.constant 3 : i32
        %mul3A_496 = arith.muli %mul3A_495, %scan3A_31 : i32
        %get3A_497 = arith.index_cast %mul3A_496 : i32 to index
        %get3A_498 = arith.constant 256 : index
        %get3A_499 = tpu.vector_load %arg6[%get3A_497, %get3A_498] {strides = array<i32>} : memref<96x512xf32, #tpu.memory_space<vmem>>, vector<1x16xf32>,
        %get3A_500 = vector.shape_cast %get3A_499 : vector<1x16xf32> to vector<16xf32>
        %mul3A_501 = arith.constant 3 : i32
        %mul3A_502 = arith.muli %mul3A_501, %scan3A_31 : i32
        %add3A_503 = arith.constant 1 : i32
        %add3A_504 = arith.addi %mul3A_502, %add3A_503 : i32
        %get3A_505 = arith.index_cast %add3A_504 : i32 to index
        %get3A_506 = arith.constant 256 : index
        %get3A_507 = tpu.vector_load %arg6[%get3A_505, %get3A_506] {strides = array<i32>} : memref<96x512xf32, #tpu.memory_space<vmem>>, vector<1x16xf32>,
        %get3A_508 = vector.shape_cast %get3A_507 : vector<1x16xf32> to vector<16xf32>
        %add3A_509 = arith.addf %get3A_500, %get3A_508 : vector<16xf32>
        %mul3A_510 = arith.constant 3 : i32
        %mul3A_511 = arith.muli %mul3A_510, %scan3A_31 : i32
        %add3A_512 = arith.constant 2 : i32
        %add3A_513 = arith.addi %mul3A_511, %add3A_512 : i32
        %get3A_514 = arith.index_cast %add3A_513 : i32 to index
        %get3A_515 = arith.constant 256 : index
        %get3A_516 = tpu.vector_load %arg6[%get3A_514, %get3A_515] {strides = array<i32>} : memref<96x512xf32, #tpu.memory_space<vmem>>, vector<1x16xf32>,
        %get3A_517 = vector.shape_cast %get3A_516 : vector<1x16xf32> to vector<16xf32>
        %add3A_518 = arith.addf %add3A_509, %get3A_517 : vector<16xf32>
        %swap3A_519 = arith.index_cast %scan3A_31 : i32 to index
        %swap3A_520 = arith.constant 256 : index
        %swap3A_521 = tpu.vector_load %arg7[%swap3A_519, %swap3A_520] {strides = array<i32>} : memref<32x512xf32, #tpu.memory_space<vmem>>, vector<1x16xf32>,
        %swap3A_522 = vector.shape_cast %swap3A_521 : vector<1x16xf32> to vector<16xf32>
        %swap3A_523 = vector.shape_cast %add3A_518 : vector<16xf32> to vector<1x16xf32>
        tpu.vector_store %arg7[%swap3A_519, %swap3A_520], %swap3A_523 {strides = array<i32>} : memref<32x512xf32, #tpu.memory_space<vmem>>, vector<1x16xf32>,
        %mul3A_524 = arith.constant 3 : i32
        %mul3A_525 = arith.muli %mul3A_524, %scan3A_31 : i32
        %get3A_526 = arith.index_cast %mul3A_525 : i32 to index
        %get3A_527 = arith.constant 272 : index
        %get3A_528 = tpu.vector_load %arg6[%get3A_526, %get3A_527] {strides = array<i32>} : memref<96x512xf32, #tpu.memory_space<vmem>>, vector<1x16xf32>,
        %get3A_529 = vector.shape_cast %get3A_528 : vector<1x16xf32> to vector<16xf32>
        %mul3A_530 = arith.constant 3 : i32
        %mul3A_531 = arith.muli %mul3A_530, %scan3A_31 : i32
        %add3A_532 = arith.constant 1 : i32
        %add3A_533 = arith.addi %mul3A_531, %add3A_532 : i32
        %get3A_534 = arith.index_cast %add3A_533 : i32 to index
        %get3A_535 = arith.constant 272 : index
        %get3A_536 = tpu.vector_load %arg6[%get3A_534, %get3A_535] {strides = array<i32>} : memref<96x512xf32, #tpu.memory_space<vmem>>, vector<1x16xf32>,
        %get3A_537 = vector.shape_cast %get3A_536 : vector<1x16xf32> to vector<16xf32>
        %add3A_538 = arith.addf %get3A_529, %get3A_537 : vector<16xf32>
        %mul3A_539 = arith.constant 3 : i32
        %mul3A_540 = arith.muli %mul3A_539, %scan3A_31 : i32
        %add3A_541 = arith.constant 2 : i32
        %add3A_542 = arith.addi %mul3A_540, %add3A_541 : i32
        %get3A_543 = arith.index_cast %add3A_542 : i32 to index
        %get3A_544 = arith.constant 272 : index
        %get3A_545 = tpu.vector_load %arg6[%get3A_543, %get3A_544] {strides = array<i32>} : memref<96x512xf32, #tpu.memory_space<vmem>>, vector<1x16xf32>,
        %get3A_546 = vector.shape_cast %get3A_545 : vector<1x16xf32> to vector<16xf32>
        %add3A_547 = arith.addf %add3A_538, %get3A_546 : vector<16xf32>
        %swap3A_548 = arith.index_cast %scan3A_31 : i32 to index
        %swap3A_549 = arith.constant 272 : index
        %swap3A_550 = tpu.vector_load %arg7[%swap3A_548, %swap3A_549] {strides = array<i32>} : memref<32x512xf32, #tpu.memory_space<vmem>>, vector<1x16xf32>,
        %swap3A_551 = vector.shape_cast %swap3A_550 : vector<1x16xf32> to vector<16xf32>
        %swap3A_552 = vector.shape_cast %add3A_547 : vector<16xf32> to vector<1x16xf32>
        tpu.vector_store %arg7[%swap3A_548, %swap3A_549], %swap3A_552 {strides = array<i32>} : memref<32x512xf32, #tpu.memory_space<vmem>>, vector<1x16xf32>,
        %mul3A_553 = arith.constant 3 : i32
        %mul3A_554 = arith.muli %mul3A_553, %scan3A_31 : i32
        %get3A_555 = arith.index_cast %mul3A_554 : i32 to index
        %get3A_556 = arith.constant 288 : index
        %get3A_557 = tpu.vector_load %arg6[%get3A_555, %get3A_556] {strides = array<i32>} : memref<96x512xf32, #tpu.memory_space<vmem>>, vector<1x16xf32>,
        %get3A_558 = vector.shape_cast %get3A_557 : vector<1x16xf32> to vector<16xf32>
        %mul3A_559 = arith.constant 3 : i32
        %mul3A_560 = arith.muli %mul3A_559, %scan3A_31 : i32
        %add3A_561 = arith.constant 1 : i32
        %add3A_562 = arith.addi %mul3A_560, %add3A_561 : i32
        %get3A_563 = arith.index_cast %add3A_562 : i32 to index
        %get3A_564 = arith.constant 288 : index
        %get3A_565 = tpu.vector_load %arg6[%get3A_563, %get3A_564] {strides = array<i32>} : memref<96x512xf32, #tpu.memory_space<vmem>>, vector<1x16xf32>,
        %get3A_566 = vector.shape_cast %get3A_565 : vector<1x16xf32> to vector<16xf32>
        %add3A_567 = arith.addf %get3A_558, %get3A_566 : vector<16xf32>
        %mul3A_568 = arith.constant 3 : i32
        %mul3A_569 = arith.muli %mul3A_568, %scan3A_31 : i32
        %add3A_570 = arith.constant 2 : i32
        %add3A_571 = arith.addi %mul3A_569, %add3A_570 : i32
        %get3A_572 = arith.index_cast %add3A_571 : i32 to index
        %get3A_573 = arith.constant 288 : index
        %get3A_574 = tpu.vector_load %arg6[%get3A_572, %get3A_573] {strides = array<i32>} : memref<96x512xf32, #tpu.memory_space<vmem>>, vector<1x16xf32>,
        %get3A_575 = vector.shape_cast %get3A_574 : vector<1x16xf32> to vector<16xf32>
        %add3A_576 = arith.addf %add3A_567, %get3A_575 : vector<16xf32>
        %swap3A_577 = arith.index_cast %scan3A_31 : i32 to index
        %swap3A_578 = arith.constant 288 : index
        %swap3A_579 = tpu.vector_load %arg7[%swap3A_577, %swap3A_578] {strides = array<i32>} : memref<32x512xf32, #tpu.memory_space<vmem>>, vector<1x16xf32>,
        %swap3A_580 = vector.shape_cast %swap3A_579 : vector<1x16xf32> to vector<16xf32>
        %swap3A_581 = vector.shape_cast %add3A_576 : vector<16xf32> to vector<1x16xf32>
        tpu.vector_store %arg7[%swap3A_577, %swap3A_578], %swap3A_581 {strides = array<i32>} : memref<32x512xf32, #tpu.memory_space<vmem>>, vector<1x16xf32>,
        %mul3A_582 = arith.constant 3 : i32
        %mul3A_583 = arith.muli %mul3A_582, %scan3A_31 : i32
        %get3A_584 = arith.index_cast %mul3A_583 : i32 to index
        %get3A_585 = arith.constant 304 : index
        %get3A_586 = tpu.vector_load %arg6[%get3A_584, %get3A_585] {strides = array<i32>} : memref<96x512xf32, #tpu.memory_space<vmem>>, vector<1x16xf32>,
        %get3A_587 = vector.shape_cast %get3A_586 : vector<1x16xf32> to vector<16xf32>
        %mul3A_588 = arith.constant 3 : i32
        %mul3A_589 = arith.muli %mul3A_588, %scan3A_31 : i32
        %add3A_590 = arith.constant 1 : i32
        %add3A_591 = arith.addi %mul3A_589, %add3A_590 : i32
        %get3A_592 = arith.index_cast %add3A_591 : i32 to index
        %get3A_593 = arith.constant 304 : index
        %get3A_594 = tpu.vector_load %arg6[%get3A_592, %get3A_593] {strides = array<i32>} : memref<96x512xf32, #tpu.memory_space<vmem>>, vector<1x16xf32>,
        %get3A_595 = vector.shape_cast %get3A_594 : vector<1x16xf32> to vector<16xf32>
        %add3A_596 = arith.addf %get3A_587, %get3A_595 : vector<16xf32>
        %mul3A_597 = arith.constant 3 : i32
        %mul3A_598 = arith.muli %mul3A_597, %scan3A_31 : i32
        %add3A_599 = arith.constant 2 : i32
        %add3A_600 = arith.addi %mul3A_598, %add3A_599 : i32
        %get3A_601 = arith.index_cast %add3A_600 : i32 to index
        %get3A_602 = arith.constant 304 : index
        %get3A_603 = tpu.vector_load %arg6[%get3A_601, %get3A_602] {strides = array<i32>} : memref<96x512xf32, #tpu.memory_space<vmem>>, vector<1x16xf32>,
        %get3A_604 = vector.shape_cast %get3A_603 : vector<1x16xf32> to vector<16xf32>
        %add3A_605 = arith.addf %add3A_596, %get3A_604 : vector<16xf32>
        %swap3A_606 = arith.index_cast %scan3A_31 : i32 to index
        %swap3A_607 = arith.constant 304 : index
        %swap3A_608 = tpu.vector_load %arg7[%swap3A_606, %swap3A_607] {strides = array<i32>} : memref<32x512xf32, #tpu.memory_space<vmem>>, vector<1x16xf32>,
        %swap3A_609 = vector.shape_cast %swap3A_608 : vector<1x16xf32> to vector<16xf32>
        %swap3A_610 = vector.shape_cast %add3A_605 : vector<16xf32> to vector<1x16xf32>
        tpu.vector_store %arg7[%swap3A_606, %swap3A_607], %swap3A_610 {strides = array<i32>} : memref<32x512xf32, #tpu.memory_space<vmem>>, vector<1x16xf32>,
        %mul3A_611 = arith.constant 3 : i32
        %mul3A_612 = arith.muli %mul3A_611, %scan3A_31 : i32
        %get3A_613 = arith.index_cast %mul3A_612 : i32 to index
        %get3A_614 = arith.constant 320 : index
        %get3A_615 = tpu.vector_load %arg6[%get3A_613, %get3A_614] {strides = array<i32>} : memref<96x512xf32, #tpu.memory_space<vmem>>, vector<1x16xf32>,
        %get3A_616 = vector.shape_cast %get3A_615 : vector<1x16xf32> to vector<16xf32>
        %mul3A_617 = arith.constant 3 : i32
        %mul3A_618 = arith.muli %mul3A_617, %scan3A_31 : i32
        %add3A_619 = arith.constant 1 : i32
        %add3A_620 = arith.addi %mul3A_618, %add3A_619 : i32
        %get3A_621 = arith.index_cast %add3A_620 : i32 to index
        %get3A_622 = arith.constant 320 : index
        %get3A_623 = tpu.vector_load %arg6[%get3A_621, %get3A_622] {strides = array<i32>} : memref<96x512xf32, #tpu.memory_space<vmem>>, vector<1x16xf32>,
        %get3A_624 = vector.shape_cast %get3A_623 : vector<1x16xf32> to vector<16xf32>
        %add3A_625 = arith.addf %get3A_616, %get3A_624 : vector<16xf32>
        %mul3A_626 = arith.constant 3 : i32
        %mul3A_627 = arith.muli %mul3A_626, %scan3A_31 : i32
        %add3A_628 = arith.constant 2 : i32
        %add3A_629 = arith.addi %mul3A_627, %add3A_628 : i32
        %get3A_630 = arith.index_cast %add3A_629 : i32 to index
        %get3A_631 = arith.constant 320 : index
        %get3A_632 = tpu.vector_load %arg6[%get3A_630, %get3A_631] {strides = array<i32>} : memref<96x512xf32, #tpu.memory_space<vmem>>, vector<1x16xf32>,
        %get3A_633 = vector.shape_cast %get3A_632 : vector<1x16xf32> to vector<16xf32>
        %add3A_634 = arith.addf %add3A_625, %get3A_633 : vector<16xf32>
        %swap3A_635 = arith.index_cast %scan3A_31 : i32 to index
        %swap3A_636 = arith.constant 320 : index
        %swap3A_637 = tpu.vector_load %arg7[%swap3A_635, %swap3A_636] {strides = array<i32>} : memref<32x512xf32, #tpu.memory_space<vmem>>, vector<1x16xf32>,
        %swap3A_638 = vector.shape_cast %swap3A_637 : vector<1x16xf32> to vector<16xf32>
        %swap3A_639 = vector.shape_cast %add3A_634 : vector<16xf32> to vector<1x16xf32>
        tpu.vector_store %arg7[%swap3A_635, %swap3A_636], %swap3A_639 {strides = array<i32>} : memref<32x512xf32, #tpu.memory_space<vmem>>, vector<1x16xf32>,
        %mul3A_640 = arith.constant 3 : i32
        %mul3A_641 = arith.muli %mul3A_640, %scan3A_31 : i32
        %get3A_642 = arith.index_cast %mul3A_641 : i32 to index
        %get3A_643 = arith.constant 336 : index
        %get3A_644 = tpu.vector_load %arg6[%get3A_642, %get3A_643] {strides = array<i32>} : memref<96x512xf32, #tpu.memory_space<vmem>>, vector<1x16xf32>,
        %get3A_645 = vector.shape_cast %get3A_644 : vector<1x16xf32> to vector<16xf32>
        %mul3A_646 = arith.constant 3 : i32
        %mul3A_647 = arith.muli %mul3A_646, %scan3A_31 : i32
        %add3A_648 = arith.constant 1 : i32
        %add3A_649 = arith.addi %mul3A_647, %add3A_648 : i32
        %get3A_650 = arith.index_cast %add3A_649 : i32 to index
        %get3A_651 = arith.constant 336 : index
        %get3A_652 = tpu.vector_load %arg6[%get3A_650, %get3A_651] {strides = array<i32>} : memref<96x512xf32, #tpu.memory_space<vmem>>, vector<1x16xf32>,
        %get3A_653 = vector.shape_cast %get3A_652 : vector<1x16xf32> to vector<16xf32>
        %add3A_654 = arith.addf %get3A_645, %get3A_653 : vector<16xf32>
        %mul3A_655 = arith.constant 3 : i32
        %mul3A_656 = arith.muli %mul3A_655, %scan3A_31 : i32
        %add3A_657 = arith.constant 2 : i32
        %add3A_658 = arith.addi %mul3A_656, %add3A_657 : i32
        %get3A_659 = arith.index_cast %add3A_658 : i32 to index
        %get3A_660 = arith.constant 336 : index
        %get3A_661 = tpu.vector_load %arg6[%get3A_659, %get3A_660] {strides = array<i32>} : memref<96x512xf32, #tpu.memory_space<vmem>>, vector<1x16xf32>,
        %get3A_662 = vector.shape_cast %get3A_661 : vector<1x16xf32> to vector<16xf32>
        %add3A_663 = arith.addf %add3A_654, %get3A_662 : vector<16xf32>
        %swap3A_664 = arith.index_cast %scan3A_31 : i32 to index
        %swap3A_665 = arith.constant 336 : index
        %swap3A_666 = tpu.vector_load %arg7[%swap3A_664, %swap3A_665] {strides = array<i32>} : memref<32x512xf32, #tpu.memory_space<vmem>>, vector<1x16xf32>,
        %swap3A_667 = vector.shape_cast %swap3A_666 : vector<1x16xf32> to vector<16xf32>
        %swap3A_668 = vector.shape_cast %add3A_663 : vector<16xf32> to vector<1x16xf32>
        tpu.vector_store %arg7[%swap3A_664, %swap3A_665], %swap3A_668 {strides = array<i32>} : memref<32x512xf32, #tpu.memory_space<vmem>>, vector<1x16xf32>,
        %mul3A_669 = arith.constant 3 : i32
        %mul3A_670 = arith.muli %mul3A_669, %scan3A_31 : i32
        %get3A_671 = arith.index_cast %mul3A_670 : i32 to index
        %get3A_672 = arith.constant 352 : index
        %get3A_673 = tpu.vector_load %arg6[%get3A_671, %get3A_672] {strides = array<i32>} : memref<96x512xf32, #tpu.memory_space<vmem>>, vector<1x16xf32>,
        %get3A_674 = vector.shape_cast %get3A_673 : vector<1x16xf32> to vector<16xf32>
        %mul3A_675 = arith.constant 3 : i32
        %mul3A_676 = arith.muli %mul3A_675, %scan3A_31 : i32
        %add3A_677 = arith.constant 1 : i32
        %add3A_678 = arith.addi %mul3A_676, %add3A_677 : i32
        %get3A_679 = arith.index_cast %add3A_678 : i32 to index
        %get3A_680 = arith.constant 352 : index
        %get3A_681 = tpu.vector_load %arg6[%get3A_679, %get3A_680] {strides = array<i32>} : memref<96x512xf32, #tpu.memory_space<vmem>>, vector<1x16xf32>,
        %get3A_682 = vector.shape_cast %get3A_681 : vector<1x16xf32> to vector<16xf32>
        %add3A_683 = arith.addf %get3A_674, %get3A_682 : vector<16xf32>
        %mul3A_684 = arith.constant 3 : i32
        %mul3A_685 = arith.muli %mul3A_684, %scan3A_31 : i32
        %add3A_686 = arith.constant 2 : i32
        %add3A_687 = arith.addi %mul3A_685, %add3A_686 : i32
        %get3A_688 = arith.index_cast %add3A_687 : i32 to index
        %get3A_689 = arith.constant 352 : index
        %get3A_690 = tpu.vector_load %arg6[%get3A_688, %get3A_689] {strides = array<i32>} : memref<96x512xf32, #tpu.memory_space<vmem>>, vector<1x16xf32>,
        %get3A_691 = vector.shape_cast %get3A_690 : vector<1x16xf32> to vector<16xf32>
        %add3A_692 = arith.addf %add3A_683, %get3A_691 : vector<16xf32>
        %swap3A_693 = arith.index_cast %scan3A_31 : i32 to index
        %swap3A_694 = arith.constant 352 : index
        %swap3A_695 = tpu.vector_load %arg7[%swap3A_693, %swap3A_694] {strides = array<i32>} : memref<32x512xf32, #tpu.memory_space<vmem>>, vector<1x16xf32>,
        %swap3A_696 = vector.shape_cast %swap3A_695 : vector<1x16xf32> to vector<16xf32>
        %swap3A_697 = vector.shape_cast %add3A_692 : vector<16xf32> to vector<1x16xf32>
        tpu.vector_store %arg7[%swap3A_693, %swap3A_694], %swap3A_697 {strides = array<i32>} : memref<32x512xf32, #tpu.memory_space<vmem>>, vector<1x16xf32>,
        %mul3A_698 = arith.constant 3 : i32
        %mul3A_699 = arith.muli %mul3A_698, %scan3A_31 : i32
        %get3A_700 = arith.index_cast %mul3A_699 : i32 to index
        %get3A_701 = arith.constant 368 : index
        %get3A_702 = tpu.vector_load %arg6[%get3A_700, %get3A_701] {strides = array<i32>} : memref<96x512xf32, #tpu.memory_space<vmem>>, vector<1x16xf32>,
        %get3A_703 = vector.shape_cast %get3A_702 : vector<1x16xf32> to vector<16xf32>
        %mul3A_704 = arith.constant 3 : i32
        %mul3A_705 = arith.muli %mul3A_704, %scan3A_31 : i32
        %add3A_706 = arith.constant 1 : i32
        %add3A_707 = arith.addi %mul3A_705, %add3A_706 : i32
        %get3A_708 = arith.index_cast %add3A_707 : i32 to index
        %get3A_709 = arith.constant 368 : index
        %get3A_710 = tpu.vector_load %arg6[%get3A_708, %get3A_709] {strides = array<i32>} : memref<96x512xf32, #tpu.memory_space<vmem>>, vector<1x16xf32>,
        %get3A_711 = vector.shape_cast %get3A_710 : vector<1x16xf32> to vector<16xf32>
        %add3A_712 = arith.addf %get3A_703, %get3A_711 : vector<16xf32>
        %mul3A_713 = arith.constant 3 : i32
        %mul3A_714 = arith.muli %mul3A_713, %scan3A_31 : i32
        %add3A_715 = arith.constant 2 : i32
        %add3A_716 = arith.addi %mul3A_714, %add3A_715 : i32
        %get3A_717 = arith.index_cast %add3A_716 : i32 to index
        %get3A_718 = arith.constant 368 : index
        %get3A_719 = tpu.vector_load %arg6[%get3A_717, %get3A_718] {strides = array<i32>} : memref<96x512xf32, #tpu.memory_space<vmem>>, vector<1x16xf32>,
        %get3A_720 = vector.shape_cast %get3A_719 : vector<1x16xf32> to vector<16xf32>
        %add3A_721 = arith.addf %add3A_712, %get3A_720 : vector<16xf32>
        %swap3A_722 = arith.index_cast %scan3A_31 : i32 to index
        %swap3A_723 = arith.constant 368 : index
        %swap3A_724 = tpu.vector_load %arg7[%swap3A_722, %swap3A_723] {strides = array<i32>} : memref<32x512xf32, #tpu.memory_space<vmem>>, vector<1x16xf32>,
        %swap3A_725 = vector.shape_cast %swap3A_724 : vector<1x16xf32> to vector<16xf32>
        %swap3A_726 = vector.shape_cast %add3A_721 : vector<16xf32> to vector<1x16xf32>
        tpu.vector_store %arg7[%swap3A_722, %swap3A_723], %swap3A_726 {strides = array<i32>} : memref<32x512xf32, #tpu.memory_space<vmem>>, vector<1x16xf32>,
        %mul3A_727 = arith.constant 3 : i32
        %mul3A_728 = arith.muli %mul3A_727, %scan3A_31 : i32
        %get3A_729 = arith.index_cast %mul3A_728 : i32 to index
        %get3A_730 = arith.constant 384 : index
        %get3A_731 = tpu.vector_load %arg6[%get3A_729, %get3A_730] {strides = array<i32>} : memref<96x512xf32, #tpu.memory_space<vmem>>, vector<1x16xf32>,
        %get3A_732 = vector.shape_cast %get3A_731 : vector<1x16xf32> to vector<16xf32>
        %mul3A_733 = arith.constant 3 : i32
        %mul3A_734 = arith.muli %mul3A_733, %scan3A_31 : i32
        %add3A_735 = arith.constant 1 : i32
        %add3A_736 = arith.addi %mul3A_734, %add3A_735 : i32
        %get3A_737 = arith.index_cast %add3A_736 : i32 to index
        %get3A_738 = arith.constant 384 : index
        %get3A_739 = tpu.vector_load %arg6[%get3A_737, %get3A_738] {strides = array<i32>} : memref<96x512xf32, #tpu.memory_space<vmem>>, vector<1x16xf32>,
        %get3A_740 = vector.shape_cast %get3A_739 : vector<1x16xf32> to vector<16xf32>
        %add3A_741 = arith.addf %get3A_732, %get3A_740 : vector<16xf32>
        %mul3A_742 = arith.constant 3 : i32
        %mul3A_743 = arith.muli %mul3A_742, %scan3A_31 : i32
        %add3A_744 = arith.constant 2 : i32
        %add3A_745 = arith.addi %mul3A_743, %add3A_744 : i32
        %get3A_746 = arith.index_cast %add3A_745 : i32 to index
        %get3A_747 = arith.constant 384 : index
        %get3A_748 = tpu.vector_load %arg6[%get3A_746, %get3A_747] {strides = array<i32>} : memref<96x512xf32, #tpu.memory_space<vmem>>, vector<1x16xf32>,
        %get3A_749 = vector.shape_cast %get3A_748 : vector<1x16xf32> to vector<16xf32>
        %add3A_750 = arith.addf %add3A_741, %get3A_749 : vector<16xf32>
        %swap3A_751 = arith.index_cast %scan3A_31 : i32 to index
        %swap3A_752 = arith.constant 384 : index
        %swap3A_753 = tpu.vector_load %arg7[%swap3A_751, %swap3A_752] {strides = array<i32>} : memref<32x512xf32, #tpu.memory_space<vmem>>, vector<1x16xf32>,
        %swap3A_754 = vector.shape_cast %swap3A_753 : vector<1x16xf32> to vector<16xf32>
        %swap3A_755 = vector.shape_cast %add3A_750 : vector<16xf32> to vector<1x16xf32>
        tpu.vector_store %arg7[%swap3A_751, %swap3A_752], %swap3A_755 {strides = array<i32>} : memref<32x512xf32, #tpu.memory_space<vmem>>, vector<1x16xf32>,
        %mul3A_756 = arith.constant 3 : i32
        %mul3A_757 = arith.muli %mul3A_756, %scan3A_31 : i32
        %get3A_758 = arith.index_cast %mul3A_757 : i32 to index
        %get3A_759 = arith.constant 400 : index
        %get3A_760 = tpu.vector_load %arg6[%get3A_758, %get3A_759] {strides = array<i32>} : memref<96x512xf32, #tpu.memory_space<vmem>>, vector<1x16xf32>,
        %get3A_761 = vector.shape_cast %get3A_760 : vector<1x16xf32> to vector<16xf32>
        %mul3A_762 = arith.constant 3 : i32
        %mul3A_763 = arith.muli %mul3A_762, %scan3A_31 : i32
        %add3A_764 = arith.constant 1 : i32
        %add3A_765 = arith.addi %mul3A_763, %add3A_764 : i32
        %get3A_766 = arith.index_cast %add3A_765 : i32 to index
        %get3A_767 = arith.constant 400 : index
        %get3A_768 = tpu.vector_load %arg6[%get3A_766, %get3A_767] {strides = array<i32>} : memref<96x512xf32, #tpu.memory_space<vmem>>, vector<1x16xf32>,
        %get3A_769 = vector.shape_cast %get3A_768 : vector<1x16xf32> to vector<16xf32>
        %add3A_770 = arith.addf %get3A_761, %get3A_769 : vector<16xf32>
        %mul3A_771 = arith.constant 3 : i32
        %mul3A_772 = arith.muli %mul3A_771, %scan3A_31 : i32
        %add3A_773 = arith.constant 2 : i32
        %add3A_774 = arith.addi %mul3A_772, %add3A_773 : i32
        %get3A_775 = arith.index_cast %add3A_774 : i32 to index
        %get3A_776 = arith.constant 400 : index
        %get3A_777 = tpu.vector_load %arg6[%get3A_775, %get3A_776] {strides = array<i32>} : memref<96x512xf32, #tpu.memory_space<vmem>>, vector<1x16xf32>,
        %get3A_778 = vector.shape_cast %get3A_777 : vector<1x16xf32> to vector<16xf32>
        %add3A_779 = arith.addf %add3A_770, %get3A_778 : vector<16xf32>
        %swap3A_780 = arith.index_cast %scan3A_31 : i32 to index
        %swap3A_781 = arith.constant 400 : index
        %swap3A_782 = tpu.vector_load %arg7[%swap3A_780, %swap3A_781] {strides = array<i32>} : memref<32x512xf32, #tpu.memory_space<vmem>>, vector<1x16xf32>,
        %swap3A_783 = vector.shape_cast %swap3A_782 : vector<1x16xf32> to vector<16xf32>
        %swap3A_784 = vector.shape_cast %add3A_779 : vector<16xf32> to vector<1x16xf32>
        tpu.vector_store %arg7[%swap3A_780, %swap3A_781], %swap3A_784 {strides = array<i32>} : memref<32x512xf32, #tpu.memory_space<vmem>>, vector<1x16xf32>,
        %mul3A_785 = arith.constant 3 : i32
        %mul3A_786 = arith.muli %mul3A_785, %scan3A_31 : i32
        %get3A_787 = arith.index_cast %mul3A_786 : i32 to index
        %get3A_788 = arith.constant 416 : index
        %get3A_789 = tpu.vector_load %arg6[%get3A_787, %get3A_788] {strides = array<i32>} : memref<96x512xf32, #tpu.memory_space<vmem>>, vector<1x16xf32>,
        %get3A_790 = vector.shape_cast %get3A_789 : vector<1x16xf32> to vector<16xf32>
        %mul3A_791 = arith.constant 3 : i32
        %mul3A_792 = arith.muli %mul3A_791, %scan3A_31 : i32
        %add3A_793 = arith.constant 1 : i32
        %add3A_794 = arith.addi %mul3A_792, %add3A_793 : i32
        %get3A_795 = arith.index_cast %add3A_794 : i32 to index
        %get3A_796 = arith.constant 416 : index
        %get3A_797 = tpu.vector_load %arg6[%get3A_795, %get3A_796] {strides = array<i32>} : memref<96x512xf32, #tpu.memory_space<vmem>>, vector<1x16xf32>,
        %get3A_798 = vector.shape_cast %get3A_797 : vector<1x16xf32> to vector<16xf32>
        %add3A_799 = arith.addf %get3A_790, %get3A_798 : vector<16xf32>
        %mul3A_800 = arith.constant 3 : i32
        %mul3A_801 = arith.muli %mul3A_800, %scan3A_31 : i32
        %add3A_802 = arith.constant 2 : i32
        %add3A_803 = arith.addi %mul3A_801, %add3A_802 : i32
        %get3A_804 = arith.index_cast %add3A_803 : i32 to index
        %get3A_805 = arith.constant 416 : index
        %get3A_806 = tpu.vector_load %arg6[%get3A_804, %get3A_805] {strides = array<i32>} : memref<96x512xf32, #tpu.memory_space<vmem>>, vector<1x16xf32>,
        %get3A_807 = vector.shape_cast %get3A_806 : vector<1x16xf32> to vector<16xf32>
        %add3A_808 = arith.addf %add3A_799, %get3A_807 : vector<16xf32>
        %swap3A_809 = arith.index_cast %scan3A_31 : i32 to index
        %swap3A_810 = arith.constant 416 : index
        %swap3A_811 = tpu.vector_load %arg7[%swap3A_809, %swap3A_810] {strides = array<i32>} : memref<32x512xf32, #tpu.memory_space<vmem>>, vector<1x16xf32>,
        %swap3A_812 = vector.shape_cast %swap3A_811 : vector<1x16xf32> to vector<16xf32>
        %swap3A_813 = vector.shape_cast %add3A_808 : vector<16xf32> to vector<1x16xf32>
        tpu.vector_store %arg7[%swap3A_809, %swap3A_810], %swap3A_813 {strides = array<i32>} : memref<32x512xf32, #tpu.memory_space<vmem>>, vector<1x16xf32>,
        %mul3A_814 = arith.constant 3 : i32
        %mul3A_815 = arith.muli %mul3A_814, %scan3A_31 : i32
        %get3A_816 = arith.index_cast %mul3A_815 : i32 to index
        %get3A_817 = arith.constant 432 : index
        %get3A_818 = tpu.vector_load %arg6[%get3A_816, %get3A_817] {strides = array<i32>} : memref<96x512xf32, #tpu.memory_space<vmem>>, vector<1x16xf32>,
        %get3A_819 = vector.shape_cast %get3A_818 : vector<1x16xf32> to vector<16xf32>
        %mul3A_820 = arith.constant 3 : i32
        %mul3A_821 = arith.muli %mul3A_820, %scan3A_31 : i32
        %add3A_822 = arith.constant 1 : i32
        %add3A_823 = arith.addi %mul3A_821, %add3A_822 : i32
        %get3A_824 = arith.index_cast %add3A_823 : i32 to index
        %get3A_825 = arith.constant 432 : index
        %get3A_826 = tpu.vector_load %arg6[%get3A_824, %get3A_825] {strides = array<i32>} : memref<96x512xf32, #tpu.memory_space<vmem>>, vector<1x16xf32>,
        %get3A_827 = vector.shape_cast %get3A_826 : vector<1x16xf32> to vector<16xf32>
        %add3A_828 = arith.addf %get3A_819, %get3A_827 : vector<16xf32>
        %mul3A_829 = arith.constant 3 : i32
        %mul3A_830 = arith.muli %mul3A_829, %scan3A_31 : i32
        %add3A_831 = arith.constant 2 : i32
        %add3A_832 = arith.addi %mul3A_830, %add3A_831 : i32
        %get3A_833 = arith.index_cast %add3A_832 : i32 to index
        %get3A_834 = arith.constant 432 : index
        %get3A_835 = tpu.vector_load %arg6[%get3A_833, %get3A_834] {strides = array<i32>} : memref<96x512xf32, #tpu.memory_space<vmem>>, vector<1x16xf32>,
        %get3A_836 = vector.shape_cast %get3A_835 : vector<1x16xf32> to vector<16xf32>
        %add3A_837 = arith.addf %add3A_828, %get3A_836 : vector<16xf32>
        %swap3A_838 = arith.index_cast %scan3A_31 : i32 to index
        %swap3A_839 = arith.constant 432 : index
        %swap3A_840 = tpu.vector_load %arg7[%swap3A_838, %swap3A_839] {strides = array<i32>} : memref<32x512xf32, #tpu.memory_space<vmem>>, vector<1x16xf32>,
        %swap3A_841 = vector.shape_cast %swap3A_840 : vector<1x16xf32> to vector<16xf32>
        %swap3A_842 = vector.shape_cast %add3A_837 : vector<16xf32> to vector<1x16xf32>
        tpu.vector_store %arg7[%swap3A_838, %swap3A_839], %swap3A_842 {strides = array<i32>} : memref<32x512xf32, #tpu.memory_space<vmem>>, vector<1x16xf32>,
        %mul3A_843 = arith.constant 3 : i32
        %mul3A_844 = arith.muli %mul3A_843, %scan3A_31 : i32
        %get3A_845 = arith.index_cast %mul3A_844 : i32 to index
        %get3A_846 = arith.constant 448 : index
        %get3A_847 = tpu.vector_load %arg6[%get3A_845, %get3A_846] {strides = array<i32>} : memref<96x512xf32, #tpu.memory_space<vmem>>, vector<1x16xf32>,
        %get3A_848 = vector.shape_cast %get3A_847 : vector<1x16xf32> to vector<16xf32>
        %mul3A_849 = arith.constant 3 : i32
        %mul3A_850 = arith.muli %mul3A_849, %scan3A_31 : i32
        %add3A_851 = arith.constant 1 : i32
        %add3A_852 = arith.addi %mul3A_850, %add3A_851 : i32
        %get3A_853 = arith.index_cast %add3A_852 : i32 to index
        %get3A_854 = arith.constant 448 : index
        %get3A_855 = tpu.vector_load %arg6[%get3A_853, %get3A_854] {strides = array<i32>} : memref<96x512xf32, #tpu.memory_space<vmem>>, vector<1x16xf32>,
        %get3A_856 = vector.shape_cast %get3A_855 : vector<1x16xf32> to vector<16xf32>
        %add3A_857 = arith.addf %get3A_848, %get3A_856 : vector<16xf32>
        %mul3A_858 = arith.constant 3 : i32
        %mul3A_859 = arith.muli %mul3A_858, %scan3A_31 : i32
        %add3A_860 = arith.constant 2 : i32
        %add3A_861 = arith.addi %mul3A_859, %add3A_860 : i32
        %get3A_862 = arith.index_cast %add3A_861 : i32 to index
        %get3A_863 = arith.constant 448 : index
        %get3A_864 = tpu.vector_load %arg6[%get3A_862, %get3A_863] {strides = array<i32>} : memref<96x512xf32, #tpu.memory_space<vmem>>, vector<1x16xf32>,
        %get3A_865 = vector.shape_cast %get3A_864 : vector<1x16xf32> to vector<16xf32>
        %add3A_866 = arith.addf %add3A_857, %get3A_865 : vector<16xf32>
        %swap3A_867 = arith.index_cast %scan3A_31 : i32 to index
        %swap3A_868 = arith.constant 448 : index
        %swap3A_869 = tpu.vector_load %arg7[%swap3A_867, %swap3A_868] {strides = array<i32>} : memref<32x512xf32, #tpu.memory_space<vmem>>, vector<1x16xf32>,
        %swap3A_870 = vector.shape_cast %swap3A_869 : vector<1x16xf32> to vector<16xf32>
        %swap3A_871 = vector.shape_cast %add3A_866 : vector<16xf32> to vector<1x16xf32>
        tpu.vector_store %arg7[%swap3A_867, %swap3A_868], %swap3A_871 {strides = array<i32>} : memref<32x512xf32, #tpu.memory_space<vmem>>, vector<1x16xf32>,
        %mul3A_872 = arith.constant 3 : i32
        %mul3A_873 = arith.muli %mul3A_872, %scan3A_31 : i32
        %get3A_874 = arith.index_cast %mul3A_873 : i32 to index
        %get3A_875 = arith.constant 464 : index
        %get3A_876 = tpu.vector_load %arg6[%get3A_874, %get3A_875] {strides = array<i32>} : memref<96x512xf32, #tpu.memory_space<vmem>>, vector<1x16xf32>,
        %get3A_877 = vector.shape_cast %get3A_876 : vector<1x16xf32> to vector<16xf32>
        %mul3A_878 = arith.constant 3 : i32
        %mul3A_879 = arith.muli %mul3A_878, %scan3A_31 : i32
        %add3A_880 = arith.constant 1 : i32
        %add3A_881 = arith.addi %mul3A_879, %add3A_880 : i32
        %get3A_882 = arith.index_cast %add3A_881 : i32 to index
        %get3A_883 = arith.constant 464 : index
        %get3A_884 = tpu.vector_load %arg6[%get3A_882, %get3A_883] {strides = array<i32>} : memref<96x512xf32, #tpu.memory_space<vmem>>, vector<1x16xf32>,
        %get3A_885 = vector.shape_cast %get3A_884 : vector<1x16xf32> to vector<16xf32>
        %add3A_886 = arith.addf %get3A_877, %get3A_885 : vector<16xf32>
        %mul3A_887 = arith.constant 3 : i32
        %mul3A_888 = arith.muli %mul3A_887, %scan3A_31 : i32
        %add3A_889 = arith.constant 2 : i32
        %add3A_890 = arith.addi %mul3A_888, %add3A_889 : i32
        %get3A_891 = arith.index_cast %add3A_890 : i32 to index
        %get3A_892 = arith.constant 464 : index
        %get3A_893 = tpu.vector_load %arg6[%get3A_891, %get3A_892] {strides = array<i32>} : memref<96x512xf32, #tpu.memory_space<vmem>>, vector<1x16xf32>,
        %get3A_894 = vector.shape_cast %get3A_893 : vector<1x16xf32> to vector<16xf32>
        %add3A_895 = arith.addf %add3A_886, %get3A_894 : vector<16xf32>
        %swap3A_896 = arith.index_cast %scan3A_31 : i32 to index
        %swap3A_897 = arith.constant 464 : index
        %swap3A_898 = tpu.vector_load %arg7[%swap3A_896, %swap3A_897] {strides = array<i32>} : memref<32x512xf32, #tpu.memory_space<vmem>>, vector<1x16xf32>,
        %swap3A_899 = vector.shape_cast %swap3A_898 : vector<1x16xf32> to vector<16xf32>
        %swap3A_900 = vector.shape_cast %add3A_895 : vector<16xf32> to vector<1x16xf32>
        tpu.vector_store %arg7[%swap3A_896, %swap3A_897], %swap3A_900 {strides = array<i32>} : memref<32x512xf32, #tpu.memory_space<vmem>>, vector<1x16xf32>,
        %mul3A_901 = arith.constant 3 : i32
        %mul3A_902 = arith.muli %mul3A_901, %scan3A_31 : i32
        %get3A_903 = arith.index_cast %mul3A_902 : i32 to index
        %get3A_904 = arith.constant 480 : index
        %get3A_905 = tpu.vector_load %arg6[%get3A_903, %get3A_904] {strides = array<i32>} : memref<96x512xf32, #tpu.memory_space<vmem>>, vector<1x16xf32>,
        %get3A_906 = vector.shape_cast %get3A_905 : vector<1x16xf32> to vector<16xf32>
        %mul3A_907 = arith.constant 3 : i32
        %mul3A_908 = arith.muli %mul3A_907, %scan3A_31 : i32
        %add3A_909 = arith.constant 1 : i32
        %add3A_910 = arith.addi %mul3A_908, %add3A_909 : i32
        %get3A_911 = arith.index_cast %add3A_910 : i32 to index
        %get3A_912 = arith.constant 480 : index
        %get3A_913 = tpu.vector_load %arg6[%get3A_911, %get3A_912] {strides = array<i32>} : memref<96x512xf32, #tpu.memory_space<vmem>>, vector<1x16xf32>,
        %get3A_914 = vector.shape_cast %get3A_913 : vector<1x16xf32> to vector<16xf32>
        %add3A_915 = arith.addf %get3A_906, %get3A_914 : vector<16xf32>
        %mul3A_916 = arith.constant 3 : i32
        %mul3A_917 = arith.muli %mul3A_916, %scan3A_31 : i32
        %add3A_918 = arith.constant 2 : i32
        %add3A_919 = arith.addi %mul3A_917, %add3A_918 : i32
        %get3A_920 = arith.index_cast %add3A_919 : i32 to index
        %get3A_921 = arith.constant 480 : index
        %get3A_922 = tpu.vector_load %arg6[%get3A_920, %get3A_921] {strides = array<i32>} : memref<96x512xf32, #tpu.memory_space<vmem>>, vector<1x16xf32>,
        %get3A_923 = vector.shape_cast %get3A_922 : vector<1x16xf32> to vector<16xf32>
        %add3A_924 = arith.addf %add3A_915, %get3A_923 : vector<16xf32>
        %swap3A_925 = arith.index_cast %scan3A_31 : i32 to index
        %swap3A_926 = arith.constant 480 : index
        %swap3A_927 = tpu.vector_load %arg7[%swap3A_925, %swap3A_926] {strides = array<i32>} : memref<32x512xf32, #tpu.memory_space<vmem>>, vector<1x16xf32>,
        %swap3A_928 = vector.shape_cast %swap3A_927 : vector<1x16xf32> to vector<16xf32>
        %swap3A_929 = vector.shape_cast %add3A_924 : vector<16xf32> to vector<1x16xf32>
        tpu.vector_store %arg7[%swap3A_925, %swap3A_926], %swap3A_929 {strides = array<i32>} : memref<32x512xf32, #tpu.memory_space<vmem>>, vector<1x16xf32>,
        %mul3A_930 = arith.constant 3 : i32
        %mul3A_931 = arith.muli %mul3A_930, %scan3A_31 : i32
        %get3A_932 = arith.index_cast %mul3A_931 : i32 to index
        %get3A_933 = arith.constant 496 : index
        %get3A_934 = tpu.vector_load %arg6[%get3A_932, %get3A_933] {strides = array<i32>} : memref<96x512xf32, #tpu.memory_space<vmem>>, vector<1x16xf32>,
        %get3A_935 = vector.shape_cast %get3A_934 : vector<1x16xf32> to vector<16xf32>
        %mul3A_936 = arith.constant 3 : i32
        %mul3A_937 = arith.muli %mul3A_936, %scan3A_31 : i32
        %add3A_938 = arith.constant 1 : i32
        %add3A_939 = arith.addi %mul3A_937, %add3A_938 : i32
        %get3A_940 = arith.index_cast %add3A_939 : i32 to index
        %get3A_941 = arith.constant 496 : index
        %get3A_942 = tpu.vector_load %arg6[%get3A_940, %get3A_941] {strides = array<i32>} : memref<96x512xf32, #tpu.memory_space<vmem>>, vector<1x16xf32>,
        %get3A_943 = vector.shape_cast %get3A_942 : vector<1x16xf32> to vector<16xf32>
        %add3A_944 = arith.addf %get3A_935, %get3A_943 : vector<16xf32>
        %mul3A_945 = arith.constant 3 : i32
        %mul3A_946 = arith.muli %mul3A_945, %scan3A_31 : i32
        %add3A_947 = arith.constant 2 : i32
        %add3A_948 = arith.addi %mul3A_946, %add3A_947 : i32
        %get3A_949 = arith.index_cast %add3A_948 : i32 to index
        %get3A_950 = arith.constant 496 : index
        %get3A_951 = tpu.vector_load %arg6[%get3A_949, %get3A_950] {strides = array<i32>} : memref<96x512xf32, #tpu.memory_space<vmem>>, vector<1x16xf32>,
        %get3A_952 = vector.shape_cast %get3A_951 : vector<1x16xf32> to vector<16xf32>
        %add3A_953 = arith.addf %add3A_944, %get3A_952 : vector<16xf32>
        %swap3A_954 = arith.index_cast %scan3A_31 : i32 to index
        %swap3A_955 = arith.constant 496 : index
        %swap3A_956 = tpu.vector_load %arg7[%swap3A_954, %swap3A_955] {strides = array<i32>} : memref<32x512xf32, #tpu.memory_space<vmem>>, vector<1x16xf32>,
        %swap3A_957 = vector.shape_cast %swap3A_956 : vector<1x16xf32> to vector<16xf32>
        %swap3A_958 = vector.shape_cast %add3A_953 : vector<16xf32> to vector<1x16xf32>
        tpu.vector_store %arg7[%swap3A_954, %swap3A_955], %swap3A_958 {strides = array<i32>} : memref<32x512xf32, #tpu.memory_space<vmem>>, vector<1x16xf32>,
        %scan3A_959 = arith.constant 0 : i32
        scf.yield %scan3A_959 : i32
      }
      %scan3A_26 = arith.constant 32 : i32
      %mul3A_27 = arith.constant 32 : i32
      %mul3A_28 = arith.muli %scan3A_9, %mul3A_27 : i32
      %add3A_29 = arith.addi %mul3A_2, %mul3A_28 : i32
      "tpu.region"() ({
        %run_scoped3A = tpu.sem_alloc : memref<!tpu.dma_semaphore, #tpu.memory_space<semaphore_mem>>
        %dma_start3A_31 = arith.constant 0 : i32
        %dma_start3A_32 = tpu.memref_slice %arg4[%add3A_29, %dma_start3A_31] : memref<40960x512xf32, #tpu.memory_space<hbm>> -> memref<32x512xf32, #tpu.memory_space<hbm>>
        %dma_start3A_33 = arith.constant 0 : i32
        %dma_start3A_34 = tpu.memref_slice %arg4[%add3A_29, %dma_start3A_33] : memref<40960x512xf32, #tpu.memory_space<hbm>> -> memref<32x512xf32, #tpu.memory_space<hbm>>
        tpu.enqueue_dma source(%arg7 : memref<32x512xf32, #tpu.memory_space<vmem>>) target(%dma_start3A_34 : memref<32x512xf32, #tpu.memory_space<hbm>>) target_semaphore(%run_scoped3A : memref<!tpu.dma_semaphore, #tpu.memory_space<semaphore_mem>>)
        %dma_wait3A_35 = arith.constant 0 : i32
        %dma_wait3A_36 = tpu.memref_slice %arg4[%add3A_29, %dma_wait3A_35] : memref<40960x512xf32, #tpu.memory_space<hbm>> -> memref<32x512xf32, #tpu.memory_space<hbm>>
        %dma_wait3A_37 = arith.constant 0 : i32
        %dma_wait3A_38 = tpu.memref_slice %arg4[%add3A_29, %dma_wait3A_37] : memref<40960x512xf32, #tpu.memory_space<hbm>> -> memref<32x512xf32, #tpu.memory_space<hbm>>
        tpu.wait_dma2 semaphore(%run_scoped3A : memref<!tpu.dma_semaphore, #tpu.memory_space<semaphore_mem>>) src(%arg7 : memref<32x512xf32, #tpu.memory_space<vmem>>) dst(%dma_wait3A_38 : memref<32x512xf32, #tpu.memory_space<hbm>>)
        tpu.yield
      }) : () -> ()
      %scan3A_30 = arith.constant 0 : i32
      scf.yield %scan3A_30 : i32
    }
    %scan3A_8 = arith.constant 40 : i32
    return
  }
}

module attributes {stable_mosaic.version = 14 : i64} {
  func.func @_tc_q_fn(%arg0: i32, %arg1: memref<512x512xf32, #tpu.memory_space<vmem>>, %arg2: memref<512x1xf32, #tpu.memory_space<vmem>>, %arg3: memref<512x256xf32, #tpu.memory_space<vmem>>, %arg4: memref<512x256xf32, #tpu.memory_space<vmem>>) attributes {dimension_semantics = [#tpu.dimension_semantics<arbitrary>], iteration_bounds = array<i64: 80>, scalar_prefetch = 0 : i64, scratch_operands = 0 : i64, tpu.core_type = #tpu.core_type<tc>, window_params = [{transform_indices = @transform_0, window_bounds = array<i64: 512, 512>}, {transform_indices = @transform_1, window_bounds = array<i64: 512, 1>}, {pipeline_mode = #tpu.pipeline_mode<synchronous>, transform_indices = @transform_2, window_bounds = array<i64: 512, 256>}, {transform_indices = @transform_3, window_bounds = array<i64: 512, 256>}]} {
    %get3A = arith.constant 0 : index
    %get3A_0 = arith.constant 0 : index
    %get3A_1 = vector.load %arg1[%get3A, %get3A_0] : memref<512x512xf32, #tpu.memory_space<vmem>>, vector<512x512xf32>
    %div3A = arith.constant 3.000000e+00 : f32
    %div3A_2 = vector.broadcast %div3A : f32 to vector<512x512xf32>
    %div3A_3 = arith.divf %get3A_1, %div3A_2 : vector<512x512xf32>
    %get3A_4 = arith.constant 0 : index
    %get3A_5 = arith.constant 0 : index
    %get3A_6 = vector.load %arg3[%get3A_4, %get3A_5] : memref<512x256xf32, #tpu.memory_space<vmem>>, vector<512x256xf32>
    %dot_general3A = arith.constant dense<0.000000e+00> : vector<512x256xf32>
    %dot_general3A_7 = tpu.matmul %div3A_3, %get3A_6, %dot_general3A {dimension_numbers = #tpu.dot_dimension_numbers<[1], [0], [0], [1], [0, 0, 1, 1], [], []>, transpose_lhs_hint = false} : vector<512x512xf32>, vector<512x256xf32>, vector<512x256xf32> -> vector<512x256xf32>
    %get3A_8 = arith.constant 0 : index
    %get3A_9 = arith.constant 0 : index
    %get3A_10 = vector.load %arg2[%get3A_8, %get3A_9] : memref<512x1xf32, #tpu.memory_space<vmem>>, vector<512x1xf32>
    %mul3A = vector.broadcast %get3A_10 : vector<512x1xf32> to vector<512x256xf32>
    %mul3A_11 = arith.mulf %mul3A, %dot_general3A_7 : vector<512x256xf32>
    %swap3A = arith.constant 0 : index
    %swap3A_12 = arith.constant 0 : index
    %swap3A_13 = vector.load %arg4[%swap3A, %swap3A_12] : memref<512x256xf32, #tpu.memory_space<vmem>>, vector<512x256xf32>
    tpu.vector_store %arg4[%swap3A, %swap3A_12], %mul3A_11 {strides = array<i32>} : memref<512x256xf32, #tpu.memory_space<vmem>>, vector<512x256xf32>,
    return
  }
  func.func @transform_0(%arg0: i32) -> (i32, i32) {
    %c0_i32 = arith.constant 0 : i32
    %c0_i32_0 = arith.constant 0 : i32
    return %arg0, %c0_i32 : i32, i32
  }
  func.func @transform_1(%arg0: i32) -> (i32, i32) {
    %c0_i32 = arith.constant 0 : i32
    %c0_i32_0 = arith.constant 0 : i32
    return %arg0, %c0_i32 : i32, i32
  }
  func.func @transform_2(%arg0: i32) -> (i32, i32) {
    %c0_i32 = arith.constant 0 : i32
    %c0_i32_0 = arith.constant 0 : i32
    %c0_i32_1 = arith.constant 0 : i32
    return %c0_i32, %c0_i32_0 : i32, i32
  }
  func.func @transform_3(%arg0: i32) -> (i32, i32) {
    %c0_i32 = arith.constant 0 : i32
    %c0_i32_0 = arith.constant 0 : i32
    return %arg0, %c0_i32 : i32, i32
  }
}

module attributes {stable_mosaic.version = 14 : i64} {
  func.func @_tc_out1_fn(%arg0: i32, %arg1: memref<512x256xf32, #tpu.memory_space<vmem>>, %arg2: memref<512x1xf32, #tpu.memory_space<vmem>>, %arg3: memref<1x256xf32, #tpu.memory_space<vmem>>, %arg4: memref<256x1xf32, #tpu.memory_space<vmem>>, %arg5: memref<512x128xf32, #tpu.memory_space<vmem>>) attributes {dimension_semantics = [#tpu.dimension_semantics<arbitrary>], iteration_bounds = array<i64: 80>, scalar_prefetch = 0 : i64, scratch_operands = 0 : i64, tpu.core_type = #tpu.core_type<tc>, window_params = [{transform_indices = @transform_0, window_bounds = array<i64: 512, 256>}, {transform_indices = @transform_1, window_bounds = array<i64: 512, 1>}, {pipeline_mode = #tpu.pipeline_mode<synchronous>, transform_indices = @transform_2, window_bounds = array<i64: 1, 256>}, {pipeline_mode = #tpu.pipeline_mode<synchronous>, transform_indices = @transform_3, window_bounds = array<i64: 256, 1>}, {transform_indices = @transform_4, window_bounds = array<i64: 512, 128>}]} {
    %get3A = arith.constant 0 : index
    %get3A_0 = arith.constant 0 : index
    %get3A_1 = vector.load %arg2[%get3A, %get3A_0] : memref<512x1xf32, #tpu.memory_space<vmem>>, vector<512x1xf32>
    %get3A_2 = arith.constant 0 : index
    %get3A_3 = arith.constant 0 : index
    %get3A_4 = vector.load %arg1[%get3A_2, %get3A_3] : memref<512x256xf32, #tpu.memory_space<vmem>>, vector<512x256xf32>
    %mul3A = vector.broadcast %get3A_1 : vector<512x1xf32> to vector<512x256xf32>
    %mul3A_5 = arith.mulf %mul3A, %get3A_4 : vector<512x256xf32>
    %get3A_6 = arith.constant 0 : index
    %get3A_7 = arith.constant 0 : index
    %get3A_8 = vector.load %arg3[%get3A_6, %get3A_7] : memref<1x256xf32, #tpu.memory_space<vmem>>, vector<1x256xf32>
    %add3A = vector.broadcast %get3A_8 : vector<1x256xf32> to vector<512x256xf32>
    %add3A_9 = arith.addf %mul3A_5, %add3A : vector<512x256xf32>
    %max3A = arith.constant 0.000000e+00 : f32
    %max3A_10 = vector.broadcast %max3A : f32 to vector<512x256xf32>
    %max3A_11 = arith.maximumf %add3A_9, %max3A_10 : vector<512x256xf32>
    %get3A_12 = arith.constant 0 : index
    %get3A_13 = arith.constant 0 : index
    %get3A_14 = vector.load %arg4[%get3A_12, %get3A_13] : memref<256x1xf32, #tpu.memory_space<vmem>>, vector<256x1xf32>
    %dot_general3A = arith.constant dense<0.000000e+00> : vector<512x1xf32>
    %dot_general3A_15 = tpu.matmul %max3A_11, %get3A_14, %dot_general3A {dimension_numbers = #tpu.dot_dimension_numbers<[1], [0], [0], [1], [0, 0, 1, 1], [], []>, transpose_lhs_hint = false} : vector<512x256xf32>, vector<256x1xf32>, vector<512x1xf32> -> vector<512x1xf32>
    %get3A_16 = arith.constant 0 : index
    %get3A_17 = arith.constant 0 : index
    %get3A_18 = vector.load %arg2[%get3A_16, %get3A_17] : memref<512x1xf32, #tpu.memory_space<vmem>>, vector<512x1xf32>
    %mul3A_19 = arith.mulf %get3A_18, %dot_general3A_15 : vector<512x1xf32>
    %broadcast_in_dim3A = vector.shape_cast %mul3A_19 : vector<512x1xf32> to vector<512x1xf32>
    %broadcast_in_dim3A_20 = vector.broadcast %broadcast_in_dim3A : vector<512x1xf32> to vector<512x128xf32>
    %swap3A = arith.constant 0 : index
    %swap3A_21 = arith.constant 0 : index
    %swap3A_22 = vector.load %arg5[%swap3A, %swap3A_21] : memref<512x128xf32, #tpu.memory_space<vmem>>, vector<512x128xf32>
    tpu.vector_store %arg5[%swap3A, %swap3A_21], %broadcast_in_dim3A_20 {strides = array<i32>} : memref<512x128xf32, #tpu.memory_space<vmem>>, vector<512x128xf32>,
    return
  }
  func.func @transform_0(%arg0: i32) -> (i32, i32) {
    %c0_i32 = arith.constant 0 : i32
    %c0_i32_0 = arith.constant 0 : i32
    return %arg0, %c0_i32 : i32, i32
  }
  func.func @transform_1(%arg0: i32) -> (i32, i32) {
    %c0_i32 = arith.constant 0 : i32
    %c0_i32_0 = arith.constant 0 : i32
    return %arg0, %c0_i32 : i32, i32
  }
  func.func @transform_2(%arg0: i32) -> (i32, i32) {
    %c0_i32 = arith.constant 0 : i32
    %c0_i32_0 = arith.constant 0 : i32
    %c0_i32_1 = arith.constant 0 : i32
    return %c0_i32, %c0_i32_0 : i32, i32
  }
  func.func @transform_3(%arg0: i32) -> (i32, i32) {
    %c0_i32 = arith.constant 0 : i32
    %c0_i32_0 = arith.constant 0 : i32
    %c0_i32_1 = arith.constant 0 : i32
    return %c0_i32, %c0_i32_0 : i32, i32
  }
  func.func @transform_4(%arg0: i32) -> (i32, i32) {
    %c0_i32 = arith.constant 0 : i32
    %c0_i32_0 = arith.constant 0 : i32
    return %arg0, %c0_i32 : i32, i32
  }
}

module attributes {stable_mosaic.version = 14 : i64} {
  func.func @_tc_mask_fn(%arg0: i32, %arg1: memref<512x16xf32, #tpu.memory_space<vmem>>, %arg2: memref<512x1xf32, #tpu.memory_space<vmem>>, %arg3: memref<1x1xf32, #tpu.memory_space<vmem>>, %arg4: memref<512x1xf32, #tpu.memory_space<vmem>>) attributes {dimension_semantics = [#tpu.dimension_semantics<arbitrary>], iteration_bounds = array<i64: 80>, scalar_prefetch = 0 : i64, scratch_operands = 0 : i64, tpu.core_type = #tpu.core_type<tc>, window_params = [{transform_indices = @transform_0, window_bounds = array<i64: 512, 16>}, {transform_indices = @transform_1, window_bounds = array<i64: 512, 1>}, {pipeline_mode = #tpu.pipeline_mode<synchronous>, transform_indices = @transform_2, window_bounds = array<i64: 1, 1>}, {transform_indices = @transform_3, window_bounds = array<i64: 512, 1>}]} {
    %get3A = arith.constant 0 : index
    %get3A_0 = arith.constant 0 : index
    %get3A_1 = vector.load %arg2[%get3A, %get3A_0] : memref<512x1xf32, #tpu.memory_space<vmem>>, vector<512x1xf32>
    %get3A_2 = arith.constant 0 : index
    %get3A_3 = arith.constant 0 : index
    %get3A_4 = vector.load %arg1[%get3A_2, %get3A_3] : memref<512x16xf32, #tpu.memory_space<vmem>>, vector<512x1xf32>
    %mul3A = arith.mulf %get3A_1, %get3A_4 : vector<512x1xf32>
    %get3A_5 = arith.constant 0 : index
    %get3A_6 = arith.constant 0 : index
    %get3A_7 = vector.load %arg3[%get3A_5, %get3A_6] : memref<1x1xf32, #tpu.memory_space<vmem>>, vector<1x1xf32>
    %add3A = vector.broadcast %get3A_7 : vector<1x1xf32> to vector<512x1xf32>
    %add3A_8 = arith.addf %mul3A, %add3A : vector<512x1xf32>
    %gt3A = arith.constant 0.000000e+00 : f32
    %gt3A_9 = vector.broadcast %gt3A : f32 to vector<512x1xf32>
    %gt3A_10 = arith.cmpf ogt, %add3A_8, %gt3A_9 : vector<512x1xf32>
    %jit3A = arith.constant 1.000000e+00 : f32
    %jit3A_11 = arith.constant 0.000000e+00 : f32
    %broadcast_in_dim3A = vector.broadcast %jit3A : f32 to vector<512x1xf32>
    %broadcast_in_dim3A_12 = vector.broadcast %jit3A_11 : f32 to vector<512x1xf32>
    %select_n3A = arith.select %gt3A_10, %broadcast_in_dim3A, %broadcast_in_dim3A_12 : vector<512x1xi1>, vector<512x1xf32>
    %swap3A = arith.constant 0 : index
    %swap3A_13 = arith.constant 0 : index
    %swap3A_14 = vector.load %arg4[%swap3A, %swap3A_13] : memref<512x1xf32, #tpu.memory_space<vmem>>, vector<512x1xf32>
    tpu.vector_store %arg4[%swap3A, %swap3A_13], %select_n3A {strides = array<i32>} : memref<512x1xf32, #tpu.memory_space<vmem>>, vector<512x1xf32>,
    return
  }
  func.func @transform_0(%arg0: i32) -> (i32, i32) {
    %c0_i32 = arith.constant 0 : i32
    %c0_i32_0 = arith.constant 0 : i32
    return %arg0, %c0_i32 : i32, i32
  }
  func.func @transform_1(%arg0: i32) -> (i32, i32) {
    %c0_i32 = arith.constant 0 : i32
    %c0_i32_0 = arith.constant 0 : i32
    return %arg0, %c0_i32 : i32, i32
  }
  func.func @transform_2(%arg0: i32) -> (i32, i32) {
    %c0_i32 = arith.constant 0 : i32
    %c0_i32_0 = arith.constant 0 : i32
    %c0_i32_1 = arith.constant 0 : i32
    return %c0_i32, %c0_i32_0 : i32, i32
  }
  func.func @transform_3(%arg0: i32) -> (i32, i32) {
    %c0_i32 = arith.constant 0 : i32
    %c0_i32_0 = arith.constant 0 : i32
    return %arg0, %c0_i32 : i32, i32
  }
}

</mosaic_0001>

<sc_bundles>
// kernel: _impl.11.cloned.1.call-start
scs
__scs_entry_jumppad:
0x0: {  	(pc) =	sbr.rel $0x88, $3  }
0x1: {  	(tag) =	ssettag $0x0;
	lr =	simm.s32 $0x1  }
0x2: {  	[smem:$0x3F9B] =	sst lr;
	_ =	strace $0xD0000000  }
0x3: {  	_ = 	snop  }
0x4: {  	_ = 	snop  }
0x5: {  	_ = 	snop  }
0x6: {  	_ = 	snop  }
0x7: {  	_ = 	snop  }
__scs_overlays_trampoline_lowered:
0x8: {  	[smem:$0x3FAA] =	sst s0  }
0x9: {  	[smem:$0x3FAB] =	sst s1  }
0xa: {  	[smem:$0x3FAC] =	sst s2  }
0xb: {  	[smem:$0x3FAD] =	sst s3  }
0xc: {  	[smem:$0x3FAE] =	sst s4  }
0xd: {  	[smem:$0x3FAF] =	sst s5  }
0xe: {  	[smem:$0x3FB0] =	sst s6  }
0xf: {  	[smem:$0x3FB1] =	sst s7  }
0x10: {  	[smem:$0x3FB2] =	sst s8  }
0x11: {  	[smem:$0x3FB3] =	sst s9;
	s0 =	simm.s32 @!p0 $0x0  }
0x12: {  	s1 =	sld [smem:$0x3F99];
	s0 =	simm.s32 @p0 $0x1  }
0x13: {  	[smem:$0x3FB4] =	sst s0;
	s0 =	simm.s32 @!p1 $0x0  }
0x14: {  	s2 =	sld [smem:$0x3F98];
	s0 =	simm.s32 @p1 $0x1  }
0x15: {  	[smem:$0x3FB5] =	sst s0;
	s0 =	simm.s32 @!p2 $0x0  }
0x16: {  	s3 =	sld [smem:$0x3FDB];
	s0 =	simm.s32 @p2 $0x1  }
0x17: {  	s4 =	simm.s32 $0x1BF5;
	[smem:$0x3FB7] =	sst s0  }
0x18: {  	s0 =	sld [smem:$0x3F9A];
	_ =	swait.ge [sflag:s4], $0x0  }
0x19: {  	s7 =	sld [smem:$0x3F9B]  }
0x1a: {  	s8 =	sadd.s32 $0xFFFFE003, lr  }
0x1b: {  	s9 =	sadd.s32 $0xFFFFFEF7, lr;
	s5 =	simm.s32 $0xFFFFFFFF;
	p2 =	slt.u32 s8, $0xFFFFF086  }
0x1c: {  	p1 =	slt.u32 s9, $0xF7A;
	s5 =	simm.s32 @!p2 $0x0  }
0x1d: {  	s5 =	simm.s32 @p1 $0x1;
	p0 =	seq.s32 s7, s2  }
0x1e: {  	s7 =	smul.u32 @!p0 $0xF7A, s2;
	p2 =	seq.s32 @!p0 s5, $0x0  }
0x1f: {  	s9 =	smul.u32 $0xF7A, s1;
	s8 =	simm.s32 @!p0 $0x1BF5;
	p2 =	por !p2, p0  }
0x20: {  	[sflag:s8] =	ssyncset.s32 @!p0 $0xFFFFF086;
	s6 =	sadd.s32 @!p0 s3, s7;
	s7 =	simm.s32 @!p0 $0x108  }
0x21: {  	s3 =	sadd.s32 s3, s9;
	s6 =	sadd.s32 @!p0 $0x88, s6;
	s7 =	simm.s32 @p2 $0x1082  }
0x22: {  	[simem:s7], [sflag:s8] =	dma.local @!p0 [hbm:s6], $0xF7A  }
0x23: {  	s9 =	sor.u32 $0xD0000000, s2;
	s6 =	simm.s32 $0x108;
	_ =	swait.ge @!p0 [sflag:s8], $0x0  }
0x24: {  	s3 =	sadd.s32 $0x88, s3;
	s6 =	simm.s32 @!p1 $0x1082;
	[sflag:s4] =	ssyncset.s32 $0xFFFFF086  }
0x25: {  	[simem:s6], [sflag:s4] =	dma.local [hbm:s3], $0xF7A  }
0x26: {  	[smem:$0x3F9B] =	sst s1;
	(tag) =	ssettag s2;
	_ =	strace s9  }
0x27: {  	s1 =	sld [smem:$0x3FAB]  }
0x28: {  	s2 =	sld [smem:$0x3FAC]  }
0x29: {  	s4 =	sld [smem:$0x3FAE]  }
0x2a: {  	p0 =	seq.s32 s5, $0x0;
	s5 =	sld [smem:$0x3FAF]  }
0x2b: {  	s6 =	sld [smem:$0x3FB0]  }
0x2c: {  	s7 =	sld [smem:$0x3FB1]  }
0x2d: {  	s3 =	simm.s32 $0x108;
	s8 =	sld [smem:$0x3FB2]  }
0x2e: {  	s3 =	simm.s32 @!p0 $0x1082;
	s9 =	sld [smem:$0x3FB3]  }
0x2f: {  	lr =	sadd.s32 s0, s3;
	s0 =	sld [smem:$0x3FAA]  }
0x30: {  	s3 =	sld [smem:$0x3FAD]  }
0x31: {  	[smem:$0x3FB6] =	sst s10  }
0x32: {  	s10 =	sld [smem:$0x3FB4];
	_ =	sdelay $0x3  }
0x33: {  	p0 =	seq.s32 s10, $0x1;
	s10 =	sld [smem:$0x3FB6];
	_ =	sdelay $0x3  }
0x34: {  	[smem:$0x3FB6] =	sst s10  }
0x35: {  	s10 =	sld [smem:$0x3FB5];
	_ =	sdelay $0x3  }
0x36: {  	p1 =	seq.s32 s10, $0x1;
	s10 =	sld [smem:$0x3FB6];
	_ =	sdelay $0x3  }
0x37: {  	[smem:$0x3FB6] =	sst s10  }
0x38: {  	s10 =	sld [smem:$0x3FB7]  }
0x39: {  	_ = 	snop;
	(pc) =	sbr.ind lr, $3  }
0x3a: {  	_ = 	snop  }
0x3b: {  	_ = 	snop  }
0x3c: {  	p2 =	seq.s32 s10, $0x1;
	s10 =	sld [smem:$0x3FB6]  }
0x3d: {  	_ =	shalt  }
0x3e: {  	_ =	shalt  }
0x3f: {  	_ =	shalt  }
0x40: {  	_ =	shalt  }
0x41: {  	_ =	shalt  }
0x42: {  	_ =	shalt  }
0x43: {  	_ =	shalt  }
0x44: {  	_ =	shalt  }
0x45: {  	_ =	shalt  }
0x46: {  	_ =	shalt  }
0x47: {  	_ =	shalt  }
0x48: {  	_ =	shalt  }
0x49: {  	_ =	shalt  }
0x4a: {  	_ =	shalt  }
0x4b: {  	_ =	shalt  }
0x4c: {  	_ =	shalt  }
0x4d: {  	_ =	shalt  }
0x4e: {  	_ =	shalt  }
0x4f: {  	_ =	shalt  }
0x50: {  	_ =	shalt  }
0x51: {  	_ =	shalt  }
0x52: {  	_ =	shalt  }
0x53: {  	_ =	shalt  }
0x54: {  	_ =	shalt  }
0x55: {  	_ =	shalt  }
0x56: {  	_ =	shalt  }
0x57: {  	_ =	shalt  }
0x58: {  	_ =	shalt  }
0x59: {  	_ =	shalt  }
0x5a: {  	_ =	shalt  }
0x5b: {  	_ =	shalt  }
0x5c: {  	_ =	shalt  }
0x5d: {  	_ =	shalt  }
0x5e: {  	_ =	shalt  }
0x5f: {  	_ =	shalt  }
0x60: {  	_ =	shalt  }
0x61: {  	_ =	shalt  }
0x62: {  	_ =	shalt  }
0x63: {  	_ =	shalt  }
0x64: {  	_ =	shalt  }
0x65: {  	_ =	shalt  }
0x66: {  	_ =	shalt  }
0x67: {  	_ =	shalt  }
0x68: {  	_ =	shalt  }
0x69: {  	_ =	shalt  }
0x6a: {  	_ =	shalt  }
0x6b: {  	_ =	shalt  }
0x6c: {  	_ =	shalt  }
0x6d: {  	_ =	shalt  }
0x6e: {  	_ =	shalt  }
0x6f: {  	_ =	shalt  }
0x70: {  	_ =	shalt  }
0x71: {  	_ =	shalt  }
0x72: {  	_ =	shalt  }
0x73: {  	_ =	shalt  }
0x74: {  	_ =	shalt  }
0x75: {  	_ =	shalt  }
0x76: {  	_ =	shalt  }
0x77: {  	_ =	shalt  }
0x78: {  	_ =	shalt  }
0x79: {  	_ =	shalt  }
0x7a: {  	_ =	shalt  }
0x7b: {  	_ =	shalt  }
0x7c: {  	_ =	shalt  }
0x7d: {  	_ =	shalt  }
0x7e: {  	_ =	shalt  }
0x7f: {  	_ =	shalt  }
0x80: {  	_ =	shalt  }
0x81: {  	_ =	shalt  }
0x82: {  	_ =	shalt  }
0x83: {  	_ =	shalt  }
0x84: {  	_ =	shalt  }
0x85: {  	_ =	shalt  }
0x86: {  	_ =	shalt  }
0x87: {  	_ =	shalt  }
.Lfunc_end0:
.L_simem_size_0:
called_computation.6_lowered:
.L_overlay_start_0:
0x88: {  	s2 =	sld [smem:$0x3FD9]  }
0x89: {  	s3 =	sld [smem:$0x3FFE];
	_ =	sdelay $0x1  }
0x8a: {  	s1 =	srdreg.scid  }
0x8b: {  	s0 =	sand.u32 $0x1, s1  }
0x8c: {  	s16 =	sshll.u32 s0, $0xA;
	s2 =	sadd.s32 s3, s2  }
0x8d: {  	s2 =	sadd.s32 s2, s16  }
0x8e: {  	[smem:$0x3FC2] =	sst s2  }
0x8f: {  	_ = 	snop  }
0x90: {  	(tm) =	ssettm $0x1  }
0x91: {  	s17 =	sld [smem:$0x3FFB];
	_ =	sdelay $0x3  }
0x92: {  	_ =	strace s17  }
0x93: {  	s2 =	sld [smem:$0x3FFC];
	_ =	sdelay $0x3  }
0x94: {  	_ =	strace s2  }
0x95: {  	s2 =	sld [smem:$0x3FFD];
	_ =	sdelay $0x3  }
0x96: {  	_ =	strace s2  }
0x97: {  	_ =	strace $0x8FFFFFFF  }
0x98: {  	s18 =	sld [smem:$0x3FDB];
	_ =	sdelay $0x1  }
0x99: {  	s19 =	simm.s32 $_scs_section_size  }
0x9a: {  	s4 =	simm.s32 $_size__tile_overlayer_lowered;
	s5 =	simm.s32 $_tile_overlayer_lowered  }
0x9b: {  	s22 =	simm.s32 $0x1BFF;
	s21 =	sshll.u32 s5, $0x1;
	s2 =	sadd.s32 s19, s18  }
0x9c: {  	s6 =	simm.s32 $0x0;
	s20 =	sshll.u32 s4, $0x1;
	s4 =	sadd.s32 s21, s2  }
0x9d: {  	[timem:s6], [sflag:s22] =	dma.local [hbm:s4], s20  }
0x9e: {  	_ =	swait.ge [sflag:s22], s20  }
0x9f: {  	s3 =	ssub.s32 $0x0, s20;
	[sflag:s22] =	ssyncset.done $0x0  }
0xa0: {  	[sflag:s22] =	ssyncadd.s32 s3;
	_ =	sdelay $0x1  }
0xa1: {  	s23 =	simm.s32 $0x1B8B  }
0xa2: {  	_ =	swait.ge [sflag:s23], $0x1  }
0xa3: {  	[sflag:s23] =	ssyncset.done $0x0  }
0xa4: {  	s25 =	simm.s32 $0x1B8E;
	s24 =	sld [smem:$0x3FFE];
	[sflag:s23] =	ssyncadd.s32 $0xFFFFFFFF  }
0xa5: {  	s26 =	simm.s32 $execute0_lowered;
	[smem:$0x3FD2] =	sst s25  }
0xa6: {  	s4 =	sshll.u32 s26, $0x1;
	_ =	strace $0x80000058;
	[dreg:$0x1] =	wrdreg $0xFFFFFFFF  }
0xa7: {  	s28 =	simm.s32 $_size_execute0_lowered;
	s2 =	sadd.s32 s2, s4;
	[dreg:$0x0] =	wrdreg $0x0  }
0xa8: {  	s4 =	sshll.u32 s28, $0x1;
	[dreg:$0x2] =	wrdreg s2  }
0xa9: {  	[dreg:$0x3] =	wrdreg s4  }
0xaa: {  	[dreg:$0x4] =	wrdreg $0xC0  }
0xab: {  	_ =	task [dreg:s6], $0x5FFFF  }
0xac: {  	[dreg:$0x1] =	wrdreg $0xFFFFFFFF  }
0xad: {  	[dreg:$0x0] =	wrdreg $0x60  }
0xae: {  	[dreg:$0x2] =	wrdreg s24  }
0xaf: {  	[dreg:$0x3] =	wrdreg $0x9  }
0xb0: {  	_ =	task.clear_ibuf [dreg:s6], $0x4FFFF;
	_ =	strace $0x90000058  }
0xb1: {  	s29 =	simm.s32 $0x9;
	_ =	strace $0x8000005A  }
0xb2: {  	_ =	swait.ge [sflag:s29], $0x1  }
0xb3: {  	[sflag:s29] =	ssyncadd.s32 $0xFFFFFFFF  }
0xb4: {  	_ =	strace $0x9000005A  }
0xb5: {  	_ =	sfence  }
0xb6: {  	s30 =	sld [smem:$0x0];
	_ =	sdelay $0x2  }
0xb7: {  	s31 =	sshll.u32 s1, $0xD;
	s1 =	sshrl.u32 s1, $0x2  }
0xb8: {  	s3 =	sand.u32 $0x4000, s31;
	s1 =	sadd.s32 s1, s30  }
0xb9: {  	s0 =	sor.u32 s3, s0;
	s1 =	sshll.u32 s1, $0x11  }
0xba: {  	s0 =	sor.u32 s1, s0  }
0xbb: {  	s0 =	sadd.s32 $0x8F2B, s0  }
0xbc: {  	[sflag:s0] =	ssyncadd.remote.s32 $0x1  }
0xbd: {  	_ =	sfence.sel $0xFFFF  }
0xbe: {  	[dreg:$0x0] =	wrdreg $0xFFFFFFFF;
	(pc) =	sbr.abs _section_cstart, $3  }
0xbf: {  	[dreg:$0x1] =	wrdreg $0xFFFFFFFF  }
0xc0: {  	_ =	task.clear_ibuf [dreg:s6], $0x2FFFF;
	_ =	strace $0x9FFFFFFF  }
0xc1: {  	(tm) =	ssettm $0x7FFFFFFF  }
tec
execute0_lowered:
.L_overlay_start_1:
0x0: {  	(tag) =	ssettag $0x1  }
0x1: {  	s0 =	rddreg [dreg:$0x0]  }
0x2: {  	s1 =	simm.s32 $0x0;
	s24 =	srdreg.scid;
	s2 =	stileid.u32  }
0x3: {  	s9 =	simm.s32 $0x2;
	s21 =	simm.s32 $0x5900;
	s22 =	simm.s32 $0x6100  }
0x4: {  	s23 =	simm.s32 $0x6900;
	s28 =	simm.s32 $0x8900;
	s29 =	simm.s32 $0x9100  }
0x5: {  	s30 =	simm.s32 $0x9900;
	s31 =	simm.s32 $0xA100;
	s8 =	simm.s32 $0xB900  }
0x6: {  	s10 =	simm.s32 $0xC900;
	s11 =	simm.s32 $0xD100;
	s12 =	simm.s32 $0xD900  }
0x7: {  	s13 =	simm.s32 $0x1;
	s14 =	simm.s32 $0xE100;
	s16 =	simm.s32 $0x0  }
0x8: {  	[smem:$0x7FF] =	sst s1;
	s1 =	sand.u32 $0x1, s24;
	s2 =	sshll.u32 s2, $0x1  }
0x9: {  	s3 =	sadd.s32 $0xB200, s0;
	s4 =	sadd.s32 $0x2600, s0;
	s6 =	sadd.s32 $0x14F200, s0  }
0xa: {  	s24 =	simm.s32 $0x7100;
	s7 =	ssub.s32 $0x2, s1;
	s1 =	sor.u32 s1, s2  }
0xb: {  	v2 =	vlaneseq.u32;
	_ =	strace $0x80000059;
	s25 =	sshrl.u32 s7, $0x1;
	s5 =	smul.u32 $0x28, s1  }
0xc: {  	v0 =	vand.u32 $0x7, v2;
	s2 =	simm.s32 $0xC100;
	s26 =	ssub.s32 s7, s25;
	s7 =	smul.u32 $0x50000, s1  }
0xd: {  	v1 =	vshrl.u32 v2, $0x3;
	[tilespmem:$0x1FFE0] =	vst v0;
	v0 =	vor.u32 $0x8, v2;
	s25 =	simm.s32 $0x7900;
	s1 =	simm.s32 $0xB100;
	s0 =	smax.u32 s26, $0x1  }
0xe: {  	vm0 =	vmmov $0xffff;
	v1 =	vmul.u32 $0x8, v1;
	[tilespmem:$0x1FFF0] =	vst v0;
	s26 =	simm.s32 $0x8100;
	[dreg:$0x2] =	wrdreg s0;
	s0 =	simm.s32 $0xA900  }
.LBB2_1:
0xf: {  	[dreg:$0x3] =	wrdreg s16;
	s15 =	simm.s32 $0x0  }
.LBB2_2:
0x10: {  	s16 =	sadd.s32 s5, s15  }
0x11: {  	s16 =	smul.u32 $0x1C, s16;
	_ =	sdelay $0x1  }
0x12: {  	s17 =	sadd.s32 s4, s16;
	s16 =	simm.s32 $0x0  }
0x13: {  	[tilespmem:s16], [sflag:$0x2] =	stream.linear.gather [hbm4b:s17+s16], $0xE0, $0x38;
	[tilespmem:$0x10100] =	vst v63  }
0x14: {  	_ =	swait.ge [sflag:s9], $0xE0  }
0x15: {  	[sflag:s9] =	ssyncset.done $0x0  }
0x16: {  	[sflag:s9] =	ssyncadd.s32 $0xFFFFFF20  }
0x17: {  	v3 =	vld [tilespmem:$0x0];
	_ =	sdelay $0x2  }
0x18: {  	v0 =	vld [tilespmem:$0x1FFE0];
	_ =	sdelay $0x1  }
0x19: {  	v2 =	vld [tilespmem:$0x1FFF0];
	v4 =	vshll.u32 v3, $0x1  }
0x1a: {  	v3 =	vand.u32 $0x7, v3;
	v4 =	vand.u32 $0xFFFFFFF0, v4  }
0x1b: {  	v3 =	vor.u32 v3, v4  }
0x1c: {  	v4 =	vperm.xlane v3, v0;
	_ =	sdelay $0x1  }
0x1d: {  	v3 =	vperm.xlane v3, v2;
	v4 =	vadd.s32 v1, v4;
	_ =	sdelay $0x1  }
0x1e: {  	v3 =	vadd.s32 v1, v3;
	_ =	sdelay $0x1  }
0x1f: {  	s18 =	simm.s32 $0x100  }
0x20: {  	[tilespmem:s18], [sflag:$0x1] =	stream.indirect_vreg.gather [hbm4b:s3+s16], $0x80, v4, vm0, $0xb8;
	[tilespmem:$0x10100] =	vst v63  }
0x21: {  	s19 =	simm.s32 $0x900  }
0x22: {  	[tilespmem:s19], [sflag:$0x1] =	stream.indirect_vreg.gather [hbm4b:s3+s16], $0x80, v3, vm0, $0xb8;
	[tilespmem:$0x10100] =	vst v63  }
0x23: {  	v3 =	vld [tilespmem:$0x10];
	_ =	sdelay $0x4  }
0x24: {  	v4 =	vshll.u32 v3, $0x1  }
0x25: {  	v3 =	vand.u32 $0x7, v3;
	v4 =	vand.u32 $0xFFFFFFF0, v4  }
0x26: {  	v3 =	vor.u32 v3, v4  }
0x27: {  	v4 =	vperm.xlane v3, v0;
	_ =	sdelay $0x1  }
0x28: {  	v3 =	vperm.xlane v3, v2;
	v4 =	vadd.s32 v1, v4;
	_ =	sdelay $0x1  }
0x29: {  	v3 =	vadd.s32 v1, v3;
	_ =	sdelay $0x1  }
0x2a: {  	s20 =	simm.s32 $0x1100  }
0x2b: {  	[tilespmem:s20], [sflag:$0x1] =	stream.indirect_vreg.gather [hbm4b:s3+s16], $0x80, v4, vm0, $0xb8;
	[tilespmem:$0x10100] =	vst v63  }
0x2c: {  	s18 =	simm.s32 $0x1900  }
0x2d: {  	[tilespmem:s18], [sflag:$0x1] =	stream.indirect_vreg.gather [hbm4b:s3+s16], $0x80, v3, vm0, $0xb8;
	[tilespmem:$0x10100] =	vst v63  }
0x2e: {  	v3 =	vld [tilespmem:$0x20];
	_ =	sdelay $0x4  }
0x2f: {  	v4 =	vshll.u32 v3, $0x1  }
0x30: {  	v3 =	vand.u32 $0x7, v3;
	v4 =	vand.u32 $0xFFFFFFF0, v4  }
0x31: {  	v3 =	vor.u32 v3, v4  }
0x32: {  	v4 =	vperm.xlane v3, v0;
	_ =	sdelay $0x1  }
0x33: {  	v3 =	vperm.xlane v3, v2;
	v4 =	vadd.s32 v1, v4;
	_ =	sdelay $0x1  }
0x34: {  	v3 =	vadd.s32 v1, v3;
	_ =	sdelay $0x1  }
0x35: {  	s19 =	simm.s32 $0x2100  }
0x36: {  	[tilespmem:s19], [sflag:$0x1] =	stream.indirect_vreg.gather [hbm4b:s3+s16], $0x80, v4, vm0, $0xb8;
	[tilespmem:$0x10100] =	vst v63  }
0x37: {  	s20 =	simm.s32 $0x2900  }
0x38: {  	[tilespmem:s20], [sflag:$0x1] =	stream.indirect_vreg.gather [hbm4b:s3+s16], $0x80, v3, vm0, $0xb8;
	[tilespmem:$0x10100] =	vst v63  }
0x39: {  	v3 =	vld [tilespmem:$0x30];
	_ =	sdelay $0x4  }
0x3a: {  	v4 =	vshll.u32 v3, $0x1  }
0x3b: {  	v3 =	vand.u32 $0x7, v3;
	v4 =	vand.u32 $0xFFFFFFF0, v4  }
0x3c: {  	v3 =	vor.u32 v3, v4  }
0x3d: {  	v4 =	vperm.xlane v3, v0;
	_ =	sdelay $0x1  }
0x3e: {  	v3 =	vperm.xlane v3, v2;
	v4 =	vadd.s32 v1, v4;
	_ =	sdelay $0x1  }
0x3f: {  	v3 =	vadd.s32 v1, v3;
	_ =	sdelay $0x1  }
0x40: {  	s18 =	simm.s32 $0x3100  }
0x41: {  	[tilespmem:s18], [sflag:$0x1] =	stream.indirect_vreg.gather [hbm4b:s3+s16], $0x80, v4, vm0, $0xb8;
	[tilespmem:$0x10100] =	vst v63  }
0x42: {  	s19 =	simm.s32 $0x3900  }
0x43: {  	[tilespmem:s19], [sflag:$0x1] =	stream.indirect_vreg.gather [hbm4b:s3+s16], $0x80, v3, vm0, $0xb8;
	[tilespmem:$0x10100] =	vst v63  }
0x44: {  	v3 =	vld [tilespmem:$0x40];
	_ =	sdelay $0x4  }
0x45: {  	v4 =	vshll.u32 v3, $0x1  }
0x46: {  	v3 =	vand.u32 $0x7, v3;
	v4 =	vand.u32 $0xFFFFFFF0, v4  }
0x47: {  	v3 =	vor.u32 v3, v4  }
0x48: {  	v4 =	vperm.xlane v3, v0;
	_ =	sdelay $0x1  }
0x49: {  	v3 =	vperm.xlane v3, v2;
	v4 =	vadd.s32 v1, v4;
	_ =	sdelay $0x1  }
0x4a: {  	v3 =	vadd.s32 v1, v3;
	_ =	sdelay $0x1  }
0x4b: {  	s20 =	simm.s32 $0x4100  }
0x4c: {  	[tilespmem:s20], [sflag:$0x1] =	stream.indirect_vreg.gather [hbm4b:s3+s16], $0x80, v4, vm0, $0xb8;
	[tilespmem:$0x10100] =	vst v63  }
0x4d: {  	s18 =	simm.s32 $0x4900  }
0x4e: {  	[tilespmem:s18], [sflag:$0x1] =	stream.indirect_vreg.gather [hbm4b:s3+s16], $0x80, v3, vm0, $0xb8;
	[tilespmem:$0x10100] =	vst v63  }
0x4f: {  	v3 =	vld [tilespmem:$0x50];
	_ =	sdelay $0x4  }
0x50: {  	v4 =	vshll.u32 v3, $0x1  }
0x51: {  	v3 =	vand.u32 $0x7, v3;
	v4 =	vand.u32 $0xFFFFFFF0, v4  }
0x52: {  	v3 =	vor.u32 v3, v4  }
0x53: {  	v4 =	vperm.xlane v3, v0;
	_ =	sdelay $0x1  }
0x54: {  	v3 =	vperm.xlane v3, v2;
	v4 =	vadd.s32 v1, v4;
	_ =	sdelay $0x1  }
0x55: {  	v3 =	vadd.s32 v1, v3;
	_ =	sdelay $0x1  }
0x56: {  	s19 =	simm.s32 $0x5100  }
0x57: {  	[tilespmem:s19], [sflag:$0x1] =	stream.indirect_vreg.gather [hbm4b:s3+s16], $0x80, v4, vm0, $0xb8;
	[tilespmem:$0x10100] =	vst v63  }
0x58: {  	_ = 	snop  }
0x59: {  	[tilespmem:s21], [sflag:$0x1] =	stream.indirect_vreg.gather [hbm4b:s3+s16], $0x80, v3, vm0, $0xb8;
	[tilespmem:$0x10100] =	vst v63  }
0x5a: {  	v3 =	vld [tilespmem:$0x60];
	_ =	sdelay $0x4  }
0x5b: {  	v4 =	vshll.u32 v3, $0x1  }
0x5c: {  	v3 =	vand.u32 $0x7, v3;
	v4 =	vand.u32 $0xFFFFFFF0, v4  }
0x5d: {  	v3 =	vor.u32 v3, v4  }
0x5e: {  	v4 =	vperm.xlane v3, v0;
	_ =	sdelay $0x1  }
0x5f: {  	v3 =	vperm.xlane v3, v2;
	v4 =	vadd.s32 v1, v4;
	_ =	sdelay $0x1  }
0x60: {  	v3 =	vadd.s32 v1, v3;
	_ =	sdelay $0x2  }
0x61: {  	[tilespmem:s22], [sflag:$0x1] =	stream.indirect_vreg.gather [hbm4b:s3+s16], $0x80, v4, vm0, $0xb8;
	[tilespmem:$0x10100] =	vst v63  }
0x62: {  	_ = 	snop  }
0x63: {  	[tilespmem:s23], [sflag:$0x1] =	stream.indirect_vreg.gather [hbm4b:s3+s16], $0x80, v3, vm0, $0xb8;
	[tilespmem:$0x10100] =	vst v63  }
0x64: {  	v3 =	vld [tilespmem:$0x70];
	_ =	sdelay $0x4  }
0x65: {  	v4 =	vshll.u32 v3, $0x1  }
0x66: {  	v3 =	vand.u32 $0x7, v3;
	v4 =	vand.u32 $0xFFFFFFF0, v4  }
0x67: {  	v3 =	vor.u32 v3, v4  }
0x68: {  	v4 =	vperm.xlane v3, v0;
	_ =	sdelay $0x1  }
0x69: {  	v3 =	vperm.xlane v3, v2;
	v4 =	vadd.s32 v1, v4;
	_ =	sdelay $0x1  }
0x6a: {  	v3 =	vadd.s32 v1, v3;
	_ =	sdelay $0x2  }
0x6b: {  	[tilespmem:s24], [sflag:$0x1] =	stream.indirect_vreg.gather [hbm4b:s3+s16], $0x80, v4, vm0, $0xb8;
	[tilespmem:$0x10100] =	vst v63  }
0x6c: {  	_ = 	snop  }
0x6d: {  	[tilespmem:s25], [sflag:$0x1] =	stream.indirect_vreg.gather [hbm4b:s3+s16], $0x80, v3, vm0, $0xb8;
	[tilespmem:$0x10100] =	vst v63  }
0x6e: {  	v3 =	vld [tilespmem:$0x80];
	_ =	sdelay $0x4  }
0x6f: {  	v4 =	vshll.u32 v3, $0x1  }
0x70: {  	v3 =	vand.u32 $0x7, v3;
	v4 =	vand.u32 $0xFFFFFFF0, v4  }
0x71: {  	v3 =	vor.u32 v3, v4  }
0x72: {  	v4 =	vperm.xlane v3, v0;
	_ =	sdelay $0x1  }
0x73: {  	v3 =	vperm.xlane v3, v2;
	v4 =	vadd.s32 v1, v4;
	_ =	sdelay $0x1  }
0x74: {  	v3 =	vadd.s32 v1, v3;
	_ =	sdelay $0x2  }
0x75: {  	[tilespmem:s26], [sflag:$0x1] =	stream.indirect_vreg.gather [hbm4b:s3+s16], $0x80, v4, vm0, $0xb8;
	[tilespmem:$0x10100] =	vst v63  }
0x76: {  	_ = 	snop  }
0x77: {  	[tilespmem:s28], [sflag:$0x1] =	stream.indirect_vreg.gather [hbm4b:s3+s16], $0x80, v3, vm0, $0xb8;
	[tilespmem:$0x10100] =	vst v63  }
0x78: {  	v3 =	vld [tilespmem:$0x90];
	_ =	sdelay $0x4  }
0x79: {  	v4 =	vshll.u32 v3, $0x1  }
0x7a: {  	v3 =	vand.u32 $0x7, v3;
	v4 =	vand.u32 $0xFFFFFFF0, v4  }
0x7b: {  	v3 =	vor.u32 v3, v4  }
0x7c: {  	v4 =	vperm.xlane v3, v0;
	_ =	sdelay $0x1  }
0x7d: {  	v3 =	vperm.xlane v3, v2;
	v4 =	vadd.s32 v1, v4;
	_ =	sdelay $0x1  }
0x7e: {  	v3 =	vadd.s32 v1, v3;
	_ =	sdelay $0x2  }
0x7f: {  	[tilespmem:s29], [sflag:$0x1] =	stream.indirect_vreg.gather [hbm4b:s3+s16], $0x80, v4, vm0, $0xb8;
	[tilespmem:$0x10100] =	vst v63  }
0x80: {  	_ = 	snop  }
0x81: {  	[tilespmem:s30], [sflag:$0x1] =	stream.indirect_vreg.gather [hbm4b:s3+s16], $0x80, v3, vm0, $0xb8;
	[tilespmem:$0x10100] =	vst v63  }
0x82: {  	v3 =	vld [tilespmem:$0xA0];
	_ =	sdelay $0x4  }
0x83: {  	v4 =	vshll.u32 v3, $0x1  }
0x84: {  	v3 =	vand.u32 $0x7, v3;
	v4 =	vand.u32 $0xFFFFFFF0, v4  }
0x85: {  	v3 =	vor.u32 v3, v4  }
0x86: {  	v4 =	vperm.xlane v3, v0;
	_ =	sdelay $0x1  }
0x87: {  	v3 =	vperm.xlane v3, v2;
	v4 =	vadd.s32 v1, v4;
	_ =	sdelay $0x1  }
0x88: {  	v3 =	vadd.s32 v1, v3;
	_ =	sdelay $0x2  }
0x89: {  	[tilespmem:s31], [sflag:$0x1] =	stream.indirect_vreg.gather [hbm4b:s3+s16], $0x80, v4, vm0, $0xb8;
	[tilespmem:$0x10100] =	vst v63  }
0x8a: {  	_ = 	snop  }
0x8b: {  	[tilespmem:s0], [sflag:$0x1] =	stream.indirect_vreg.gather [hbm4b:s3+s16], $0x80, v3, vm0, $0xb8;
	[tilespmem:$0x10100] =	vst v63  }
0x8c: {  	v3 =	vld [tilespmem:$0xB0];
	_ =	sdelay $0x4  }
0x8d: {  	v4 =	vshll.u32 v3, $0x1  }
0x8e: {  	v3 =	vand.u32 $0x7, v3;
	v4 =	vand.u32 $0xFFFFFFF0, v4  }
0x8f: {  	v3 =	vor.u32 v3, v4  }
0x90: {  	v4 =	vperm.xlane v3, v0;
	_ =	sdelay $0x1  }
0x91: {  	v3 =	vperm.xlane v3, v2;
	v4 =	vadd.s32 v1, v4;
	_ =	sdelay $0x1  }
0x92: {  	v3 =	vadd.s32 v1, v3;
	_ =	sdelay $0x2  }
0x93: {  	[tilespmem:s1], [sflag:$0x1] =	stream.indirect_vreg.gather [hbm4b:s3+s16], $0x80, v4, vm0, $0xb8;
	[tilespmem:$0x10100] =	vst v63  }
0x94: {  	_ = 	snop  }
0x95: {  	[tilespmem:s8], [sflag:$0x1] =	stream.indirect_vreg.gather [hbm4b:s3+s16], $0x80, v3, vm0, $0xb8;
	[tilespmem:$0x10100] =	vst v63  }
0x96: {  	v3 =	vld [tilespmem:$0xC0];
	_ =	sdelay $0x4  }
0x97: {  	v4 =	vshll.u32 v3, $0x1  }
0x98: {  	v3 =	vand.u32 $0x7, v3;
	v4 =	vand.u32 $0xFFFFFFF0, v4  }
0x99: {  	v3 =	vor.u32 v3, v4  }
0x9a: {  	v4 =	vperm.xlane v3, v0;
	_ =	sdelay $0x1  }
0x9b: {  	v3 =	vperm.xlane v3, v2;
	v4 =	vadd.s32 v1, v4;
	_ =	sdelay $0x1  }
0x9c: {  	v3 =	vadd.s32 v1, v3;
	_ =	sdelay $0x2  }
0x9d: {  	[tilespmem:s2], [sflag:$0x1] =	stream.indirect_vreg.gather [hbm4b:s3+s16], $0x80, v4, vm0, $0xb8;
	[tilespmem:$0x10100] =	vst v63  }
0x9e: {  	_ = 	snop  }
0x9f: {  	[tilespmem:s10], [sflag:$0x1] =	stream.indirect_vreg.gather [hbm4b:s3+s16], $0x80, v3, vm0, $0xb8;
	[tilespmem:$0x10100] =	vst v63  }
0xa0: {  	v3 =	vld [tilespmem:$0xD0];
	_ =	sdelay $0x4  }
0xa1: {  	v4 =	vshll.u32 v3, $0x1  }
0xa2: {  	v3 =	vand.u32 $0x7, v3;
	v4 =	vand.u32 $0xFFFFFFF0, v4  }
0xa3: {  	v3 =	vor.u32 v3, v4  }
0xa4: {  	v4 =	vperm.xlane v3, v0;
	_ =	sdelay $0x1  }
0xa5: {  	v3 =	vperm.xlane v3, v2;
	v4 =	vadd.s32 v1, v4;
	_ =	sdelay $0x1  }
0xa6: {  	v3 =	vadd.s32 v1, v3;
	_ =	sdelay $0x2  }
0xa7: {  	[tilespmem:s11], [sflag:$0x1] =	stream.indirect_vreg.gather [hbm4b:s3+s16], $0x80, v4, vm0, $0xb8;
	[tilespmem:$0x10100] =	vst v63  }
0xa8: {  	_ = 	snop  }
0xa9: {  	[tilespmem:s12], [sflag:$0x1] =	stream.indirect_vreg.gather [hbm4b:s3+s16], $0x80, v3, vm0, $0xb8;
	[tilespmem:$0x10100] =	vst v63  }
0xaa: {  	_ =	swait.ge [sflag:s13], $0xE000  }
0xab: {  	s20 =	sand.u32 $0x1800, s16;
	s16 =	sand.u32 $0x380, s16;
	[sflag:s13] =	ssyncset.done $0x0  }
0xac: {  	s16 =	sor.u32 s16, s20;
	[sflag:s13] =	ssyncadd.s32 $0xFFFF2000  }
0xad: {  	v3 =	vld [tilespmem:s16+$0x570]  }
0xae: {  	v4 =	vld [tilespmem:s16+$0x2570]  }
0xaf: {  	v0 =	vld [tilespmem:s16+$0x100]  }
0xb0: {  	v6 =	vld [tilespmem:s16+$0x4570]  }
0xb1: {  	v7 =	vld [tilespmem:s16+$0x2100]  }
0xb2: {  	v8 =	vld [tilespmem:s16+$0x6570]  }
0xb3: {  	v9 =	vld [tilespmem:s16+$0x110]  }
0xb4: {  	v10 =	vld [tilespmem:s16+$0x2110]  }
0xb5: {  	v11 =	vld [tilespmem:s16+$0x120]  }
0xb6: {  	v12 =	vld [tilespmem:s16+$0x2120]  }
0xb7: {  	v13 =	vld [tilespmem:s16+$0x2130]  }
0xb8: {  	v14 =	vld [tilespmem:s16+$0x2140]  }
0xb9: {  	v15 =	vld [tilespmem:s16+$0x2150]  }
0xba: {  	v16 =	vld [tilespmem:s16+$0x2160]  }
0xbb: {  	v17 =	vld [tilespmem:s16+$0x170]  }
0xbc: {  	v18 =	vld [tilespmem:s16+$0x2170]  }
0xbd: {  	v19 =	vld [tilespmem:s16+$0x500]  }
0xbe: {  	v20 =	vld [tilespmem:s16+$0x2500]  }
0xbf: {  	v21 =	vld [tilespmem:s16+$0x510]  }
0xc0: {  	v22 =	vld [tilespmem:s16+$0x2510]  }
0xc1: {  	v23 =	vld [tilespmem:s16+$0x520]  }
0xc2: {  	v24 =	vld [tilespmem:s16+$0x2520]  }
0xc3: {  	v25 =	vld [tilespmem:s16+$0x530]  }
0xc4: {  	v26 =	vld [tilespmem:s16+$0x2530]  }
0xc5: {  	v27 =	vld [tilespmem:s16+$0x540]  }
0xc6: {  	v28 =	vld [tilespmem:s16+$0x2540]  }
0xc7: {  	v29 =	vld [tilespmem:s16+$0x550]  }
0xc8: {  	v30 =	vld [tilespmem:s16+$0x2550]  }
0xc9: {  	v31 =	vld [tilespmem:s16+$0x560]  }
0xca: {  	v32 =	vld [tilespmem:s16+$0x2560]  }
0xcb: {  	v33 =	vld [tilespmem:s16+$0x4100]  }
0xcc: {  	v34 =	vld [tilespmem:s16+$0x4110]  }
0xcd: {  	v35 =	vld [tilespmem:s16+$0x4120]  }
0xce: {  	v36 =	vld [tilespmem:s16+$0x4130]  }
0xcf: {  	v37 =	vld [tilespmem:s16+$0x4140]  }
0xd0: {  	v38 =	vld [tilespmem:s16+$0x4150]  }
0xd1: {  	v39 =	vld [tilespmem:s16+$0x4160]  }
0xd2: {  	v40 =	vld [tilespmem:s16+$0x4170]  }
0xd3: {  	v41 =	vld [tilespmem:s16+$0x4500]  }
0xd4: {  	v42 =	vld [tilespmem:s16+$0x4510]  }
0xd5: {  	v43 =	vld [tilespmem:s16+$0x4520]  }
0xd6: {  	v44 =	vld [tilespmem:s16+$0x4530]  }
0xd7: {  	v45 =	vld [tilespmem:s16+$0x4540]  }
0xd8: {  	v46 =	vld [tilespmem:s16+$0x4550]  }
0xd9: {  	v47 =	vld [tilespmem:s16+$0x4560]  }
0xda: {  	v48 =	vld [tilespmem:s16+$0x6100]  }
0xdb: {  	v5 =	vld [tilespmem:s16+$0x8130]  }
0xdc: {  	v49 =	vld [tilespmem:s16+$0x6110]  }
0xdd: {  	v50 =	vld [tilespmem:s16+$0x6120]  }
0xde: {  	v51 =	vld [tilespmem:s16+$0x6130]  }
0xdf: {  	v52 =	vld [tilespmem:s16+$0x6140]  }
0xe0: {  	[tilespmem:$0x1FF70] =	vst v5;
	v5 =	vld [tilespmem:s16+$0x8140]  }
0xe1: {  	v53 =	vld [tilespmem:s16+$0x6150]  }
0xe2: {  	v54 =	vld [tilespmem:s16+$0x6160]  }
0xe3: {  	v55 =	vld [tilespmem:s16+$0x6170]  }
0xe4: {  	v56 =	vld [tilespmem:s16+$0x6500]  }
0xe5: {  	[tilespmem:$0x1FF80] =	vst v5;
	v5 =	vld [tilespmem:s16+$0x8150]  }
0xe6: {  	v57 =	vld [tilespmem:s16+$0x6510]  }
0xe7: {  	v58 =	vld [tilespmem:s16+$0x6520]  }
0xe8: {  	v59 =	vld [tilespmem:s16+$0x6530]  }
0xe9: {  	v60 =	vld [tilespmem:s16+$0x6540]  }
0xea: {  	[tilespmem:$0x1FF90] =	vst v5;
	v5 =	vld [tilespmem:s16+$0x8160]  }
0xeb: {  	v61 =	vld [tilespmem:s16+$0x6550]  }
0xec: {  	v62 =	vld [tilespmem:s16+$0x6560]  }
0xed: {  	v63 =	vld [tilespmem:s16+$0x8100]  }
0xee: {  	v2 =	vld [tilespmem:s16+$0x8120]  }
0xef: {  	[tilespmem:$0x1FFA0] =	vst v5;
	v5 =	vld [tilespmem:s16+$0x8170]  }
0xf0: {  	v3 =	vadd.f32 v4, v3;
	v4 =	vld [tilespmem:s16+$0x8570]  }
0xf1: {  	[tilespmem:$0x1FF60] =	vst v0;
	v0 =	vld [tilespmem:s16+$0x8110]  }
0xf2: {  	v9 =	vadd.f32 v10, v9;
	v10 =	vadd.f32 v12, v11;
	v11 =	vld [tilespmem:s16+$0x8530]  }
0xf3: {  	v12 =	vld [tilespmem:s16+$0x8540]  }
0xf4: {  	v3 =	vadd.f32 v6, v3;
	[tilespmem:$0x1FFB0] =	vst v5;
	v5 =	vld [tilespmem:s16+$0x8500]  }
0xf5: {  	v6 =	vld [tilespmem:s16+$0xA570];
	v10 =	vadd.f32 v35, v10  }
0xf6: {  	v3 =	vadd.f32 v8, v3;
	v8 =	vld [tilespmem:s16+$0xC570]  }
0xf7: {  	v9 =	vadd.f32 v34, v9;
	v10 =	vadd.f32 v50, v10;
	v50 =	vld [tilespmem:s16+$0xA530]  }
0xf8: {  	v3 =	vadd.f32 v4, v3;
	v4 =	vld [tilespmem:s16+$0x130]  }
0xf9: {  	v9 =	vadd.f32 v49, v9;
	[tilespmem:$0x1FFC0] =	vst v5;
	v5 =	vld [tilespmem:s16+$0x8510]  }
0xfa: {  	v3 =	vadd.f32 v6, v3;
	v6 =	vld [tilespmem:s16+$0x140]  }
0xfb: {  	v0 =	vadd.f32 v0, v9;
	v9 =	vld [tilespmem:s16+$0xC130]  }
0xfc: {  	v2 =	vadd.f32 v2, v10;
	v10 =	vld [tilespmem:s16+$0xC140]  }
0xfd: {  	v3 =	vadd.f32 v8, v3;
	v8 =	vld [tilespmem:s16+$0x150]  }
0xfe: {  	v4 =	vadd.f32 v13, v4;
	[tilespmem:$0x1FFD0] =	vst v5;
	v5 =	vld [tilespmem:$0x1FF60]  }
0xff: {  	[tilespmem:s16+$0xE570] =	vst v3;
	v3 =	vld [tilespmem:s16+$0x160];
	v6 =	vadd.f32 v14, v6;
	v14 =	vadd.f32 v18, v17  }
0x100: {  	v13 =	vld [tilespmem:s16+$0x8550];
	v17 =	vadd.f32 v22, v21;
	v18 =	vadd.f32 v24, v23  }
0x101: {  	v21 =	vadd.f32 v28, v27;
	v22 =	vld [tilespmem:s16+$0xA110];
	v23 =	vadd.f32 v30, v29  }
0x102: {  	v24 =	vadd.f32 v32, v31;
	v4 =	vadd.f32 v36, v4;
	v27 =	vld [tilespmem:s16+$0xA140]  }
0x103: {  	v28 =	vld [tilespmem:s16+$0xA150];
	v8 =	vadd.f32 v15, v8;
	v5 =	vadd.f32 v7, v5  }
0x104: {  	v29 =	vld [tilespmem:s16+$0xA160];
	v15 =	vadd.f32 v20, v19;
	v3 =	vadd.f32 v16, v3  }
0x105: {  	v30 =	vld [tilespmem:s16+$0xA170];
	v20 =	vadd.f32 v26, v25;
	v5 =	vadd.f32 v33, v5  }
0x106: {  	v19 =	vld [tilespmem:s16+$0xA100];
	v6 =	vadd.f32 v37, v6;
	v3 =	vadd.f32 v39, v3  }
0x107: {  	v25 =	vld [tilespmem:s16+$0xA120];
	v14 =	vadd.f32 v40, v14;
	v5 =	vadd.f32 v48, v5  }
0x108: {  	v17 =	vadd.f32 v42, v17;
	v3 =	vadd.f32 v54, v3;
	v54 =	vld [tilespmem:s16+$0xC100]  }
0x109: {  	v26 =	vld [tilespmem:s16+$0xA130];
	v18 =	vadd.f32 v43, v18;
	v5 =	vadd.f32 v63, v5  }
0x10a: {  	v21 =	vadd.f32 v45, v21;
	v23 =	vadd.f32 v46, v23;
	v46 =	vld [tilespmem:s16+$0xA510]  }
0x10b: {  	v4 =	vadd.f32 v51, v4;
	v51 =	vld [tilespmem:s16+$0xA540];
	v5 =	vadd.f32 v19, v5  }
0x10c: {  	v20 =	vadd.f32 v44, v20;
	v14 =	vadd.f32 v55, v14;
	v55 =	vld [tilespmem:s16+$0xC110]  }
0x10d: {  	v21 =	vadd.f32 v60, v21;
	v60 =	vld [tilespmem:$0x1FF80];
	v5 =	vadd.f32 v54, v5  }
0x10e: {  	v15 =	vadd.f32 v41, v15;
	v20 =	vadd.f32 v59, v20;
	v59 =	vld [tilespmem:$0x1FF70]  }
0x10f: {  	v24 =	vadd.f32 v47, v24;
	v0 =	vadd.f32 v22, v0;
	[tilespmem:s16+$0xE100] =	vst v5;
	v5 =	vld [tilespmem:$0x1FF90]  }
0x110: {  	v8 =	vadd.f32 v38, v8;
	v15 =	vadd.f32 v56, v15;
	v56 =	vld [tilespmem:s16+$0xC120]  }
0x111: {  	v16 =	vld [tilespmem:s16+$0x8560];
	v6 =	vadd.f32 v52, v6;
	v0 =	vadd.f32 v55, v0  }
0x112: {  	v44 =	vld [tilespmem:s16+$0xA500];
	v17 =	vadd.f32 v57, v17;
	v8 =	vadd.f32 v53, v8  }
0x113: {  	v18 =	vadd.f32 v58, v18;
	v2 =	vadd.f32 v25, v2;
	[tilespmem:s16+$0xE110] =	vst v0;
	v0 =	vld [tilespmem:$0x1FFB0]  }
0x114: {  	v4 =	vadd.f32 v59, v4;
	v5 =	vadd.f32 v5, v8;
	v8 =	vld [tilespmem:$0x1FFA0]  }
0x115: {  	v52 =	vld [tilespmem:s16+$0xA550];
	v6 =	vadd.f32 v60, v6;
	v2 =	vadd.f32 v56, v2  }
0x116: {  	v57 =	vadd.f32 v62, v24;
	v62 =	vld [tilespmem:s16+$0xC170];
	v4 =	vadd.f32 v26, v4  }
0x117: {  	v23 =	vadd.f32 v61, v23;
	v6 =	vadd.f32 v27, v6;
	[tilespmem:s16+$0xE120] =	vst v2;
	v2 =	vld [tilespmem:$0x1FFD0]  }
0x118: {  	v4 =	vadd.f32 v9, v4;
	v0 =	vadd.f32 v0, v14;
	v7 =	vld [tilespmem:s16+$0x8520]  }
0x119: {  	v6 =	vadd.f32 v10, v6;
	v3 =	vadd.f32 v8, v3;
	v8 =	vld [tilespmem:$0x1FFC0]  }
0x11a: {  	v58 =	vld [tilespmem:s16+$0xC150];
	[tilespmem:s16+$0xE130] =	vst v4;
	v4 =	vadd.f32 v11, v20;
	v0 =	vadd.f32 v30, v0  }
0x11b: {  	v11 =	vadd.f32 v12, v21;
	v12 =	vadd.f32 v13, v23;
	v48 =	vld [tilespmem:s16+$0xA520]  }
0x11c: {  	v61 =	vld [tilespmem:s16+$0xC160];
	v13 =	vadd.f32 v16, v57;
	v0 =	vadd.f32 v62, v0  }
0x11d: {  	v53 =	vld [tilespmem:s16+$0xA560];
	v2 =	vadd.f32 v2, v17;
	v7 =	vadd.f32 v7, v18  }
0x11e: {  	v5 =	vadd.f32 v28, v5;
	v14 =	vadd.f32 v8, v15;
	v15 =	vld [tilespmem:s16+$0xC500]  }
0x11f: {  	v2 =	vadd.f32 v46, v2;
	v63 =	vld [tilespmem:s16+$0xC510];
	v3 =	vadd.f32 v29, v3  }
0x120: {  	[tilespmem:s16+$0xE140] =	vst v6;
	v6 =	vadd.f32 v48, v7;
	v5 =	vadd.f32 v58, v5;
	v8 =	vld [tilespmem:s16+$0xC520]  }
0x121: {  	v9 =	vld [tilespmem:s16+$0xC530];
	v3 =	vadd.f32 v61, v3;
	v14 =	vadd.f32 v44, v14  }
0x122: {  	s17 =	simm.s32 $0x80;
	s18 =	simm.s32 $0x100;
	v10 =	vld [tilespmem:s16+$0xC540];
	v7 =	vadd.f32 v50, v4;
	[tilespmem:s16+$0xE150] =	vst v5;
	v5 =	vadd.f32 v51, v11  }
0x123: {  	s18 =	sand.u32 $0x1800, s18;
	s19 =	sand.u32 $0x380, s17;
	v11 =	vld [tilespmem:s16+$0xC550];
	[tilespmem:s16+$0xE160] =	vst v3;
	v3 =	vadd.f32 v53, v13;
	v13 =	vadd.f32 v15, v14  }
0x124: {  	s19 =	sor.u32 s19, s18;
	s18 =	simm.s32 $0x200;
	[tilespmem:s16+$0xE170] =	vst v0;
	v4 =	vadd.f32 v52, v12;
	v12 =	vld [tilespmem:s16+$0xC560];
	v14 =	vadd.f32 v63, v2  }
.LBB2_3:
0x125: {  	p0 =	sne.s32 s18, $0x1F00;
	v0 =	vld [tilespmem:s19+$0x570];
	[tilespmem:s16+$0xE500] =	vst v13;
	v2 =	vadd.f32 v8, v6  }
0x126: {  	v6 =	vld [tilespmem:s19+$0x2570];
	[tilespmem:s16+$0xE510] =	vst v14;
	v7 =	vadd.f32 v9, v7  }
0x127: {  	v8 =	vld [tilespmem:s19+$0x100];
	[tilespmem:s16+$0xE520] =	vst v2;
	v2 =	vadd.f32 v10, v5  }
0x128: {  	v5 =	vld [tilespmem:s19+$0x4570];
	[tilespmem:s16+$0xE530] =	vst v7;
	v4 =	vadd.f32 v11, v4  }
0x129: {  	v7 =	vld [tilespmem:s19+$0x2100];
	[tilespmem:s16+$0xE540] =	vst v2;
	v2 =	vadd.f32 v12, v3  }
0x12a: {  	v3 =	vld [tilespmem:s19+$0x6570];
	[tilespmem:s16+$0xE550] =	vst v4  }
0x12b: {  	v4 =	vld [tilespmem:s19+$0x110];
	v0 =	vadd.f32 v6, v0;
	[tilespmem:s16+$0xE560] =	vst v2;
	s16 =	smov.u32 s19  }
0x12c: {  	v2 =	vld [tilespmem:s16+$0x8570]  }
0x12d: {  	v6 =	vld [tilespmem:s16+$0x2110];
	v0 =	vadd.f32 v5, v0  }
0x12e: {  	v5 =	vadd.f32 v7, v8;
	v7 =	vld [tilespmem:s16+$0xA570]  }
0x12f: {  	v8 =	vld [tilespmem:s16+$0x120];
	v0 =	vadd.f32 v3, v0  }
0x130: {  	v3 =	vld [tilespmem:s16+$0xC570]  }
0x131: {  	v9 =	vld [tilespmem:s16+$0x2120];
	v0 =	vadd.f32 v2, v0  }
0x132: {  	v2 =	vadd.f32 v6, v4;
	v4 =	vld [tilespmem:s16+$0x130]  }
0x133: {  	v6 =	vld [tilespmem:s16+$0x2130];
	v0 =	vadd.f32 v7, v0  }
0x134: {  	v7 =	vld [tilespmem:s16+$0x140]  }
0x135: {  	v10 =	vld [tilespmem:s16+$0x2140];
	v0 =	vadd.f32 v3, v0  }
0x136: {  	v3 =	vadd.f32 v9, v8;
	v8 =	vld [tilespmem:s16+$0x150]  }
0x137: {  	v9 =	vld [tilespmem:s16+$0x2150];
	[tilespmem:s16+$0xE570] =	vst v0  }
0x138: {  	v0 =	vadd.f32 v6, v4;
	v4 =	vld [tilespmem:s16+$0x160]  }
0x139: {  	v6 =	vld [tilespmem:s16+$0x2160]  }
0x13a: {  	v7 =	vadd.f32 v10, v7;
	v10 =	vld [tilespmem:s16+$0x170]  }
0x13b: {  	v11 =	vld [tilespmem:s16+$0x2170]  }
0x13c: {  	v8 =	vadd.f32 v9, v8;
	v9 =	vld [tilespmem:s16+$0x500]  }
0x13d: {  	v12 =	vld [tilespmem:s16+$0x2500]  }
0x13e: {  	v4 =	vadd.f32 v6, v4;
	v6 =	vld [tilespmem:s16+$0x510]  }
0x13f: {  	v13 =	vld [tilespmem:s16+$0x2510]  }
0x140: {  	v10 =	vadd.f32 v11, v10;
	v11 =	vld [tilespmem:s16+$0x520]  }
0x141: {  	v14 =	vld [tilespmem:s16+$0x2520]  }
0x142: {  	v9 =	vadd.f32 v12, v9;
	v12 =	vld [tilespmem:s16+$0x530]  }
0x143: {  	v15 =	vld [tilespmem:s16+$0x2530]  }
0x144: {  	v6 =	vadd.f32 v13, v6;
	v13 =	vld [tilespmem:s16+$0x540]  }
0x145: {  	v16 =	vld [tilespmem:s16+$0x2540]  }
0x146: {  	v11 =	vadd.f32 v14, v11;
	v14 =	vld [tilespmem:s16+$0x550]  }
0x147: {  	v17 =	vld [tilespmem:s16+$0x2550]  }
0x148: {  	v12 =	vadd.f32 v15, v12;
	v15 =	vld [tilespmem:s16+$0x560]  }
0x149: {  	v18 =	vld [tilespmem:s16+$0x2560]  }
0x14a: {  	v19 =	vld [tilespmem:s16+$0x4100];
	v13 =	vadd.f32 v16, v13  }
0x14b: {  	v16 =	vld [tilespmem:s16+$0x4110]  }
0x14c: {  	v20 =	vld [tilespmem:s16+$0x4120];
	v14 =	vadd.f32 v17, v14  }
0x14d: {  	v17 =	vld [tilespmem:s16+$0x4130]  }
0x14e: {  	v21 =	vld [tilespmem:s16+$0x4140];
	v15 =	vadd.f32 v18, v15  }
0x14f: {  	v5 =	vadd.f32 v19, v5;
	v18 =	vld [tilespmem:s16+$0x4150]  }
0x150: {  	v2 =	vadd.f32 v16, v2;
	v16 =	vld [tilespmem:s16+$0x4160]  }
0x151: {  	v3 =	vadd.f32 v20, v3;
	v19 =	vld [tilespmem:s16+$0x4170]  }
0x152: {  	v0 =	vadd.f32 v17, v0;
	v17 =	vld [tilespmem:s16+$0x4500]  }
0x153: {  	v7 =	vadd.f32 v21, v7;
	v20 =	vld [tilespmem:s16+$0x4510]  }
0x154: {  	v8 =	vadd.f32 v18, v8;
	v18 =	vld [tilespmem:s16+$0x4520]  }
0x155: {  	v4 =	vadd.f32 v16, v4;
	v16 =	vld [tilespmem:s16+$0x4530]  }
0x156: {  	v10 =	vadd.f32 v19, v10;
	v19 =	vld [tilespmem:s16+$0x4540]  }
0x157: {  	v9 =	vadd.f32 v17, v9;
	v17 =	vld [tilespmem:s16+$0x4550]  }
0x158: {  	v6 =	vadd.f32 v20, v6;
	v20 =	vld [tilespmem:s16+$0x4560]  }
0x159: {  	v21 =	vld [tilespmem:s16+$0x6100];
	v11 =	vadd.f32 v18, v11  }
0x15a: {  	v18 =	vld [tilespmem:s16+$0x6110];
	v12 =	vadd.f32 v16, v12  }
0x15b: {  	v16 =	vld [tilespmem:s16+$0x6120];
	v13 =	vadd.f32 v19, v13  }
0x15c: {  	v19 =	vld [tilespmem:s16+$0x6130];
	v14 =	vadd.f32 v17, v14  }
0x15d: {  	v17 =	vld [tilespmem:s16+$0x6140];
	v15 =	vadd.f32 v20, v15  }
0x15e: {  	v5 =	vadd.f32 v21, v5;
	v20 =	vld [tilespmem:s16+$0x6150]  }
0x15f: {  	v2 =	vadd.f32 v18, v2;
	v18 =	vld [tilespmem:s16+$0x6160]  }
0x160: {  	v3 =	vadd.f32 v16, v3;
	v16 =	vld [tilespmem:s16+$0x6170]  }
0x161: {  	v0 =	vadd.f32 v19, v0;
	v19 =	vld [tilespmem:s16+$0x6500]  }
0x162: {  	v7 =	vadd.f32 v17, v7;
	v17 =	vld [tilespmem:s16+$0x6510]  }
0x163: {  	v8 =	vadd.f32 v20, v8;
	v20 =	vld [tilespmem:s16+$0x6520]  }
0x164: {  	v4 =	vadd.f32 v18, v4;
	v18 =	vld [tilespmem:s16+$0x6530]  }
0x165: {  	v10 =	vadd.f32 v16, v10;
	v16 =	vld [tilespmem:s16+$0x6540]  }
0x166: {  	v9 =	vadd.f32 v19, v9;
	v19 =	vld [tilespmem:s16+$0x6550]  }
0x167: {  	v6 =	vadd.f32 v17, v6;
	v17 =	vld [tilespmem:s16+$0x6560]  }
0x168: {  	v21 =	vld [tilespmem:s16+$0x8100];
	v11 =	vadd.f32 v20, v11  }
0x169: {  	v20 =	vld [tilespmem:s16+$0x8110];
	v12 =	vadd.f32 v18, v12  }
0x16a: {  	v18 =	vld [tilespmem:s16+$0x8120];
	v13 =	vadd.f32 v16, v13  }
0x16b: {  	v16 =	vld [tilespmem:s16+$0x8130];
	v14 =	vadd.f32 v19, v14  }
0x16c: {  	v19 =	vld [tilespmem:s16+$0x8140];
	v15 =	vadd.f32 v17, v15  }
0x16d: {  	v5 =	vadd.f32 v21, v5;
	v17 =	vld [tilespmem:s16+$0x8150]  }
0x16e: {  	v2 =	vadd.f32 v20, v2;
	v20 =	vld [tilespmem:s16+$0x8160]  }
0x16f: {  	v3 =	vadd.f32 v18, v3;
	v18 =	vld [tilespmem:s16+$0x8170]  }
0x170: {  	v0 =	vadd.f32 v16, v0;
	v16 =	vld [tilespmem:s16+$0x8500]  }
0x171: {  	v7 =	vadd.f32 v19, v7;
	v19 =	vld [tilespmem:s16+$0x8510]  }
0x172: {  	v8 =	vadd.f32 v17, v8;
	v17 =	vld [tilespmem:s16+$0x8520]  }
0x173: {  	v4 =	vadd.f32 v20, v4;
	v20 =	vld [tilespmem:s16+$0x8530]  }
0x174: {  	v10 =	vadd.f32 v18, v10;
	v18 =	vld [tilespmem:s16+$0x8540]  }
0x175: {  	v9 =	vadd.f32 v16, v9;
	v16 =	vld [tilespmem:s16+$0x8550]  }
0x176: {  	v6 =	vadd.f32 v19, v6;
	v19 =	vld [tilespmem:s16+$0x8560]  }
0x177: {  	v21 =	vld [tilespmem:s16+$0xA100];
	v11 =	vadd.f32 v17, v11  }
0x178: {  	v17 =	vld [tilespmem:s16+$0xA110];
	v12 =	vadd.f32 v20, v12  }
0x179: {  	v20 =	vld [tilespmem:s16+$0xA120];
	v13 =	vadd.f32 v18, v13  }
0x17a: {  	v18 =	vld [tilespmem:s16+$0xA130];
	v14 =	vadd.f32 v16, v14  }
0x17b: {  	v16 =	vld [tilespmem:s16+$0xA140];
	v15 =	vadd.f32 v19, v15  }
0x17c: {  	v19 =	vadd.f32 v21, v5;
	v5 =	vld [tilespmem:s16+$0xA150]  }
0x17d: {  	v2 =	vadd.f32 v17, v2;
	v17 =	vld [tilespmem:s16+$0xA160]  }
0x17e: {  	v20 =	vadd.f32 v20, v3;
	v3 =	vld [tilespmem:s16+$0xA170]  }
0x17f: {  	v0 =	vadd.f32 v18, v0;
	v18 =	vld [tilespmem:s16+$0xA500]  }
0x180: {  	v16 =	vadd.f32 v16, v7;
	v7 =	vld [tilespmem:s16+$0xA510]  }
0x181: {  	v8 =	vadd.f32 v5, v8;
	v5 =	vld [tilespmem:s16+$0xA520]  }
0x182: {  	v17 =	vadd.f32 v17, v4;
	v4 =	vld [tilespmem:s16+$0xA530]  }
0x183: {  	v10 =	vadd.f32 v3, v10;
	v3 =	vld [tilespmem:s16+$0xA540]  }
0x184: {  	v18 =	vadd.f32 v18, v9;
	v9 =	vld [tilespmem:s16+$0xA550]  }
0x185: {  	v21 =	vadd.f32 v7, v6;
	v22 =	vld [tilespmem:s16+$0xA560]  }
0x186: {  	v23 =	vld [tilespmem:s16+$0xC100];
	v6 =	vadd.f32 v5, v11  }
0x187: {  	v11 =	vld [tilespmem:s16+$0xC110];
	v7 =	vadd.f32 v4, v12  }
0x188: {  	v12 =	vld [tilespmem:s16+$0xC120];
	v5 =	vadd.f32 v3, v13  }
0x189: {  	v13 =	vld [tilespmem:s16+$0xC130];
	v4 =	vadd.f32 v9, v14  }
0x18a: {  	v9 =	vld [tilespmem:s16+$0xC140];
	v3 =	vadd.f32 v22, v15  }
0x18b: {  	v14 =	vadd.f32 v23, v19;
	v15 =	vld [tilespmem:s16+$0xC150]  }
0x18c: {  	v2 =	vadd.f32 v11, v2;
	v11 =	vld [tilespmem:s16+$0xC160]  }
0x18d: {  	[tilespmem:s16+$0xE100] =	vst v14;
	v12 =	vadd.f32 v12, v20;
	v14 =	vld [tilespmem:s16+$0xC170]  }
0x18e: {  	[tilespmem:s16+$0xE110] =	vst v2;
	v0 =	vadd.f32 v13, v0;
	v2 =	vld [tilespmem:s16+$0xC500]  }
0x18f: {  	[tilespmem:s16+$0xE120] =	vst v12;
	v9 =	vadd.f32 v9, v16;
	v12 =	vld [tilespmem:s16+$0xC510]  }
.Ltmp0:
0x190: {  	[tilespmem:s16+$0xE130] =	vst v0;
	v0 =	vadd.f32 v15, v8;
	v8 =	vld [tilespmem:s16+$0xC520];
	(pc) =	sbr.rel @p0 .LBB2_3-.Ltmp0, $4  }
0x191: {  	[tilespmem:s16+$0xE140] =	vst v9;
	v11 =	vadd.f32 v11, v17;
	v9 =	vld [tilespmem:s16+$0xC530]  }
0x192: {  	s17 =	sadd.s32 $0x80, s17;
	[tilespmem:s16+$0xE150] =	vst v0;
	v0 =	vadd.f32 v14, v10;
	v10 =	vld [tilespmem:s16+$0xC540]  }
0x193: {  	s20 =	sand.u32 $0x380, s17;
	s19 =	sand.u32 $0x1800, s18;
	[tilespmem:s16+$0xE160] =	vst v11;
	v13 =	vadd.f32 v2, v18;
	v11 =	vld [tilespmem:s16+$0xC550]  }
0x194: {  	s18 =	sadd.s32 $0x100, s18;
	s19 =	sor.u32 s20, s19;
	[tilespmem:s16+$0xE170] =	vst v0;
	v14 =	vadd.f32 v12, v21;
	v12 =	vld [tilespmem:s16+$0xC560]  }
0x195: {  	v0 =	vld [tilespmem:s19+$0x570];
	[tilespmem:s16+$0xE500] =	vst v13;
	v6 =	vadd.f32 v8, v6  }
0x196: {  	v2 =	vld [tilespmem:s19+$0x2570];
	[tilespmem:s16+$0xE510] =	vst v14;
	v7 =	vadd.f32 v9, v7  }
0x197: {  	v56 =	vld [tilespmem:s19+$0x100];
	[tilespmem:s16+$0xE520] =	vst v6;
	v5 =	vadd.f32 v10, v5  }
0x198: {  	v6 =	vld [tilespmem:s19+$0x4570];
	[tilespmem:s16+$0xE530] =	vst v7;
	v4 =	vadd.f32 v11, v4  }
0x199: {  	v8 =	vld [tilespmem:s19+$0x2100];
	[tilespmem:s16+$0xE540] =	vst v5;
	v3 =	vadd.f32 v12, v3  }
0x19a: {  	v5 =	vld [tilespmem:s19+$0x6570];
	[tilespmem:s16+$0xE550] =	vst v4  }
0x19b: {  	v4 =	vld [tilespmem:s19+$0x110];
	[tilespmem:s16+$0xE560] =	vst v3  }
0x19c: {  	v0 =	vadd.f32 v2, v0;
	v2 =	vld [tilespmem:s19+$0x8570]  }
0x19d: {  	v3 =	vld [tilespmem:s19+$0x2110]  }
0x19e: {  	v57 =	vld [tilespmem:s19+$0xA570]  }
0x19f: {  	v9 =	vld [tilespmem:s19+$0x120]  }
0x1a0: {  	v58 =	vld [tilespmem:s19+$0xC570]  }
0x1a1: {  	v10 =	vld [tilespmem:s19+$0x2120]  }
0x1a2: {  	v11 =	vld [tilespmem:s19+$0x2130]  }
0x1a3: {  	v12 =	vld [tilespmem:s19+$0x2140]  }
0x1a4: {  	v13 =	vld [tilespmem:s19+$0x2150]  }
0x1a5: {  	v14 =	vld [tilespmem:s19+$0x2160]  }
0x1a6: {  	v15 =	vld [tilespmem:s19+$0x170]  }
0x1a7: {  	v16 =	vld [tilespmem:s19+$0x2170]  }
0x1a8: {  	v17 =	vld [tilespmem:s19+$0x500]  }
0x1a9: {  	v18 =	vld [tilespmem:s19+$0x2500]  }
0x1aa: {  	v19 =	vld [tilespmem:s19+$0x510]  }
0x1ab: {  	v20 =	vld [tilespmem:s19+$0x2510]  }
0x1ac: {  	v21 =	vld [tilespmem:s19+$0x520]  }
0x1ad: {  	v22 =	vld [tilespmem:s19+$0x2520]  }
0x1ae: {  	v23 =	vld [tilespmem:s19+$0x530]  }
0x1af: {  	v24 =	vld [tilespmem:s19+$0x2530]  }
0x1b0: {  	v25 =	vld [tilespmem:s19+$0x540]  }
0x1b1: {  	v26 =	vld [tilespmem:s19+$0x2540]  }
0x1b2: {  	v27 =	vld [tilespmem:s19+$0x550]  }
0x1b3: {  	v28 =	vld [tilespmem:s19+$0x2550]  }
0x1b4: {  	v29 =	vld [tilespmem:s19+$0x560]  }
0x1b5: {  	v30 =	vld [tilespmem:s19+$0x2560]  }
0x1b6: {  	v31 =	vld [tilespmem:s19+$0x4100]  }
0x1b7: {  	v32 =	vld [tilespmem:s19+$0x4110]  }
0x1b8: {  	v33 =	vld [tilespmem:s19+$0x4120]  }
0x1b9: {  	v34 =	vld [tilespmem:s19+$0x4130]  }
0x1ba: {  	v35 =	vld [tilespmem:s19+$0x4140]  }
0x1bb: {  	v36 =	vld [tilespmem:s19+$0x4150]  }
0x1bc: {  	v37 =	vld [tilespmem:s19+$0x4160]  }
0x1bd: {  	v38 =	vld [tilespmem:s19+$0x4170]  }
0x1be: {  	v39 =	vld [tilespmem:s19+$0x4500]  }
0x1bf: {  	v40 =	vld [tilespmem:s19+$0x4510]  }
0x1c0: {  	v41 =	vld [tilespmem:s19+$0x4520]  }
0x1c1: {  	v42 =	vld [tilespmem:s19+$0x4530]  }
0x1c2: {  	v43 =	vld [tilespmem:s19+$0x4540]  }
0x1c3: {  	v44 =	vld [tilespmem:s19+$0x4550]  }
0x1c4: {  	v45 =	vld [tilespmem:s19+$0x4560]  }
0x1c5: {  	v46 =	vld [tilespmem:s19+$0x6100]  }
0x1c6: {  	v47 =	vld [tilespmem:s19+$0x6110]  }
0x1c7: {  	v48 =	vld [tilespmem:s19+$0x6120]  }
0x1c8: {  	v49 =	vld [tilespmem:s19+$0x6130]  }
0x1c9: {  	v50 =	vld [tilespmem:s19+$0x6140]  }
0x1ca: {  	v51 =	vld [tilespmem:s19+$0x6150]  }
0x1cb: {  	v52 =	vld [tilespmem:s19+$0x6160]  }
0x1cc: {  	v53 =	vld [tilespmem:s19+$0x6170]  }
0x1cd: {  	v54 =	vld [tilespmem:s19+$0x6500]  }
0x1ce: {  	v55 =	vld [tilespmem:s19+$0x6510]  }
0x1cf: {  	[tilespmem:$0x1FEC0] =	vst v56;
	v56 =	vld [tilespmem:s19+$0x6520]  }
0x1d0: {  	v7 =	vld [tilespmem:s19+$0x6550]  }
0x1d1: {  	v59 =	vld [tilespmem:s19+$0x6560]  }
0x1d2: {  	v61 =	vld [tilespmem:s19+$0x8100]  }
0x1d3: {  	v62 =	vld [tilespmem:s19+$0x8110]  }
0x1d4: {  	v63 =	vld [tilespmem:s19+$0x8120];
	v0 =	vadd.f32 v6, v0  }
0x1d5: {  	v60 =	vld [tilespmem:s19+$0x8150]  }
0x1d6: {  	v6 =	vld [tilespmem:s19+$0x140];
	v0 =	vadd.f32 v5, v0  }
0x1d7: {  	v5 =	vld [tilespmem:s19+$0x150]  }
0x1d8: {  	v0 =	vadd.f32 v2, v0;
	v2 =	vld [tilespmem:s19+$0x130]  }
0x1d9: {  	[tilespmem:$0x1FED0] =	vst v7;
	v7 =	vld [tilespmem:s19+$0x8130]  }
0x1da: {  	[tilespmem:$0x1FEE0] =	vst v59;
	v59 =	vld [tilespmem:s19+$0x8140]  }
0x1db: {  	[tilespmem:$0x1FEF0] =	vst v60;
	v60 =	vld [tilespmem:s19+$0x8160]  }
0x1dc: {  	v3 =	vadd.f32 v3, v4;
	v4 =	vld [tilespmem:s19+$0x8540]  }
0x1dd: {  	v9 =	vadd.f32 v10, v9;
	v10 =	vld [tilespmem:s19+$0x8550]  }
0x1de: {  	v6 =	vadd.f32 v12, v6;
	v12 =	vadd.f32 v16, v15;
	v16 =	vld [tilespmem:s19+$0xA110]  }
0x1df: {  	v15 =	vadd.f32 v20, v19;
	v19 =	vld [tilespmem:s19+$0xA120]  }
0x1e0: {  	v20 =	vadd.f32 v26, v25;
	v25 =	vld [tilespmem:s19+$0xA150]  }
0x1e1: {  	v26 =	vld [tilespmem:s19+$0xA160]  }
0x1e2: {  	v0 =	vadd.f32 v57, v0;
	v57 =	vld [tilespmem:s19+$0x6530]  }
0x1e3: {  	[tilespmem:$0x1FF00] =	vst v60;
	v60 =	vld [tilespmem:s19+$0x8170]  }
0x1e4: {  	v3 =	vadd.f32 v32, v3;
	v32 =	vld [tilespmem:s19+$0xA540]  }
0x1e5: {  	v9 =	vadd.f32 v33, v9;
	v33 =	vld [tilespmem:s19+$0xA550]  }
0x1e6: {  	v5 =	vadd.f32 v13, v5;
	v13 =	vld [tilespmem:s19+$0xA100]  }
0x1e7: {  	v15 =	vadd.f32 v40, v15;
	v40 =	vld [tilespmem:s19+$0xC110]  }
0x1e8: {  	[tilespmem:$0x1FF10] =	vst v60;
	v60 =	vld [tilespmem:s19+$0x8500]  }
0x1e9: {  	v20 =	vadd.f32 v43, v20;
	v43 =	vld [tilespmem:s19+$0xC140]  }
0x1ea: {  	v0 =	vadd.f32 v58, v0;
	v58 =	vld [tilespmem:s19+$0x6540]  }
0x1eb: {  	v3 =	vadd.f32 v47, v3;
	v47 =	vld [tilespmem:s19+$0xC170]  }
0x1ec: {  	v6 =	vadd.f32 v35, v6;
	v9 =	vadd.f32 v48, v9;
	v48 =	vld [tilespmem:$0x1FEF0]  }
0x1ed: {  	v12 =	vadd.f32 v38, v12;
	v2 =	vadd.f32 v11, v2;
	[tilespmem:$0x1FF20] =	vst v60;
	v60 =	vld [tilespmem:s19+$0x8510]  }
0x1ee: {  	v5 =	vadd.f32 v36, v5;
	v6 =	vadd.f32 v50, v6;
	[tilespmem:s19+$0xE570] =	vst v0;
	v0 =	vld [tilespmem:s19+$0x160]  }
0x1ef: {  	v11 =	vld [tilespmem:s19+$0x8560];
	v12 =	vadd.f32 v53, v12;
	v15 =	vadd.f32 v55, v15  }
0x1f0: {  	v3 =	vadd.f32 v62, v3;
	v9 =	vadd.f32 v63, v9;
	v50 =	vld [tilespmem:$0x1FF00]  }
0x1f1: {  	v2 =	vadd.f32 v34, v2;
	v6 =	vadd.f32 v59, v6;
	v59 =	vld [tilespmem:s19+$0xC540]  }
0x1f2: {  	v5 =	vadd.f32 v51, v5;
	v3 =	vadd.f32 v16, v3;
	[tilespmem:$0x1FF30] =	vst v60;
	v60 =	vld [tilespmem:s19+$0x8520]  }
0x1f3: {  	v2 =	vadd.f32 v49, v2;
	v49 =	vld [tilespmem:s19+$0xC500];
	v0 =	vadd.f32 v14, v0  }
0x1f4: {  	v14 =	vadd.f32 v18, v17;
	v17 =	vadd.f32 v22, v21;
	v22 =	vld [tilespmem:s19+$0xA130]  }
0x1f5: {  	v9 =	vadd.f32 v19, v9;
	v18 =	vadd.f32 v24, v23;
	v24 =	vld [tilespmem:s19+$0xA140]  }
0x1f6: {  	v20 =	vadd.f32 v58, v20;
	v21 =	vadd.f32 v28, v27;
	v27 =	vld [tilespmem:s19+$0xA170]  }
0x1f7: {  	v5 =	vadd.f32 v48, v5;
	v3 =	vadd.f32 v40, v3;
	[tilespmem:$0x1FF40] =	vst v60;
	v60 =	vld [tilespmem:s19+$0x8530]  }
0x1f8: {  	v2 =	vadd.f32 v7, v2;
	v18 =	vadd.f32 v42, v18;
	v42 =	vld [tilespmem:s19+$0xC130]  }
0x1f9: {  	v28 =	vld [tilespmem:s19+$0xA500];
	v5 =	vadd.f32 v25, v5;
	v4 =	vadd.f32 v4, v20  }
0x1fa: {  	v51 =	vld [tilespmem:$0x1FF10];
	v0 =	vadd.f32 v37, v0;
	v14 =	vadd.f32 v39, v14  }
0x1fb: {  	v17 =	vadd.f32 v41, v17;
	v41 =	vld [tilespmem:s19+$0xC120];
	v2 =	vadd.f32 v22, v2  }
0x1fc: {  	v21 =	vadd.f32 v44, v21;
	v4 =	vadd.f32 v32, v4;
	[tilespmem:$0x1FF50] =	vst v60;
	v60 =	vld [tilespmem:$0x1FEC0]  }
0x1fd: {  	v44 =	vld [tilespmem:s19+$0xC150];
	v0 =	vadd.f32 v52, v0;
	v2 =	vadd.f32 v42, v2  }
0x1fe: {  	[tilespmem:s19+$0xE110] =	vst v3;
	v3 =	vld [tilespmem:$0x1FEE0];
	v14 =	vadd.f32 v54, v14;
	v17 =	vadd.f32 v56, v17  }
0x1ff: {  	v18 =	vadd.f32 v57, v18;
	v6 =	vadd.f32 v24, v6;
	[tilespmem:s19+$0xE130] =	vst v2;
	v2 =	vld [tilespmem:$0x1FF20]  }
0x200: {  	v54 =	vld [tilespmem:s19+$0xC520];
	v0 =	vadd.f32 v50, v0;
	v9 =	vadd.f32 v41, v9  }
0x201: {  	v6 =	vadd.f32 v43, v6;
	v55 =	vld [tilespmem:$0x1FF40];
	v8 =	vadd.f32 v8, v60  }
0x202: {  	v5 =	vadd.f32 v44, v5;
	v0 =	vadd.f32 v26, v0;
	v53 =	vld [tilespmem:$0x1FF30]  }
0x203: {  	v60 =	vadd.f32 v30, v29;
	v30 =	vld [tilespmem:s19+$0xA520];
	v8 =	vadd.f32 v31, v8  }
0x204: {  	[tilespmem:s19+$0xE120] =	vst v9;
	v9 =	vadd.f32 v51, v12;
	v2 =	vadd.f32 v2, v14;
	v56 =	vld [tilespmem:$0x1FF50]  }
0x205: {  	v23 =	vadd.f32 v45, v60;
	v45 =	vld [tilespmem:s19+$0xC160];
	v8 =	vadd.f32 v46, v8  }
0x206: {  	[tilespmem:s19+$0xE140] =	vst v6;
	v2 =	vadd.f32 v28, v2;
	v6 =	vadd.f32 v55, v17;
	v60 =	vld [tilespmem:s19+$0xC100]  }
0x207: {  	v9 =	vadd.f32 v27, v9;
	v29 =	vld [tilespmem:s19+$0xA510];
	v8 =	vadd.f32 v61, v8  }
0x208: {  	v2 =	vadd.f32 v49, v2;
	v46 =	vld [tilespmem:$0x1FED0];
	v6 =	vadd.f32 v30, v6  }
0x209: {  	v31 =	vld [tilespmem:s19+$0xA530];
	v3 =	vadd.f32 v3, v23;
	v8 =	vadd.f32 v13, v8  }
0x20a: {  	v52 =	vld [tilespmem:s19+$0xC510];
	[tilespmem:s19+$0xE500] =	vst v2;
	v0 =	vadd.f32 v45, v0;
	v2 =	vadd.f32 v54, v6  }
0x20b: {  	v34 =	vld [tilespmem:s19+$0xA560];
	v13 =	vadd.f32 v53, v15;
	v8 =	vadd.f32 v60, v8  }
0x20c: {  	v57 =	vld [tilespmem:s19+$0xC530];
	v15 =	vadd.f32 v56, v18;
	[tilespmem:s19+$0xE160] =	vst v0;
	v0 =	vadd.f32 v11, v3  }
0x20d: {  	v63 =	vld [tilespmem:s19+$0xC560];
	v3 =	vadd.f32 v29, v13;
	[tilespmem:s19+$0xE100] =	vst v8;
	v8 =	vadd.f32 v46, v21  }
0x20e: {  	v61 =	vld [tilespmem:s19+$0xC550];
	[tilespmem:s19+$0xE520] =	vst v2;
	v2 =	vadd.f32 v59, v4;
	v62 =	vadd.f32 v31, v15  }
0x20f: {  	[tilespmem:s19+$0xE150] =	vst v5;
	v3 =	vadd.f32 v52, v3;
	v58 =	vadd.f32 v10, v8  }
0x210: {  	v60 =	vadd.f32 v47, v9;
	v0 =	vadd.f32 v34, v0;
	[tilespmem:s19+$0xE540] =	vst v2  }
0x211: {  	[tilespmem:s19+$0xE510] =	vst v3;
	v3 =	vadd.f32 v57, v62;
	v5 =	vadd.f32 v33, v58  }
0x212: {  	s20 =	sshll.u32 s15, $0xD;
	[tilespmem:s19+$0xE170] =	vst v60;
	v0 =	vadd.f32 v63, v0  }
0x213: {  	s15 =	sadd.s32 $0x1, s15;
	s16 =	sadd.s32 s7, s20;
	[tilespmem:s19+$0xE530] =	vst v3;
	v3 =	vadd.f32 v61, v5  }
0x214: {  	p0 =	sne.s32 s15, $0x28;
	s16 =	sshrl.u32 s16, $0x3;
	[tilespmem:s19+$0xE560] =	vst v0  }
.Ltmp1:
0x215: {  	s17 =	simm.s32 $0x0;
	s16 =	sadd.s32 s6, s16;
	[tilespmem:s19+$0xE550] =	vst v3;
	(pc) =	sbr.rel @p0 .LBB2_2-.Ltmp1, $4  }
0x216: {  	[hbm4b:s16+s17] =	stream.linear.scatter [tilespmem:s14], [sflag:$0x2], $0x2000, $0x38;
	[tilespmem:$0x10100] =	vst v63  }
0x217: {  	_ =	swait.ge [sflag:s9], $0x2000  }
0x218: {  	[sflag:s9] =	ssyncset.done $0x0  }
0x219: {  	[sflag:s9] =	ssyncadd.s32 $0xFFFFE000  }
0x21a: {  	s16 =	rddreg [dreg:$0x3]  }
0x21b: {  	s15 =	rddreg [dreg:$0x2];
	s16 =	sadd.s32 $0x1, s16  }
0x21c: {  	p0 =	sne.s32 s16, s15  }
.Ltmp2:
0x21d: {  	_ = 	snop;
	(pc) =	sbr.rel @p0 .LBB2_1-.Ltmp2, $1  }
0x21e: {  	_ =	sdelay $0x3  }
0x21f: {  	_ =	sfence.sel $0x180000  }
0x220: {  	[bflag:$0x0] =	sbarrier.arrive $0xFFFF  }
0x221: {  	_ =	strace $0x90000059  }
0x222: {  	s0 =	stileid.u32;
	[bflag:$0x2] =	sbarrier.arrive $0xFFFF  }
0x223: {  	p0 =	sne.s32 s0, $0x0;
	s0 =	rddreg [dreg:$0x1]  }
0x224: {  	s0 =	sadd.s32 @!p0 $0x100000, s0  }
0x225: {  	[sflag:s0] =	ssyncadd.tile.s32 @!p0 $0x1;
	_ =	shalt  }
.Lfunc_end2:
_tile_overlayer_lowered:
.L_overlay_start_2:
0x226: {  	(tag) =	ssettag $0x2  }
0x227: {  	s0 =	rddreg [dreg:$0x0];
	s2 =	stileid.u32  }
0x228: {  	s1 =	rddreg [dreg:$0x1];
	p0 =	sne.s32 s2, $0x0  }
0x229: {  	s3 =	rddreg [dreg:$0x2];
	[bflag:$0x3] =	sbarrier.arrive $0xFFFF;
	s2 =	simm.s32 @!p0 $0x1C02  }
0x22a: {  	[timem:s3], [sflag:s2] =	dma.local @!p0 [hbm:s0], s1  }
0x22b: {  	s0 =	simm.s32 @!p0 $0x2  }
0x22c: {  	_ =	swait.ge @!p0 [sflag:s0], s1  }
0x22d: {  	s1 =	ssub.s32 @!p0 $0x0, s1;
	[sflag:s0] =	ssyncset.done @!p0 $0x0  }
0x22e: {  	[sflag:s0] =	ssyncadd.s32 @!p0 s1  }
0x22f: {  	[bflag:$0x3] =	sbarrier.arrive $0xFFFF  }
0x230: {  	_ =	shalt  }

// kernel: _impl.14.cloned.1.call-start
scs
__scs_entry_jumppad:
0x0: {  	(pc) =	sbr.rel $0x88, $3  }
0x1: {  	(tag) =	ssettag $0x0;
	lr =	simm.s32 $0x1  }
0x2: {  	[smem:$0x3F9B] =	sst lr;
	_ =	strace $0xD0000000  }
0x3: {  	_ = 	snop  }
0x4: {  	_ = 	snop  }
0x5: {  	_ = 	snop  }
0x6: {  	_ = 	snop  }
0x7: {  	_ = 	snop  }
__scs_overlays_trampoline_lowered:
0x8: {  	[smem:$0x3FAA] =	sst s0  }
0x9: {  	[smem:$0x3FAB] =	sst s1  }
0xa: {  	[smem:$0x3FAC] =	sst s2  }
0xb: {  	[smem:$0x3FAD] =	sst s3  }
0xc: {  	[smem:$0x3FAE] =	sst s4  }
0xd: {  	[smem:$0x3FAF] =	sst s5  }
0xe: {  	[smem:$0x3FB0] =	sst s6  }
0xf: {  	[smem:$0x3FB1] =	sst s7  }
0x10: {  	[smem:$0x3FB2] =	sst s8  }
0x11: {  	[smem:$0x3FB3] =	sst s9;
	s0 =	simm.s32 @!p0 $0x0  }
0x12: {  	s1 =	sld [smem:$0x3F99];
	s0 =	simm.s32 @p0 $0x1  }
0x13: {  	[smem:$0x3FB4] =	sst s0;
	s0 =	simm.s32 @!p1 $0x0  }
0x14: {  	s2 =	sld [smem:$0x3F98];
	s0 =	simm.s32 @p1 $0x1  }
0x15: {  	[smem:$0x3FB5] =	sst s0;
	s0 =	simm.s32 @!p2 $0x0  }
0x16: {  	s3 =	sld [smem:$0x3FDB];
	s0 =	simm.s32 @p2 $0x1  }
0x17: {  	s4 =	simm.s32 $0x1BF5;
	[smem:$0x3FB7] =	sst s0  }
0x18: {  	s0 =	sld [smem:$0x3F9A];
	_ =	swait.ge [sflag:s4], $0x0  }
0x19: {  	s7 =	sld [smem:$0x3F9B]  }
0x1a: {  	s8 =	sadd.s32 $0xFFFFE003, lr  }
0x1b: {  	s9 =	sadd.s32 $0xFFFFFEF7, lr;
	s5 =	simm.s32 $0xFFFFFFFF;
	p2 =	slt.u32 s8, $0xFFFFF086  }
0x1c: {  	p1 =	slt.u32 s9, $0xF7A;
	s5 =	simm.s32 @!p2 $0x0  }
0x1d: {  	s5 =	simm.s32 @p1 $0x1;
	p0 =	seq.s32 s7, s2  }
0x1e: {  	s7 =	smul.u32 @!p0 $0xF7A, s2;
	p2 =	seq.s32 @!p0 s5, $0x0  }
0x1f: {  	s9 =	smul.u32 $0xF7A, s1;
	s8 =	simm.s32 @!p0 $0x1BF5;
	p2 =	por !p2, p0  }
0x20: {  	[sflag:s8] =	ssyncset.s32 @!p0 $0xFFFFF086;
	s6 =	sadd.s32 @!p0 s3, s7;
	s7 =	simm.s32 @!p0 $0x108  }
0x21: {  	s3 =	sadd.s32 s3, s9;
	s6 =	sadd.s32 @!p0 $0x88, s6;
	s7 =	simm.s32 @p2 $0x1082  }
0x22: {  	[simem:s7], [sflag:s8] =	dma.local @!p0 [hbm:s6], $0xF7A  }
0x23: {  	s9 =	sor.u32 $0xD0000000, s2;
	s6 =	simm.s32 $0x108;
	_ =	swait.ge @!p0 [sflag:s8], $0x0  }
0x24: {  	s3 =	sadd.s32 $0x88, s3;
	s6 =	simm.s32 @!p1 $0x1082;
	[sflag:s4] =	ssyncset.s32 $0xFFFFF086  }
0x25: {  	[simem:s6], [sflag:s4] =	dma.local [hbm:s3], $0xF7A  }
0x26: {  	[smem:$0x3F9B] =	sst s1;
	(tag) =	ssettag s2;
	_ =	strace s9  }
0x27: {  	s1 =	sld [smem:$0x3FAB]  }
0x28: {  	s2 =	sld [smem:$0x3FAC]  }
0x29: {  	s4 =	sld [smem:$0x3FAE]  }
0x2a: {  	p0 =	seq.s32 s5, $0x0;
	s5 =	sld [smem:$0x3FAF]  }
0x2b: {  	s6 =	sld [smem:$0x3FB0]  }
0x2c: {  	s7 =	sld [smem:$0x3FB1]  }
0x2d: {  	s3 =	simm.s32 $0x108;
	s8 =	sld [smem:$0x3FB2]  }
0x2e: {  	s3 =	simm.s32 @!p0 $0x1082;
	s9 =	sld [smem:$0x3FB3]  }
0x2f: {  	lr =	sadd.s32 s0, s3;
	s0 =	sld [smem:$0x3FAA]  }
0x30: {  	s3 =	sld [smem:$0x3FAD]  }
0x31: {  	[smem:$0x3FB6] =	sst s10  }
0x32: {  	s10 =	sld [smem:$0x3FB4];
	_ =	sdelay $0x3  }
0x33: {  	p0 =	seq.s32 s10, $0x1;
	s10 =	sld [smem:$0x3FB6];
	_ =	sdelay $0x3  }
0x34: {  	[smem:$0x3FB6] =	sst s10  }
0x35: {  	s10 =	sld [smem:$0x3FB5];
	_ =	sdelay $0x3  }
0x36: {  	p1 =	seq.s32 s10, $0x1;
	s10 =	sld [smem:$0x3FB6];
	_ =	sdelay $0x3  }
0x37: {  	[smem:$0x3FB6] =	sst s10  }
0x38: {  	s10 =	sld [smem:$0x3FB7]  }
0x39: {  	_ = 	snop;
	(pc) =	sbr.ind lr, $3  }
0x3a: {  	_ = 	snop  }
0x3b: {  	_ = 	snop  }
0x3c: {  	p2 =	seq.s32 s10, $0x1;
	s10 =	sld [smem:$0x3FB6]  }
0x3d: {  	_ =	shalt  }
0x3e: {  	_ =	shalt  }
0x3f: {  	_ =	shalt  }
0x40: {  	_ =	shalt  }
0x41: {  	_ =	shalt  }
0x42: {  	_ =	shalt  }
0x43: {  	_ =	shalt  }
0x44: {  	_ =	shalt  }
0x45: {  	_ =	shalt  }
0x46: {  	_ =	shalt  }
0x47: {  	_ =	shalt  }
0x48: {  	_ =	shalt  }
0x49: {  	_ =	shalt  }
0x4a: {  	_ =	shalt  }
0x4b: {  	_ =	shalt  }
0x4c: {  	_ =	shalt  }
0x4d: {  	_ =	shalt  }
0x4e: {  	_ =	shalt  }
0x4f: {  	_ =	shalt  }
0x50: {  	_ =	shalt  }
0x51: {  	_ =	shalt  }
0x52: {  	_ =	shalt  }
0x53: {  	_ =	shalt  }
0x54: {  	_ =	shalt  }
0x55: {  	_ =	shalt  }
0x56: {  	_ =	shalt  }
0x57: {  	_ =	shalt  }
0x58: {  	_ =	shalt  }
0x59: {  	_ =	shalt  }
0x5a: {  	_ =	shalt  }
0x5b: {  	_ =	shalt  }
0x5c: {  	_ =	shalt  }
0x5d: {  	_ =	shalt  }
0x5e: {  	_ =	shalt  }
0x5f: {  	_ =	shalt  }
0x60: {  	_ =	shalt  }
0x61: {  	_ =	shalt  }
0x62: {  	_ =	shalt  }
0x63: {  	_ =	shalt  }
0x64: {  	_ =	shalt  }
0x65: {  	_ =	shalt  }
0x66: {  	_ =	shalt  }
0x67: {  	_ =	shalt  }
0x68: {  	_ =	shalt  }
0x69: {  	_ =	shalt  }
0x6a: {  	_ =	shalt  }
0x6b: {  	_ =	shalt  }
0x6c: {  	_ =	shalt  }
0x6d: {  	_ =	shalt  }
0x6e: {  	_ =	shalt  }
0x6f: {  	_ =	shalt  }
0x70: {  	_ =	shalt  }
0x71: {  	_ =	shalt  }
0x72: {  	_ =	shalt  }
0x73: {  	_ =	shalt  }
0x74: {  	_ =	shalt  }
0x75: {  	_ =	shalt  }
0x76: {  	_ =	shalt  }
0x77: {  	_ =	shalt  }
0x78: {  	_ =	shalt  }
0x79: {  	_ =	shalt  }
0x7a: {  	_ =	shalt  }
0x7b: {  	_ =	shalt  }
0x7c: {  	_ =	shalt  }
0x7d: {  	_ =	shalt  }
0x7e: {  	_ =	shalt  }
0x7f: {  	_ =	shalt  }
0x80: {  	_ =	shalt  }
0x81: {  	_ =	shalt  }
0x82: {  	_ =	shalt  }
0x83: {  	_ =	shalt  }
0x84: {  	_ =	shalt  }
0x85: {  	_ =	shalt  }
0x86: {  	_ =	shalt  }
0x87: {  	_ =	shalt  }
.Lfunc_end0:
.L_simem_size_0:
called_computation.7_lowered:
.L_overlay_start_0:
0x88: {  	s2 =	sld [smem:$0x3FD9]  }
0x89: {  	s3 =	sld [smem:$0x3FFE];
	_ =	sdelay $0x1  }
0x8a: {  	s1 =	srdreg.scid  }
0x8b: {  	s0 =	sand.u32 $0x1, s1  }
0x8c: {  	s16 =	sshll.u32 s0, $0xA;
	s2 =	sadd.s32 s3, s2  }
0x8d: {  	s2 =	sadd.s32 s2, s16  }
0x8e: {  	[smem:$0x3FC2] =	sst s2  }
0x8f: {  	_ = 	snop  }
0x90: {  	(tm) =	ssettm $0x1  }
0x91: {  	s17 =	sld [smem:$0x3FFB];
	_ =	sdelay $0x3  }
0x92: {  	_ =	strace s17  }
0x93: {  	s2 =	sld [smem:$0x3FFC];
	_ =	sdelay $0x3  }
0x94: {  	_ =	strace s2  }
0x95: {  	s2 =	sld [smem:$0x3FFD];
	_ =	sdelay $0x3  }
0x96: {  	_ =	strace s2  }
0x97: {  	_ =	strace $0x8FFFFFFF  }
0x98: {  	s18 =	sld [smem:$0x3FDB];
	_ =	sdelay $0x1  }
0x99: {  	s19 =	simm.s32 $_scs_section_size  }
0x9a: {  	s4 =	simm.s32 $_size__tile_overlayer_lowered;
	s5 =	simm.s32 $_tile_overlayer_lowered  }
0x9b: {  	s22 =	simm.s32 $0x1BFF;
	s21 =	sshll.u32 s5, $0x1;
	s2 =	sadd.s32 s19, s18  }
0x9c: {  	s6 =	simm.s32 $0x0;
	s20 =	sshll.u32 s4, $0x1;
	s4 =	sadd.s32 s21, s2  }
0x9d: {  	[timem:s6], [sflag:s22] =	dma.local [hbm:s4], s20  }
0x9e: {  	_ =	swait.ge [sflag:s22], s20  }
0x9f: {  	s3 =	ssub.s32 $0x0, s20;
	[sflag:s22] =	ssyncset.done $0x0  }
0xa0: {  	[sflag:s22] =	ssyncadd.s32 s3;
	_ =	sdelay $0x1  }
0xa1: {  	s23 =	simm.s32 $0x1B8B  }
0xa2: {  	_ =	swait.ge [sflag:s23], $0x1  }
0xa3: {  	[sflag:s23] =	ssyncset.done $0x0  }
0xa4: {  	s25 =	simm.s32 $0x1B8E;
	s24 =	sld [smem:$0x3FFE];
	[sflag:s23] =	ssyncadd.s32 $0xFFFFFFFF  }
0xa5: {  	s26 =	simm.s32 $execute0_lowered;
	[smem:$0x3FD2] =	sst s25  }
0xa6: {  	s4 =	sshll.u32 s26, $0x1;
	_ =	strace $0x8000005B;
	[dreg:$0x1] =	wrdreg $0xFFFFFFFF  }
0xa7: {  	s28 =	simm.s32 $_size_execute0_lowered;
	s2 =	sadd.s32 s2, s4;
	[dreg:$0x0] =	wrdreg $0x0  }
0xa8: {  	s4 =	sshll.u32 s28, $0x1;
	[dreg:$0x2] =	wrdreg s2  }
0xa9: {  	[dreg:$0x3] =	wrdreg s4  }
0xaa: {  	[dreg:$0x4] =	wrdreg $0xC0  }
0xab: {  	_ =	task [dreg:s6], $0x5FFFF  }
0xac: {  	[dreg:$0x1] =	wrdreg $0xFFFFFFFF  }
0xad: {  	[dreg:$0x0] =	wrdreg $0x60  }
0xae: {  	[dreg:$0x2] =	wrdreg s24  }
0xaf: {  	[dreg:$0x3] =	wrdreg $0x9  }
0xb0: {  	_ =	task.clear_ibuf [dreg:s6], $0x4FFFF;
	_ =	strace $0x9000005B  }
0xb1: {  	s29 =	simm.s32 $0x9;
	_ =	strace $0x8000005D  }
0xb2: {  	_ =	swait.ge [sflag:s29], $0x1  }
0xb3: {  	[sflag:s29] =	ssyncadd.s32 $0xFFFFFFFF  }
0xb4: {  	_ =	strace $0x9000005D  }
0xb5: {  	_ =	sfence  }
0xb6: {  	s30 =	sld [smem:$0x0];
	_ =	sdelay $0x2  }
0xb7: {  	s31 =	sshll.u32 s1, $0xD;
	s1 =	sshrl.u32 s1, $0x2  }
0xb8: {  	s3 =	sand.u32 $0x4000, s31;
	s1 =	sadd.s32 s1, s30  }
0xb9: {  	s0 =	sor.u32 s3, s0;
	s1 =	sshll.u32 s1, $0x11  }
0xba: {  	s0 =	sor.u32 s1, s0  }
0xbb: {  	s0 =	sadd.s32 $0x8F2B, s0  }
0xbc: {  	[sflag:s0] =	ssyncadd.remote.s32 $0x1  }
0xbd: {  	_ =	sfence.sel $0xFFFF  }
0xbe: {  	[dreg:$0x0] =	wrdreg $0xFFFFFFFF;
	(pc) =	sbr.abs _section_cstart, $3  }
0xbf: {  	[dreg:$0x1] =	wrdreg $0xFFFFFFFF  }
0xc0: {  	_ =	task.clear_ibuf [dreg:s6], $0x2FFFF;
	_ =	strace $0x9FFFFFFF  }
0xc1: {  	(tm) =	ssettm $0x7FFFFFFF  }
tec
execute0_lowered:
.L_overlay_start_1:
0x0: {  	(tag) =	ssettag $0x1  }
0x1: {  	s6 =	rddreg [dreg:$0x0]  }
0x2: {  	s0 =	rddreg [dreg:$0x1];
	s2 =	simm.s32 $0x0;
	s3 =	srdreg.scid  }
0x3: {  	s1 =	stileid.u32;
	s9 =	simm.s32 $0x2;
	s10 =	simm.s32 $0xE0  }
0x4: {  	s11 =	simm.s32 $0x100;
	s12 =	simm.s32 $0x1;
	s13 =	simm.s32 $0x7100  }
0x5: {  	s14 =	simm.s32 $0x0;
	[smem:$0x7FF] =	sst s2;
	s4 =	sand.u32 $0x1, s3  }
0x6: {  	s7 =	sshll.u32 s1, $0x1;
	s3 =	sadd.s32 $0xB200, s6;
	s5 =	ssub.s32 $0x2, s4  }
0x7: {  	_ =	strace $0x8000005C;
	s7 =	sor.u32 s4, s7;
	s8 =	sshrl.u32 s5, $0x1  }
0x8: {  	s4 =	sadd.s32 $0x2600, s6;
	s8 =	ssub.s32 s5, s8;
	s5 =	smul.u32 $0x28, s7  }
0x9: {  	s6 =	sadd.s32 $0xAD200, s6;
	s7 =	smul.u32 $0x28000, s7;
	s8 =	smax.u32 s8, $0x1  }
.LBB2_1:
0xa: {  	s15 =	simm.s32 $0x0  }
.LBB2_2:
0xb: {  	s16 =	sadd.s32 s5, s15  }
0xc: {  	s16 =	smul.u32 $0x1C, s16;
	_ =	sdelay $0x1  }
0xd: {  	s17 =	simm.s32 $0x0;
	s16 =	sadd.s32 s4, s16  }
0xe: {  	[tilespmem:s17], [sflag:$0x2] =	stream.linear.gather [hbm4b:s16+s17], $0xE0, $0x38;
	[tilespmem:$0x8100] =	vst v63  }
0xf: {  	_ =	swait.ge [sflag:s9], $0xE0  }
0x10: {  	[sflag:s9] =	ssyncset.done $0x0  }
0x11: {  	[sflag:s9] =	ssyncadd.s32 $0xFFFFFF20  }
0x12: {  	[tilespmem:s11], [sflag:$0x1] =	stream.indirect.gather [hbm4b:s3+s10], $0x80, s17, s10, $0xb8;
	[tilespmem:$0x8100] =	vst v63  }
0x13: {  	_ =	swait.ge [sflag:s12], $0x7000  }
0x14: {  	[sflag:s12] =	ssyncset.done $0x0  }
0x15: {  	s17 =	simm.s32 $0x0;
	[sflag:s12] =	ssyncadd.s32 $0xFFFF9000  }
0x16: {  	v0 =	vld [tilespmem:s17+$0x100]  }
0x17: {  	v1 =	vld [tilespmem:s17+$0x1100];
	_ =	sdelay $0x1  }
0x18: {  	v2 =	vld [tilespmem:s17+$0x2100];
	_ =	sdelay $0x1  }
0x19: {  	v3 =	vld [tilespmem:s17+$0x3100]  }
0x1a: {  	s16 =	simm.s32 $0x80;
	v5 =	vld [tilespmem:s17+$0x4100];
	v0 =	vadd.f32 v1, v0  }
0x1b: {  	v6 =	vld [tilespmem:s16+$0x100]  }
0x1c: {  	v7 =	vld [tilespmem:s16+$0x1100];
	v0 =	vadd.f32 v2, v0  }
0x1d: {  	v8 =	vld [tilespmem:s17+$0x5100]  }
0x1e: {  	v1 =	vld [tilespmem:s16+$0x2100];
	v0 =	vadd.f32 v3, v0  }
0x1f: {  	v4 =	vld [tilespmem:s17+$0x6100]  }
0x20: {  	s18 =	simm.s32 $0x100;
	v2 =	vld [tilespmem:s16+$0x3100];
	v9 =	vadd.f32 v5, v0  }
0x21: {  	v3 =	vld [tilespmem:s18+$0x100];
	v5 =	vadd.f32 v7, v6  }
0x22: {  	s19 =	simm.s32 $0x600;
	v0 =	vld [tilespmem:s16+$0x4100];
	v6 =	vadd.f32 v8, v9  }
.LBB2_3:
0x23: {  	p0 =	sne.s32 s19, $0x3E00;
	v7 =	vld [tilespmem:s18+$0x1100];
	v5 =	vadd.f32 v1, v5  }
0x24: {  	v8 =	vld [tilespmem:s16+$0x5100];
	v6 =	vadd.f32 v4, v6  }
.Ltmp0:
0x25: {  	v1 =	vld [tilespmem:s18+$0x2100];
	v5 =	vadd.f32 v2, v5;
	(pc) =	sbr.rel @p0 .LBB2_3-.Ltmp0, $4  }
0x26: {  	v4 =	vld [tilespmem:s16+$0x6100];
	[tilespmem:s17+$0x7100] =	vst v6;
	s17 =	smov.u32 s16;
	s16 =	smov.u32 s18  }
0x27: {  	v2 =	vld [tilespmem:s16+$0x3100];
	v6 =	vadd.f32 v0, v5  }
0x28: {  	s18 =	sshra.s32 s19, $0x2;
	v5 =	vadd.f32 v7, v3;
	v0 =	vld [tilespmem:s16+$0x4100]  }
0x29: {  	s19 =	sadd.s32 $0x200, s19;
	v3 =	vld [tilespmem:s18+$0x100];
	v6 =	vadd.f32 v8, v6  }
0x2a: {  	v7 =	vld [tilespmem:s18+$0x1100]  }
0x2b: {  	v8 =	vld [tilespmem:s16+$0x5100];
	v4 =	vadd.f32 v4, v6  }
0x2c: {  	v60 =	vld [tilespmem:s18+$0x2100]  }
0x2d: {  	v9 =	vld [tilespmem:s16+$0x6100];
	[tilespmem:s17+$0x7100] =	vst v4  }
0x2e: {  	v4 =	vld [tilespmem:s18+$0x3100]  }
0x2f: {  	v3 =	vadd.f32 v7, v3  }
0x30: {  	v1 =	vadd.f32 v1, v5;
	v61 =	vld [tilespmem:s18+$0x4100]  }
0x31: {  	v3 =	vadd.f32 v60, v3  }
0x32: {  	v1 =	vadd.f32 v2, v1;
	v62 =	vld [tilespmem:s18+$0x5100]  }
0x33: {  	v3 =	vadd.f32 v4, v3  }
0x34: {  	v0 =	vadd.f32 v0, v1;
	v63 =	vld [tilespmem:s18+$0x6100]  }
0x35: {  	v3 =	vadd.f32 v61, v3  }
0x36: {  	v0 =	vadd.f32 v8, v0  }
0x37: {  	v2 =	vadd.f32 v62, v3  }
0x38: {  	s30 =	sshll.u32 s15, $0xC;
	v0 =	vadd.f32 v9, v0  }
0x39: {  	s15 =	sadd.s32 $0x1, s15;
	s17 =	sadd.s32 s7, s30;
	v1 =	vadd.f32 v63, v2  }
0x3a: {  	p0 =	sne.s32 s15, $0x28;
	s31 =	sshrl.u32 s17, $0x3;
	[tilespmem:s16+$0x7100] =	vst v0  }
.Ltmp1:
0x3b: {  	s16 =	sadd.s32 s6, s31;
	[tilespmem:s18+$0x7100] =	vst v1;
	(pc) =	sbr.rel @p0 .LBB2_2-.Ltmp1, $4  }
0x3c: {  	[hbm4b:s16+s2] =	stream.linear.scatter [tilespmem:s13], [sflag:$0x2], $0x1000, $0x38;
	[tilespmem:$0x8100] =	vst v63  }
0x3d: {  	_ =	swait.ge [sflag:s9], $0x1000  }
0x3e: {  	[sflag:s9] =	ssyncset.done $0x0  }
0x3f: {  	[sflag:s9] =	ssyncadd.s32 $0xFFFFF000  }
0x40: {  	s14 =	sadd.s32 $0x1, s14  }
0x41: {  	p0 =	sne.s32 s14, s8  }
.Ltmp2:
0x42: {  	_ = 	snop;
	(pc) =	sbr.rel @p0 .LBB2_1-.Ltmp2, $1  }
0x43: {  	_ =	sdelay $0x3  }
0x44: {  	_ =	sfence.sel $0x180000  }
0x45: {  	[bflag:$0x0] =	sbarrier.arrive $0xFFFF  }
0x46: {  	p0 =	sne.s32 s1, $0x0;
	_ =	strace $0x9000005C  }
0x47: {  	s0 =	sadd.s32 @!p0 $0x100000, s0;
	[bflag:$0x2] =	sbarrier.arrive $0xFFFF  }
0x48: {  	[sflag:s0] =	ssyncadd.tile.s32 @!p0 $0x1;
	_ =	shalt  }
.Lfunc_end2:
_tile_overlayer_lowered:
.L_overlay_start_2:
0x49: {  	(tag) =	ssettag $0x2  }
0x4a: {  	s0 =	rddreg [dreg:$0x0];
	s2 =	stileid.u32  }
0x4b: {  	s1 =	rddreg [dreg:$0x1];
	p0 =	sne.s32 s2, $0x0  }
0x4c: {  	s3 =	rddreg [dreg:$0x2];
	[bflag:$0x3] =	sbarrier.arrive $0xFFFF;
	s2 =	simm.s32 @!p0 $0x1C02  }
0x4d: {  	[timem:s3], [sflag:s2] =	dma.local @!p0 [hbm:s0], s1  }
0x4e: {  	s0 =	simm.s32 @!p0 $0x2  }
0x4f: {  	_ =	swait.ge @!p0 [sflag:s0], s1  }
0x50: {  	s1 =	ssub.s32 @!p0 $0x0, s1;
	[sflag:s0] =	ssyncset.done @!p0 $0x0  }
0x51: {  	[sflag:s0] =	ssyncadd.s32 @!p0 s1  }
0x52: {  	[bflag:$0x3] =	sbarrier.arrive $0xFFFF  }
0x53: {  	_ =	shalt  }

// kernel: _impl.8.cloned.1.call-start
scs
__scs_entry_jumppad:
0x0: {  	(pc) =	sbr.rel $0x88, $3  }
0x1: {  	(tag) =	ssettag $0x0;
	lr =	simm.s32 $0x1  }
0x2: {  	[smem:$0x3F9B] =	sst lr;
	_ =	strace $0xD0000000  }
0x3: {  	_ = 	snop  }
0x4: {  	_ = 	snop  }
0x5: {  	_ = 	snop  }
0x6: {  	_ = 	snop  }
0x7: {  	_ = 	snop  }
__scs_overlays_trampoline_lowered:
0x8: {  	[smem:$0x3FAA] =	sst s0  }
0x9: {  	[smem:$0x3FAB] =	sst s1  }
0xa: {  	[smem:$0x3FAC] =	sst s2  }
0xb: {  	[smem:$0x3FAD] =	sst s3  }
0xc: {  	[smem:$0x3FAE] =	sst s4  }
0xd: {  	[smem:$0x3FAF] =	sst s5  }
0xe: {  	[smem:$0x3FB0] =	sst s6  }
0xf: {  	[smem:$0x3FB1] =	sst s7  }
0x10: {  	[smem:$0x3FB2] =	sst s8  }
0x11: {  	[smem:$0x3FB3] =	sst s9;
	s0 =	simm.s32 @!p0 $0x0  }
0x12: {  	s1 =	sld [smem:$0x3F99];
	s0 =	simm.s32 @p0 $0x1  }
0x13: {  	[smem:$0x3FB4] =	sst s0;
	s0 =	simm.s32 @!p1 $0x0  }
0x14: {  	s2 =	sld [smem:$0x3F98];
	s0 =	simm.s32 @p1 $0x1  }
0x15: {  	[smem:$0x3FB5] =	sst s0;
	s0 =	simm.s32 @!p2 $0x0  }
0x16: {  	s3 =	sld [smem:$0x3FDB];
	s0 =	simm.s32 @p2 $0x1  }
0x17: {  	s4 =	simm.s32 $0x1BF5;
	[smem:$0x3FB7] =	sst s0  }
0x18: {  	s0 =	sld [smem:$0x3F9A];
	_ =	swait.ge [sflag:s4], $0x0  }
0x19: {  	s7 =	sld [smem:$0x3F9B]  }
0x1a: {  	s8 =	sadd.s32 $0xFFFFE003, lr  }
0x1b: {  	s9 =	sadd.s32 $0xFFFFFEF7, lr;
	s5 =	simm.s32 $0xFFFFFFFF;
	p2 =	slt.u32 s8, $0xFFFFF086  }
0x1c: {  	p1 =	slt.u32 s9, $0xF7A;
	s5 =	simm.s32 @!p2 $0x0  }
0x1d: {  	s5 =	simm.s32 @p1 $0x1;
	p0 =	seq.s32 s7, s2  }
0x1e: {  	s7 =	smul.u32 @!p0 $0xF7A, s2;
	p2 =	seq.s32 @!p0 s5, $0x0  }
0x1f: {  	s9 =	smul.u32 $0xF7A, s1;
	s8 =	simm.s32 @!p0 $0x1BF5;
	p2 =	por !p2, p0  }
0x20: {  	[sflag:s8] =	ssyncset.s32 @!p0 $0xFFFFF086;
	s6 =	sadd.s32 @!p0 s3, s7;
	s7 =	simm.s32 @!p0 $0x108  }
0x21: {  	s3 =	sadd.s32 s3, s9;
	s6 =	sadd.s32 @!p0 $0x88, s6;
	s7 =	simm.s32 @p2 $0x1082  }
0x22: {  	[simem:s7], [sflag:s8] =	dma.local @!p0 [hbm:s6], $0xF7A  }
0x23: {  	s9 =	sor.u32 $0xD0000000, s2;
	s6 =	simm.s32 $0x108;
	_ =	swait.ge @!p0 [sflag:s8], $0x0  }
0x24: {  	s3 =	sadd.s32 $0x88, s3;
	s6 =	simm.s32 @!p1 $0x1082;
	[sflag:s4] =	ssyncset.s32 $0xFFFFF086  }
0x25: {  	[simem:s6], [sflag:s4] =	dma.local [hbm:s3], $0xF7A  }
0x26: {  	[smem:$0x3F9B] =	sst s1;
	(tag) =	ssettag s2;
	_ =	strace s9  }
0x27: {  	s1 =	sld [smem:$0x3FAB]  }
0x28: {  	s2 =	sld [smem:$0x3FAC]  }
0x29: {  	s4 =	sld [smem:$0x3FAE]  }
0x2a: {  	p0 =	seq.s32 s5, $0x0;
	s5 =	sld [smem:$0x3FAF]  }
0x2b: {  	s6 =	sld [smem:$0x3FB0]  }
0x2c: {  	s7 =	sld [smem:$0x3FB1]  }
0x2d: {  	s3 =	simm.s32 $0x108;
	s8 =	sld [smem:$0x3FB2]  }
0x2e: {  	s3 =	simm.s32 @!p0 $0x1082;
	s9 =	sld [smem:$0x3FB3]  }
0x2f: {  	lr =	sadd.s32 s0, s3;
	s0 =	sld [smem:$0x3FAA]  }
0x30: {  	s3 =	sld [smem:$0x3FAD]  }
0x31: {  	[smem:$0x3FB6] =	sst s10  }
0x32: {  	s10 =	sld [smem:$0x3FB4];
	_ =	sdelay $0x3  }
0x33: {  	p0 =	seq.s32 s10, $0x1;
	s10 =	sld [smem:$0x3FB6];
	_ =	sdelay $0x3  }
0x34: {  	[smem:$0x3FB6] =	sst s10  }
0x35: {  	s10 =	sld [smem:$0x3FB5];
	_ =	sdelay $0x3  }
0x36: {  	p1 =	seq.s32 s10, $0x1;
	s10 =	sld [smem:$0x3FB6];
	_ =	sdelay $0x3  }
0x37: {  	[smem:$0x3FB6] =	sst s10  }
0x38: {  	s10 =	sld [smem:$0x3FB7]  }
0x39: {  	_ = 	snop;
	(pc) =	sbr.ind lr, $3  }
0x3a: {  	_ = 	snop  }
0x3b: {  	_ = 	snop  }
0x3c: {  	p2 =	seq.s32 s10, $0x1;
	s10 =	sld [smem:$0x3FB6]  }
0x3d: {  	_ =	shalt  }
0x3e: {  	_ =	shalt  }
0x3f: {  	_ =	shalt  }
0x40: {  	_ =	shalt  }
0x41: {  	_ =	shalt  }
0x42: {  	_ =	shalt  }
0x43: {  	_ =	shalt  }
0x44: {  	_ =	shalt  }
0x45: {  	_ =	shalt  }
0x46: {  	_ =	shalt  }
0x47: {  	_ =	shalt  }
0x48: {  	_ =	shalt  }
0x49: {  	_ =	shalt  }
0x4a: {  	_ =	shalt  }
0x4b: {  	_ =	shalt  }
0x4c: {  	_ =	shalt  }
0x4d: {  	_ =	shalt  }
0x4e: {  	_ =	shalt  }
0x4f: {  	_ =	shalt  }
0x50: {  	_ =	shalt  }
0x51: {  	_ =	shalt  }
0x52: {  	_ =	shalt  }
0x53: {  	_ =	shalt  }
0x54: {  	_ =	shalt  }
0x55: {  	_ =	shalt  }
0x56: {  	_ =	shalt  }
0x57: {  	_ =	shalt  }
0x58: {  	_ =	shalt  }
0x59: {  	_ =	shalt  }
0x5a: {  	_ =	shalt  }
0x5b: {  	_ =	shalt  }
0x5c: {  	_ =	shalt  }
0x5d: {  	_ =	shalt  }
0x5e: {  	_ =	shalt  }
0x5f: {  	_ =	shalt  }
0x60: {  	_ =	shalt  }
0x61: {  	_ =	shalt  }
0x62: {  	_ =	shalt  }
0x63: {  	_ =	shalt  }
0x64: {  	_ =	shalt  }
0x65: {  	_ =	shalt  }
0x66: {  	_ =	shalt  }
0x67: {  	_ =	shalt  }
0x68: {  	_ =	shalt  }
0x69: {  	_ =	shalt  }
0x6a: {  	_ =	shalt  }
0x6b: {  	_ =	shalt  }
0x6c: {  	_ =	shalt  }
0x6d: {  	_ =	shalt  }
0x6e: {  	_ =	shalt  }
0x6f: {  	_ =	shalt  }
0x70: {  	_ =	shalt  }
0x71: {  	_ =	shalt  }
0x72: {  	_ =	shalt  }
0x73: {  	_ =	shalt  }
0x74: {  	_ =	shalt  }
0x75: {  	_ =	shalt  }
0x76: {  	_ =	shalt  }
0x77: {  	_ =	shalt  }
0x78: {  	_ =	shalt  }
0x79: {  	_ =	shalt  }
0x7a: {  	_ =	shalt  }
0x7b: {  	_ =	shalt  }
0x7c: {  	_ =	shalt  }
0x7d: {  	_ =	shalt  }
0x7e: {  	_ =	shalt  }
0x7f: {  	_ =	shalt  }
0x80: {  	_ =	shalt  }
0x81: {  	_ =	shalt  }
0x82: {  	_ =	shalt  }
0x83: {  	_ =	shalt  }
0x84: {  	_ =	shalt  }
0x85: {  	_ =	shalt  }
0x86: {  	_ =	shalt  }
0x87: {  	_ =	shalt  }
.Lfunc_end0:
.L_simem_size_0:
called_computation.5_lowered:
.L_overlay_start_0:
0x88: {  	s2 =	sld [smem:$0x3FD9]  }
0x89: {  	s3 =	sld [smem:$0x3FFE];
	_ =	sdelay $0x1  }
0x8a: {  	s1 =	srdreg.scid  }
0x8b: {  	s0 =	sand.u32 $0x1, s1  }
0x8c: {  	s17 =	sshll.u32 s0, $0xA;
	s2 =	sadd.s32 s3, s2  }
0x8d: {  	s2 =	sadd.s32 s2, s17  }
0x8e: {  	[smem:$0x3FC2] =	sst s2  }
0x8f: {  	_ = 	snop  }
0x90: {  	s18 =	sld [smem:$0x3FC9];
	(tm) =	ssettm $0x1  }
0x91: {  	s19 =	sld [smem:$0x3FFB];
	_ =	sdelay $0x3  }
0x92: {  	_ =	strace s19  }
0x93: {  	s2 =	sld [smem:$0x3FFC];
	_ =	sdelay $0x3  }
0x94: {  	_ =	strace s2  }
0x95: {  	s2 =	sld [smem:$0x3FFD];
	_ =	sdelay $0x3  }
0x96: {  	_ =	strace s2  }
0x97: {  	_ =	strace $0x8FFFFFFF  }
0x98: {  	s20 =	sld [smem:$0x3FDB];
	_ =	sdelay $0x1  }
0x99: {  	s4 =	simm.s32 $_scs_section_size  }
0x9a: {  	s5 =	simm.s32 $_size__tile_overlayer_lowered;
	s6 =	simm.s32 $_tile_overlayer_lowered  }
0x9b: {  	s7 =	simm.s32 $0x1BFF;
	s21 =	sshll.u32 s6, $0x1;
	s4 =	sadd.s32 s4, s20  }
0x9c: {  	s22 =	simm.s32 $0x0;
	s5 =	sshll.u32 s5, $0x1;
	s6 =	sadd.s32 s21, s4  }
0x9d: {  	[timem:s22], [sflag:s7] =	dma.local [hbm:s6], s5  }
0x9e: {  	_ =	swait.ge [sflag:s7], s5  }
0x9f: {  	s5 =	ssub.s32 $0x0, s5;
	[sflag:s7] =	ssyncset.done $0x0  }
0xa0: {  	[sflag:s7] =	ssyncadd.s32 s5;
	_ =	sdelay $0x1  }
0xa1: {  	s23 =	simm.s32 $0x1B8B  }
0xa2: {  	_ =	swait.ge [sflag:s23], $0x1  }
0xa3: {  	[sflag:s23] =	ssyncset.done $0x0  }
0xa4: {  	[sflag:s23] =	ssyncadd.s32 $0xFFFFFFFF  }
0xa5: {  	s5 =	sld [smem:$0x0]  }
0xa6: {  	s6 =	sand.u32 $0xFFFFFFFE, s1  }
0xa7: {  	p0 =	sne.s32 s1, s6  }
0xa8: {  	s6 =	sshll.u32 @p0 s6, $0xE  }
0xa9: {  	s6 =	sadd.s32 @p0 $0x11B8D, s6;
	s7 =	sshll.u32 @p0 s5, $0x11  }
0xaa: {  	s6 =	sor.u32 @p0 s7, s6  }
0xab: {  	[sflag:s6] =	ssyncadd.remote.s32 @p0 $0x1;
	_ =	sdelay $0x1  }
0xac: {  	s6 =	simm.s32 @p0 $0x1B8D  }
0xad: {  	_ =	swait.eq @p0 [sflag:s6], $0x1  }
0xae: {  	[sflag:s6] =	ssyncadd.s32 @p0 $0xFFFFFFFF  }
0xaf: {  	s7 =	sshll.u32 @!p0 s1, $0xE  }
0xb0: {  	s7 =	sor.u32 @!p0 $0x4000, s7;
	s6 =	simm.s32 @!p0 $0x1B8D  }
0xb1: {  	s5 =	sshll.u32 @!p0 s5, $0x11;
	s7 =	sadd.s32 @!p0 $0x11B8D, s7;
	_ =	swait.eq @!p0 [sflag:s6], $0x1  }
0xb2: {  	s5 =	sor.u32 @!p0 s5, s7;
	[sflag:s6] =	ssyncadd.s32 @!p0 $0xFFFFFFFF  }
0xb3: {  	s25 =	simm.s32 $0x1B8E;
	s24 =	sld [smem:$0x3FFE];
	[sflag:s5] =	ssyncadd.remote.s32 @!p0 $0x1  }
0xb4: {  	s26 =	simm.s32 $execute0_lowered;
	[smem:$0x3FD2] =	sst s25  }
0xb5: {  	s6 =	sshll.u32 s26, $0x1;
	_ =	strace $0x80000055;
	[dreg:$0x1] =	wrdreg $0xFFFFFFFF  }
0xb6: {  	s28 =	simm.s32 $_size_execute0_lowered;
	s4 =	sadd.s32 s4, s6;
	[dreg:$0x0] =	wrdreg $0x0  }
0xb7: {  	s6 =	sshll.u32 s28, $0x1;
	[dreg:$0x2] =	wrdreg s4  }
0xb8: {  	[dreg:$0x3] =	wrdreg s6  }
0xb9: {  	[dreg:$0x4] =	wrdreg $0xC0  }
0xba: {  	_ =	task [dreg:s22], $0x5FFFF  }
0xbb: {  	[dreg:$0x1] =	wrdreg $0xFFFFFFFF  }
0xbc: {  	[dreg:$0x0] =	wrdreg $0x60  }
0xbd: {  	[dreg:$0x2] =	wrdreg s24  }
0xbe: {  	[dreg:$0x3] =	wrdreg s18  }
0xbf: {  	[dreg:$0x4] =	wrdreg $0xD  }
0xc0: {  	_ =	task.clear_ibuf [dreg:s22], $0x5FFFF;
	_ =	strace $0x90000055  }
0xc1: {  	s29 =	simm.s32 $0xD;
	_ =	strace $0x80000057  }
0xc2: {  	_ =	swait.ge [sflag:s29], $0x1  }
0xc3: {  	[sflag:s29] =	ssyncadd.s32 $0xFFFFFFFF  }
0xc4: {  	_ =	strace $0x90000057  }
0xc5: {  	_ =	sfence  }
0xc6: {  	s30 =	sld [smem:$0x0];
	_ =	sdelay $0x2  }
0xc7: {  	s31 =	sshll.u32 s1, $0xD;
	s1 =	sshrl.u32 s1, $0x2  }
0xc8: {  	s4 =	sand.u32 $0x4000, s31;
	s1 =	sadd.s32 s1, s30  }
0xc9: {  	s0 =	sor.u32 s4, s0;
	s1 =	sshll.u32 s1, $0x11  }
0xca: {  	s0 =	sor.u32 s1, s0  }
0xcb: {  	s0 =	sadd.s32 $0x8F2B, s0  }
0xcc: {  	[sflag:s0] =	ssyncadd.remote.s32 $0x1  }
0xcd: {  	_ =	sfence.sel $0xFFFF  }
0xce: {  	[dreg:$0x0] =	wrdreg $0xFFFFFFFF;
	(pc) =	sbr.abs _section_cstart, $3  }
0xcf: {  	[dreg:$0x1] =	wrdreg $0xFFFFFFFF  }
0xd0: {  	_ =	task.clear_ibuf [dreg:s22], $0x2FFFF;
	_ =	strace $0x9FFFFFFF  }
0xd1: {  	(tm) =	ssettm $0x7FFFFFFF  }
tec
execute0_lowered:
.L_overlay_start_1:
0x0: {  	(tag) =	ssettag $0x1  }
0x1: {  	s0 =	rddreg [dreg:$0x0]  }
0x2: {  	s1 =	rddreg [dreg:$0x1]  }
0x3: {  	s3 =	simm.s32 $0x0;
	s2 =	srdreg.scid;
	s4 =	stileid.u32  }
0x4: {  	s9 =	simm.s32 $0x2;
	s22 =	simm.s32 $0x6080;
	s23 =	simm.s32 $0x6880  }
0x5: {  	s24 =	simm.s32 $0x7080;
	s28 =	simm.s32 $0x8880;
	s29 =	simm.s32 $0x9080  }
0x6: {  	s30 =	simm.s32 $0x9880;
	s31 =	simm.s32 $0xA080;
	s8 =	simm.s32 $0xB880  }
0x7: {  	s10 =	simm.s32 $0xC080;
	s12 =	simm.s32 $0x0;
	[smem:$0x7FF] =	sst s3  }
0x8: {  	s2 =	sand.u32 $0x1, s2;
	s5 =	sshll.u32 s4, $0x1;
	s4 =	sadd.s32 $0x18C00, s0  }
0x9: {  	s7 =	sadd.s32 $0x100, s1;
	s3 =	simm.s32 $0x1;
	s25 =	ssub.s32 $0x2, s2  }
0xa: {  	_ =	strace $0x80000056;
	s2 =	sor.u32 s2, s5;
	s6 =	sshrl.u32 s25, $0x1  }
0xb: {  	v2 =	vlaneseq.u32;
	s5 =	sadd.s32 $0x3A800, s0;
	s26 =	ssub.s32 s25, s6;
	s6 =	smul.u32 $0x500, s2  }
0xc: {  	vm0 =	vmmov $0xffff;
	v1 =	vshrl.u32 v2, $0x3;
	s25 =	simm.s32 $0x7880;
	s2 =	simm.s32 $0xB080;
	s0 =	smax.u32 s26, $0x1  }
0xd: {  	v0 =	vand.u32 $0x7, v2;
	v2 =	vor.u32 $0x8, v2;
	v1 =	vmul.u32 $0x8, v1;
	s26 =	simm.s32 $0x8080;
	[dreg:$0x3] =	wrdreg s0;
	s0 =	simm.s32 $0xA880  }
.LBB2_1:
0xe: {  	[dreg:$0x4] =	wrdreg s12;
	s11 =	simm.s32 $0x0  }
.LBB2_2:
0xf: {  	s12 =	sshll.u32 s11, $0x5  }
0x10: {  	s12 =	sadd.s32 s6, s12  }
0x11: {  	s13 =	smul.u32 $0x3, s12;
	_ =	sdelay $0x1  }
0x12: {  	s13 =	sshrl.u32 s13, $0x3  }
0x13: {  	s14 =	sadd.s32 s4, s13;
	s13 =	simm.s32 $0x0  }
0x14: {  	[tilespmem:s13], [sflag:$0x2] =	stream.linear.gather [hbm4b:s14+s13], $0x60, $0x38;
	[tilespmem:$0x10080] =	vst v63  }
0x15: {  	_ =	swait.ge [sflag:s9], $0x60  }
0x16: {  	[sflag:s9] =	ssyncset.done $0x0  }
0x17: {  	[sflag:s9] =	ssyncadd.s32 $0xFFFFFFA0  }
0x18: {  	v3 =	vld [tilespmem:$0x0];
	_ =	sdelay $0x4  }
0x19: {  	v4 =	vshll.u32 v3, $0x2  }
0x1a: {  	v3 =	vand.u32 $0x7, v3;
	v4 =	vand.u32 $0xFFFFFFE0, v4  }
0x1b: {  	v3 =	vor.u32 v3, v4  }
0x1c: {  	v4 =	vperm.xlane v3, v0;
	_ =	sdelay $0x1  }
0x1d: {  	v4 =	vadd.s32 v1, v4;
	_ =	sdelay $0x1  }
0x1e: {  	v3 =	vperm.xlane v3, v2;
	_ =	sdelay $0x1  }
0x1f: {  	s17 =	simm.s32 $0x80;
	v3 =	vadd.s32 v1, v3  }
0x20: {  	[tilespmem:s17], [sflag:$0x1] =	stream.indirect_vreg.gather [hbm4b:s1+s13], $0x80, v4, vm0, $0xb8;
	[tilespmem:$0x10080] =	vst v63  }
0x21: {  	s18 =	simm.s32 $0x880  }
0x22: {  	[tilespmem:s18], [sflag:$0x1] =	stream.indirect_vreg.gather [hbm4b:s7+s13], $0x80, v4, vm0, $0xb8;
	[tilespmem:$0x10080] =	vst v63  }
0x23: {  	s19 =	simm.s32 $0x1080  }
0x24: {  	[tilespmem:s19], [sflag:$0x1] =	stream.indirect_vreg.gather [hbm4b:s1+s13], $0x80, v3, vm0, $0xb8;
	[tilespmem:$0x10080] =	vst v63  }
0x25: {  	s20 =	simm.s32 $0x1880  }
0x26: {  	[tilespmem:s20], [sflag:$0x1] =	stream.indirect_vreg.gather [hbm4b:s7+s13], $0x80, v3, vm0, $0xb8;
	[tilespmem:$0x10080] =	vst v63  }
0x27: {  	v3 =	vld [tilespmem:$0x10];
	_ =	sdelay $0x4  }
0x28: {  	v59 =	vshll.u32 v3, $0x2  }
0x29: {  	v3 =	vand.u32 $0x7, v3;
	v4 =	vand.u32 $0xFFFFFFE0, v59  }
0x2a: {  	v3 =	vor.u32 v3, v4  }
0x2b: {  	v4 =	vperm.xlane v3, v0;
	_ =	sdelay $0x1  }
0x2c: {  	v4 =	vadd.s32 v1, v4;
	_ =	sdelay $0x1  }
0x2d: {  	v3 =	vperm.xlane v3, v2;
	_ =	sdelay $0x1  }
0x2e: {  	s21 =	simm.s32 $0x2080;
	v3 =	vadd.s32 v1, v3  }
0x2f: {  	[tilespmem:s21], [sflag:$0x1] =	stream.indirect_vreg.gather [hbm4b:s1+s13], $0x80, v4, vm0, $0xb8;
	[tilespmem:$0x10080] =	vst v63  }
0x30: {  	s15 =	simm.s32 $0x2880  }
0x31: {  	[tilespmem:s15], [sflag:$0x1] =	stream.indirect_vreg.gather [hbm4b:s7+s13], $0x80, v4, vm0, $0xb8;
	[tilespmem:$0x10080] =	vst v63  }
0x32: {  	s16 =	simm.s32 $0x3080  }
0x33: {  	[tilespmem:s16], [sflag:$0x1] =	stream.indirect_vreg.gather [hbm4b:s1+s13], $0x80, v3, vm0, $0xb8;
	[tilespmem:$0x10080] =	vst v63  }
0x34: {  	s17 =	simm.s32 $0x3880  }
0x35: {  	[tilespmem:s17], [sflag:$0x1] =	stream.indirect_vreg.gather [hbm4b:s7+s13], $0x80, v3, vm0, $0xb8;
	[tilespmem:$0x10080] =	vst v63  }
0x36: {  	v3 =	vld [tilespmem:$0x20];
	_ =	sdelay $0x4  }
0x37: {  	v60 =	vshll.u32 v3, $0x2  }
0x38: {  	v3 =	vand.u32 $0x7, v3;
	v4 =	vand.u32 $0xFFFFFFE0, v60  }
0x39: {  	v3 =	vor.u32 v3, v4  }
0x3a: {  	v4 =	vperm.xlane v3, v0;
	_ =	sdelay $0x1  }
0x3b: {  	v4 =	vadd.s32 v1, v4;
	_ =	sdelay $0x1  }
0x3c: {  	v3 =	vperm.xlane v3, v2;
	_ =	sdelay $0x1  }
0x3d: {  	s18 =	simm.s32 $0x4080;
	v3 =	vadd.s32 v1, v3  }
0x3e: {  	[tilespmem:s18], [sflag:$0x1] =	stream.indirect_vreg.gather [hbm4b:s1+s13], $0x80, v4, vm0, $0xb8;
	[tilespmem:$0x10080] =	vst v63  }
0x3f: {  	s19 =	simm.s32 $0x4880  }
0x40: {  	[tilespmem:s19], [sflag:$0x1] =	stream.indirect_vreg.gather [hbm4b:s7+s13], $0x80, v4, vm0, $0xb8;
	[tilespmem:$0x10080] =	vst v63  }
0x41: {  	s20 =	simm.s32 $0x5080  }
0x42: {  	[tilespmem:s20], [sflag:$0x1] =	stream.indirect_vreg.gather [hbm4b:s1+s13], $0x80, v3, vm0, $0xb8;
	[tilespmem:$0x10080] =	vst v63  }
0x43: {  	s21 =	simm.s32 $0x5880  }
0x44: {  	[tilespmem:s21], [sflag:$0x1] =	stream.indirect_vreg.gather [hbm4b:s7+s13], $0x80, v3, vm0, $0xb8;
	[tilespmem:$0x10080] =	vst v63  }
0x45: {  	v3 =	vld [tilespmem:$0x30];
	_ =	sdelay $0x4  }
0x46: {  	v61 =	vshll.u32 v3, $0x2  }
0x47: {  	v3 =	vand.u32 $0x7, v3;
	v4 =	vand.u32 $0xFFFFFFE0, v61  }
0x48: {  	v3 =	vor.u32 v3, v4  }
0x49: {  	v4 =	vperm.xlane v3, v0;
	_ =	sdelay $0x1  }
0x4a: {  	v4 =	vadd.s32 v1, v4;
	_ =	sdelay $0x1  }
0x4b: {  	v3 =	vperm.xlane v3, v2;
	_ =	sdelay $0x1  }
0x4c: {  	v3 =	vadd.s32 v1, v3  }
0x4d: {  	[tilespmem:s22], [sflag:$0x1] =	stream.indirect_vreg.gather [hbm4b:s1+s13], $0x80, v4, vm0, $0xb8;
	[tilespmem:$0x10080] =	vst v63  }
0x4e: {  	_ = 	snop  }
0x4f: {  	[tilespmem:s23], [sflag:$0x1] =	stream.indirect_vreg.gather [hbm4b:s7+s13], $0x80, v4, vm0, $0xb8;
	[tilespmem:$0x10080] =	vst v63  }
0x50: {  	_ = 	snop  }
0x51: {  	[tilespmem:s24], [sflag:$0x1] =	stream.indirect_vreg.gather [hbm4b:s1+s13], $0x80, v3, vm0, $0xb8;
	[tilespmem:$0x10080] =	vst v63  }
0x52: {  	_ = 	snop  }
0x53: {  	[tilespmem:s25], [sflag:$0x1] =	stream.indirect_vreg.gather [hbm4b:s7+s13], $0x80, v3, vm0, $0xb8;
	[tilespmem:$0x10080] =	vst v63  }
0x54: {  	v3 =	vld [tilespmem:$0x40];
	_ =	sdelay $0x4  }
0x55: {  	v62 =	vshll.u32 v3, $0x2  }
0x56: {  	v3 =	vand.u32 $0x7, v3;
	v4 =	vand.u32 $0xFFFFFFE0, v62  }
0x57: {  	v3 =	vor.u32 v3, v4  }
0x58: {  	v4 =	vperm.xlane v3, v0;
	_ =	sdelay $0x1  }
0x59: {  	v4 =	vadd.s32 v1, v4;
	_ =	sdelay $0x1  }
0x5a: {  	v3 =	vperm.xlane v3, v2;
	_ =	sdelay $0x1  }
0x5b: {  	v3 =	vadd.s32 v1, v3  }
0x5c: {  	[tilespmem:s26], [sflag:$0x1] =	stream.indirect_vreg.gather [hbm4b:s1+s13], $0x80, v4, vm0, $0xb8;
	[tilespmem:$0x10080] =	vst v63  }
0x5d: {  	_ = 	snop  }
0x5e: {  	[tilespmem:s28], [sflag:$0x1] =	stream.indirect_vreg.gather [hbm4b:s7+s13], $0x80, v4, vm0, $0xb8;
	[tilespmem:$0x10080] =	vst v63  }
0x5f: {  	_ = 	snop  }
0x60: {  	[tilespmem:s29], [sflag:$0x1] =	stream.indirect_vreg.gather [hbm4b:s1+s13], $0x80, v3, vm0, $0xb8;
	[tilespmem:$0x10080] =	vst v63  }
0x61: {  	_ = 	snop  }
0x62: {  	[tilespmem:s30], [sflag:$0x1] =	stream.indirect_vreg.gather [hbm4b:s7+s13], $0x80, v3, vm0, $0xb8;
	[tilespmem:$0x10080] =	vst v63  }
0x63: {  	v3 =	vld [tilespmem:$0x50];
	_ =	sdelay $0x4  }
0x64: {  	v63 =	vshll.u32 v3, $0x2  }
0x65: {  	v3 =	vand.u32 $0x7, v3;
	v4 =	vand.u32 $0xFFFFFFE0, v63  }
0x66: {  	v3 =	vor.u32 v3, v4  }
0x67: {  	v4 =	vperm.xlane v3, v0;
	_ =	sdelay $0x1  }
0x68: {  	v4 =	vadd.s32 v1, v4;
	_ =	sdelay $0x1  }
0x69: {  	v3 =	vperm.xlane v3, v2;
	_ =	sdelay $0x1  }
0x6a: {  	v3 =	vadd.s32 v1, v3  }
0x6b: {  	[tilespmem:s31], [sflag:$0x1] =	stream.indirect_vreg.gather [hbm4b:s1+s13], $0x80, v4, vm0, $0xb8;
	[tilespmem:$0x10080] =	vst v63  }
0x6c: {  	_ = 	snop  }
0x6d: {  	[tilespmem:s0], [sflag:$0x1] =	stream.indirect_vreg.gather [hbm4b:s7+s13], $0x80, v4, vm0, $0xb8;
	[tilespmem:$0x10080] =	vst v63  }
0x6e: {  	_ = 	snop  }
0x6f: {  	[tilespmem:s2], [sflag:$0x1] =	stream.indirect_vreg.gather [hbm4b:s1+s13], $0x80, v3, vm0, $0xb8;
	[tilespmem:$0x10080] =	vst v63  }
0x70: {  	_ = 	snop  }
0x71: {  	[tilespmem:s8], [sflag:$0x1] =	stream.indirect_vreg.gather [hbm4b:s7+s13], $0x80, v3, vm0, $0xb8;
	[tilespmem:$0x10080] =	vst v63  }
0x72: {  	_ =	swait.ge [sflag:s3], $0xC000  }
0x73: {  	s14 =	simm.s32 $0x100;
	[sflag:s3] =	ssyncset.done $0x0  }
0x74: {  	s15 =	simm.s32 $0x0;
	s16 =	simm.s32 $0x0;
	[sflag:s3] =	ssyncadd.s32 $0xFFFF4000  }
.LBB2_3:
0x75: {  	s17 =	sand.u32 $0xF000, s13;
	s18 =	sadd.s32 $0xFFFFFF00, s14  }
0x76: {  	s19 =	sadd.s32 $0x200, s13;
	s20 =	sadd.s32 $0xFFFFFF80, s14;
	s18 =	sand.u32 $0x380, s18  }
0x77: {  	s19 =	sand.u32 $0x1F000, s19;
	s21 =	sand.u32 $0x380, s20;
	s17 =	sor.u32 s18, s17  }
0x78: {  	s20 =	sadd.s32 $0x400, s13;
	s18 =	sor.u32 s21, s19;
	v3 =	vld [tilespmem:s17+$0x80]  }
0x79: {  	s19 =	sand.u32 $0x1F000, s20;
	s21 =	sand.u32 $0x380, s14;
	v4 =	vld [tilespmem:s18+$0x80]  }
0x7a: {  	s19 =	sor.u32 s21, s19  }
0x7b: {  	v5 =	vld [tilespmem:s19+$0x80];
	_ =	sdelay $0x2  }
0x7c: {  	v3 =	vadd.f32 v4, v3;
	_ =	sdelay $0x1  }
0x7d: {  	s20 =	sand.u32 $0x3000, s15;
	s21 =	sand.u32 $0x380, s16;
	v3 =	vadd.f32 v5, v3  }
0x7e: {  	s20 =	sor.u32 s21, s20  }
0x7f: {  	[tilespmem:s20+$0xC080] =	vst v3  }
0x80: {  	v3 =	vld [tilespmem:s17+$0x90]  }
0x81: {  	v58 =	vld [tilespmem:s18+$0x90];
	_ =	sdelay $0x1  }
0x82: {  	v59 =	vld [tilespmem:s19+$0x90];
	_ =	sdelay $0x2  }
0x83: {  	v3 =	vadd.f32 v58, v3;
	_ =	sdelay $0x1  }
0x84: {  	v3 =	vadd.f32 v59, v3;
	_ =	sdelay $0x1  }
0x85: {  	[tilespmem:s20+$0xC090] =	vst v3  }
0x86: {  	v3 =	vld [tilespmem:s17+$0xA0]  }
0x87: {  	v60 =	vld [tilespmem:s18+$0xA0];
	_ =	sdelay $0x1  }
0x88: {  	v61 =	vld [tilespmem:s19+$0xA0];
	_ =	sdelay $0x2  }
0x89: {  	v3 =	vadd.f32 v60, v3;
	_ =	sdelay $0x1  }
0x8a: {  	v3 =	vadd.f32 v61, v3;
	_ =	sdelay $0x1  }
0x8b: {  	[tilespmem:s20+$0xC0A0] =	vst v3  }
0x8c: {  	v3 =	vld [tilespmem:s17+$0xB0]  }
0x8d: {  	v62 =	vld [tilespmem:s18+$0xB0];
	_ =	sdelay $0x1  }
0x8e: {  	v63 =	vld [tilespmem:s19+$0xB0];
	_ =	sdelay $0x2  }
0x8f: {  	v3 =	vadd.f32 v62, v3;
	_ =	sdelay $0x1  }
0x90: {  	v3 =	vadd.f32 v63, v3;
	_ =	sdelay $0x1  }
0x91: {  	[tilespmem:s20+$0xC0B0] =	vst v3  }
0x92: {  	v3 =	vld [tilespmem:s17+$0xC0]  }
0x93: {  	v8 =	vld [tilespmem:s18+$0xC0];
	_ =	sdelay $0x1  }
0x94: {  	v9 =	vld [tilespmem:s19+$0xC0];
	_ =	sdelay $0x2  }
0x95: {  	v3 =	vadd.f32 v8, v3;
	_ =	sdelay $0x1  }
0x96: {  	v3 =	vadd.f32 v9, v3;
	_ =	sdelay $0x1  }
0x97: {  	[tilespmem:s20+$0xC0C0] =	vst v3  }
0x98: {  	v3 =	vld [tilespmem:s17+$0xD0]  }
0x99: {  	v10 =	vld [tilespmem:s18+$0xD0];
	_ =	sdelay $0x1  }
0x9a: {  	v11 =	vld [tilespmem:s19+$0xD0];
	_ =	sdelay $0x2  }
0x9b: {  	v3 =	vadd.f32 v10, v3;
	_ =	sdelay $0x1  }
0x9c: {  	v3 =	vadd.f32 v11, v3;
	_ =	sdelay $0x1  }
0x9d: {  	[tilespmem:s20+$0xC0D0] =	vst v3  }
0x9e: {  	v3 =	vld [tilespmem:s17+$0xE0]  }
0x9f: {  	v12 =	vld [tilespmem:s18+$0xE0];
	_ =	sdelay $0x1  }
0xa0: {  	v13 =	vld [tilespmem:s19+$0xE0];
	_ =	sdelay $0x2  }
0xa1: {  	v3 =	vadd.f32 v12, v3;
	_ =	sdelay $0x1  }
0xa2: {  	v3 =	vadd.f32 v13, v3;
	_ =	sdelay $0x1  }
0xa3: {  	[tilespmem:s20+$0xC0E0] =	vst v3  }
0xa4: {  	v3 =	vld [tilespmem:s17+$0xF0]  }
0xa5: {  	v14 =	vld [tilespmem:s18+$0xF0];
	_ =	sdelay $0x1  }
0xa6: {  	v15 =	vld [tilespmem:s19+$0xF0];
	_ =	sdelay $0x2  }
0xa7: {  	v3 =	vadd.f32 v14, v3;
	_ =	sdelay $0x1  }
0xa8: {  	v3 =	vadd.f32 v15, v3;
	_ =	sdelay $0x1  }
0xa9: {  	[tilespmem:s20+$0xC0F0] =	vst v3  }
0xaa: {  	v3 =	vld [tilespmem:s17+$0x480]  }
0xab: {  	v16 =	vld [tilespmem:s18+$0x480];
	_ =	sdelay $0x1  }
0xac: {  	v17 =	vld [tilespmem:s19+$0x480];
	_ =	sdelay $0x2  }
0xad: {  	v3 =	vadd.f32 v16, v3;
	_ =	sdelay $0x1  }
0xae: {  	v3 =	vadd.f32 v17, v3;
	_ =	sdelay $0x1  }
0xaf: {  	[tilespmem:s20+$0xC480] =	vst v3  }
0xb0: {  	v3 =	vld [tilespmem:s17+$0x490]  }
0xb1: {  	v18 =	vld [tilespmem:s18+$0x490];
	_ =	sdelay $0x1  }
0xb2: {  	v19 =	vld [tilespmem:s19+$0x490];
	_ =	sdelay $0x2  }
0xb3: {  	v3 =	vadd.f32 v18, v3;
	_ =	sdelay $0x1  }
0xb4: {  	v3 =	vadd.f32 v19, v3;
	_ =	sdelay $0x1  }
0xb5: {  	[tilespmem:s20+$0xC490] =	vst v3  }
0xb6: {  	v3 =	vld [tilespmem:s17+$0x4A0]  }
0xb7: {  	v20 =	vld [tilespmem:s18+$0x4A0];
	_ =	sdelay $0x1  }
0xb8: {  	v21 =	vld [tilespmem:s19+$0x4A0];
	_ =	sdelay $0x2  }
0xb9: {  	v3 =	vadd.f32 v20, v3;
	_ =	sdelay $0x1  }
0xba: {  	v3 =	vadd.f32 v21, v3;
	_ =	sdelay $0x1  }
0xbb: {  	[tilespmem:s20+$0xC4A0] =	vst v3  }
0xbc: {  	v3 =	vld [tilespmem:s17+$0x4B0]  }
0xbd: {  	v22 =	vld [tilespmem:s18+$0x4B0];
	_ =	sdelay $0x1  }
0xbe: {  	v23 =	vld [tilespmem:s19+$0x4B0];
	_ =	sdelay $0x2  }
0xbf: {  	v3 =	vadd.f32 v22, v3;
	_ =	sdelay $0x1  }
0xc0: {  	v3 =	vadd.f32 v23, v3;
	_ =	sdelay $0x1  }
0xc1: {  	[tilespmem:s20+$0xC4B0] =	vst v3  }
0xc2: {  	v3 =	vld [tilespmem:s17+$0x4C0]  }
0xc3: {  	v24 =	vld [tilespmem:s18+$0x4C0];
	_ =	sdelay $0x1  }
0xc4: {  	v25 =	vld [tilespmem:s19+$0x4C0];
	_ =	sdelay $0x2  }
0xc5: {  	v3 =	vadd.f32 v24, v3;
	_ =	sdelay $0x1  }
0xc6: {  	v3 =	vadd.f32 v25, v3;
	_ =	sdelay $0x1  }
0xc7: {  	[tilespmem:s20+$0xC4C0] =	vst v3  }
0xc8: {  	v3 =	vld [tilespmem:s17+$0x4D0]  }
0xc9: {  	v26 =	vld [tilespmem:s18+$0x4D0];
	_ =	sdelay $0x1  }
0xca: {  	v27 =	vld [tilespmem:s19+$0x4D0];
	_ =	sdelay $0x2  }
0xcb: {  	v3 =	vadd.f32 v26, v3;
	_ =	sdelay $0x1  }
0xcc: {  	v3 =	vadd.f32 v27, v3;
	_ =	sdelay $0x1  }
0xcd: {  	[tilespmem:s20+$0xC4D0] =	vst v3  }
0xce: {  	v3 =	vld [tilespmem:s17+$0x4E0]  }
0xcf: {  	v28 =	vld [tilespmem:s18+$0x4E0];
	_ =	sdelay $0x1  }
0xd0: {  	v29 =	vld [tilespmem:s19+$0x4E0];
	_ =	sdelay $0x2  }
0xd1: {  	v3 =	vadd.f32 v28, v3;
	_ =	sdelay $0x1  }
0xd2: {  	v3 =	vadd.f32 v29, v3;
	_ =	sdelay $0x1  }
0xd3: {  	[tilespmem:s20+$0xC4E0] =	vst v3  }
0xd4: {  	v3 =	vld [tilespmem:s17+$0x4F0]  }
0xd5: {  	v30 =	vld [tilespmem:s18+$0x4F0];
	_ =	sdelay $0x1  }
0xd6: {  	v31 =	vld [tilespmem:s19+$0x4F0];
	_ =	sdelay $0x2  }
0xd7: {  	v3 =	vadd.f32 v30, v3;
	_ =	sdelay $0x1  }
0xd8: {  	v3 =	vadd.f32 v31, v3;
	_ =	sdelay $0x1  }
0xd9: {  	[tilespmem:s20+$0xC4F0] =	vst v3  }
0xda: {  	v3 =	vld [tilespmem:s17+$0x880]  }
0xdb: {  	v32 =	vld [tilespmem:s18+$0x880];
	_ =	sdelay $0x1  }
0xdc: {  	v33 =	vld [tilespmem:s19+$0x880];
	_ =	sdelay $0x2  }
0xdd: {  	v3 =	vadd.f32 v32, v3;
	_ =	sdelay $0x1  }
0xde: {  	v3 =	vadd.f32 v33, v3;
	_ =	sdelay $0x1  }
0xdf: {  	[tilespmem:s20+$0xC880] =	vst v3  }
0xe0: {  	v3 =	vld [tilespmem:s17+$0x890]  }
0xe1: {  	v34 =	vld [tilespmem:s18+$0x890];
	_ =	sdelay $0x1  }
0xe2: {  	v35 =	vld [tilespmem:s19+$0x890];
	_ =	sdelay $0x2  }
0xe3: {  	v3 =	vadd.f32 v34, v3;
	_ =	sdelay $0x1  }
0xe4: {  	v3 =	vadd.f32 v35, v3;
	_ =	sdelay $0x1  }
0xe5: {  	[tilespmem:s20+$0xC890] =	vst v3  }
0xe6: {  	v3 =	vld [tilespmem:s17+$0x8A0]  }
0xe7: {  	v36 =	vld [tilespmem:s18+$0x8A0];
	_ =	sdelay $0x1  }
0xe8: {  	v37 =	vld [tilespmem:s19+$0x8A0];
	_ =	sdelay $0x2  }
0xe9: {  	v3 =	vadd.f32 v36, v3;
	_ =	sdelay $0x1  }
0xea: {  	v3 =	vadd.f32 v37, v3;
	_ =	sdelay $0x1  }
0xeb: {  	[tilespmem:s20+$0xC8A0] =	vst v3  }
0xec: {  	v3 =	vld [tilespmem:s17+$0x8B0]  }
0xed: {  	v38 =	vld [tilespmem:s18+$0x8B0];
	_ =	sdelay $0x1  }
0xee: {  	v39 =	vld [tilespmem:s19+$0x8B0];
	_ =	sdelay $0x2  }
0xef: {  	v3 =	vadd.f32 v38, v3;
	_ =	sdelay $0x1  }
0xf0: {  	v3 =	vadd.f32 v39, v3;
	_ =	sdelay $0x1  }
0xf1: {  	[tilespmem:s20+$0xC8B0] =	vst v3  }
0xf2: {  	v3 =	vld [tilespmem:s17+$0x8C0]  }
0xf3: {  	v40 =	vld [tilespmem:s18+$0x8C0];
	_ =	sdelay $0x1  }
0xf4: {  	v41 =	vld [tilespmem:s19+$0x8C0];
	_ =	sdelay $0x2  }
0xf5: {  	v3 =	vadd.f32 v40, v3;
	_ =	sdelay $0x1  }
0xf6: {  	v3 =	vadd.f32 v41, v3;
	_ =	sdelay $0x1  }
0xf7: {  	[tilespmem:s20+$0xC8C0] =	vst v3  }
0xf8: {  	v3 =	vld [tilespmem:s17+$0x8D0]  }
0xf9: {  	v42 =	vld [tilespmem:s18+$0x8D0];
	_ =	sdelay $0x1  }
0xfa: {  	v43 =	vld [tilespmem:s19+$0x8D0];
	_ =	sdelay $0x2  }
0xfb: {  	v3 =	vadd.f32 v42, v3;
	_ =	sdelay $0x1  }
0xfc: {  	v3 =	vadd.f32 v43, v3;
	_ =	sdelay $0x1  }
0xfd: {  	[tilespmem:s20+$0xC8D0] =	vst v3  }
0xfe: {  	v3 =	vld [tilespmem:s17+$0x8E0]  }
0xff: {  	v44 =	vld [tilespmem:s18+$0x8E0];
	_ =	sdelay $0x1  }
0x100: {  	v45 =	vld [tilespmem:s19+$0x8E0];
	_ =	sdelay $0x2  }
0x101: {  	v3 =	vadd.f32 v44, v3;
	_ =	sdelay $0x1  }
0x102: {  	v3 =	vadd.f32 v45, v3;
	_ =	sdelay $0x1  }
0x103: {  	[tilespmem:s20+$0xC8E0] =	vst v3  }
0x104: {  	v3 =	vld [tilespmem:s17+$0x8F0]  }
0x105: {  	v46 =	vld [tilespmem:s18+$0x8F0];
	_ =	sdelay $0x1  }
0x106: {  	v47 =	vld [tilespmem:s19+$0x8F0];
	_ =	sdelay $0x2  }
0x107: {  	v3 =	vadd.f32 v46, v3;
	_ =	sdelay $0x1  }
0x108: {  	v3 =	vadd.f32 v47, v3;
	_ =	sdelay $0x1  }
0x109: {  	[tilespmem:s20+$0xC8F0] =	vst v3  }
0x10a: {  	v3 =	vld [tilespmem:s17+$0xC80]  }
0x10b: {  	v48 =	vld [tilespmem:s18+$0xC80];
	_ =	sdelay $0x1  }
0x10c: {  	v49 =	vld [tilespmem:s19+$0xC80];
	_ =	sdelay $0x2  }
0x10d: {  	v3 =	vadd.f32 v48, v3;
	_ =	sdelay $0x1  }
0x10e: {  	v3 =	vadd.f32 v49, v3;
	_ =	sdelay $0x1  }
0x10f: {  	[tilespmem:s20+$0xCC80] =	vst v3  }
0x110: {  	v3 =	vld [tilespmem:s17+$0xC90]  }
0x111: {  	v50 =	vld [tilespmem:s18+$0xC90];
	_ =	sdelay $0x1  }
0x112: {  	v51 =	vld [tilespmem:s19+$0xC90];
	_ =	sdelay $0x2  }
0x113: {  	v3 =	vadd.f32 v50, v3;
	_ =	sdelay $0x1  }
0x114: {  	v3 =	vadd.f32 v51, v3;
	_ =	sdelay $0x1  }
0x115: {  	[tilespmem:s20+$0xCC90] =	vst v3  }
0x116: {  	v3 =	vld [tilespmem:s17+$0xCA0]  }
0x117: {  	v52 =	vld [tilespmem:s18+$0xCA0];
	_ =	sdelay $0x1  }
0x118: {  	v53 =	vld [tilespmem:s19+$0xCA0];
	_ =	sdelay $0x2  }
0x119: {  	v3 =	vadd.f32 v52, v3;
	_ =	sdelay $0x1  }
0x11a: {  	v3 =	vadd.f32 v53, v3;
	_ =	sdelay $0x1  }
0x11b: {  	[tilespmem:s20+$0xCCA0] =	vst v3  }
0x11c: {  	v3 =	vld [tilespmem:s17+$0xCB0]  }
0x11d: {  	v54 =	vld [tilespmem:s18+$0xCB0];
	_ =	sdelay $0x1  }
0x11e: {  	v55 =	vld [tilespmem:s19+$0xCB0];
	_ =	sdelay $0x2  }
0x11f: {  	v3 =	vadd.f32 v54, v3;
	_ =	sdelay $0x1  }
0x120: {  	v3 =	vadd.f32 v55, v3;
	_ =	sdelay $0x1  }
0x121: {  	[tilespmem:s20+$0xCCB0] =	vst v3  }
0x122: {  	v3 =	vld [tilespmem:s17+$0xCC0]  }
0x123: {  	v56 =	vld [tilespmem:s18+$0xCC0];
	_ =	sdelay $0x1  }
0x124: {  	v57 =	vld [tilespmem:s19+$0xCC0];
	_ =	sdelay $0x2  }
0x125: {  	v3 =	vadd.f32 v56, v3;
	_ =	sdelay $0x1  }
0x126: {  	v3 =	vadd.f32 v57, v3;
	_ =	sdelay $0x1  }
0x127: {  	[tilespmem:s20+$0xCCC0] =	vst v3  }
0x128: {  	v3 =	vld [tilespmem:s17+$0xCD0]  }
0x129: {  	v58 =	vld [tilespmem:s18+$0xCD0];
	_ =	sdelay $0x1  }
0x12a: {  	v59 =	vld [tilespmem:s19+$0xCD0];
	_ =	sdelay $0x2  }
0x12b: {  	v3 =	vadd.f32 v58, v3;
	_ =	sdelay $0x1  }
0x12c: {  	v3 =	vadd.f32 v59, v3;
	_ =	sdelay $0x1  }
0x12d: {  	[tilespmem:s20+$0xCCD0] =	vst v3  }
0x12e: {  	v3 =	vld [tilespmem:s17+$0xCE0]  }
0x12f: {  	v60 =	vld [tilespmem:s18+$0xCE0];
	_ =	sdelay $0x1  }
0x130: {  	v61 =	vld [tilespmem:s19+$0xCE0];
	_ =	sdelay $0x2  }
0x131: {  	v3 =	vadd.f32 v60, v3;
	_ =	sdelay $0x1  }
0x132: {  	v3 =	vadd.f32 v61, v3;
	_ =	sdelay $0x1  }
0x133: {  	[tilespmem:s20+$0xCCE0] =	vst v3  }
0x134: {  	v3 =	vld [tilespmem:s17+$0xCF0]  }
0x135: {  	v62 =	vld [tilespmem:s18+$0xCF0];
	_ =	sdelay $0x1  }
0x136: {  	v63 =	vld [tilespmem:s19+$0xCF0];
	_ =	sdelay $0x1  }
0x137: {  	p0 =	sne.s32 s14, $0x2F80  }
.Ltmp0:
0x138: {  	v3 =	vadd.f32 v62, v3;
	(pc) =	sbr.rel @p0 .LBB2_3-.Ltmp0, $4  }
0x139: {  	_ = 	snop  }
0x13a: {  	v3 =	vadd.f32 v63, v3  }
0x13b: {  	s13 =	sadd.s32 $0x600, s13  }
0x13c: {  	s15 =	sadd.s32 $0x200, s15;
	s14 =	sadd.s32 $0x180, s14;
	s16 =	sadd.s32 $0x80, s16;
	[tilespmem:s20+$0xCCF0] =	vst v3  }
0x13d: {  	s11 =	sadd.s32 $0x1, s11  }
0x13e: {  	s12 =	sshll.u32 s12, $0x6;
	p0 =	sne.s32 s11, $0x28  }
.Ltmp1:
0x13f: {  	s13 =	simm.s32 $0x0;
	s12 =	sadd.s32 s5, s12;
	(pc) =	sbr.rel @p0 .LBB2_2-.Ltmp1, $4  }
0x140: {  	[hbm4b:s12+s13] =	stream.linear.scatter [tilespmem:s10], [sflag:$0x2], $0x4000, $0x38;
	[tilespmem:$0x10080] =	vst v63  }
0x141: {  	_ =	swait.ge [sflag:s9], $0x4000  }
0x142: {  	[sflag:s9] =	ssyncset.done $0x0  }
0x143: {  	[sflag:s9] =	ssyncadd.s32 $0xFFFFC000  }
0x144: {  	s12 =	rddreg [dreg:$0x4]  }
0x145: {  	s11 =	rddreg [dreg:$0x3];
	s12 =	sadd.s32 $0x1, s12  }
0x146: {  	p0 =	sne.s32 s12, s11  }
.Ltmp2:
0x147: {  	_ = 	snop;
	(pc) =	sbr.rel @p0 .LBB2_1-.Ltmp2, $1  }
0x148: {  	_ =	sdelay $0x3  }
0x149: {  	_ =	sfence.sel $0x180000  }
0x14a: {  	[bflag:$0x0] =	sbarrier.arrive $0xFFFF  }
0x14b: {  	_ =	strace $0x90000056  }
0x14c: {  	s0 =	stileid.u32;
	[bflag:$0x2] =	sbarrier.arrive $0xFFFF  }
0x14d: {  	p0 =	sne.s32 s0, $0x0;
	s0 =	rddreg [dreg:$0x2]  }
0x14e: {  	s0 =	sadd.s32 @!p0 $0x100000, s0  }
0x14f: {  	[sflag:s0] =	ssyncadd.tile.s32 @!p0 $0x1;
	_ =	shalt  }
.Lfunc_end2:
_tile_overlayer_lowered:
.L_overlay_start_2:
0x150: {  	(tag) =	ssettag $0x2  }
0x151: {  	s0 =	rddreg [dreg:$0x0];
	s2 =	stileid.u32  }
0x152: {  	s1 =	rddreg [dreg:$0x1];
	p0 =	sne.s32 s2, $0x0  }
0x153: {  	s3 =	rddreg [dreg:$0x2];
	[bflag:$0x3] =	sbarrier.arrive $0xFFFF;
	s2 =	simm.s32 @!p0 $0x1C02  }
0x154: {  	[timem:s3], [sflag:s2] =	dma.local @!p0 [hbm:s0], s1  }
0x155: {  	s0 =	simm.s32 @!p0 $0x2  }
0x156: {  	_ =	swait.ge @!p0 [sflag:s0], s1  }
0x157: {  	s1 =	ssub.s32 @!p0 $0x0, s1;
	[sflag:s0] =	ssyncset.done @!p0 $0x0  }
0x158: {  	[sflag:s0] =	ssyncadd.s32 @!p0 s1  }
0x159: {  	[bflag:$0x3] =	sbarrier.arrive $0xFFFF  }
0x15a: {  	_ =	shalt  }

// kernel: gather_offload_async_start.1
scs
__scs_entry_jumppad:
0x0: {  	(pc) =	sbr.rel $0x88, $3  }
0x1: {  	(tag) =	ssettag $0x0;
	lr =	simm.s32 $0x1  }
0x2: {  	[smem:$0x3F9B] =	sst lr;
	_ =	strace $0xD0000000  }
0x3: {  	_ = 	snop  }
0x4: {  	_ = 	snop  }
0x5: {  	_ = 	snop  }
0x6: {  	_ = 	snop  }
0x7: {  	_ = 	snop  }
__scs_overlays_trampoline_lowered:
0x8: {  	[smem:$0x3FAA] =	sst s0  }
0x9: {  	[smem:$0x3FAB] =	sst s1  }
0xa: {  	[smem:$0x3FAC] =	sst s2  }
0xb: {  	[smem:$0x3FAD] =	sst s3  }
0xc: {  	[smem:$0x3FAE] =	sst s4  }
0xd: {  	[smem:$0x3FAF] =	sst s5  }
0xe: {  	[smem:$0x3FB0] =	sst s6  }
0xf: {  	[smem:$0x3FB1] =	sst s7  }
0x10: {  	[smem:$0x3FB2] =	sst s8  }
0x11: {  	[smem:$0x3FB3] =	sst s9;
	s0 =	simm.s32 @!p0 $0x0  }
0x12: {  	s1 =	sld [smem:$0x3F99];
	s0 =	simm.s32 @p0 $0x1  }
0x13: {  	[smem:$0x3FB4] =	sst s0;
	s0 =	simm.s32 @!p1 $0x0  }
0x14: {  	s2 =	sld [smem:$0x3F98];
	s0 =	simm.s32 @p1 $0x1  }
0x15: {  	[smem:$0x3FB5] =	sst s0;
	s0 =	simm.s32 @!p2 $0x0  }
0x16: {  	s3 =	sld [smem:$0x3FDB];
	s0 =	simm.s32 @p2 $0x1  }
0x17: {  	s4 =	simm.s32 $0x1BF5;
	[smem:$0x3FB7] =	sst s0  }
0x18: {  	s0 =	sld [smem:$0x3F9A];
	_ =	swait.ge [sflag:s4], $0x0  }
0x19: {  	s7 =	sld [smem:$0x3F9B]  }
0x1a: {  	s8 =	sadd.s32 $0xFFFFE003, lr  }
0x1b: {  	s9 =	sadd.s32 $0xFFFFFEF7, lr;
	s5 =	simm.s32 $0xFFFFFFFF;
	p2 =	slt.u32 s8, $0xFFFFF086  }
0x1c: {  	p1 =	slt.u32 s9, $0xF7A;
	s5 =	simm.s32 @!p2 $0x0  }
0x1d: {  	s5 =	simm.s32 @p1 $0x1;
	p0 =	seq.s32 s7, s2  }
0x1e: {  	s7 =	smul.u32 @!p0 $0xF7A, s2;
	p2 =	seq.s32 @!p0 s5, $0x0  }
0x1f: {  	s9 =	smul.u32 $0xF7A, s1;
	s8 =	simm.s32 @!p0 $0x1BF5;
	p2 =	por !p2, p0  }
0x20: {  	[sflag:s8] =	ssyncset.s32 @!p0 $0xFFFFF086;
	s6 =	sadd.s32 @!p0 s3, s7;
	s7 =	simm.s32 @!p0 $0x108  }
0x21: {  	s3 =	sadd.s32 s3, s9;
	s6 =	sadd.s32 @!p0 $0x88, s6;
	s7 =	simm.s32 @p2 $0x1082  }
0x22: {  	[simem:s7], [sflag:s8] =	dma.local @!p0 [hbm:s6], $0xF7A  }
0x23: {  	s9 =	sor.u32 $0xD0000000, s2;
	s6 =	simm.s32 $0x108;
	_ =	swait.ge @!p0 [sflag:s8], $0x0  }
0x24: {  	s3 =	sadd.s32 $0x88, s3;
	s6 =	simm.s32 @!p1 $0x1082;
	[sflag:s4] =	ssyncset.s32 $0xFFFFF086  }
0x25: {  	[simem:s6], [sflag:s4] =	dma.local [hbm:s3], $0xF7A  }
0x26: {  	[smem:$0x3F9B] =	sst s1;
	(tag) =	ssettag s2;
	_ =	strace s9  }
0x27: {  	s1 =	sld [smem:$0x3FAB]  }
0x28: {  	s2 =	sld [smem:$0x3FAC]  }
0x29: {  	s4 =	sld [smem:$0x3FAE]  }
0x2a: {  	p0 =	seq.s32 s5, $0x0;
	s5 =	sld [smem:$0x3FAF]  }
0x2b: {  	s6 =	sld [smem:$0x3FB0]  }
0x2c: {  	s7 =	sld [smem:$0x3FB1]  }
0x2d: {  	s3 =	simm.s32 $0x108;
	s8 =	sld [smem:$0x3FB2]  }
0x2e: {  	s3 =	simm.s32 @!p0 $0x1082;
	s9 =	sld [smem:$0x3FB3]  }
0x2f: {  	lr =	sadd.s32 s0, s3;
	s0 =	sld [smem:$0x3FAA]  }
0x30: {  	s3 =	sld [smem:$0x3FAD]  }
0x31: {  	[smem:$0x3FB6] =	sst s10  }
0x32: {  	s10 =	sld [smem:$0x3FB4];
	_ =	sdelay $0x3  }
0x33: {  	p0 =	seq.s32 s10, $0x1;
	s10 =	sld [smem:$0x3FB6];
	_ =	sdelay $0x3  }
0x34: {  	[smem:$0x3FB6] =	sst s10  }
0x35: {  	s10 =	sld [smem:$0x3FB5];
	_ =	sdelay $0x3  }
0x36: {  	p1 =	seq.s32 s10, $0x1;
	s10 =	sld [smem:$0x3FB6];
	_ =	sdelay $0x3  }
0x37: {  	[smem:$0x3FB6] =	sst s10  }
0x38: {  	s10 =	sld [smem:$0x3FB7]  }
0x39: {  	_ = 	snop;
	(pc) =	sbr.ind lr, $3  }
0x3a: {  	_ = 	snop  }
0x3b: {  	_ = 	snop  }
0x3c: {  	p2 =	seq.s32 s10, $0x1;
	s10 =	sld [smem:$0x3FB6]  }
0x3d: {  	_ =	shalt  }
0x3e: {  	_ =	shalt  }
0x3f: {  	_ =	shalt  }
0x40: {  	_ =	shalt  }
0x41: {  	_ =	shalt  }
0x42: {  	_ =	shalt  }
0x43: {  	_ =	shalt  }
0x44: {  	_ =	shalt  }
0x45: {  	_ =	shalt  }
0x46: {  	_ =	shalt  }
0x47: {  	_ =	shalt  }
0x48: {  	_ =	shalt  }
0x49: {  	_ =	shalt  }
0x4a: {  	_ =	shalt  }
0x4b: {  	_ =	shalt  }
0x4c: {  	_ =	shalt  }
0x4d: {  	_ =	shalt  }
0x4e: {  	_ =	shalt  }
0x4f: {  	_ =	shalt  }
0x50: {  	_ =	shalt  }
0x51: {  	_ =	shalt  }
0x52: {  	_ =	shalt  }
0x53: {  	_ =	shalt  }
0x54: {  	_ =	shalt  }
0x55: {  	_ =	shalt  }
0x56: {  	_ =	shalt  }
0x57: {  	_ =	shalt  }
0x58: {  	_ =	shalt  }
0x59: {  	_ =	shalt  }
0x5a: {  	_ =	shalt  }
0x5b: {  	_ =	shalt  }
0x5c: {  	_ =	shalt  }
0x5d: {  	_ =	shalt  }
0x5e: {  	_ =	shalt  }
0x5f: {  	_ =	shalt  }
0x60: {  	_ =	shalt  }
0x61: {  	_ =	shalt  }
0x62: {  	_ =	shalt  }
0x63: {  	_ =	shalt  }
0x64: {  	_ =	shalt  }
0x65: {  	_ =	shalt  }
0x66: {  	_ =	shalt  }
0x67: {  	_ =	shalt  }
0x68: {  	_ =	shalt  }
0x69: {  	_ =	shalt  }
0x6a: {  	_ =	shalt  }
0x6b: {  	_ =	shalt  }
0x6c: {  	_ =	shalt  }
0x6d: {  	_ =	shalt  }
0x6e: {  	_ =	shalt  }
0x6f: {  	_ =	shalt  }
0x70: {  	_ =	shalt  }
0x71: {  	_ =	shalt  }
0x72: {  	_ =	shalt  }
0x73: {  	_ =	shalt  }
0x74: {  	_ =	shalt  }
0x75: {  	_ =	shalt  }
0x76: {  	_ =	shalt  }
0x77: {  	_ =	shalt  }
0x78: {  	_ =	shalt  }
0x79: {  	_ =	shalt  }
0x7a: {  	_ =	shalt  }
0x7b: {  	_ =	shalt  }
0x7c: {  	_ =	shalt  }
0x7d: {  	_ =	shalt  }
0x7e: {  	_ =	shalt  }
0x7f: {  	_ =	shalt  }
0x80: {  	_ =	shalt  }
0x81: {  	_ =	shalt  }
0x82: {  	_ =	shalt  }
0x83: {  	_ =	shalt  }
0x84: {  	_ =	shalt  }
0x85: {  	_ =	shalt  }
0x86: {  	_ =	shalt  }
0x87: {  	_ =	shalt  }
.Lfunc_end0:
.L_simem_size_0:
called_computation.1_lowered:
.L_overlay_start_0:
0x88: {  	s2 =	sld [smem:$0x3FD9]  }
0x89: {  	s3 =	sld [smem:$0x3FFE];
	_ =	sdelay $0x1  }
0x8a: {  	s1 =	srdreg.scid  }
0x8b: {  	s0 =	sand.u32 $0x1, s1  }
0x8c: {  	s16 =	sshll.u32 s0, $0xA;
	s2 =	sadd.s32 s3, s2  }
0x8d: {  	s2 =	sadd.s32 s2, s16  }
0x8e: {  	[smem:$0x3FC2] =	sst s2  }
0x8f: {  	_ = 	snop  }
0x90: {  	(tm) =	ssettm $0x1  }
0x91: {  	s17 =	sld [smem:$0x3FFB];
	_ =	sdelay $0x3  }
0x92: {  	_ =	strace s17  }
0x93: {  	s2 =	sld [smem:$0x3FFC];
	_ =	sdelay $0x3  }
0x94: {  	_ =	strace s2  }
0x95: {  	s2 =	sld [smem:$0x3FFD];
	_ =	sdelay $0x3  }
0x96: {  	_ =	strace s2  }
0x97: {  	_ =	strace $0x8FFFFFFF  }
0x98: {  	s18 =	sld [smem:$0x3FDB];
	_ =	sdelay $0x1  }
0x99: {  	s19 =	simm.s32 $_scs_section_size  }
0x9a: {  	s4 =	simm.s32 $_size__tile_overlayer_lowered;
	s5 =	simm.s32 $_tile_overlayer_lowered  }
0x9b: {  	s22 =	simm.s32 $0x1BFF;
	s21 =	sshll.u32 s5, $0x1;
	s2 =	sadd.s32 s19, s18  }
0x9c: {  	s6 =	simm.s32 $0x0;
	s20 =	sshll.u32 s4, $0x1;
	s4 =	sadd.s32 s21, s2  }
0x9d: {  	[timem:s6], [sflag:s22] =	dma.local [hbm:s4], s20  }
0x9e: {  	_ =	swait.ge [sflag:s22], s20  }
0x9f: {  	s3 =	ssub.s32 $0x0, s20;
	[sflag:s22] =	ssyncset.done $0x0  }
0xa0: {  	[sflag:s22] =	ssyncadd.s32 s3;
	_ =	sdelay $0x1  }
0xa1: {  	s23 =	simm.s32 $0x1B8B  }
0xa2: {  	_ =	swait.ge [sflag:s23], $0x1  }
0xa3: {  	[sflag:s23] =	ssyncset.done $0x0  }
0xa4: {  	s25 =	simm.s32 $0x1B8E;
	s24 =	sld [smem:$0x3FFE];
	[sflag:s23] =	ssyncadd.s32 $0xFFFFFFFF  }
0xa5: {  	s26 =	simm.s32 $execute0_lowered;
	[smem:$0x3FD2] =	sst s25  }
0xa6: {  	s4 =	sshll.u32 s26, $0x1;
	_ =	strace $0x80000049;
	[dreg:$0x1] =	wrdreg $0xFFFFFFFF  }
0xa7: {  	s28 =	simm.s32 $_size_execute0_lowered;
	s2 =	sadd.s32 s2, s4;
	[dreg:$0x0] =	wrdreg $0x0  }
0xa8: {  	s4 =	sshll.u32 s28, $0x1;
	[dreg:$0x2] =	wrdreg s2  }
0xa9: {  	[dreg:$0x3] =	wrdreg s4  }
0xaa: {  	[dreg:$0x4] =	wrdreg $0xC0  }
0xab: {  	_ =	task [dreg:s6], $0x5FFFF  }
0xac: {  	[dreg:$0x1] =	wrdreg $0xFFFFFFFF  }
0xad: {  	[dreg:$0x0] =	wrdreg $0x60  }
0xae: {  	[dreg:$0x2] =	wrdreg s24  }
0xaf: {  	[dreg:$0x3] =	wrdreg $0x9  }
0xb0: {  	_ =	task.clear_ibuf [dreg:s6], $0x4FFFF;
	_ =	strace $0x90000049  }
0xb1: {  	s29 =	simm.s32 $0x9;
	_ =	strace $0x8000004B  }
0xb2: {  	_ =	swait.ge [sflag:s29], $0x1  }
0xb3: {  	[sflag:s29] =	ssyncadd.s32 $0xFFFFFFFF  }
0xb4: {  	_ =	strace $0x9000004B  }
0xb5: {  	_ =	sfence  }
0xb6: {  	s30 =	sld [smem:$0x0];
	_ =	sdelay $0x2  }
0xb7: {  	s31 =	sshll.u32 s1, $0xD;
	s1 =	sshrl.u32 s1, $0x2  }
0xb8: {  	s3 =	sand.u32 $0x4000, s31;
	s1 =	sadd.s32 s1, s30  }
0xb9: {  	s0 =	sor.u32 s3, s0;
	s1 =	sshll.u32 s1, $0x11  }
0xba: {  	s0 =	sor.u32 s1, s0  }
0xbb: {  	s0 =	sadd.s32 $0x8F2B, s0  }
0xbc: {  	[sflag:s0] =	ssyncadd.remote.s32 $0x1  }
0xbd: {  	_ =	sfence.sel $0xFFFF  }
0xbe: {  	[dreg:$0x0] =	wrdreg $0xFFFFFFFF;
	(pc) =	sbr.abs _section_cstart, $3  }
0xbf: {  	[dreg:$0x1] =	wrdreg $0xFFFFFFFF  }
0xc0: {  	_ =	task.clear_ibuf [dreg:s6], $0x2FFFF;
	_ =	strace $0x9FFFFFFF  }
0xc1: {  	(tm) =	ssettm $0x7FFFFFFF  }
tec
execute0_lowered:
.L_overlay_start_1:
0x0: {  	(tag) =	ssettag $0x1  }
0x1: {  	s8 =	rddreg [dreg:$0x0];
	s1 =	stileid.u32  }
0x2: {  	s2 =	srdreg.scid;
	s0 =	rddreg [dreg:$0x1]  }
0x3: {  	_ =	strace $0x8000004A;
	s5 =	simm.s32 $0x1;
	s9 =	simm.s32 $0x1  }
0x4: {  	s10 =	simm.s32 $0x3;
	s2 =	sand.u32 $0x1, s2;
	s3 =	sshll.u32 s1, $0x1  }
0x5: {  	s13 =	simm.s32 $0x0;
	s12 =	simm.s32 $0x0;
	s6 =	sor.u32 s3, s2  }
0x6: {  	[sflag:s5] =	ssyncpa.u1 $0x0;
	s2 =	sadd.s32 $0x9C00, s8;
	s4 =	smul.u32 $0x960, s6  }
0x7: {  	s3 =	sadd.s32 $0x1C800, s8;
	p0 =	slt.u32 s6, $0x13;
	s6 =	simm.s32 $0x12C00  }
.Ltmp0:
0x8: {  	s6 =	simm.s32 @!p0 $0x0;
	s7 =	ssub.s32 $0x1D4C0, s4;
	(pc) =	sbr.rel .LBB2_1-.Ltmp0, $4  }
0x9: {  	s9 =	simm.s32 @!p0 $0x0;
	p0 =	sne.s32 s7, s6;
	s7 =	simm.s32 $0x1  }
0xa: {  	s8 =	sadd.s32 $0x27C00, s8;
	s6 =	simm.s32 $0x2;
	s7 =	simm.s32 @!p0 $0x0  }
0xb: {  	s11 =	smov.u32 s4;
	[sflag:s6] =	ssyncpa.u1 $0x0;
	s7 =	sadd.s32 s9, s7  }
0xc: {  	vm0 =	vmmov $0xffff;
	[sflag:s10] =	ssyncpa.u1 $0x0;
	s10 =	simm.s32 $0x0;
	s9 =	sadd.s32 $0x1, s7  }
.LBB2_4:
0xd: {  	vm1 =	veq.s32 v4, $0x80000000;
	v56 =	vand.u32 $0x1, v4;
	v6 =	vand.u32 $0xFFFF, v6  }
0xe: {  	v2 =	vor.u32 v2, v5;
	v59 =	vshrl.u32 v1, $0x1;
	v60 =	vand.u32 $0x1, v1  }
0xf: {  	v4 =	vsel vm1, $0xFFFFFFFF, v56;
	v6 =	vsel vm1, $0xFFFFFFFF, v6;
	v2 =	vor.u32 v3, v2  }
0x10: {  	vm1 =	veq.s32 v1, $0x80000000;
	v5 =	vand.u32 $0xFFFF, v59;
	v7 =	vshrl.u32 v4, $0x1  }
0x11: {  	v57 =	vshll.u32 v6, $0x1;
	v4 =	vshll.u32 v4, $0x7;
	v1 =	vsel vm1, $0xFFFFFFFF, v60  }
0x12: {  	v5 =	vsel vm1, $0xFFFFFFFF, v5;
	v6 =	vand.u32 $0x7F, v6;
	v7 =	vmul.u32 $0x1D500, v7  }
0x13: {  	v58 =	vand.u32 $0xFFFFFF00, v57;
	v4 =	vand.u32 $0x80, v4;
	v61 =	vshrl.u32 v1, $0x1  }
0x14: {  	v62 =	vshll.u32 v5, $0x1;
	v3 =	vadd.s32 v7, v58;
	v7 =	vmul.u32 $0x1D500, v61  }
0x15: {  	v1 =	vshll.u32 v1, $0x7;
	v3 =	vor.u32 v4, v3;
	v4 =	vand.u32 $0xFFFFFF00, v62  }
0x16: {  	v1 =	vand.u32 $0x80, v1;
	v3 =	vor.u32 v6, v3;
	v4 =	vadd.s32 v7, v4  }
0x17: {  	[tilespmem:s16], [sflag:$0x1] =	stream.indirect_vreg.gather [hbm4b:s2+s10], $0x1, v0, vm0, $0x4038;
	v63 =	vand.u32 $0x7F, v5;
	v1 =	vor.u32 v1, v4;
	[tilespmem:$0x2580] =	vst v63  }
0x18: {  	s15 =	sadd.s32 $0x10, s15;
	(ifvalue) =	ssetifvalue $0x7FFFFFFF;
	v0 =	vor.u32 v63, v1  }
0x19: {  	[tilespmem:s15], [sflag:$0x1] =	stream.indirect_vreg.gather [hbm4b:s2+s10], $0x1, v2, vm0, $0x4038;
	[tilespmem:$0x2580] =	vst v63  }
0x1a: {  	s15 =	sadd.s32 $0x10, s15;
	(ifvalue) =	ssetifvalue $0x7FFFFFFF  }
0x1b: {  	[tilespmem:s15], [sflag:$0x1] =	stream.indirect_vreg.gather [hbm4b:s2+s10], $0x1, v3, vm0, $0x4038;
	[tilespmem:$0x2580] =	vst v63  }
0x1c: {  	s15 =	sadd.s32 $0x10, s15;
	(ifvalue) =	ssetifvalue $0x7FFFFFFF  }
0x1d: {  	[tilespmem:s15], [sflag:$0x1] =	stream.indirect_vreg.gather [hbm4b:s2+s10], $0x1, v0, vm0, $0x4038;
	[tilespmem:$0x2580] =	vst v63  }
0x1e: {  	_ =	swait.ge [sflag:s5], $0x960  }
0x1f: {  	s30 =	sshrl.u32 s13, $0x3;
	[sflag:s5] =	ssyncset.done $0x0  }
0x20: {  	s31 =	sand.u32 $0x7, s13;
	s15 =	sadd.s32 s8, s30;
	[sflag:s5] =	ssyncadd.s32 $0xFFFFF6A0  }
0x21: {  	[hbm4b:s15+s31] =	stream.linear.scatter [tilespmem:s14], [sflag:$0x3], $0x960, $0x38;
	[tilespmem:$0x2580] =	vst v63  }
.LBB2_5:
0x22: {  	s15 =	sadd.s32 $0x12C00, s11  }
0x23: {  	p1 =	sgt.s32 s15, $0x1D4BF  }
0x24: {  	s15 =	smov.u32 @p1 s4;
	p1 =	sne.s32 s12, s9  }
.Ltmp1:
0x25: {  	p0 =	slt.u32 s12, $0x2;
	(pc) =	sbr.rel @!p1 .LBB2_6-.Ltmp1, $4  }
0x26: {  	s14 =	simm.s32 @!p0 $0x3  }
0x27: {  	_ =	swait.ge @!p0 [sflag:s14], $0x960  }
0x28: {  	s16 =	sadd.s32 $0x1, s12;
	s13 =	smov.u32 s11;
	[sflag:s14] =	ssyncset.done @!p0 $0x0  }
0x29: {  	s12 =	smov.u32 s16;
	s11 =	smov.u32 s15;
	[sflag:s14] =	ssyncadd.s32 @!p0 $0xFFFFF6A0  }
.LBB2_1:
0x2a: {  	p0 =	sge.u32 s12, s7  }
0x2b: {  	s14 =	sxor.u32 @!p0 $0x1, s12  }
0x2c: {  	s14 =	smul.u32 @!p0 $0x2580, s14  }
0x2d: {  	s31 =	sadd.s32 $0xFFFFFFFF, s12;
	s15 =	sshrl.u32 @!p0 s11, $0x3  }
0x2e: {  	s16 =	sand.u32 @!p0 $0x7, s11;
	s15 =	sadd.s32 @!p0 s3, s15;
	s14 =	sshra.s32 @!p0 s14, $0x2  }
0x2f: {  	[tilespmem:s14], [sflag:$0x2] =	stream.linear.gather @!p0 [hbm4b:s15+s16], $0x960, $0x38;
	[tilespmem:$0x2580] =	vst v63  }
0x30: {  	p0 =	sge.u32 s31, s7  }
.Ltmp2:
0x31: {  	_ = 	snop;
	(pc) =	sbr.rel @p0 .LBB2_5-.Ltmp2, $1  }
0x32: {  	_ =	sdelay $0x3  }
0x33: {  	s14 =	sand.u32 $0x1, s12  }
0x34: {  	_ =	swait.ge [sflag:s6], $0x960;
	p0 =	seq.s32 s14, $0x1;
	s14 =	simm.s32 $0x960  }
0x35: {  	[sflag:s6] =	ssyncset.done $0x0;
	s14 =	simm.s32 @!p0 $0x0  }
0x36: {  	[sflag:s6] =	ssyncadd.s32 $0xFFFFF6A0;
	(ifvalue) =	ssetifvalue $0x7FFFFFFF;
	v0 =	vld.msk [tilespmem:s14+$0x0 ss:$0x1], $0xffff  }
0x37: {  	s15 =	sadd.s32 $0x10, s14  }
0x38: {  	v1 =	vld.msk [tilespmem:s15+$0x0 ss:$0x1], $0xffff;
	_ =	sdelay $0x2  }
0x39: {  	v2 =	vshrl.u32 v0, $0x1  }
0x3a: {  	vm1 =	veq.s32 v0, $0x80000000;
	v0 =	vand.u32 $0x1, v0;
	v2 =	vand.u32 $0xFFFF, v2  }
0x3b: {  	v0 =	vsel vm1, $0xFFFFFFFF, v0;
	v6 =	vshrl.u32 v1, $0x1;
	v2 =	vsel vm1, $0xFFFFFFFF, v2  }
0x3c: {  	v3 =	vshrl.u32 v0, $0x1;
	v0 =	vshll.u32 v0, $0x7;
	vm1 =	veq.s32 v1, $0x80000000  }
0x3d: {  	s15 =	sadd.s32 $0x10, s15;
	v1 =	vand.u32 $0x1, v1;
	v4 =	vshll.u32 v2, $0x1;
	v3 =	vmul.u32 $0x1D500, v3  }
0x3e: {  	v0 =	vand.u32 $0x80, v0;
	v7 =	vand.u32 $0x7F, v2;
	v5 =	vand.u32 $0xFFFFFF00, v4;
	v4 =	vld.msk [tilespmem:s15+$0x0 ss:$0x1], $0xffff  }
0x3f: {  	v1 =	vsel vm1, $0xFFFFFFFF, v1;
	v2 =	vadd.s32 v3, v5;
	v3 =	vand.u32 $0xFFFF, v6  }
0x40: {  	v3 =	vsel vm1, $0xFFFFFFFF, v3;
	v0 =	vor.u32 v0, v2;
	v2 =	vshrl.u32 v1, $0x1  }
0x41: {  	v1 =	vshll.u32 v1, $0x7;
	v5 =	vshll.u32 v3, $0x1;
	v8 =	vmul.u32 $0x1D500, v2  }
0x42: {  	s18 =	simm.s32 $0x30;
	s14 =	sadd.s32 $0x12C0, s14;
	s17 =	sadd.s32 $0x10, s15;
	v2 =	vand.u32 $0x80, v1;
	v0 =	vor.u32 v7, v0;
	v5 =	vand.u32 $0xFFFFFF00, v5  }
0x43: {  	s16 =	smov.u32 s14;
	s15 =	smov.u32 s14;
	v1 =	vld.msk [tilespmem:s17+$0x0 ss:$0x1], $0xffff;
	v3 =	vand.u32 $0x7F, v3;
	(ifvalue) =	ssetifvalue $0x7FFFFFFF;
	v6 =	vshrl.u32 v4, $0x1;
	v5 =	vadd.s32 v8, v5  }
.LBB2_3:
0x44: {  	s18 =	sadd.s32 $0x10, s18  }
0x45: {  	vm1 =	veq.s32 v4, $0x80000000;
	v4 =	vand.u32 $0x1, v4;
	v6 =	vand.u32 $0xFFFF, v6;
	s15 =	sadd.s32 $0x10, s15;
	p0 =	slt.u32 s18, $0x950  }
.Ltmp3:
0x46: {  	v5 =	vor.u32 v2, v5;
	v4 =	vsel vm1, $0xFFFFFFFF, v4;
	v7 =	vsel vm1, $0xFFFFFFFF, v6;
	(pc) =	sbr.rel @p0 .LBB2_3-.Ltmp3, $4  }
0x47: {  	v2 =	vshrl.u32 v4, $0x1;
	v6 =	vshll.u32 v7, $0x1;
	v4 =	vshll.u32 v4, $0x7;
	[tilespmem:s16], [sflag:$0x1] =	stream.indirect_vreg.gather [hbm4b:s2+s10], $0x1, v0, vm0, $0x4038;
	[tilespmem:$0x2580] =	vst v63  }
0x48: {  	v0 =	vor.u32 v3, v5;
	s16 =	smov.u32 s15;
	v8 =	vmul.u32 $0x1D500, v2;
	v2 =	vand.u32 $0x80, v4  }
0x49: {  	s17 =	sadd.s32 $0x10, s17;
	v9 =	vand.u32 $0xFFFFFF00, v6  }
0x4a: {  	v3 =	vand.u32 $0x7F, v7;
	v6 =	vshrl.u32 v1, $0x1;
	v5 =	vadd.s32 v8, v9;
	(ifvalue) =	ssetifvalue $0x7FFFFFFF;
	v4 =	vmovc v1;
	v1 =	vld.msk [tilespmem:s17+$0x0 ss:$0x1], $0xffff  }
.Ltmp4:
0x4b: {  	_ = 	snop;
	(pc) =	sbr.rel .LBB2_4-.Ltmp4, $1  }
0x4c: {  	_ =	sdelay $0x3  }
.LBB2_6:
0x4d: {  	_ =	sfence.sel $0x180000  }
0x4e: {  	s2 =	simm.s32 $0x2;
	[bflag:$0x0] =	sbarrier.arrive $0xFFFF  }
0x4f: {  	s30 =	simm.s32 $0x3;
	[sflag:s2] =	ssyncpa.u1 $0x1  }
0x50: {  	s31 =	simm.s32 $0x1;
	[sflag:s30] =	ssyncpa.u1 $0x1  }
0x51: {  	[sflag:s31] =	ssyncpa.u1 $0x1  }
0x52: {  	p0 =	sne.s32 s1, $0x0;
	_ =	strace $0x9000004A  }
0x53: {  	s0 =	sadd.s32 @!p0 $0x100000, s0;
	[bflag:$0x2] =	sbarrier.arrive $0xFFFF  }
0x54: {  	[sflag:s0] =	ssyncadd.tile.s32 @!p0 $0x1;
	_ =	shalt  }
.Lfunc_end2:
_tile_overlayer_lowered:
.L_overlay_start_2:
0x55: {  	(tag) =	ssettag $0x2  }
0x56: {  	s0 =	rddreg [dreg:$0x0];
	s2 =	stileid.u32  }
0x57: {  	s1 =	rddreg [dreg:$0x1];
	p0 =	sne.s32 s2, $0x0  }
0x58: {  	s3 =	rddreg [dreg:$0x2];
	[bflag:$0x3] =	sbarrier.arrive $0xFFFF;
	s2 =	simm.s32 @!p0 $0x1C01  }
0x59: {  	[timem:s3], [sflag:s2] =	dma.local @!p0 [hbm:s0], s1  }
0x5a: {  	s0 =	simm.s32 @!p0 $0x1  }
0x5b: {  	_ =	swait.ge @!p0 [sflag:s0], s1  }
0x5c: {  	s1 =	ssub.s32 @!p0 $0x0, s1;
	[sflag:s0] =	ssyncset.done @!p0 $0x0  }
0x5d: {  	[sflag:s0] =	ssyncadd.s32 @!p0 s1  }
0x5e: {  	[bflag:$0x3] =	sbarrier.arrive $0xFFFF  }
0x5f: {  	_ =	shalt  }

// kernel: gather_offload_async_start.2
scs
__scs_entry_jumppad:
0x0: {  	(pc) =	sbr.rel $0x88, $3  }
0x1: {  	(tag) =	ssettag $0x0;
	lr =	simm.s32 $0x1  }
0x2: {  	[smem:$0x3F9B] =	sst lr;
	_ =	strace $0xD0000000  }
0x3: {  	_ = 	snop  }
0x4: {  	_ = 	snop  }
0x5: {  	_ = 	snop  }
0x6: {  	_ = 	snop  }
0x7: {  	_ = 	snop  }
__scs_overlays_trampoline_lowered:
0x8: {  	[smem:$0x3FAA] =	sst s0  }
0x9: {  	[smem:$0x3FAB] =	sst s1  }
0xa: {  	[smem:$0x3FAC] =	sst s2  }
0xb: {  	[smem:$0x3FAD] =	sst s3  }
0xc: {  	[smem:$0x3FAE] =	sst s4  }
0xd: {  	[smem:$0x3FAF] =	sst s5  }
0xe: {  	[smem:$0x3FB0] =	sst s6  }
0xf: {  	[smem:$0x3FB1] =	sst s7  }
0x10: {  	[smem:$0x3FB2] =	sst s8  }
0x11: {  	[smem:$0x3FB3] =	sst s9;
	s0 =	simm.s32 @!p0 $0x0  }
0x12: {  	s1 =	sld [smem:$0x3F99];
	s0 =	simm.s32 @p0 $0x1  }
0x13: {  	[smem:$0x3FB4] =	sst s0;
	s0 =	simm.s32 @!p1 $0x0  }
0x14: {  	s2 =	sld [smem:$0x3F98];
	s0 =	simm.s32 @p1 $0x1  }
0x15: {  	[smem:$0x3FB5] =	sst s0;
	s0 =	simm.s32 @!p2 $0x0  }
0x16: {  	s3 =	sld [smem:$0x3FDB];
	s0 =	simm.s32 @p2 $0x1  }
0x17: {  	s4 =	simm.s32 $0x1BF5;
	[smem:$0x3FB7] =	sst s0  }
0x18: {  	s0 =	sld [smem:$0x3F9A];
	_ =	swait.ge [sflag:s4], $0x0  }
0x19: {  	s7 =	sld [smem:$0x3F9B]  }
0x1a: {  	s8 =	sadd.s32 $0xFFFFE003, lr  }
0x1b: {  	s9 =	sadd.s32 $0xFFFFFEF7, lr;
	s5 =	simm.s32 $0xFFFFFFFF;
	p2 =	slt.u32 s8, $0xFFFFF086  }
0x1c: {  	p1 =	slt.u32 s9, $0xF7A;
	s5 =	simm.s32 @!p2 $0x0  }
0x1d: {  	s5 =	simm.s32 @p1 $0x1;
	p0 =	seq.s32 s7, s2  }
0x1e: {  	s7 =	smul.u32 @!p0 $0xF7A, s2;
	p2 =	seq.s32 @!p0 s5, $0x0  }
0x1f: {  	s9 =	smul.u32 $0xF7A, s1;
	s8 =	simm.s32 @!p0 $0x1BF5;
	p2 =	por !p2, p0  }
0x20: {  	[sflag:s8] =	ssyncset.s32 @!p0 $0xFFFFF086;
	s6 =	sadd.s32 @!p0 s3, s7;
	s7 =	simm.s32 @!p0 $0x108  }
0x21: {  	s3 =	sadd.s32 s3, s9;
	s6 =	sadd.s32 @!p0 $0x88, s6;
	s7 =	simm.s32 @p2 $0x1082  }
0x22: {  	[simem:s7], [sflag:s8] =	dma.local @!p0 [hbm:s6], $0xF7A  }
0x23: {  	s9 =	sor.u32 $0xD0000000, s2;
	s6 =	simm.s32 $0x108;
	_ =	swait.ge @!p0 [sflag:s8], $0x0  }
0x24: {  	s3 =	sadd.s32 $0x88, s3;
	s6 =	simm.s32 @!p1 $0x1082;
	[sflag:s4] =	ssyncset.s32 $0xFFFFF086  }
0x25: {  	[simem:s6], [sflag:s4] =	dma.local [hbm:s3], $0xF7A  }
0x26: {  	[smem:$0x3F9B] =	sst s1;
	(tag) =	ssettag s2;
	_ =	strace s9  }
0x27: {  	s1 =	sld [smem:$0x3FAB]  }
0x28: {  	s2 =	sld [smem:$0x3FAC]  }
0x29: {  	s4 =	sld [smem:$0x3FAE]  }
0x2a: {  	p0 =	seq.s32 s5, $0x0;
	s5 =	sld [smem:$0x3FAF]  }
0x2b: {  	s6 =	sld [smem:$0x3FB0]  }
0x2c: {  	s7 =	sld [smem:$0x3FB1]  }
0x2d: {  	s3 =	simm.s32 $0x108;
	s8 =	sld [smem:$0x3FB2]  }
0x2e: {  	s3 =	simm.s32 @!p0 $0x1082;
	s9 =	sld [smem:$0x3FB3]  }
0x2f: {  	lr =	sadd.s32 s0, s3;
	s0 =	sld [smem:$0x3FAA]  }
0x30: {  	s3 =	sld [smem:$0x3FAD]  }
0x31: {  	[smem:$0x3FB6] =	sst s10  }
0x32: {  	s10 =	sld [smem:$0x3FB4];
	_ =	sdelay $0x3  }
0x33: {  	p0 =	seq.s32 s10, $0x1;
	s10 =	sld [smem:$0x3FB6];
	_ =	sdelay $0x3  }
0x34: {  	[smem:$0x3FB6] =	sst s10  }
0x35: {  	s10 =	sld [smem:$0x3FB5];
	_ =	sdelay $0x3  }
0x36: {  	p1 =	seq.s32 s10, $0x1;
	s10 =	sld [smem:$0x3FB6];
	_ =	sdelay $0x3  }
0x37: {  	[smem:$0x3FB6] =	sst s10  }
0x38: {  	s10 =	sld [smem:$0x3FB7]  }
0x39: {  	_ = 	snop;
	(pc) =	sbr.ind lr, $3  }
0x3a: {  	_ = 	snop  }
0x3b: {  	_ = 	snop  }
0x3c: {  	p2 =	seq.s32 s10, $0x1;
	s10 =	sld [smem:$0x3FB6]  }
0x3d: {  	_ =	shalt  }
0x3e: {  	_ =	shalt  }
0x3f: {  	_ =	shalt  }
0x40: {  	_ =	shalt  }
0x41: {  	_ =	shalt  }
0x42: {  	_ =	shalt  }
0x43: {  	_ =	shalt  }
0x44: {  	_ =	shalt  }
0x45: {  	_ =	shalt  }
0x46: {  	_ =	shalt  }
0x47: {  	_ =	shalt  }
0x48: {  	_ =	shalt  }
0x49: {  	_ =	shalt  }
0x4a: {  	_ =	shalt  }
0x4b: {  	_ =	shalt  }
0x4c: {  	_ =	shalt  }
0x4d: {  	_ =	shalt  }
0x4e: {  	_ =	shalt  }
0x4f: {  	_ =	shalt  }
0x50: {  	_ =	shalt  }
0x51: {  	_ =	shalt  }
0x52: {  	_ =	shalt  }
0x53: {  	_ =	shalt  }
0x54: {  	_ =	shalt  }
0x55: {  	_ =	shalt  }
0x56: {  	_ =	shalt  }
0x57: {  	_ =	shalt  }
0x58: {  	_ =	shalt  }
0x59: {  	_ =	shalt  }
0x5a: {  	_ =	shalt  }
0x5b: {  	_ =	shalt  }
0x5c: {  	_ =	shalt  }
0x5d: {  	_ =	shalt  }
0x5e: {  	_ =	shalt  }
0x5f: {  	_ =	shalt  }
0x60: {  	_ =	shalt  }
0x61: {  	_ =	shalt  }
0x62: {  	_ =	shalt  }
0x63: {  	_ =	shalt  }
0x64: {  	_ =	shalt  }
0x65: {  	_ =	shalt  }
0x66: {  	_ =	shalt  }
0x67: {  	_ =	shalt  }
0x68: {  	_ =	shalt  }
0x69: {  	_ =	shalt  }
0x6a: {  	_ =	shalt  }
0x6b: {  	_ =	shalt  }
0x6c: {  	_ =	shalt  }
0x6d: {  	_ =	shalt  }
0x6e: {  	_ =	shalt  }
0x6f: {  	_ =	shalt  }
0x70: {  	_ =	shalt  }
0x71: {  	_ =	shalt  }
0x72: {  	_ =	shalt  }
0x73: {  	_ =	shalt  }
0x74: {  	_ =	shalt  }
0x75: {  	_ =	shalt  }
0x76: {  	_ =	shalt  }
0x77: {  	_ =	shalt  }
0x78: {  	_ =	shalt  }
0x79: {  	_ =	shalt  }
0x7a: {  	_ =	shalt  }
0x7b: {  	_ =	shalt  }
0x7c: {  	_ =	shalt  }
0x7d: {  	_ =	shalt  }
0x7e: {  	_ =	shalt  }
0x7f: {  	_ =	shalt  }
0x80: {  	_ =	shalt  }
0x81: {  	_ =	shalt  }
0x82: {  	_ =	shalt  }
0x83: {  	_ =	shalt  }
0x84: {  	_ =	shalt  }
0x85: {  	_ =	shalt  }
0x86: {  	_ =	shalt  }
0x87: {  	_ =	shalt  }
.Lfunc_end0:
.L_simem_size_0:
called_computation.2_lowered:
.L_overlay_start_0:
0x88: {  	s2 =	sld [smem:$0x3FD9]  }
0x89: {  	s3 =	sld [smem:$0x3FFE];
	_ =	sdelay $0x1  }
0x8a: {  	s1 =	srdreg.scid  }
0x8b: {  	s0 =	sand.u32 $0x1, s1  }
0x8c: {  	s17 =	sshll.u32 s0, $0xA;
	s2 =	sadd.s32 s3, s2  }
0x8d: {  	s2 =	sadd.s32 s2, s17  }
0x8e: {  	[smem:$0x3FC2] =	sst s2  }
0x8f: {  	_ = 	snop  }
0x90: {  	(tm) =	ssettm $0x1  }
0x91: {  	s18 =	sld [smem:$0x3FFB];
	_ =	sdelay $0x3  }
0x92: {  	_ =	strace s18  }
0x93: {  	s2 =	sld [smem:$0x3FFC];
	_ =	sdelay $0x3  }
0x94: {  	_ =	strace s2  }
0x95: {  	s2 =	sld [smem:$0x3FFD];
	_ =	sdelay $0x3  }
0x96: {  	_ =	strace s2  }
0x97: {  	_ =	strace $0x8FFFFFFF  }
0x98: {  	s19 =	sld [smem:$0x3FDB];
	_ =	sdelay $0x1  }
0x99: {  	s20 =	simm.s32 $_scs_section_size  }
0x9a: {  	s4 =	simm.s32 $_size__tile_overlayer_lowered;
	s5 =	simm.s32 $_tile_overlayer_lowered  }
0x9b: {  	s6 =	simm.s32 $0x1BFF;
	s21 =	sshll.u32 s5, $0x1;
	s3 =	sadd.s32 s20, s19  }
0x9c: {  	s22 =	simm.s32 $0x0;
	s4 =	sshll.u32 s4, $0x1;
	s5 =	sadd.s32 s21, s3  }
0x9d: {  	[timem:s22], [sflag:s6] =	dma.local [hbm:s5], s4  }
0x9e: {  	_ =	swait.ge [sflag:s6], s4  }
0x9f: {  	s4 =	ssub.s32 $0x0, s4;
	[sflag:s6] =	ssyncset.done $0x0  }
0xa0: {  	[sflag:s6] =	ssyncadd.s32 s4;
	_ =	sdelay $0x1  }
0xa1: {  	s23 =	simm.s32 $0x1B8B  }
0xa2: {  	_ =	swait.ge [sflag:s23], $0x1  }
0xa3: {  	[sflag:s23] =	ssyncset.done $0x0  }
0xa4: {  	[sflag:s23] =	ssyncadd.s32 $0xFFFFFFFF  }
0xa5: {  	s4 =	sld [smem:$0x0]  }
0xa6: {  	s5 =	sand.u32 $0xFFFFFFFE, s1  }
0xa7: {  	p0 =	sne.s32 s1, s5  }
0xa8: {  	s5 =	sshll.u32 @p0 s5, $0xE  }
0xa9: {  	s5 =	sadd.s32 @p0 $0x11B8D, s5;
	s6 =	sshll.u32 @p0 s4, $0x11  }
0xaa: {  	s5 =	sor.u32 @p0 s6, s5  }
0xab: {  	[sflag:s5] =	ssyncadd.remote.s32 @p0 $0x1;
	_ =	sdelay $0x1  }
0xac: {  	s5 =	simm.s32 @p0 $0x1B8D  }
0xad: {  	_ =	swait.eq @p0 [sflag:s5], $0x1  }
0xae: {  	[sflag:s5] =	ssyncadd.s32 @p0 $0xFFFFFFFF  }
0xaf: {  	s6 =	sshll.u32 @!p0 s1, $0xE  }
0xb0: {  	s6 =	sor.u32 @!p0 $0x4000, s6;
	s5 =	simm.s32 @!p0 $0x1B8D  }
0xb1: {  	s4 =	sshll.u32 @!p0 s4, $0x11;
	s6 =	sadd.s32 @!p0 $0x11B8D, s6;
	_ =	swait.eq @!p0 [sflag:s5], $0x1  }
0xb2: {  	s4 =	sor.u32 @!p0 s4, s6;
	[sflag:s5] =	ssyncadd.s32 @!p0 $0xFFFFFFFF  }
0xb3: {  	s25 =	simm.s32 $0x1B8E;
	s24 =	sld [smem:$0x3FFE];
	[sflag:s4] =	ssyncadd.remote.s32 @!p0 $0x1  }
0xb4: {  	s26 =	simm.s32 $execute0_lowered;
	[smem:$0x3FD2] =	sst s25  }
0xb5: {  	s5 =	sshll.u32 s26, $0x1;
	_ =	strace $0x8000004F;
	[dreg:$0x1] =	wrdreg $0xFFFFFFFF  }
0xb6: {  	s28 =	simm.s32 $_size_execute0_lowered;
	s3 =	sadd.s32 s3, s5;
	[dreg:$0x0] =	wrdreg $0x0  }
0xb7: {  	s5 =	sshll.u32 s28, $0x1;
	[dreg:$0x2] =	wrdreg s3  }
0xb8: {  	[dreg:$0x3] =	wrdreg s5  }
0xb9: {  	[dreg:$0x4] =	wrdreg $0xC0  }
0xba: {  	_ =	task [dreg:s22], $0x5FFFF  }
0xbb: {  	[dreg:$0x1] =	wrdreg $0xFFFFFFFF  }
0xbc: {  	[dreg:$0x0] =	wrdreg $0x60  }
0xbd: {  	[dreg:$0x2] =	wrdreg s24  }
0xbe: {  	[dreg:$0x3] =	wrdreg $0xA  }
0xbf: {  	_ =	task.clear_ibuf [dreg:s22], $0x4FFFF;
	_ =	strace $0x9000004F  }
0xc0: {  	s29 =	simm.s32 $0xA;
	_ =	strace $0x80000051  }
0xc1: {  	_ =	swait.ge [sflag:s29], $0x1  }
0xc2: {  	[sflag:s29] =	ssyncadd.s32 $0xFFFFFFFF  }
0xc3: {  	_ =	strace $0x90000051  }
0xc4: {  	_ =	sfence  }
0xc5: {  	s30 =	sld [smem:$0x0];
	_ =	sdelay $0x2  }
0xc6: {  	s31 =	sshll.u32 s1, $0xD;
	s1 =	sshrl.u32 s1, $0x2  }
0xc7: {  	s4 =	sand.u32 $0x4000, s31;
	s1 =	sadd.s32 s1, s30  }
0xc8: {  	s0 =	sor.u32 s4, s0;
	s1 =	sshll.u32 s1, $0x11  }
0xc9: {  	s0 =	sor.u32 s1, s0  }
0xca: {  	s0 =	sadd.s32 $0x8F2B, s0  }
0xcb: {  	[sflag:s0] =	ssyncadd.remote.s32 $0x1  }
0xcc: {  	_ =	sfence.sel $0xFFFF  }
0xcd: {  	[dreg:$0x0] =	wrdreg $0xFFFFFFFF;
	(pc) =	sbr.abs _section_cstart, $3  }
0xce: {  	[dreg:$0x1] =	wrdreg $0xFFFFFFFF  }
0xcf: {  	_ =	task.clear_ibuf [dreg:s22], $0x2FFFF;
	_ =	strace $0x9FFFFFFF  }
0xd0: {  	(tm) =	ssettm $0x7FFFFFFF  }
0xd1: {  	_ =	shalt  }
tec
execute0_lowered:
.L_overlay_start_1:
0x0: {  	(tag) =	ssettag $0x1  }
0x1: {  	s8 =	rddreg [dreg:$0x0];
	s1 =	stileid.u32  }
0x2: {  	s2 =	srdreg.scid;
	s0 =	rddreg [dreg:$0x1]  }
0x3: {  	_ =	strace $0x80000050;
	s5 =	simm.s32 $0x1;
	s9 =	simm.s32 $0x1  }
0x4: {  	s10 =	simm.s32 $0x3;
	s2 =	sand.u32 $0x1, s2;
	s3 =	sshll.u32 s1, $0x1  }
0x5: {  	s13 =	simm.s32 $0x0;
	s12 =	simm.s32 $0x0;
	s6 =	sor.u32 s3, s2  }
0x6: {  	[sflag:s5] =	ssyncpa.u1 $0x0;
	s2 =	sadd.s32 $0x9C00, s8;
	s4 =	smul.u32 $0x960, s6  }
0x7: {  	s3 =	sadd.s32 $0x2F400, s8;
	p0 =	slt.u32 s6, $0x13;
	s6 =	simm.s32 $0x12C00  }
.Ltmp0:
0x8: {  	s6 =	simm.s32 @!p0 $0x0;
	s7 =	ssub.s32 $0x1D4C0, s4;
	(pc) =	sbr.rel .LBB2_1-.Ltmp0, $4  }
0x9: {  	s9 =	simm.s32 @!p0 $0x0;
	p0 =	sne.s32 s7, s6;
	s7 =	simm.s32 $0x1  }
0xa: {  	s8 =	sadd.s32 $0x33000, s8;
	s6 =	simm.s32 $0x2;
	s7 =	simm.s32 @!p0 $0x0  }
0xb: {  	s11 =	smov.u32 s4;
	[sflag:s6] =	ssyncpa.u1 $0x0;
	s7 =	sadd.s32 s9, s7  }
0xc: {  	vm0 =	vmmov $0xffff;
	[sflag:s10] =	ssyncpa.u1 $0x0;
	s10 =	simm.s32 $0x0;
	s9 =	sadd.s32 $0x1, s7  }
.LBB2_4:
0xd: {  	vm1 =	veq.s32 v4, $0x80000000;
	v56 =	vand.u32 $0x1, v4;
	v6 =	vand.u32 $0xFFFF, v6  }
0xe: {  	v2 =	vor.u32 v2, v5;
	v59 =	vshrl.u32 v1, $0x1;
	v60 =	vand.u32 $0x1, v1  }
0xf: {  	v4 =	vsel vm1, $0xFFFFFFFF, v56;
	v6 =	vsel vm1, $0xFFFFFFFF, v6;
	v2 =	vor.u32 v3, v2  }
0x10: {  	vm1 =	veq.s32 v1, $0x80000000;
	v5 =	vand.u32 $0xFFFF, v59;
	v7 =	vshrl.u32 v4, $0x1  }
0x11: {  	v57 =	vshll.u32 v6, $0x1;
	v4 =	vshll.u32 v4, $0x7;
	v1 =	vsel vm1, $0xFFFFFFFF, v60  }
0x12: {  	v5 =	vsel vm1, $0xFFFFFFFF, v5;
	v6 =	vand.u32 $0x7F, v6;
	v7 =	vmul.u32 $0x1D500, v7  }
0x13: {  	v58 =	vand.u32 $0xFFFFFF00, v57;
	v4 =	vand.u32 $0x80, v4;
	v61 =	vshrl.u32 v1, $0x1  }
0x14: {  	v62 =	vshll.u32 v5, $0x1;
	v3 =	vadd.s32 v7, v58;
	v7 =	vmul.u32 $0x1D500, v61  }
0x15: {  	v1 =	vshll.u32 v1, $0x7;
	v3 =	vor.u32 v4, v3;
	v4 =	vand.u32 $0xFFFFFF00, v62  }
0x16: {  	v1 =	vand.u32 $0x80, v1;
	v3 =	vor.u32 v6, v3;
	v4 =	vadd.s32 v7, v4  }
0x17: {  	[tilespmem:s16], [sflag:$0x1] =	stream.indirect_vreg.gather [hbm4b:s2+s10], $0x1, v0, vm0, $0x4038;
	v63 =	vand.u32 $0x7F, v5;
	v1 =	vor.u32 v1, v4;
	[tilespmem:$0x2580] =	vst v63  }
0x18: {  	s15 =	sadd.s32 $0x10, s15;
	(ifvalue) =	ssetifvalue $0x7FFFFFFF;
	v0 =	vor.u32 v63, v1  }
0x19: {  	[tilespmem:s15], [sflag:$0x1] =	stream.indirect_vreg.gather [hbm4b:s2+s10], $0x1, v2, vm0, $0x4038;
	[tilespmem:$0x2580] =	vst v63  }
0x1a: {  	s15 =	sadd.s32 $0x10, s15;
	(ifvalue) =	ssetifvalue $0x7FFFFFFF  }
0x1b: {  	[tilespmem:s15], [sflag:$0x1] =	stream.indirect_vreg.gather [hbm4b:s2+s10], $0x1, v3, vm0, $0x4038;
	[tilespmem:$0x2580] =	vst v63  }
0x1c: {  	s15 =	sadd.s32 $0x10, s15;
	(ifvalue) =	ssetifvalue $0x7FFFFFFF  }
0x1d: {  	[tilespmem:s15], [sflag:$0x1] =	stream.indirect_vreg.gather [hbm4b:s2+s10], $0x1, v0, vm0, $0x4038;
	[tilespmem:$0x2580] =	vst v63  }
0x1e: {  	_ =	swait.ge [sflag:s5], $0x960  }
0x1f: {  	s30 =	sshrl.u32 s13, $0x3;
	[sflag:s5] =	ssyncset.done $0x0  }
0x20: {  	s31 =	sand.u32 $0x7, s13;
	s15 =	sadd.s32 s8, s30;
	[sflag:s5] =	ssyncadd.s32 $0xFFFFF6A0  }
0x21: {  	[hbm4b:s15+s31] =	stream.linear.scatter [tilespmem:s14], [sflag:$0x3], $0x960, $0x38;
	[tilespmem:$0x2580] =	vst v63  }
.LBB2_5:
0x22: {  	s15 =	sadd.s32 $0x12C00, s11  }
0x23: {  	p1 =	sgt.s32 s15, $0x1D4BF  }
0x24: {  	s15 =	smov.u32 @p1 s4;
	p1 =	sne.s32 s12, s9  }
.Ltmp1:
0x25: {  	p0 =	slt.u32 s12, $0x2;
	(pc) =	sbr.rel @!p1 .LBB2_6-.Ltmp1, $4  }
0x26: {  	s14 =	simm.s32 @!p0 $0x3  }
0x27: {  	_ =	swait.ge @!p0 [sflag:s14], $0x960  }
0x28: {  	s16 =	sadd.s32 $0x1, s12;
	s13 =	smov.u32 s11;
	[sflag:s14] =	ssyncset.done @!p0 $0x0  }
0x29: {  	s12 =	smov.u32 s16;
	s11 =	smov.u32 s15;
	[sflag:s14] =	ssyncadd.s32 @!p0 $0xFFFFF6A0  }
.LBB2_1:
0x2a: {  	p0 =	sge.u32 s12, s7  }
0x2b: {  	s14 =	sxor.u32 @!p0 $0x1, s12  }
0x2c: {  	s14 =	smul.u32 @!p0 $0x2580, s14  }
0x2d: {  	s31 =	sadd.s32 $0xFFFFFFFF, s12;
	s15 =	sshrl.u32 @!p0 s11, $0x3  }
0x2e: {  	s16 =	sand.u32 @!p0 $0x7, s11;
	s15 =	sadd.s32 @!p0 s3, s15;
	s14 =	sshra.s32 @!p0 s14, $0x2  }
0x2f: {  	[tilespmem:s14], [sflag:$0x2] =	stream.linear.gather @!p0 [hbm4b:s15+s16], $0x960, $0x38;
	[tilespmem:$0x2580] =	vst v63  }
0x30: {  	p0 =	sge.u32 s31, s7  }
.Ltmp2:
0x31: {  	_ = 	snop;
	(pc) =	sbr.rel @p0 .LBB2_5-.Ltmp2, $1  }
0x32: {  	_ =	sdelay $0x3  }
0x33: {  	s14 =	sand.u32 $0x1, s12  }
0x34: {  	_ =	swait.ge [sflag:s6], $0x960;
	p0 =	seq.s32 s14, $0x1;
	s14 =	simm.s32 $0x960  }
0x35: {  	[sflag:s6] =	ssyncset.done $0x0;
	s14 =	simm.s32 @!p0 $0x0  }
0x36: {  	[sflag:s6] =	ssyncadd.s32 $0xFFFFF6A0;
	(ifvalue) =	ssetifvalue $0x7FFFFFFF;
	v0 =	vld.msk [tilespmem:s14+$0x0 ss:$0x1], $0xffff  }
0x37: {  	s15 =	sadd.s32 $0x10, s14  }
0x38: {  	v1 =	vld.msk [tilespmem:s15+$0x0 ss:$0x1], $0xffff;
	_ =	sdelay $0x2  }
0x39: {  	v2 =	vshrl.u32 v0, $0x1  }
0x3a: {  	vm1 =	veq.s32 v0, $0x80000000;
	v0 =	vand.u32 $0x1, v0;
	v2 =	vand.u32 $0xFFFF, v2  }
0x3b: {  	v0 =	vsel vm1, $0xFFFFFFFF, v0;
	v6 =	vshrl.u32 v1, $0x1;
	v2 =	vsel vm1, $0xFFFFFFFF, v2  }
0x3c: {  	v3 =	vshrl.u32 v0, $0x1;
	v0 =	vshll.u32 v0, $0x7;
	vm1 =	veq.s32 v1, $0x80000000  }
0x3d: {  	s15 =	sadd.s32 $0x10, s15;
	v1 =	vand.u32 $0x1, v1;
	v4 =	vshll.u32 v2, $0x1;
	v3 =	vmul.u32 $0x1D500, v3  }
0x3e: {  	v0 =	vand.u32 $0x80, v0;
	v7 =	vand.u32 $0x7F, v2;
	v5 =	vand.u32 $0xFFFFFF00, v4;
	v4 =	vld.msk [tilespmem:s15+$0x0 ss:$0x1], $0xffff  }
0x3f: {  	v1 =	vsel vm1, $0xFFFFFFFF, v1;
	v2 =	vadd.s32 v3, v5;
	v3 =	vand.u32 $0xFFFF, v6  }
0x40: {  	v3 =	vsel vm1, $0xFFFFFFFF, v3;
	v0 =	vor.u32 v0, v2;
	v2 =	vshrl.u32 v1, $0x1  }
0x41: {  	v1 =	vshll.u32 v1, $0x7;
	v5 =	vshll.u32 v3, $0x1;
	v8 =	vmul.u32 $0x1D500, v2  }
0x42: {  	s18 =	simm.s32 $0x30;
	s14 =	sadd.s32 $0x12C0, s14;
	s17 =	sadd.s32 $0x10, s15;
	v2 =	vand.u32 $0x80, v1;
	v0 =	vor.u32 v7, v0;
	v5 =	vand.u32 $0xFFFFFF00, v5  }
0x43: {  	s16 =	smov.u32 s14;
	s15 =	smov.u32 s14;
	v1 =	vld.msk [tilespmem:s17+$0x0 ss:$0x1], $0xffff;
	v3 =	vand.u32 $0x7F, v3;
	(ifvalue) =	ssetifvalue $0x7FFFFFFF;
	v6 =	vshrl.u32 v4, $0x1;
	v5 =	vadd.s32 v8, v5  }
.LBB2_3:
0x44: {  	s18 =	sadd.s32 $0x10, s18  }
0x45: {  	vm1 =	veq.s32 v4, $0x80000000;
	v4 =	vand.u32 $0x1, v4;
	v6 =	vand.u32 $0xFFFF, v6;
	s15 =	sadd.s32 $0x10, s15;
	p0 =	slt.u32 s18, $0x950  }
.Ltmp3:
0x46: {  	v5 =	vor.u32 v2, v5;
	v4 =	vsel vm1, $0xFFFFFFFF, v4;
	v7 =	vsel vm1, $0xFFFFFFFF, v6;
	(pc) =	sbr.rel @p0 .LBB2_3-.Ltmp3, $4  }
0x47: {  	v2 =	vshrl.u32 v4, $0x1;
	v6 =	vshll.u32 v7, $0x1;
	v4 =	vshll.u32 v4, $0x7;
	[tilespmem:s16], [sflag:$0x1] =	stream.indirect_vreg.gather [hbm4b:s2+s10], $0x1, v0, vm0, $0x4038;
	[tilespmem:$0x2580] =	vst v63  }
0x48: {  	v0 =	vor.u32 v3, v5;
	s16 =	smov.u32 s15;
	v8 =	vmul.u32 $0x1D500, v2;
	v2 =	vand.u32 $0x80, v4  }
0x49: {  	s17 =	sadd.s32 $0x10, s17;
	v9 =	vand.u32 $0xFFFFFF00, v6  }
0x4a: {  	v3 =	vand.u32 $0x7F, v7;
	v6 =	vshrl.u32 v1, $0x1;
	v5 =	vadd.s32 v8, v9;
	(ifvalue) =	ssetifvalue $0x7FFFFFFF;
	v4 =	vmovc v1;
	v1 =	vld.msk [tilespmem:s17+$0x0 ss:$0x1], $0xffff  }
.Ltmp4:
0x4b: {  	_ = 	snop;
	(pc) =	sbr.rel .LBB2_4-.Ltmp4, $1  }
0x4c: {  	_ =	sdelay $0x3  }
.LBB2_6:
0x4d: {  	_ =	sfence.sel $0x180000  }
0x4e: {  	s2 =	simm.s32 $0x2;
	[bflag:$0x0] =	sbarrier.arrive $0xFFFF  }
0x4f: {  	s30 =	simm.s32 $0x3;
	[sflag:s2] =	ssyncpa.u1 $0x1  }
0x50: {  	s31 =	simm.s32 $0x1;
	[sflag:s30] =	ssyncpa.u1 $0x1  }
0x51: {  	[sflag:s31] =	ssyncpa.u1 $0x1  }
0x52: {  	p0 =	sne.s32 s1, $0x0;
	_ =	strace $0x90000050  }
0x53: {  	s0 =	sadd.s32 @!p0 $0x100000, s0;
	[bflag:$0x2] =	sbarrier.arrive $0xFFFF  }
0x54: {  	[sflag:s0] =	ssyncadd.tile.s32 @!p0 $0x1;
	_ =	shalt  }
.Lfunc_end2:
_tile_overlayer_lowered:
.L_overlay_start_2:
0x55: {  	(tag) =	ssettag $0x2  }
0x56: {  	s0 =	rddreg [dreg:$0x0];
	s2 =	stileid.u32  }
0x57: {  	s1 =	rddreg [dreg:$0x1];
	p0 =	sne.s32 s2, $0x0  }
0x58: {  	s3 =	rddreg [dreg:$0x2];
	[bflag:$0x3] =	sbarrier.arrive $0xFFFF;
	s2 =	simm.s32 @!p0 $0x1C01  }
0x59: {  	[timem:s3], [sflag:s2] =	dma.local @!p0 [hbm:s0], s1  }
0x5a: {  	s0 =	simm.s32 @!p0 $0x1  }
0x5b: {  	_ =	swait.ge @!p0 [sflag:s0], s1  }
0x5c: {  	s1 =	ssub.s32 @!p0 $0x0, s1;
	[sflag:s0] =	ssyncset.done @!p0 $0x0  }
0x5d: {  	[sflag:s0] =	ssyncadd.s32 @!p0 s1  }
0x5e: {  	[bflag:$0x3] =	sbarrier.arrive $0xFFFF  }
0x5f: {  	_ =	shalt  }

// kernel: gather_offload_async_start.3
scs
__scs_entry_jumppad:
0x0: {  	(pc) =	sbr.rel $0x88, $3  }
0x1: {  	(tag) =	ssettag $0x0;
	lr =	simm.s32 $0x1  }
0x2: {  	[smem:$0x3F9B] =	sst lr;
	_ =	strace $0xD0000000  }
0x3: {  	_ = 	snop  }
0x4: {  	_ = 	snop  }
0x5: {  	_ = 	snop  }
0x6: {  	_ = 	snop  }
0x7: {  	_ = 	snop  }
__scs_overlays_trampoline_lowered:
0x8: {  	[smem:$0x3FAA] =	sst s0  }
0x9: {  	[smem:$0x3FAB] =	sst s1  }
0xa: {  	[smem:$0x3FAC] =	sst s2  }
0xb: {  	[smem:$0x3FAD] =	sst s3  }
0xc: {  	[smem:$0x3FAE] =	sst s4  }
0xd: {  	[smem:$0x3FAF] =	sst s5  }
0xe: {  	[smem:$0x3FB0] =	sst s6  }
0xf: {  	[smem:$0x3FB1] =	sst s7  }
0x10: {  	[smem:$0x3FB2] =	sst s8  }
0x11: {  	[smem:$0x3FB3] =	sst s9;
	s0 =	simm.s32 @!p0 $0x0  }
0x12: {  	s1 =	sld [smem:$0x3F99];
	s0 =	simm.s32 @p0 $0x1  }
0x13: {  	[smem:$0x3FB4] =	sst s0;
	s0 =	simm.s32 @!p1 $0x0  }
0x14: {  	s2 =	sld [smem:$0x3F98];
	s0 =	simm.s32 @p1 $0x1  }
0x15: {  	[smem:$0x3FB5] =	sst s0;
	s0 =	simm.s32 @!p2 $0x0  }
0x16: {  	s3 =	sld [smem:$0x3FDB];
	s0 =	simm.s32 @p2 $0x1  }
0x17: {  	s4 =	simm.s32 $0x1BF5;
	[smem:$0x3FB7] =	sst s0  }
0x18: {  	s0 =	sld [smem:$0x3F9A];
	_ =	swait.ge [sflag:s4], $0x0  }
0x19: {  	s7 =	sld [smem:$0x3F9B]  }
0x1a: {  	s8 =	sadd.s32 $0xFFFFE003, lr  }
0x1b: {  	s9 =	sadd.s32 $0xFFFFFEF7, lr;
	s5 =	simm.s32 $0xFFFFFFFF;
	p2 =	slt.u32 s8, $0xFFFFF086  }
0x1c: {  	p1 =	slt.u32 s9, $0xF7A;
	s5 =	simm.s32 @!p2 $0x0  }
0x1d: {  	s5 =	simm.s32 @p1 $0x1;
	p0 =	seq.s32 s7, s2  }
0x1e: {  	s7 =	smul.u32 @!p0 $0xF7A, s2;
	p2 =	seq.s32 @!p0 s5, $0x0  }
0x1f: {  	s9 =	smul.u32 $0xF7A, s1;
	s8 =	simm.s32 @!p0 $0x1BF5;
	p2 =	por !p2, p0  }
0x20: {  	[sflag:s8] =	ssyncset.s32 @!p0 $0xFFFFF086;
	s6 =	sadd.s32 @!p0 s3, s7;
	s7 =	simm.s32 @!p0 $0x108  }
0x21: {  	s3 =	sadd.s32 s3, s9;
	s6 =	sadd.s32 @!p0 $0x88, s6;
	s7 =	simm.s32 @p2 $0x1082  }
0x22: {  	[simem:s7], [sflag:s8] =	dma.local @!p0 [hbm:s6], $0xF7A  }
0x23: {  	s9 =	sor.u32 $0xD0000000, s2;
	s6 =	simm.s32 $0x108;
	_ =	swait.ge @!p0 [sflag:s8], $0x0  }
0x24: {  	s3 =	sadd.s32 $0x88, s3;
	s6 =	simm.s32 @!p1 $0x1082;
	[sflag:s4] =	ssyncset.s32 $0xFFFFF086  }
0x25: {  	[simem:s6], [sflag:s4] =	dma.local [hbm:s3], $0xF7A  }
0x26: {  	[smem:$0x3F9B] =	sst s1;
	(tag) =	ssettag s2;
	_ =	strace s9  }
0x27: {  	s1 =	sld [smem:$0x3FAB]  }
0x28: {  	s2 =	sld [smem:$0x3FAC]  }
0x29: {  	s4 =	sld [smem:$0x3FAE]  }
0x2a: {  	p0 =	seq.s32 s5, $0x0;
	s5 =	sld [smem:$0x3FAF]  }
0x2b: {  	s6 =	sld [smem:$0x3FB0]  }
0x2c: {  	s7 =	sld [smem:$0x3FB1]  }
0x2d: {  	s3 =	simm.s32 $0x108;
	s8 =	sld [smem:$0x3FB2]  }
0x2e: {  	s3 =	simm.s32 @!p0 $0x1082;
	s9 =	sld [smem:$0x3FB3]  }
0x2f: {  	lr =	sadd.s32 s0, s3;
	s0 =	sld [smem:$0x3FAA]  }
0x30: {  	s3 =	sld [smem:$0x3FAD]  }
0x31: {  	[smem:$0x3FB6] =	sst s10  }
0x32: {  	s10 =	sld [smem:$0x3FB4];
	_ =	sdelay $0x3  }
0x33: {  	p0 =	seq.s32 s10, $0x1;
	s10 =	sld [smem:$0x3FB6];
	_ =	sdelay $0x3  }
0x34: {  	[smem:$0x3FB6] =	sst s10  }
0x35: {  	s10 =	sld [smem:$0x3FB5];
	_ =	sdelay $0x3  }
0x36: {  	p1 =	seq.s32 s10, $0x1;
	s10 =	sld [smem:$0x3FB6];
	_ =	sdelay $0x3  }
0x37: {  	[smem:$0x3FB6] =	sst s10  }
0x38: {  	s10 =	sld [smem:$0x3FB7]  }
0x39: {  	_ = 	snop;
	(pc) =	sbr.ind lr, $3  }
0x3a: {  	_ = 	snop  }
0x3b: {  	_ = 	snop  }
0x3c: {  	p2 =	seq.s32 s10, $0x1;
	s10 =	sld [smem:$0x3FB6]  }
0x3d: {  	_ =	shalt  }
0x3e: {  	_ =	shalt  }
0x3f: {  	_ =	shalt  }
0x40: {  	_ =	shalt  }
0x41: {  	_ =	shalt  }
0x42: {  	_ =	shalt  }
0x43: {  	_ =	shalt  }
0x44: {  	_ =	shalt  }
0x45: {  	_ =	shalt  }
0x46: {  	_ =	shalt  }
0x47: {  	_ =	shalt  }
0x48: {  	_ =	shalt  }
0x49: {  	_ =	shalt  }
0x4a: {  	_ =	shalt  }
0x4b: {  	_ =	shalt  }
0x4c: {  	_ =	shalt  }
0x4d: {  	_ =	shalt  }
0x4e: {  	_ =	shalt  }
0x4f: {  	_ =	shalt  }
0x50: {  	_ =	shalt  }
0x51: {  	_ =	shalt  }
0x52: {  	_ =	shalt  }
0x53: {  	_ =	shalt  }
0x54: {  	_ =	shalt  }
0x55: {  	_ =	shalt  }
0x56: {  	_ =	shalt  }
0x57: {  	_ =	shalt  }
0x58: {  	_ =	shalt  }
0x59: {  	_ =	shalt  }
0x5a: {  	_ =	shalt  }
0x5b: {  	_ =	shalt  }
0x5c: {  	_ =	shalt  }
0x5d: {  	_ =	shalt  }
0x5e: {  	_ =	shalt  }
0x5f: {  	_ =	shalt  }
0x60: {  	_ =	shalt  }
0x61: {  	_ =	shalt  }
0x62: {  	_ =	shalt  }
0x63: {  	_ =	shalt  }
0x64: {  	_ =	shalt  }
0x65: {  	_ =	shalt  }
0x66: {  	_ =	shalt  }
0x67: {  	_ =	shalt  }
0x68: {  	_ =	shalt  }
0x69: {  	_ =	shalt  }
0x6a: {  	_ =	shalt  }
0x6b: {  	_ =	shalt  }
0x6c: {  	_ =	shalt  }
0x6d: {  	_ =	shalt  }
0x6e: {  	_ =	shalt  }
0x6f: {  	_ =	shalt  }
0x70: {  	_ =	shalt  }
0x71: {  	_ =	shalt  }
0x72: {  	_ =	shalt  }
0x73: {  	_ =	shalt  }
0x74: {  	_ =	shalt  }
0x75: {  	_ =	shalt  }
0x76: {  	_ =	shalt  }
0x77: {  	_ =	shalt  }
0x78: {  	_ =	shalt  }
0x79: {  	_ =	shalt  }
0x7a: {  	_ =	shalt  }
0x7b: {  	_ =	shalt  }
0x7c: {  	_ =	shalt  }
0x7d: {  	_ =	shalt  }
0x7e: {  	_ =	shalt  }
0x7f: {  	_ =	shalt  }
0x80: {  	_ =	shalt  }
0x81: {  	_ =	shalt  }
0x82: {  	_ =	shalt  }
0x83: {  	_ =	shalt  }
0x84: {  	_ =	shalt  }
0x85: {  	_ =	shalt  }
0x86: {  	_ =	shalt  }
0x87: {  	_ =	shalt  }
.Lfunc_end0:
.L_simem_size_0:
called_computation.3_lowered:
.L_overlay_start_0:
0x88: {  	s2 =	sld [smem:$0x3FD9]  }
0x89: {  	s3 =	sld [smem:$0x3FFE];
	_ =	sdelay $0x1  }
0x8a: {  	s1 =	srdreg.scid  }
0x8b: {  	s0 =	sand.u32 $0x1, s1  }
0x8c: {  	s17 =	sshll.u32 s0, $0xA;
	s2 =	sadd.s32 s3, s2  }
0x8d: {  	s2 =	sadd.s32 s2, s17  }
0x8e: {  	[smem:$0x3FC2] =	sst s2  }
0x8f: {  	_ = 	snop  }
0x90: {  	(tm) =	ssettm $0x1  }
0x91: {  	s18 =	sld [smem:$0x3FFB];
	_ =	sdelay $0x3  }
0x92: {  	_ =	strace s18  }
0x93: {  	s2 =	sld [smem:$0x3FFC];
	_ =	sdelay $0x3  }
0x94: {  	_ =	strace s2  }
0x95: {  	s2 =	sld [smem:$0x3FFD];
	_ =	sdelay $0x3  }
0x96: {  	_ =	strace s2  }
0x97: {  	_ =	strace $0x8FFFFFFF  }
0x98: {  	s19 =	sld [smem:$0x3FDB];
	_ =	sdelay $0x1  }
0x99: {  	s20 =	simm.s32 $_scs_section_size  }
0x9a: {  	s4 =	simm.s32 $_size__tile_overlayer_lowered;
	s5 =	simm.s32 $_tile_overlayer_lowered  }
0x9b: {  	s6 =	simm.s32 $0x1BFF;
	s21 =	sshll.u32 s5, $0x1;
	s3 =	sadd.s32 s20, s19  }
0x9c: {  	s22 =	simm.s32 $0x0;
	s4 =	sshll.u32 s4, $0x1;
	s5 =	sadd.s32 s21, s3  }
0x9d: {  	[timem:s22], [sflag:s6] =	dma.local [hbm:s5], s4  }
0x9e: {  	_ =	swait.ge [sflag:s6], s4  }
0x9f: {  	s4 =	ssub.s32 $0x0, s4;
	[sflag:s6] =	ssyncset.done $0x0  }
0xa0: {  	[sflag:s6] =	ssyncadd.s32 s4;
	_ =	sdelay $0x1  }
0xa1: {  	s23 =	simm.s32 $0x1B8B  }
0xa2: {  	_ =	swait.ge [sflag:s23], $0x1  }
0xa3: {  	[sflag:s23] =	ssyncset.done $0x0  }
0xa4: {  	[sflag:s23] =	ssyncadd.s32 $0xFFFFFFFF  }
0xa5: {  	s4 =	sld [smem:$0x0]  }
0xa6: {  	s5 =	sand.u32 $0xFFFFFFFE, s1  }
0xa7: {  	p0 =	sne.s32 s1, s5  }
0xa8: {  	s5 =	sshll.u32 @p0 s5, $0xE  }
0xa9: {  	s5 =	sadd.s32 @p0 $0x11B8D, s5;
	s6 =	sshll.u32 @p0 s4, $0x11  }
0xaa: {  	s5 =	sor.u32 @p0 s6, s5  }
0xab: {  	[sflag:s5] =	ssyncadd.remote.s32 @p0 $0x1;
	_ =	sdelay $0x1  }
0xac: {  	s5 =	simm.s32 @p0 $0x1B8D  }
0xad: {  	_ =	swait.eq @p0 [sflag:s5], $0x1  }
0xae: {  	[sflag:s5] =	ssyncadd.s32 @p0 $0xFFFFFFFF  }
0xaf: {  	s6 =	sshll.u32 @!p0 s1, $0xE  }
0xb0: {  	s6 =	sor.u32 @!p0 $0x4000, s6;
	s5 =	simm.s32 @!p0 $0x1B8D  }
0xb1: {  	s4 =	sshll.u32 @!p0 s4, $0x11;
	s6 =	sadd.s32 @!p0 $0x11B8D, s6;
	_ =	swait.eq @!p0 [sflag:s5], $0x1  }
0xb2: {  	s4 =	sor.u32 @!p0 s4, s6;
	[sflag:s5] =	ssyncadd.s32 @!p0 $0xFFFFFFFF  }
0xb3: {  	s25 =	simm.s32 $0x1B8E;
	s24 =	sld [smem:$0x3FFE];
	[sflag:s4] =	ssyncadd.remote.s32 @!p0 $0x1  }
0xb4: {  	s26 =	simm.s32 $execute0_lowered;
	[smem:$0x3FD2] =	sst s25  }
0xb5: {  	s5 =	sshll.u32 s26, $0x1;
	_ =	strace $0x8000004C;
	[dreg:$0x1] =	wrdreg $0xFFFFFFFF  }
0xb6: {  	s28 =	simm.s32 $_size_execute0_lowered;
	s3 =	sadd.s32 s3, s5;
	[dreg:$0x0] =	wrdreg $0x0  }
0xb7: {  	s5 =	sshll.u32 s28, $0x1;
	[dreg:$0x2] =	wrdreg s3  }
0xb8: {  	[dreg:$0x3] =	wrdreg s5  }
0xb9: {  	[dreg:$0x4] =	wrdreg $0xC0  }
0xba: {  	_ =	task [dreg:s22], $0x5FFFF  }
0xbb: {  	[dreg:$0x1] =	wrdreg $0xFFFFFFFF  }
0xbc: {  	[dreg:$0x0] =	wrdreg $0x60  }
0xbd: {  	[dreg:$0x2] =	wrdreg s24  }
0xbe: {  	[dreg:$0x3] =	wrdreg $0xB  }
0xbf: {  	_ =	task.clear_ibuf [dreg:s22], $0x4FFFF;
	_ =	strace $0x9000004C  }
0xc0: {  	s29 =	simm.s32 $0xB;
	_ =	strace $0x8000004E  }
0xc1: {  	_ =	swait.ge [sflag:s29], $0x1  }
0xc2: {  	[sflag:s29] =	ssyncadd.s32 $0xFFFFFFFF  }
0xc3: {  	_ =	strace $0x9000004E  }
0xc4: {  	_ =	sfence  }
0xc5: {  	s30 =	sld [smem:$0x0];
	_ =	sdelay $0x2  }
0xc6: {  	s31 =	sshll.u32 s1, $0xD;
	s1 =	sshrl.u32 s1, $0x2  }
0xc7: {  	s4 =	sand.u32 $0x4000, s31;
	s1 =	sadd.s32 s1, s30  }
0xc8: {  	s0 =	sor.u32 s4, s0;
	s1 =	sshll.u32 s1, $0x11  }
0xc9: {  	s0 =	sor.u32 s1, s0  }
0xca: {  	s0 =	sadd.s32 $0x8F2B, s0  }
0xcb: {  	[sflag:s0] =	ssyncadd.remote.s32 $0x1  }
0xcc: {  	_ =	sfence.sel $0xFFFF  }
0xcd: {  	[dreg:$0x0] =	wrdreg $0xFFFFFFFF;
	(pc) =	sbr.abs _section_cstart, $3  }
0xce: {  	[dreg:$0x1] =	wrdreg $0xFFFFFFFF  }
0xcf: {  	_ =	task.clear_ibuf [dreg:s22], $0x2FFFF;
	_ =	strace $0x9FFFFFFF  }
0xd0: {  	(tm) =	ssettm $0x7FFFFFFF  }
0xd1: {  	_ =	shalt  }
tec
execute0_lowered:
.L_overlay_start_1:
0x0: {  	(tag) =	ssettag $0x1  }
0x1: {  	s8 =	rddreg [dreg:$0x0];
	s1 =	stileid.u32  }
0x2: {  	s2 =	srdreg.scid;
	s0 =	rddreg [dreg:$0x1]  }
0x3: {  	_ =	strace $0x8000004D;
	s5 =	simm.s32 $0x1;
	s9 =	simm.s32 $0x1  }
0x4: {  	s10 =	simm.s32 $0x3;
	s2 =	sand.u32 $0x1, s2;
	s3 =	sshll.u32 s1, $0x1  }
0x5: {  	s13 =	simm.s32 $0x0;
	s12 =	simm.s32 $0x0;
	s6 =	sor.u32 s3, s2  }
0x6: {  	[sflag:s5] =	ssyncpa.u1 $0x0;
	s2 =	sadd.s32 $0x11400, s8;
	s4 =	smul.u32 $0x960, s6  }
0x7: {  	s3 =	sadd.s32 $0x1C800, s8;
	p0 =	slt.u32 s6, $0x13;
	s6 =	simm.s32 $0x12C00  }
.Ltmp0:
0x8: {  	s6 =	simm.s32 @!p0 $0x0;
	s7 =	ssub.s32 $0x1D4C0, s4;
	(pc) =	sbr.rel .LBB2_1-.Ltmp0, $4  }
0x9: {  	s9 =	simm.s32 @!p0 $0x0;
	p0 =	sne.s32 s7, s6;
	s7 =	simm.s32 $0x1  }
0xa: {  	s8 =	sadd.s32 $0x2B800, s8;
	s6 =	simm.s32 $0x2;
	s7 =	simm.s32 @!p0 $0x0  }
0xb: {  	s11 =	smov.u32 s4;
	[sflag:s6] =	ssyncpa.u1 $0x0;
	s7 =	sadd.s32 s9, s7  }
0xc: {  	vm0 =	vmmov $0xffff;
	[sflag:s10] =	ssyncpa.u1 $0x0;
	s10 =	simm.s32 $0x0;
	s9 =	sadd.s32 $0x1, s7  }
.LBB2_4:
0xd: {  	vm1 =	veq.s32 v4, $0x80000000;
	v56 =	vand.u32 $0x1, v4;
	v6 =	vand.u32 $0xFFFF, v6  }
0xe: {  	v2 =	vor.u32 v2, v5;
	v59 =	vshrl.u32 v1, $0x1;
	v60 =	vand.u32 $0x1, v1  }
0xf: {  	v4 =	vsel vm1, $0xFFFFFFFF, v56;
	v6 =	vsel vm1, $0xFFFFFFFF, v6;
	v2 =	vor.u32 v3, v2  }
0x10: {  	vm1 =	veq.s32 v1, $0x80000000;
	v5 =	vand.u32 $0xFFFF, v59;
	v7 =	vshrl.u32 v4, $0x1  }
0x11: {  	v57 =	vshll.u32 v6, $0x1;
	v4 =	vshll.u32 v4, $0x7;
	v1 =	vsel vm1, $0xFFFFFFFF, v60  }
0x12: {  	v5 =	vsel vm1, $0xFFFFFFFF, v5;
	v6 =	vand.u32 $0x7F, v6;
	v7 =	vmul.u32 $0x1D500, v7  }
0x13: {  	v58 =	vand.u32 $0xFFFFFF00, v57;
	v4 =	vand.u32 $0x80, v4;
	v61 =	vshrl.u32 v1, $0x1  }
0x14: {  	v62 =	vshll.u32 v5, $0x1;
	v3 =	vadd.s32 v7, v58;
	v7 =	vmul.u32 $0x1D500, v61  }
0x15: {  	v1 =	vshll.u32 v1, $0x7;
	v3 =	vor.u32 v4, v3;
	v4 =	vand.u32 $0xFFFFFF00, v62  }
0x16: {  	v1 =	vand.u32 $0x80, v1;
	v3 =	vor.u32 v6, v3;
	v4 =	vadd.s32 v7, v4  }
0x17: {  	[tilespmem:s16], [sflag:$0x1] =	stream.indirect_vreg.gather [hbm4b:s2+s10], $0x1, v0, vm0, $0x4038;
	v63 =	vand.u32 $0x7F, v5;
	v1 =	vor.u32 v1, v4;
	[tilespmem:$0x2580] =	vst v63  }
0x18: {  	s15 =	sadd.s32 $0x10, s15;
	(ifvalue) =	ssetifvalue $0x7FFFFFFF;
	v0 =	vor.u32 v63, v1  }
0x19: {  	[tilespmem:s15], [sflag:$0x1] =	stream.indirect_vreg.gather [hbm4b:s2+s10], $0x1, v2, vm0, $0x4038;
	[tilespmem:$0x2580] =	vst v63  }
0x1a: {  	s15 =	sadd.s32 $0x10, s15;
	(ifvalue) =	ssetifvalue $0x7FFFFFFF  }
0x1b: {  	[tilespmem:s15], [sflag:$0x1] =	stream.indirect_vreg.gather [hbm4b:s2+s10], $0x1, v3, vm0, $0x4038;
	[tilespmem:$0x2580] =	vst v63  }
0x1c: {  	s15 =	sadd.s32 $0x10, s15;
	(ifvalue) =	ssetifvalue $0x7FFFFFFF  }
0x1d: {  	[tilespmem:s15], [sflag:$0x1] =	stream.indirect_vreg.gather [hbm4b:s2+s10], $0x1, v0, vm0, $0x4038;
	[tilespmem:$0x2580] =	vst v63  }
0x1e: {  	_ =	swait.ge [sflag:s5], $0x960  }
0x1f: {  	s30 =	sshrl.u32 s13, $0x3;
	[sflag:s5] =	ssyncset.done $0x0  }
0x20: {  	s31 =	sand.u32 $0x7, s13;
	s15 =	sadd.s32 s8, s30;
	[sflag:s5] =	ssyncadd.s32 $0xFFFFF6A0  }
0x21: {  	[hbm4b:s15+s31] =	stream.linear.scatter [tilespmem:s14], [sflag:$0x3], $0x960, $0x38;
	[tilespmem:$0x2580] =	vst v63  }
.LBB2_5:
0x22: {  	s15 =	sadd.s32 $0x12C00, s11  }
0x23: {  	p1 =	sgt.s32 s15, $0x1D4BF  }
0x24: {  	s15 =	smov.u32 @p1 s4;
	p1 =	sne.s32 s12, s9  }
.Ltmp1:
0x25: {  	p0 =	slt.u32 s12, $0x2;
	(pc) =	sbr.rel @!p1 .LBB2_6-.Ltmp1, $4  }
0x26: {  	s14 =	simm.s32 @!p0 $0x3  }
0x27: {  	_ =	swait.ge @!p0 [sflag:s14], $0x960  }
0x28: {  	s16 =	sadd.s32 $0x1, s12;
	s13 =	smov.u32 s11;
	[sflag:s14] =	ssyncset.done @!p0 $0x0  }
0x29: {  	s12 =	smov.u32 s16;
	s11 =	smov.u32 s15;
	[sflag:s14] =	ssyncadd.s32 @!p0 $0xFFFFF6A0  }
.LBB2_1:
0x2a: {  	p0 =	sge.u32 s12, s7  }
0x2b: {  	s14 =	sxor.u32 @!p0 $0x1, s12  }
0x2c: {  	s14 =	smul.u32 @!p0 $0x2580, s14  }
0x2d: {  	s31 =	sadd.s32 $0xFFFFFFFF, s12;
	s15 =	sshrl.u32 @!p0 s11, $0x3  }
0x2e: {  	s16 =	sand.u32 @!p0 $0x7, s11;
	s15 =	sadd.s32 @!p0 s3, s15;
	s14 =	sshra.s32 @!p0 s14, $0x2  }
0x2f: {  	[tilespmem:s14], [sflag:$0x2] =	stream.linear.gather @!p0 [hbm4b:s15+s16], $0x960, $0x38;
	[tilespmem:$0x2580] =	vst v63  }
0x30: {  	p0 =	sge.u32 s31, s7  }
.Ltmp2:
0x31: {  	_ = 	snop;
	(pc) =	sbr.rel @p0 .LBB2_5-.Ltmp2, $1  }
0x32: {  	_ =	sdelay $0x3  }
0x33: {  	s14 =	sand.u32 $0x1, s12  }
0x34: {  	_ =	swait.ge [sflag:s6], $0x960;
	p0 =	seq.s32 s14, $0x1;
	s14 =	simm.s32 $0x960  }
0x35: {  	[sflag:s6] =	ssyncset.done $0x0;
	s14 =	simm.s32 @!p0 $0x0  }
0x36: {  	[sflag:s6] =	ssyncadd.s32 $0xFFFFF6A0;
	(ifvalue) =	ssetifvalue $0x7FFFFFFF;
	v0 =	vld.msk [tilespmem:s14+$0x0 ss:$0x1], $0xffff  }
0x37: {  	s15 =	sadd.s32 $0x10, s14  }
0x38: {  	v1 =	vld.msk [tilespmem:s15+$0x0 ss:$0x1], $0xffff;
	_ =	sdelay $0x2  }
0x39: {  	v2 =	vshrl.u32 v0, $0x1  }
0x3a: {  	vm1 =	veq.s32 v0, $0x80000000;
	v0 =	vand.u32 $0x1, v0;
	v2 =	vand.u32 $0xFFFF, v2  }
0x3b: {  	v0 =	vsel vm1, $0xFFFFFFFF, v0;
	v6 =	vshrl.u32 v1, $0x1;
	v2 =	vsel vm1, $0xFFFFFFFF, v2  }
0x3c: {  	v3 =	vshrl.u32 v0, $0x1;
	v0 =	vshll.u32 v0, $0x7;
	vm1 =	veq.s32 v1, $0x80000000  }
0x3d: {  	s15 =	sadd.s32 $0x10, s15;
	v1 =	vand.u32 $0x1, v1;
	v4 =	vshll.u32 v2, $0x1;
	v3 =	vmul.u32 $0x1D500, v3  }
0x3e: {  	v0 =	vand.u32 $0x80, v0;
	v7 =	vand.u32 $0x7F, v2;
	v5 =	vand.u32 $0xFFFFFF00, v4;
	v4 =	vld.msk [tilespmem:s15+$0x0 ss:$0x1], $0xffff  }
0x3f: {  	v1 =	vsel vm1, $0xFFFFFFFF, v1;
	v2 =	vadd.s32 v3, v5;
	v3 =	vand.u32 $0xFFFF, v6  }
0x40: {  	v3 =	vsel vm1, $0xFFFFFFFF, v3;
	v0 =	vor.u32 v0, v2;
	v2 =	vshrl.u32 v1, $0x1  }
0x41: {  	v1 =	vshll.u32 v1, $0x7;
	v5 =	vshll.u32 v3, $0x1;
	v8 =	vmul.u32 $0x1D500, v2  }
0x42: {  	s18 =	simm.s32 $0x30;
	s14 =	sadd.s32 $0x12C0, s14;
	s17 =	sadd.s32 $0x10, s15;
	v2 =	vand.u32 $0x80, v1;
	v0 =	vor.u32 v7, v0;
	v5 =	vand.u32 $0xFFFFFF00, v5  }
0x43: {  	s16 =	smov.u32 s14;
	s15 =	smov.u32 s14;
	v1 =	vld.msk [tilespmem:s17+$0x0 ss:$0x1], $0xffff;
	v3 =	vand.u32 $0x7F, v3;
	(ifvalue) =	ssetifvalue $0x7FFFFFFF;
	v6 =	vshrl.u32 v4, $0x1;
	v5 =	vadd.s32 v8, v5  }
.LBB2_3:
0x44: {  	s18 =	sadd.s32 $0x10, s18  }
0x45: {  	vm1 =	veq.s32 v4, $0x80000000;
	v4 =	vand.u32 $0x1, v4;
	v6 =	vand.u32 $0xFFFF, v6;
	s15 =	sadd.s32 $0x10, s15;
	p0 =	slt.u32 s18, $0x950  }
.Ltmp3:
0x46: {  	v5 =	vor.u32 v2, v5;
	v4 =	vsel vm1, $0xFFFFFFFF, v4;
	v7 =	vsel vm1, $0xFFFFFFFF, v6;
	(pc) =	sbr.rel @p0 .LBB2_3-.Ltmp3, $4  }
0x47: {  	v2 =	vshrl.u32 v4, $0x1;
	v6 =	vshll.u32 v7, $0x1;
	v4 =	vshll.u32 v4, $0x7;
	[tilespmem:s16], [sflag:$0x1] =	stream.indirect_vreg.gather [hbm4b:s2+s10], $0x1, v0, vm0, $0x4038;
	[tilespmem:$0x2580] =	vst v63  }
0x48: {  	v0 =	vor.u32 v3, v5;
	s16 =	smov.u32 s15;
	v8 =	vmul.u32 $0x1D500, v2;
	v2 =	vand.u32 $0x80, v4  }
0x49: {  	s17 =	sadd.s32 $0x10, s17;
	v9 =	vand.u32 $0xFFFFFF00, v6  }
0x4a: {  	v3 =	vand.u32 $0x7F, v7;
	v6 =	vshrl.u32 v1, $0x1;
	v5 =	vadd.s32 v8, v9;
	(ifvalue) =	ssetifvalue $0x7FFFFFFF;
	v4 =	vmovc v1;
	v1 =	vld.msk [tilespmem:s17+$0x0 ss:$0x1], $0xffff  }
.Ltmp4:
0x4b: {  	_ = 	snop;
	(pc) =	sbr.rel .LBB2_4-.Ltmp4, $1  }
0x4c: {  	_ =	sdelay $0x3  }
.LBB2_6:
0x4d: {  	_ =	sfence.sel $0x180000  }
0x4e: {  	s2 =	simm.s32 $0x2;
	[bflag:$0x0] =	sbarrier.arrive $0xFFFF  }
0x4f: {  	s30 =	simm.s32 $0x3;
	[sflag:s2] =	ssyncpa.u1 $0x1  }
0x50: {  	s31 =	simm.s32 $0x1;
	[sflag:s30] =	ssyncpa.u1 $0x1  }
0x51: {  	[sflag:s31] =	ssyncpa.u1 $0x1  }
0x52: {  	p0 =	sne.s32 s1, $0x0;
	_ =	strace $0x9000004D  }
0x53: {  	s0 =	sadd.s32 @!p0 $0x100000, s0;
	[bflag:$0x2] =	sbarrier.arrive $0xFFFF  }
0x54: {  	[sflag:s0] =	ssyncadd.tile.s32 @!p0 $0x1;
	_ =	shalt  }
.Lfunc_end2:
_tile_overlayer_lowered:
.L_overlay_start_2:
0x55: {  	(tag) =	ssettag $0x2  }
0x56: {  	s0 =	rddreg [dreg:$0x0];
	s2 =	stileid.u32  }
0x57: {  	s1 =	rddreg [dreg:$0x1];
	p0 =	sne.s32 s2, $0x0  }
0x58: {  	s3 =	rddreg [dreg:$0x2];
	[bflag:$0x3] =	sbarrier.arrive $0xFFFF;
	s2 =	simm.s32 @!p0 $0x1C01  }
0x59: {  	[timem:s3], [sflag:s2] =	dma.local @!p0 [hbm:s0], s1  }
0x5a: {  	s0 =	simm.s32 @!p0 $0x1  }
0x5b: {  	_ =	swait.ge @!p0 [sflag:s0], s1  }
0x5c: {  	s1 =	ssub.s32 @!p0 $0x0, s1;
	[sflag:s0] =	ssyncset.done @!p0 $0x0  }
0x5d: {  	[sflag:s0] =	ssyncadd.s32 @!p0 s1  }
0x5e: {  	[bflag:$0x3] =	sbarrier.arrive $0xFFFF  }
0x5f: {  	_ =	shalt  }

// kernel: gather_offload_async_start.4
scs
__scs_entry_jumppad:
0x0: {  	(pc) =	sbr.rel $0x88, $3  }
0x1: {  	(tag) =	ssettag $0x0;
	lr =	simm.s32 $0x1  }
0x2: {  	[smem:$0x3F9B] =	sst lr;
	_ =	strace $0xD0000000  }
0x3: {  	_ = 	snop  }
0x4: {  	_ = 	snop  }
0x5: {  	_ = 	snop  }
0x6: {  	_ = 	snop  }
0x7: {  	_ = 	snop  }
__scs_overlays_trampoline_lowered:
0x8: {  	[smem:$0x3FAA] =	sst s0  }
0x9: {  	[smem:$0x3FAB] =	sst s1  }
0xa: {  	[smem:$0x3FAC] =	sst s2  }
0xb: {  	[smem:$0x3FAD] =	sst s3  }
0xc: {  	[smem:$0x3FAE] =	sst s4  }
0xd: {  	[smem:$0x3FAF] =	sst s5  }
0xe: {  	[smem:$0x3FB0] =	sst s6  }
0xf: {  	[smem:$0x3FB1] =	sst s7  }
0x10: {  	[smem:$0x3FB2] =	sst s8  }
0x11: {  	[smem:$0x3FB3] =	sst s9;
	s0 =	simm.s32 @!p0 $0x0  }
0x12: {  	s1 =	sld [smem:$0x3F99];
	s0 =	simm.s32 @p0 $0x1  }
0x13: {  	[smem:$0x3FB4] =	sst s0;
	s0 =	simm.s32 @!p1 $0x0  }
0x14: {  	s2 =	sld [smem:$0x3F98];
	s0 =	simm.s32 @p1 $0x1  }
0x15: {  	[smem:$0x3FB5] =	sst s0;
	s0 =	simm.s32 @!p2 $0x0  }
0x16: {  	s3 =	sld [smem:$0x3FDB];
	s0 =	simm.s32 @p2 $0x1  }
0x17: {  	s4 =	simm.s32 $0x1BF5;
	[smem:$0x3FB7] =	sst s0  }
0x18: {  	s0 =	sld [smem:$0x3F9A];
	_ =	swait.ge [sflag:s4], $0x0  }
0x19: {  	s7 =	sld [smem:$0x3F9B]  }
0x1a: {  	s8 =	sadd.s32 $0xFFFFE003, lr  }
0x1b: {  	s9 =	sadd.s32 $0xFFFFFEF7, lr;
	s5 =	simm.s32 $0xFFFFFFFF;
	p2 =	slt.u32 s8, $0xFFFFF086  }
0x1c: {  	p1 =	slt.u32 s9, $0xF7A;
	s5 =	simm.s32 @!p2 $0x0  }
0x1d: {  	s5 =	simm.s32 @p1 $0x1;
	p0 =	seq.s32 s7, s2  }
0x1e: {  	s7 =	smul.u32 @!p0 $0xF7A, s2;
	p2 =	seq.s32 @!p0 s5, $0x0  }
0x1f: {  	s9 =	smul.u32 $0xF7A, s1;
	s8 =	simm.s32 @!p0 $0x1BF5;
	p2 =	por !p2, p0  }
0x20: {  	[sflag:s8] =	ssyncset.s32 @!p0 $0xFFFFF086;
	s6 =	sadd.s32 @!p0 s3, s7;
	s7 =	simm.s32 @!p0 $0x108  }
0x21: {  	s3 =	sadd.s32 s3, s9;
	s6 =	sadd.s32 @!p0 $0x88, s6;
	s7 =	simm.s32 @p2 $0x1082  }
0x22: {  	[simem:s7], [sflag:s8] =	dma.local @!p0 [hbm:s6], $0xF7A  }
0x23: {  	s9 =	sor.u32 $0xD0000000, s2;
	s6 =	simm.s32 $0x108;
	_ =	swait.ge @!p0 [sflag:s8], $0x0  }
0x24: {  	s3 =	sadd.s32 $0x88, s3;
	s6 =	simm.s32 @!p1 $0x1082;
	[sflag:s4] =	ssyncset.s32 $0xFFFFF086  }
0x25: {  	[simem:s6], [sflag:s4] =	dma.local [hbm:s3], $0xF7A  }
0x26: {  	[smem:$0x3F9B] =	sst s1;
	(tag) =	ssettag s2;
	_ =	strace s9  }
0x27: {  	s1 =	sld [smem:$0x3FAB]  }
0x28: {  	s2 =	sld [smem:$0x3FAC]  }
0x29: {  	s4 =	sld [smem:$0x3FAE]  }
0x2a: {  	p0 =	seq.s32 s5, $0x0;
	s5 =	sld [smem:$0x3FAF]  }
0x2b: {  	s6 =	sld [smem:$0x3FB0]  }
0x2c: {  	s7 =	sld [smem:$0x3FB1]  }
0x2d: {  	s3 =	simm.s32 $0x108;
	s8 =	sld [smem:$0x3FB2]  }
0x2e: {  	s3 =	simm.s32 @!p0 $0x1082;
	s9 =	sld [smem:$0x3FB3]  }
0x2f: {  	lr =	sadd.s32 s0, s3;
	s0 =	sld [smem:$0x3FAA]  }
0x30: {  	s3 =	sld [smem:$0x3FAD]  }
0x31: {  	[smem:$0x3FB6] =	sst s10  }
0x32: {  	s10 =	sld [smem:$0x3FB4];
	_ =	sdelay $0x3  }
0x33: {  	p0 =	seq.s32 s10, $0x1;
	s10 =	sld [smem:$0x3FB6];
	_ =	sdelay $0x3  }
0x34: {  	[smem:$0x3FB6] =	sst s10  }
0x35: {  	s10 =	sld [smem:$0x3FB5];
	_ =	sdelay $0x3  }
0x36: {  	p1 =	seq.s32 s10, $0x1;
	s10 =	sld [smem:$0x3FB6];
	_ =	sdelay $0x3  }
0x37: {  	[smem:$0x3FB6] =	sst s10  }
0x38: {  	s10 =	sld [smem:$0x3FB7]  }
0x39: {  	_ = 	snop;
	(pc) =	sbr.ind lr, $3  }
0x3a: {  	_ = 	snop  }
0x3b: {  	_ = 	snop  }
0x3c: {  	p2 =	seq.s32 s10, $0x1;
	s10 =	sld [smem:$0x3FB6]  }
0x3d: {  	_ =	shalt  }
0x3e: {  	_ =	shalt  }
0x3f: {  	_ =	shalt  }
0x40: {  	_ =	shalt  }
0x41: {  	_ =	shalt  }
0x42: {  	_ =	shalt  }
0x43: {  	_ =	shalt  }
0x44: {  	_ =	shalt  }
0x45: {  	_ =	shalt  }
0x46: {  	_ =	shalt  }
0x47: {  	_ =	shalt  }
0x48: {  	_ =	shalt  }
0x49: {  	_ =	shalt  }
0x4a: {  	_ =	shalt  }
0x4b: {  	_ =	shalt  }
0x4c: {  	_ =	shalt  }
0x4d: {  	_ =	shalt  }
0x4e: {  	_ =	shalt  }
0x4f: {  	_ =	shalt  }
0x50: {  	_ =	shalt  }
0x51: {  	_ =	shalt  }
0x52: {  	_ =	shalt  }
0x53: {  	_ =	shalt  }
0x54: {  	_ =	shalt  }
0x55: {  	_ =	shalt  }
0x56: {  	_ =	shalt  }
0x57: {  	_ =	shalt  }
0x58: {  	_ =	shalt  }
0x59: {  	_ =	shalt  }
0x5a: {  	_ =	shalt  }
0x5b: {  	_ =	shalt  }
0x5c: {  	_ =	shalt  }
0x5d: {  	_ =	shalt  }
0x5e: {  	_ =	shalt  }
0x5f: {  	_ =	shalt  }
0x60: {  	_ =	shalt  }
0x61: {  	_ =	shalt  }
0x62: {  	_ =	shalt  }
0x63: {  	_ =	shalt  }
0x64: {  	_ =	shalt  }
0x65: {  	_ =	shalt  }
0x66: {  	_ =	shalt  }
0x67: {  	_ =	shalt  }
0x68: {  	_ =	shalt  }
0x69: {  	_ =	shalt  }
0x6a: {  	_ =	shalt  }
0x6b: {  	_ =	shalt  }
0x6c: {  	_ =	shalt  }
0x6d: {  	_ =	shalt  }
0x6e: {  	_ =	shalt  }
0x6f: {  	_ =	shalt  }
0x70: {  	_ =	shalt  }
0x71: {  	_ =	shalt  }
0x72: {  	_ =	shalt  }
0x73: {  	_ =	shalt  }
0x74: {  	_ =	shalt  }
0x75: {  	_ =	shalt  }
0x76: {  	_ =	shalt  }
0x77: {  	_ =	shalt  }
0x78: {  	_ =	shalt  }
0x79: {  	_ =	shalt  }
0x7a: {  	_ =	shalt  }
0x7b: {  	_ =	shalt  }
0x7c: {  	_ =	shalt  }
0x7d: {  	_ =	shalt  }
0x7e: {  	_ =	shalt  }
0x7f: {  	_ =	shalt  }
0x80: {  	_ =	shalt  }
0x81: {  	_ =	shalt  }
0x82: {  	_ =	shalt  }
0x83: {  	_ =	shalt  }
0x84: {  	_ =	shalt  }
0x85: {  	_ =	shalt  }
0x86: {  	_ =	shalt  }
0x87: {  	_ =	shalt  }
.Lfunc_end0:
.L_simem_size_0:
called_computation.4_lowered:
.L_overlay_start_0:
0x88: {  	s2 =	sld [smem:$0x3FD9]  }
0x89: {  	s3 =	sld [smem:$0x3FFE];
	_ =	sdelay $0x1  }
0x8a: {  	s1 =	srdreg.scid  }
0x8b: {  	s0 =	sand.u32 $0x1, s1  }
0x8c: {  	s17 =	sshll.u32 s0, $0xA;
	s2 =	sadd.s32 s3, s2  }
0x8d: {  	s2 =	sadd.s32 s2, s17  }
0x8e: {  	[smem:$0x3FC2] =	sst s2  }
0x8f: {  	_ = 	snop  }
0x90: {  	(tm) =	ssettm $0x1  }
0x91: {  	s18 =	sld [smem:$0x3FFB];
	_ =	sdelay $0x3  }
0x92: {  	_ =	strace s18  }
0x93: {  	s2 =	sld [smem:$0x3FFC];
	_ =	sdelay $0x3  }
0x94: {  	_ =	strace s2  }
0x95: {  	s2 =	sld [smem:$0x3FFD];
	_ =	sdelay $0x3  }
0x96: {  	_ =	strace s2  }
0x97: {  	_ =	strace $0x8FFFFFFF  }
0x98: {  	s19 =	sld [smem:$0x3FDB];
	_ =	sdelay $0x1  }
0x99: {  	s20 =	simm.s32 $_scs_section_size  }
0x9a: {  	s4 =	simm.s32 $_size__tile_overlayer_lowered;
	s5 =	simm.s32 $_tile_overlayer_lowered  }
0x9b: {  	s6 =	simm.s32 $0x1BFF;
	s21 =	sshll.u32 s5, $0x1;
	s3 =	sadd.s32 s20, s19  }
0x9c: {  	s22 =	simm.s32 $0x0;
	s4 =	sshll.u32 s4, $0x1;
	s5 =	sadd.s32 s21, s3  }
0x9d: {  	[timem:s22], [sflag:s6] =	dma.local [hbm:s5], s4  }
0x9e: {  	_ =	swait.ge [sflag:s6], s4  }
0x9f: {  	s4 =	ssub.s32 $0x0, s4;
	[sflag:s6] =	ssyncset.done $0x0  }
0xa0: {  	[sflag:s6] =	ssyncadd.s32 s4;
	_ =	sdelay $0x1  }
0xa1: {  	s23 =	simm.s32 $0x1B8B  }
0xa2: {  	_ =	swait.ge [sflag:s23], $0x1  }
0xa3: {  	[sflag:s23] =	ssyncset.done $0x0  }
0xa4: {  	[sflag:s23] =	ssyncadd.s32 $0xFFFFFFFF  }
0xa5: {  	s4 =	sld [smem:$0x0]  }
0xa6: {  	s5 =	sand.u32 $0xFFFFFFFE, s1  }
0xa7: {  	p0 =	sne.s32 s1, s5  }
0xa8: {  	s5 =	sshll.u32 @p0 s5, $0xE  }
0xa9: {  	s5 =	sadd.s32 @p0 $0x11B8D, s5;
	s6 =	sshll.u32 @p0 s4, $0x11  }
0xaa: {  	s5 =	sor.u32 @p0 s6, s5  }
0xab: {  	[sflag:s5] =	ssyncadd.remote.s32 @p0 $0x1;
	_ =	sdelay $0x1  }
0xac: {  	s5 =	simm.s32 @p0 $0x1B8D  }
0xad: {  	_ =	swait.eq @p0 [sflag:s5], $0x1  }
0xae: {  	[sflag:s5] =	ssyncadd.s32 @p0 $0xFFFFFFFF  }
0xaf: {  	s6 =	sshll.u32 @!p0 s1, $0xE  }
0xb0: {  	s6 =	sor.u32 @!p0 $0x4000, s6;
	s5 =	simm.s32 @!p0 $0x1B8D  }
0xb1: {  	s4 =	sshll.u32 @!p0 s4, $0x11;
	s6 =	sadd.s32 @!p0 $0x11B8D, s6;
	_ =	swait.eq @!p0 [sflag:s5], $0x1  }
0xb2: {  	s4 =	sor.u32 @!p0 s4, s6;
	[sflag:s5] =	ssyncadd.s32 @!p0 $0xFFFFFFFF  }
0xb3: {  	s25 =	simm.s32 $0x1B8E;
	s24 =	sld [smem:$0x3FFE];
	[sflag:s4] =	ssyncadd.remote.s32 @!p0 $0x1  }
0xb4: {  	s26 =	simm.s32 $execute0_lowered;
	[smem:$0x3FD2] =	sst s25  }
0xb5: {  	s5 =	sshll.u32 s26, $0x1;
	_ =	strace $0x80000052;
	[dreg:$0x1] =	wrdreg $0xFFFFFFFF  }
0xb6: {  	s28 =	simm.s32 $_size_execute0_lowered;
	s3 =	sadd.s32 s3, s5;
	[dreg:$0x0] =	wrdreg $0x0  }
0xb7: {  	s5 =	sshll.u32 s28, $0x1;
	[dreg:$0x2] =	wrdreg s3  }
0xb8: {  	[dreg:$0x3] =	wrdreg s5  }
0xb9: {  	[dreg:$0x4] =	wrdreg $0xC0  }
0xba: {  	_ =	task [dreg:s22], $0x5FFFF  }
0xbb: {  	[dreg:$0x1] =	wrdreg $0xFFFFFFFF  }
0xbc: {  	[dreg:$0x0] =	wrdreg $0x60  }
0xbd: {  	[dreg:$0x2] =	wrdreg s24  }
0xbe: {  	[dreg:$0x3] =	wrdreg $0xC  }
0xbf: {  	_ =	task.clear_ibuf [dreg:s22], $0x4FFFF;
	_ =	strace $0x90000052  }
0xc0: {  	s29 =	simm.s32 $0xC;
	_ =	strace $0x80000054  }
0xc1: {  	_ =	swait.ge [sflag:s29], $0x1  }
0xc2: {  	[sflag:s29] =	ssyncadd.s32 $0xFFFFFFFF  }
0xc3: {  	_ =	strace $0x90000054  }
0xc4: {  	_ =	sfence  }
0xc5: {  	s30 =	sld [smem:$0x0];
	_ =	sdelay $0x2  }
0xc6: {  	s31 =	sshll.u32 s1, $0xD;
	s1 =	sshrl.u32 s1, $0x2  }
0xc7: {  	s4 =	sand.u32 $0x4000, s31;
	s1 =	sadd.s32 s1, s30  }
0xc8: {  	s0 =	sor.u32 s4, s0;
	s1 =	sshll.u32 s1, $0x11  }
0xc9: {  	s0 =	sor.u32 s1, s0  }
0xca: {  	s0 =	sadd.s32 $0x8F2B, s0  }
0xcb: {  	[sflag:s0] =	ssyncadd.remote.s32 $0x1  }
0xcc: {  	_ =	sfence.sel $0xFFFF  }
0xcd: {  	[dreg:$0x0] =	wrdreg $0xFFFFFFFF;
	(pc) =	sbr.abs _section_cstart, $3  }
0xce: {  	[dreg:$0x1] =	wrdreg $0xFFFFFFFF  }
0xcf: {  	_ =	task.clear_ibuf [dreg:s22], $0x2FFFF;
	_ =	strace $0x9FFFFFFF  }
0xd0: {  	(tm) =	ssettm $0x7FFFFFFF  }
0xd1: {  	_ =	shalt  }
tec
execute0_lowered:
.L_overlay_start_1:
0x0: {  	(tag) =	ssettag $0x1  }
0x1: {  	s8 =	rddreg [dreg:$0x0];
	s1 =	stileid.u32  }
0x2: {  	s2 =	srdreg.scid;
	s0 =	rddreg [dreg:$0x1]  }
0x3: {  	_ =	strace $0x80000053;
	s5 =	simm.s32 $0x1;
	s9 =	simm.s32 $0x1  }
0x4: {  	s10 =	simm.s32 $0x3;
	s2 =	sand.u32 $0x1, s2;
	s3 =	sshll.u32 s1, $0x1  }
0x5: {  	s13 =	simm.s32 $0x0;
	s12 =	simm.s32 $0x0;
	s6 =	sor.u32 s3, s2  }
0x6: {  	[sflag:s5] =	ssyncpa.u1 $0x0;
	s2 =	sadd.s32 $0x11400, s8;
	s4 =	smul.u32 $0x960, s6  }
0x7: {  	s3 =	sadd.s32 $0x2F400, s8;
	p0 =	slt.u32 s6, $0x13;
	s6 =	simm.s32 $0x12C00  }
.Ltmp0:
0x8: {  	s6 =	simm.s32 @!p0 $0x0;
	s7 =	ssub.s32 $0x1D4C0, s4;
	(pc) =	sbr.rel .LBB2_1-.Ltmp0, $4  }
0x9: {  	s9 =	simm.s32 @!p0 $0x0;
	p0 =	sne.s32 s7, s6;
	s7 =	simm.s32 $0x1  }
0xa: {  	s8 =	sadd.s32 $0x36C00, s8;
	s6 =	simm.s32 $0x2;
	s7 =	simm.s32 @!p0 $0x0  }
0xb: {  	s11 =	smov.u32 s4;
	[sflag:s6] =	ssyncpa.u1 $0x0;
	s7 =	sadd.s32 s9, s7  }
0xc: {  	vm0 =	vmmov $0xffff;
	[sflag:s10] =	ssyncpa.u1 $0x0;
	s10 =	simm.s32 $0x0;
	s9 =	sadd.s32 $0x1, s7  }
.LBB2_4:
0xd: {  	vm1 =	veq.s32 v4, $0x80000000;
	v56 =	vand.u32 $0x1, v4;
	v6 =	vand.u32 $0xFFFF, v6  }
0xe: {  	v2 =	vor.u32 v2, v5;
	v59 =	vshrl.u32 v1, $0x1;
	v60 =	vand.u32 $0x1, v1  }
0xf: {  	v4 =	vsel vm1, $0xFFFFFFFF, v56;
	v6 =	vsel vm1, $0xFFFFFFFF, v6;
	v2 =	vor.u32 v3, v2  }
0x10: {  	vm1 =	veq.s32 v1, $0x80000000;
	v5 =	vand.u32 $0xFFFF, v59;
	v7 =	vshrl.u32 v4, $0x1  }
0x11: {  	v57 =	vshll.u32 v6, $0x1;
	v4 =	vshll.u32 v4, $0x7;
	v1 =	vsel vm1, $0xFFFFFFFF, v60  }
0x12: {  	v5 =	vsel vm1, $0xFFFFFFFF, v5;
	v6 =	vand.u32 $0x7F, v6;
	v7 =	vmul.u32 $0x1D500, v7  }
0x13: {  	v58 =	vand.u32 $0xFFFFFF00, v57;
	v4 =	vand.u32 $0x80, v4;
	v61 =	vshrl.u32 v1, $0x1  }
0x14: {  	v62 =	vshll.u32 v5, $0x1;
	v3 =	vadd.s32 v7, v58;
	v7 =	vmul.u32 $0x1D500, v61  }
0x15: {  	v1 =	vshll.u32 v1, $0x7;
	v3 =	vor.u32 v4, v3;
	v4 =	vand.u32 $0xFFFFFF00, v62  }
0x16: {  	v1 =	vand.u32 $0x80, v1;
	v3 =	vor.u32 v6, v3;
	v4 =	vadd.s32 v7, v4  }
0x17: {  	[tilespmem:s16], [sflag:$0x1] =	stream.indirect_vreg.gather [hbm4b:s2+s10], $0x1, v0, vm0, $0x4038;
	v63 =	vand.u32 $0x7F, v5;
	v1 =	vor.u32 v1, v4;
	[tilespmem:$0x2580] =	vst v63  }
0x18: {  	s15 =	sadd.s32 $0x10, s15;
	(ifvalue) =	ssetifvalue $0x7FFFFFFF;
	v0 =	vor.u32 v63, v1  }
0x19: {  	[tilespmem:s15], [sflag:$0x1] =	stream.indirect_vreg.gather [hbm4b:s2+s10], $0x1, v2, vm0, $0x4038;
	[tilespmem:$0x2580] =	vst v63  }
0x1a: {  	s15 =	sadd.s32 $0x10, s15;
	(ifvalue) =	ssetifvalue $0x7FFFFFFF  }
0x1b: {  	[tilespmem:s15], [sflag:$0x1] =	stream.indirect_vreg.gather [hbm4b:s2+s10], $0x1, v3, vm0, $0x4038;
	[tilespmem:$0x2580] =	vst v63  }
0x1c: {  	s15 =	sadd.s32 $0x10, s15;
	(ifvalue) =	ssetifvalue $0x7FFFFFFF  }
0x1d: {  	[tilespmem:s15], [sflag:$0x1] =	stream.indirect_vreg.gather [hbm4b:s2+s10], $0x1, v0, vm0, $0x4038;
	[tilespmem:$0x2580] =	vst v63  }
0x1e: {  	_ =	swait.ge [sflag:s5], $0x960  }
0x1f: {  	s30 =	sshrl.u32 s13, $0x3;
	[sflag:s5] =	ssyncset.done $0x0  }
0x20: {  	s31 =	sand.u32 $0x7, s13;
	s15 =	sadd.s32 s8, s30;
	[sflag:s5] =	ssyncadd.s32 $0xFFFFF6A0  }
0x21: {  	[hbm4b:s15+s31] =	stream.linear.scatter [tilespmem:s14], [sflag:$0x3], $0x960, $0x38;
	[tilespmem:$0x2580] =	vst v63  }
.LBB2_5:
0x22: {  	s15 =	sadd.s32 $0x12C00, s11  }
0x23: {  	p1 =	sgt.s32 s15, $0x1D4BF  }
0x24: {  	s15 =	smov.u32 @p1 s4;
	p1 =	sne.s32 s12, s9  }
.Ltmp1:
0x25: {  	p0 =	slt.u32 s12, $0x2;
	(pc) =	sbr.rel @!p1 .LBB2_6-.Ltmp1, $4  }
0x26: {  	s14 =	simm.s32 @!p0 $0x3  }
0x27: {  	_ =	swait.ge @!p0 [sflag:s14], $0x960  }
0x28: {  	s16 =	sadd.s32 $0x1, s12;
	s13 =	smov.u32 s11;
	[sflag:s14] =	ssyncset.done @!p0 $0x0  }
0x29: {  	s12 =	smov.u32 s16;
	s11 =	smov.u32 s15;
	[sflag:s14] =	ssyncadd.s32 @!p0 $0xFFFFF6A0  }
.LBB2_1:
0x2a: {  	p0 =	sge.u32 s12, s7  }
0x2b: {  	s14 =	sxor.u32 @!p0 $0x1, s12  }
0x2c: {  	s14 =	smul.u32 @!p0 $0x2580, s14  }
0x2d: {  	s31 =	sadd.s32 $0xFFFFFFFF, s12;
	s15 =	sshrl.u32 @!p0 s11, $0x3  }
0x2e: {  	s16 =	sand.u32 @!p0 $0x7, s11;
	s15 =	sadd.s32 @!p0 s3, s15;
	s14 =	sshra.s32 @!p0 s14, $0x2  }
0x2f: {  	[tilespmem:s14], [sflag:$0x2] =	stream.linear.gather @!p0 [hbm4b:s15+s16], $0x960, $0x38;
	[tilespmem:$0x2580] =	vst v63  }
0x30: {  	p0 =	sge.u32 s31, s7  }
.Ltmp2:
0x31: {  	_ = 	snop;
	(pc) =	sbr.rel @p0 .LBB2_5-.Ltmp2, $1  }
0x32: {  	_ =	sdelay $0x3  }
0x33: {  	s14 =	sand.u32 $0x1, s12  }
0x34: {  	_ =	swait.ge [sflag:s6], $0x960;
	p0 =	seq.s32 s14, $0x1;
	s14 =	simm.s32 $0x960  }
0x35: {  	[sflag:s6] =	ssyncset.done $0x0;
	s14 =	simm.s32 @!p0 $0x0  }
0x36: {  	[sflag:s6] =	ssyncadd.s32 $0xFFFFF6A0;
	(ifvalue) =	ssetifvalue $0x7FFFFFFF;
	v0 =	vld.msk [tilespmem:s14+$0x0 ss:$0x1], $0xffff  }
0x37: {  	s15 =	sadd.s32 $0x10, s14  }
0x38: {  	v1 =	vld.msk [tilespmem:s15+$0x0 ss:$0x1], $0xffff;
	_ =	sdelay $0x2  }
0x39: {  	v2 =	vshrl.u32 v0, $0x1  }
0x3a: {  	vm1 =	veq.s32 v0, $0x80000000;
	v0 =	vand.u32 $0x1, v0;
	v2 =	vand.u32 $0xFFFF, v2  }
0x3b: {  	v0 =	vsel vm1, $0xFFFFFFFF, v0;
	v6 =	vshrl.u32 v1, $0x1;
	v2 =	vsel vm1, $0xFFFFFFFF, v2  }
0x3c: {  	v3 =	vshrl.u32 v0, $0x1;
	v0 =	vshll.u32 v0, $0x7;
	vm1 =	veq.s32 v1, $0x80000000  }
0x3d: {  	s15 =	sadd.s32 $0x10, s15;
	v1 =	vand.u32 $0x1, v1;
	v4 =	vshll.u32 v2, $0x1;
	v3 =	vmul.u32 $0x1D500, v3  }
0x3e: {  	v0 =	vand.u32 $0x80, v0;
	v7 =	vand.u32 $0x7F, v2;
	v5 =	vand.u32 $0xFFFFFF00, v4;
	v4 =	vld.msk [tilespmem:s15+$0x0 ss:$0x1], $0xffff  }
0x3f: {  	v1 =	vsel vm1, $0xFFFFFFFF, v1;
	v2 =	vadd.s32 v3, v5;
	v3 =	vand.u32 $0xFFFF, v6  }
0x40: {  	v3 =	vsel vm1, $0xFFFFFFFF, v3;
	v0 =	vor.u32 v0, v2;
	v2 =	vshrl.u32 v1, $0x1  }
0x41: {  	v1 =	vshll.u32 v1, $0x7;
	v5 =	vshll.u32 v3, $0x1;
	v8 =	vmul.u32 $0x1D500, v2  }
0x42: {  	s18 =	simm.s32 $0x30;
	s14 =	sadd.s32 $0x12C0, s14;
	s17 =	sadd.s32 $0x10, s15;
	v2 =	vand.u32 $0x80, v1;
	v0 =	vor.u32 v7, v0;
	v5 =	vand.u32 $0xFFFFFF00, v5  }
0x43: {  	s16 =	smov.u32 s14;
	s15 =	smov.u32 s14;
	v1 =	vld.msk [tilespmem:s17+$0x0 ss:$0x1], $0xffff;
	v3 =	vand.u32 $0x7F, v3;
	(ifvalue) =	ssetifvalue $0x7FFFFFFF;
	v6 =	vshrl.u32 v4, $0x1;
	v5 =	vadd.s32 v8, v5  }
.LBB2_3:
0x44: {  	s18 =	sadd.s32 $0x10, s18  }
0x45: {  	vm1 =	veq.s32 v4, $0x80000000;
	v4 =	vand.u32 $0x1, v4;
	v6 =	vand.u32 $0xFFFF, v6;
	s15 =	sadd.s32 $0x10, s15;
	p0 =	slt.u32 s18, $0x950  }
.Ltmp3:
0x46: {  	v5 =	vor.u32 v2, v5;
	v4 =	vsel vm1, $0xFFFFFFFF, v4;
	v7 =	vsel vm1, $0xFFFFFFFF, v6;
	(pc) =	sbr.rel @p0 .LBB2_3-.Ltmp3, $4  }
0x47: {  	v2 =	vshrl.u32 v4, $0x1;
	v6 =	vshll.u32 v7, $0x1;
	v4 =	vshll.u32 v4, $0x7;
	[tilespmem:s16], [sflag:$0x1] =	stream.indirect_vreg.gather [hbm4b:s2+s10], $0x1, v0, vm0, $0x4038;
	[tilespmem:$0x2580] =	vst v63  }
0x48: {  	v0 =	vor.u32 v3, v5;
	s16 =	smov.u32 s15;
	v8 =	vmul.u32 $0x1D500, v2;
	v2 =	vand.u32 $0x80, v4  }
0x49: {  	s17 =	sadd.s32 $0x10, s17;
	v9 =	vand.u32 $0xFFFFFF00, v6  }
0x4a: {  	v3 =	vand.u32 $0x7F, v7;
	v6 =	vshrl.u32 v1, $0x1;
	v5 =	vadd.s32 v8, v9;
	(ifvalue) =	ssetifvalue $0x7FFFFFFF;
	v4 =	vmovc v1;
	v1 =	vld.msk [tilespmem:s17+$0x0 ss:$0x1], $0xffff  }
.Ltmp4:
0x4b: {  	_ = 	snop;
	(pc) =	sbr.rel .LBB2_4-.Ltmp4, $1  }
0x4c: {  	_ =	sdelay $0x3  }
.LBB2_6:
0x4d: {  	_ =	sfence.sel $0x180000  }
0x4e: {  	s2 =	simm.s32 $0x2;
	[bflag:$0x0] =	sbarrier.arrive $0xFFFF  }
0x4f: {  	s30 =	simm.s32 $0x3;
	[sflag:s2] =	ssyncpa.u1 $0x1  }
0x50: {  	s31 =	simm.s32 $0x1;
	[sflag:s30] =	ssyncpa.u1 $0x1  }
0x51: {  	[sflag:s31] =	ssyncpa.u1 $0x1  }
0x52: {  	p0 =	sne.s32 s1, $0x0;
	_ =	strace $0x90000053  }
0x53: {  	s0 =	sadd.s32 @!p0 $0x100000, s0;
	[bflag:$0x2] =	sbarrier.arrive $0xFFFF  }
0x54: {  	[sflag:s0] =	ssyncadd.tile.s32 @!p0 $0x1;
	_ =	shalt  }
.Lfunc_end2:
_tile_overlayer_lowered:
.L_overlay_start_2:
0x55: {  	(tag) =	ssettag $0x2  }
0x56: {  	s0 =	rddreg [dreg:$0x0];
	s2 =	stileid.u32  }
0x57: {  	s1 =	rddreg [dreg:$0x1];
	p0 =	sne.s32 s2, $0x0  }
0x58: {  	s3 =	rddreg [dreg:$0x2];
	[bflag:$0x3] =	sbarrier.arrive $0xFFFF;
	s2 =	simm.s32 @!p0 $0x1C01  }
0x59: {  	[timem:s3], [sflag:s2] =	dma.local @!p0 [hbm:s0], s1  }
0x5a: {  	s0 =	simm.s32 @!p0 $0x1  }
0x5b: {  	_ =	swait.ge @!p0 [sflag:s0], s1  }
0x5c: {  	s1 =	ssub.s32 @!p0 $0x0, s1;
	[sflag:s0] =	ssyncset.done @!p0 $0x0  }
0x5d: {  	[sflag:s0] =	ssyncadd.s32 @!p0 s1  }
0x5e: {  	[bflag:$0x3] =	sbarrier.arrive $0xFFFF  }
0x5f: {  	_ =	shalt  }

// kernel: gather_offload_async_start
scs
__scs_entry_jumppad:
0x0: {  	(pc) =	sbr.rel $0x88, $3  }
0x1: {  	(tag) =	ssettag $0x0;
	lr =	simm.s32 $0x1  }
0x2: {  	[smem:$0x3F9B] =	sst lr;
	_ =	strace $0xD0000000  }
0x3: {  	_ = 	snop  }
0x4: {  	_ = 	snop  }
0x5: {  	_ = 	snop  }
0x6: {  	_ = 	snop  }
0x7: {  	_ = 	snop  }
__scs_overlays_trampoline_lowered:
0x8: {  	[smem:$0x3FAA] =	sst s0  }
0x9: {  	[smem:$0x3FAB] =	sst s1  }
0xa: {  	[smem:$0x3FAC] =	sst s2  }
0xb: {  	[smem:$0x3FAD] =	sst s3  }
0xc: {  	[smem:$0x3FAE] =	sst s4  }
0xd: {  	[smem:$0x3FAF] =	sst s5  }
0xe: {  	[smem:$0x3FB0] =	sst s6  }
0xf: {  	[smem:$0x3FB1] =	sst s7  }
0x10: {  	[smem:$0x3FB2] =	sst s8  }
0x11: {  	[smem:$0x3FB3] =	sst s9;
	s0 =	simm.s32 @!p0 $0x0  }
0x12: {  	s1 =	sld [smem:$0x3F99];
	s0 =	simm.s32 @p0 $0x1  }
0x13: {  	[smem:$0x3FB4] =	sst s0;
	s0 =	simm.s32 @!p1 $0x0  }
0x14: {  	s2 =	sld [smem:$0x3F98];
	s0 =	simm.s32 @p1 $0x1  }
0x15: {  	[smem:$0x3FB5] =	sst s0;
	s0 =	simm.s32 @!p2 $0x0  }
0x16: {  	s3 =	sld [smem:$0x3FDB];
	s0 =	simm.s32 @p2 $0x1  }
0x17: {  	s4 =	simm.s32 $0x1BF5;
	[smem:$0x3FB7] =	sst s0  }
0x18: {  	s0 =	sld [smem:$0x3F9A];
	_ =	swait.ge [sflag:s4], $0x0  }
0x19: {  	s7 =	sld [smem:$0x3F9B]  }
0x1a: {  	s8 =	sadd.s32 $0xFFFFE003, lr  }
0x1b: {  	s9 =	sadd.s32 $0xFFFFFEF7, lr;
	s5 =	simm.s32 $0xFFFFFFFF;
	p2 =	slt.u32 s8, $0xFFFFF086  }
0x1c: {  	p1 =	slt.u32 s9, $0xF7A;
	s5 =	simm.s32 @!p2 $0x0  }
0x1d: {  	s5 =	simm.s32 @p1 $0x1;
	p0 =	seq.s32 s7, s2  }
0x1e: {  	s7 =	smul.u32 @!p0 $0xF7A, s2;
	p2 =	seq.s32 @!p0 s5, $0x0  }
0x1f: {  	s9 =	smul.u32 $0xF7A, s1;
	s8 =	simm.s32 @!p0 $0x1BF5;
	p2 =	por !p2, p0  }
0x20: {  	[sflag:s8] =	ssyncset.s32 @!p0 $0xFFFFF086;
	s6 =	sadd.s32 @!p0 s3, s7;
	s7 =	simm.s32 @!p0 $0x108  }
0x21: {  	s3 =	sadd.s32 s3, s9;
	s6 =	sadd.s32 @!p0 $0x88, s6;
	s7 =	simm.s32 @p2 $0x1082  }
0x22: {  	[simem:s7], [sflag:s8] =	dma.local @!p0 [hbm:s6], $0xF7A  }
0x23: {  	s9 =	sor.u32 $0xD0000000, s2;
	s6 =	simm.s32 $0x108;
	_ =	swait.ge @!p0 [sflag:s8], $0x0  }
0x24: {  	s3 =	sadd.s32 $0x88, s3;
	s6 =	simm.s32 @!p1 $0x1082;
	[sflag:s4] =	ssyncset.s32 $0xFFFFF086  }
0x25: {  	[simem:s6], [sflag:s4] =	dma.local [hbm:s3], $0xF7A  }
0x26: {  	[smem:$0x3F9B] =	sst s1;
	(tag) =	ssettag s2;
	_ =	strace s9  }
0x27: {  	s1 =	sld [smem:$0x3FAB]  }
0x28: {  	s2 =	sld [smem:$0x3FAC]  }
0x29: {  	s4 =	sld [smem:$0x3FAE]  }
0x2a: {  	p0 =	seq.s32 s5, $0x0;
	s5 =	sld [smem:$0x3FAF]  }
0x2b: {  	s6 =	sld [smem:$0x3FB0]  }
0x2c: {  	s7 =	sld [smem:$0x3FB1]  }
0x2d: {  	s3 =	simm.s32 $0x108;
	s8 =	sld [smem:$0x3FB2]  }
0x2e: {  	s3 =	simm.s32 @!p0 $0x1082;
	s9 =	sld [smem:$0x3FB3]  }
0x2f: {  	lr =	sadd.s32 s0, s3;
	s0 =	sld [smem:$0x3FAA]  }
0x30: {  	s3 =	sld [smem:$0x3FAD]  }
0x31: {  	[smem:$0x3FB6] =	sst s10  }
0x32: {  	s10 =	sld [smem:$0x3FB4];
	_ =	sdelay $0x3  }
0x33: {  	p0 =	seq.s32 s10, $0x1;
	s10 =	sld [smem:$0x3FB6];
	_ =	sdelay $0x3  }
0x34: {  	[smem:$0x3FB6] =	sst s10  }
0x35: {  	s10 =	sld [smem:$0x3FB5];
	_ =	sdelay $0x3  }
0x36: {  	p1 =	seq.s32 s10, $0x1;
	s10 =	sld [smem:$0x3FB6];
	_ =	sdelay $0x3  }
0x37: {  	[smem:$0x3FB6] =	sst s10  }
0x38: {  	s10 =	sld [smem:$0x3FB7]  }
0x39: {  	_ = 	snop;
	(pc) =	sbr.ind lr, $3  }
0x3a: {  	_ = 	snop  }
0x3b: {  	_ = 	snop  }
0x3c: {  	p2 =	seq.s32 s10, $0x1;
	s10 =	sld [smem:$0x3FB6]  }
0x3d: {  	_ =	shalt  }
0x3e: {  	_ =	shalt  }
0x3f: {  	_ =	shalt  }
0x40: {  	_ =	shalt  }
0x41: {  	_ =	shalt  }
0x42: {  	_ =	shalt  }
0x43: {  	_ =	shalt  }
0x44: {  	_ =	shalt  }
0x45: {  	_ =	shalt  }
0x46: {  	_ =	shalt  }
0x47: {  	_ =	shalt  }
0x48: {  	_ =	shalt  }
0x49: {  	_ =	shalt  }
0x4a: {  	_ =	shalt  }
0x4b: {  	_ =	shalt  }
0x4c: {  	_ =	shalt  }
0x4d: {  	_ =	shalt  }
0x4e: {  	_ =	shalt  }
0x4f: {  	_ =	shalt  }
0x50: {  	_ =	shalt  }
0x51: {  	_ =	shalt  }
0x52: {  	_ =	shalt  }
0x53: {  	_ =	shalt  }
0x54: {  	_ =	shalt  }
0x55: {  	_ =	shalt  }
0x56: {  	_ =	shalt  }
0x57: {  	_ =	shalt  }
0x58: {  	_ =	shalt  }
0x59: {  	_ =	shalt  }
0x5a: {  	_ =	shalt  }
0x5b: {  	_ =	shalt  }
0x5c: {  	_ =	shalt  }
0x5d: {  	_ =	shalt  }
0x5e: {  	_ =	shalt  }
0x5f: {  	_ =	shalt  }
0x60: {  	_ =	shalt  }
0x61: {  	_ =	shalt  }
0x62: {  	_ =	shalt  }
0x63: {  	_ =	shalt  }
0x64: {  	_ =	shalt  }
0x65: {  	_ =	shalt  }
0x66: {  	_ =	shalt  }
0x67: {  	_ =	shalt  }
0x68: {  	_ =	shalt  }
0x69: {  	_ =	shalt  }
0x6a: {  	_ =	shalt  }
0x6b: {  	_ =	shalt  }
0x6c: {  	_ =	shalt  }
0x6d: {  	_ =	shalt  }
0x6e: {  	_ =	shalt  }
0x6f: {  	_ =	shalt  }
0x70: {  	_ =	shalt  }
0x71: {  	_ =	shalt  }
0x72: {  	_ =	shalt  }
0x73: {  	_ =	shalt  }
0x74: {  	_ =	shalt  }
0x75: {  	_ =	shalt  }
0x76: {  	_ =	shalt  }
0x77: {  	_ =	shalt  }
0x78: {  	_ =	shalt  }
0x79: {  	_ =	shalt  }
0x7a: {  	_ =	shalt  }
0x7b: {  	_ =	shalt  }
0x7c: {  	_ =	shalt  }
0x7d: {  	_ =	shalt  }
0x7e: {  	_ =	shalt  }
0x7f: {  	_ =	shalt  }
0x80: {  	_ =	shalt  }
0x81: {  	_ =	shalt  }
0x82: {  	_ =	shalt  }
0x83: {  	_ =	shalt  }
0x84: {  	_ =	shalt  }
0x85: {  	_ =	shalt  }
0x86: {  	_ =	shalt  }
0x87: {  	_ =	shalt  }
.Lfunc_end0:
.L_simem_size_0:
called_computation_lowered:
.L_overlay_start_0:
0x88: {  	s2 =	sld [smem:$0x3FD9]  }
0x89: {  	s3 =	sld [smem:$0x3FFE];
	_ =	sdelay $0x1  }
0x8a: {  	s1 =	srdreg.scid  }
0x8b: {  	s0 =	sand.u32 $0x1, s1  }
0x8c: {  	s16 =	sshll.u32 s0, $0xA;
	s2 =	sadd.s32 s3, s2  }
0x8d: {  	s2 =	sadd.s32 s2, s16  }
0x8e: {  	[smem:$0x3FC2] =	sst s2  }
0x8f: {  	_ = 	snop  }
0x90: {  	(tm) =	ssettm $0x1  }
0x91: {  	s17 =	sld [smem:$0x3FFB];
	_ =	sdelay $0x3  }
0x92: {  	_ =	strace s17  }
0x93: {  	s2 =	sld [smem:$0x3FFC];
	_ =	sdelay $0x3  }
0x94: {  	_ =	strace s2  }
0x95: {  	s2 =	sld [smem:$0x3FFD];
	_ =	sdelay $0x3  }
0x96: {  	_ =	strace s2  }
0x97: {  	_ =	strace $0x8FFFFFFF  }
0x98: {  	s18 =	sld [smem:$0x3FDB];
	_ =	sdelay $0x1  }
0x99: {  	s19 =	simm.s32 $_scs_section_size  }
0x9a: {  	s4 =	simm.s32 $_size__tile_overlayer_lowered;
	s5 =	simm.s32 $_tile_overlayer_lowered  }
0x9b: {  	s22 =	simm.s32 $0x1BFF;
	s21 =	sshll.u32 s5, $0x1;
	s2 =	sadd.s32 s19, s18  }
0x9c: {  	s6 =	simm.s32 $0x0;
	s20 =	sshll.u32 s4, $0x1;
	s4 =	sadd.s32 s21, s2  }
0x9d: {  	[timem:s6], [sflag:s22] =	dma.local [hbm:s4], s20  }
0x9e: {  	_ =	swait.ge [sflag:s22], s20  }
0x9f: {  	s3 =	ssub.s32 $0x0, s20;
	[sflag:s22] =	ssyncset.done $0x0  }
0xa0: {  	[sflag:s22] =	ssyncadd.s32 s3;
	_ =	sdelay $0x1  }
0xa1: {  	s23 =	simm.s32 $0x1B8B  }
0xa2: {  	_ =	swait.ge [sflag:s23], $0x1  }
0xa3: {  	[sflag:s23] =	ssyncset.done $0x0  }
0xa4: {  	s25 =	simm.s32 $0x1B8E;
	s24 =	sld [smem:$0x3FFE];
	[sflag:s23] =	ssyncadd.s32 $0xFFFFFFFF  }
0xa5: {  	s26 =	simm.s32 $execute0_lowered;
	[smem:$0x3FD2] =	sst s25  }
0xa6: {  	s4 =	sshll.u32 s26, $0x1;
	_ =	strace $0x80000046;
	[dreg:$0x1] =	wrdreg $0xFFFFFFFF  }
0xa7: {  	s28 =	simm.s32 $_size_execute0_lowered;
	s2 =	sadd.s32 s2, s4;
	[dreg:$0x0] =	wrdreg $0x0  }
0xa8: {  	s4 =	sshll.u32 s28, $0x1;
	[dreg:$0x2] =	wrdreg s2  }
0xa9: {  	[dreg:$0x3] =	wrdreg s4  }
0xaa: {  	[dreg:$0x4] =	wrdreg $0xC0  }
0xab: {  	_ =	task [dreg:s6], $0x5FFFF  }
0xac: {  	[dreg:$0x1] =	wrdreg $0xFFFFFFFF  }
0xad: {  	[dreg:$0x0] =	wrdreg $0x60  }
0xae: {  	[dreg:$0x2] =	wrdreg s24  }
0xaf: {  	[dreg:$0x3] =	wrdreg $0x9  }
0xb0: {  	_ =	task.clear_ibuf [dreg:s6], $0x4FFFF;
	_ =	strace $0x90000046  }
0xb1: {  	s29 =	simm.s32 $0x9;
	_ =	strace $0x80000048  }
0xb2: {  	_ =	swait.ge [sflag:s29], $0x1  }
0xb3: {  	[sflag:s29] =	ssyncadd.s32 $0xFFFFFFFF  }
0xb4: {  	_ =	strace $0x90000048  }
0xb5: {  	_ =	sfence  }
0xb6: {  	s30 =	sld [smem:$0x0];
	_ =	sdelay $0x2  }
0xb7: {  	s31 =	sshll.u32 s1, $0xD;
	s1 =	sshrl.u32 s1, $0x2  }
0xb8: {  	s3 =	sand.u32 $0x4000, s31;
	s1 =	sadd.s32 s1, s30  }
0xb9: {  	s0 =	sor.u32 s3, s0;
	s1 =	sshll.u32 s1, $0x11  }
0xba: {  	s0 =	sor.u32 s1, s0  }
0xbb: {  	s0 =	sadd.s32 $0x8F2B, s0  }
0xbc: {  	[sflag:s0] =	ssyncadd.remote.s32 $0x1  }
0xbd: {  	_ =	sfence.sel $0xFFFF  }
0xbe: {  	[dreg:$0x0] =	wrdreg $0xFFFFFFFF;
	(pc) =	sbr.abs _section_cstart, $3  }
0xbf: {  	[dreg:$0x1] =	wrdreg $0xFFFFFFFF  }
0xc0: {  	_ =	task.clear_ibuf [dreg:s6], $0x2FFFF;
	_ =	strace $0x9FFFFFFF  }
0xc1: {  	(tm) =	ssettm $0x7FFFFFFF  }
tec
execute0_lowered:
.L_overlay_start_1:
0x0: {  	(tag) =	ssettag $0x1  }
0x1: {  	s8 =	rddreg [dreg:$0x0];
	s1 =	stileid.u32  }
0x2: {  	s2 =	srdreg.scid;
	s0 =	rddreg [dreg:$0x1]  }
0x3: {  	_ =	strace $0x80000047;
	s5 =	simm.s32 $0x1;
	s9 =	simm.s32 $0x1  }
0x4: {  	s10 =	simm.s32 $0x3;
	s2 =	sand.u32 $0x1, s2;
	s3 =	sshll.u32 s1, $0x1  }
0x5: {  	s13 =	simm.s32 $0x0;
	s12 =	simm.s32 $0x0;
	s6 =	sor.u32 s3, s2  }
0x6: {  	[sflag:s5] =	ssyncpa.u1 $0x0;
	s2 =	sadd.s32 $0x9C00, s8;
	s4 =	smul.u32 $0x960, s6  }
0x7: {  	s3 =	sadd.s32 $0x15000, s8;
	p0 =	slt.u32 s6, $0x13;
	s6 =	simm.s32 $0x12C00  }
.Ltmp0:
0x8: {  	s6 =	simm.s32 @!p0 $0x0;
	s7 =	ssub.s32 $0x1D4C0, s4;
	(pc) =	sbr.rel .LBB2_1-.Ltmp0, $4  }
0x9: {  	s9 =	simm.s32 @!p0 $0x0;
	p0 =	sne.s32 s7, s6;
	s7 =	simm.s32 $0x1  }
0xa: {  	s8 =	sadd.s32 $0xB8C00, s8;
	s6 =	simm.s32 $0x2;
	s7 =	simm.s32 @!p0 $0x0  }
0xb: {  	s11 =	smov.u32 s4;
	[sflag:s6] =	ssyncpa.u1 $0x0;
	s7 =	sadd.s32 s9, s7  }
0xc: {  	vm0 =	vmmov $0xffff;
	[sflag:s10] =	ssyncpa.u1 $0x0;
	s10 =	simm.s32 $0x0;
	s9 =	sadd.s32 $0x1, s7  }
.LBB2_4:
0xd: {  	vm1 =	veq.s32 v4, $0x80000000;
	v56 =	vand.u32 $0x1, v4;
	v6 =	vand.u32 $0xFFFF, v6  }
0xe: {  	v2 =	vor.u32 v2, v5;
	v59 =	vshrl.u32 v1, $0x1;
	v60 =	vand.u32 $0x1, v1  }
0xf: {  	v4 =	vsel vm1, $0xFFFFFFFF, v56;
	v6 =	vsel vm1, $0xFFFFFFFF, v6;
	v2 =	vor.u32 v3, v2  }
0x10: {  	vm1 =	veq.s32 v1, $0x80000000;
	v5 =	vand.u32 $0xFFFF, v59;
	v7 =	vshrl.u32 v4, $0x1  }
0x11: {  	v57 =	vshll.u32 v6, $0x1;
	v4 =	vshll.u32 v4, $0x7;
	v1 =	vsel vm1, $0xFFFFFFFF, v60  }
0x12: {  	v5 =	vsel vm1, $0xFFFFFFFF, v5;
	v6 =	vand.u32 $0x7F, v6;
	v7 =	vmul.u32 $0x1D500, v7  }
0x13: {  	v58 =	vand.u32 $0xFFFFFF00, v57;
	v4 =	vand.u32 $0x80, v4;
	v61 =	vshrl.u32 v1, $0x1  }
0x14: {  	v62 =	vshll.u32 v5, $0x1;
	v3 =	vadd.s32 v7, v58;
	v7 =	vmul.u32 $0x1D500, v61  }
0x15: {  	v1 =	vshll.u32 v1, $0x7;
	v3 =	vor.u32 v4, v3;
	v4 =	vand.u32 $0xFFFFFF00, v62  }
0x16: {  	v1 =	vand.u32 $0x80, v1;
	v3 =	vor.u32 v6, v3;
	v4 =	vadd.s32 v7, v4  }
0x17: {  	[tilespmem:s16], [sflag:$0x1] =	stream.indirect_vreg.gather [hbm4b:s2+s10], $0x1, v0, vm0, $0x4038;
	v63 =	vand.u32 $0x7F, v5;
	v1 =	vor.u32 v1, v4;
	[tilespmem:$0x2580] =	vst v63  }
0x18: {  	s15 =	sadd.s32 $0x10, s15;
	(ifvalue) =	ssetifvalue $0x7FFFFFFF;
	v0 =	vor.u32 v63, v1  }
0x19: {  	[tilespmem:s15], [sflag:$0x1] =	stream.indirect_vreg.gather [hbm4b:s2+s10], $0x1, v2, vm0, $0x4038;
	[tilespmem:$0x2580] =	vst v63  }
0x1a: {  	s15 =	sadd.s32 $0x10, s15;
	(ifvalue) =	ssetifvalue $0x7FFFFFFF  }
0x1b: {  	[tilespmem:s15], [sflag:$0x1] =	stream.indirect_vreg.gather [hbm4b:s2+s10], $0x1, v3, vm0, $0x4038;
	[tilespmem:$0x2580] =	vst v63  }
0x1c: {  	s15 =	sadd.s32 $0x10, s15;
	(ifvalue) =	ssetifvalue $0x7FFFFFFF  }
0x1d: {  	[tilespmem:s15], [sflag:$0x1] =	stream.indirect_vreg.gather [hbm4b:s2+s10], $0x1, v0, vm0, $0x4038;
	[tilespmem:$0x2580] =	vst v63  }
0x1e: {  	_ =	swait.ge [sflag:s5], $0x960  }
0x1f: {  	s30 =	sshrl.u32 s13, $0x3;
	[sflag:s5] =	ssyncset.done $0x0  }
0x20: {  	s31 =	sand.u32 $0x7, s13;
	s15 =	sadd.s32 s8, s30;
	[sflag:s5] =	ssyncadd.s32 $0xFFFFF6A0  }
0x21: {  	[hbm4b:s15+s31] =	stream.linear.scatter [tilespmem:s14], [sflag:$0x3], $0x960, $0x38;
	[tilespmem:$0x2580] =	vst v63  }
.LBB2_5:
0x22: {  	s15 =	sadd.s32 $0x12C00, s11  }
0x23: {  	p1 =	sgt.s32 s15, $0x1D4BF  }
0x24: {  	s15 =	smov.u32 @p1 s4;
	p1 =	sne.s32 s12, s9  }
.Ltmp1:
0x25: {  	p0 =	slt.u32 s12, $0x2;
	(pc) =	sbr.rel @!p1 .LBB2_6-.Ltmp1, $4  }
0x26: {  	s14 =	simm.s32 @!p0 $0x3  }
0x27: {  	_ =	swait.ge @!p0 [sflag:s14], $0x960  }
0x28: {  	s16 =	sadd.s32 $0x1, s12;
	s13 =	smov.u32 s11;
	[sflag:s14] =	ssyncset.done @!p0 $0x0  }
0x29: {  	s12 =	smov.u32 s16;
	s11 =	smov.u32 s15;
	[sflag:s14] =	ssyncadd.s32 @!p0 $0xFFFFF6A0  }
.LBB2_1:
0x2a: {  	p0 =	sge.u32 s12, s7  }
0x2b: {  	s14 =	sxor.u32 @!p0 $0x1, s12  }
0x2c: {  	s14 =	smul.u32 @!p0 $0x2580, s14  }
0x2d: {  	s31 =	sadd.s32 $0xFFFFFFFF, s12;
	s15 =	sshrl.u32 @!p0 s11, $0x3  }
0x2e: {  	s16 =	sand.u32 @!p0 $0x7, s11;
	s15 =	sadd.s32 @!p0 s3, s15;
	s14 =	sshra.s32 @!p0 s14, $0x2  }
0x2f: {  	[tilespmem:s14], [sflag:$0x2] =	stream.linear.gather @!p0 [hbm4b:s15+s16], $0x960, $0x38;
	[tilespmem:$0x2580] =	vst v63  }
0x30: {  	p0 =	sge.u32 s31, s7  }
.Ltmp2:
0x31: {  	_ = 	snop;
	(pc) =	sbr.rel @p0 .LBB2_5-.Ltmp2, $1  }
0x32: {  	_ =	sdelay $0x3  }
0x33: {  	s14 =	sand.u32 $0x1, s12  }
0x34: {  	_ =	swait.ge [sflag:s6], $0x960;
	p0 =	seq.s32 s14, $0x1;
	s14 =	simm.s32 $0x960  }
0x35: {  	[sflag:s6] =	ssyncset.done $0x0;
	s14 =	simm.s32 @!p0 $0x0  }
0x36: {  	[sflag:s6] =	ssyncadd.s32 $0xFFFFF6A0;
	(ifvalue) =	ssetifvalue $0x7FFFFFFF;
	v0 =	vld.msk [tilespmem:s14+$0x0 ss:$0x1], $0xffff  }
0x37: {  	s15 =	sadd.s32 $0x10, s14  }
0x38: {  	v1 =	vld.msk [tilespmem:s15+$0x0 ss:$0x1], $0xffff;
	_ =	sdelay $0x2  }
0x39: {  	v2 =	vshrl.u32 v0, $0x1  }
0x3a: {  	vm1 =	veq.s32 v0, $0x80000000;
	v0 =	vand.u32 $0x1, v0;
	v2 =	vand.u32 $0xFFFF, v2  }
0x3b: {  	v0 =	vsel vm1, $0xFFFFFFFF, v0;
	v6 =	vshrl.u32 v1, $0x1;
	v2 =	vsel vm1, $0xFFFFFFFF, v2  }
0x3c: {  	v3 =	vshrl.u32 v0, $0x1;
	v0 =	vshll.u32 v0, $0x7;
	vm1 =	veq.s32 v1, $0x80000000  }
0x3d: {  	s15 =	sadd.s32 $0x10, s15;
	v1 =	vand.u32 $0x1, v1;
	v4 =	vshll.u32 v2, $0x1;
	v3 =	vmul.u32 $0x1D500, v3  }
0x3e: {  	v0 =	vand.u32 $0x80, v0;
	v7 =	vand.u32 $0x7F, v2;
	v5 =	vand.u32 $0xFFFFFF00, v4;
	v4 =	vld.msk [tilespmem:s15+$0x0 ss:$0x1], $0xffff  }
0x3f: {  	v1 =	vsel vm1, $0xFFFFFFFF, v1;
	v2 =	vadd.s32 v3, v5;
	v3 =	vand.u32 $0xFFFF, v6  }
0x40: {  	v3 =	vsel vm1, $0xFFFFFFFF, v3;
	v0 =	vor.u32 v0, v2;
	v2 =	vshrl.u32 v1, $0x1  }
0x41: {  	v1 =	vshll.u32 v1, $0x7;
	v5 =	vshll.u32 v3, $0x1;
	v8 =	vmul.u32 $0x1D500, v2  }
0x42: {  	s18 =	simm.s32 $0x30;
	s14 =	sadd.s32 $0x12C0, s14;
	s17 =	sadd.s32 $0x10, s15;
	v2 =	vand.u32 $0x80, v1;
	v0 =	vor.u32 v7, v0;
	v5 =	vand.u32 $0xFFFFFF00, v5  }
0x43: {  	s16 =	smov.u32 s14;
	s15 =	smov.u32 s14;
	v1 =	vld.msk [tilespmem:s17+$0x0 ss:$0x1], $0xffff;
	v3 =	vand.u32 $0x7F, v3;
	(ifvalue) =	ssetifvalue $0x7FFFFFFF;
	v6 =	vshrl.u32 v4, $0x1;
	v5 =	vadd.s32 v8, v5  }
.LBB2_3:
0x44: {  	s18 =	sadd.s32 $0x10, s18  }
0x45: {  	vm1 =	veq.s32 v4, $0x80000000;
	v4 =	vand.u32 $0x1, v4;
	v6 =	vand.u32 $0xFFFF, v6;
	s15 =	sadd.s32 $0x10, s15;
	p0 =	slt.u32 s18, $0x950  }
.Ltmp3:
0x46: {  	v5 =	vor.u32 v2, v5;
	v4 =	vsel vm1, $0xFFFFFFFF, v4;
	v7 =	vsel vm1, $0xFFFFFFFF, v6;
	(pc) =	sbr.rel @p0 .LBB2_3-.Ltmp3, $4  }
0x47: {  	v2 =	vshrl.u32 v4, $0x1;
	v6 =	vshll.u32 v7, $0x1;
	v4 =	vshll.u32 v4, $0x7;
	[tilespmem:s16], [sflag:$0x1] =	stream.indirect_vreg.gather [hbm4b:s2+s10], $0x1, v0, vm0, $0x4038;
	[tilespmem:$0x2580] =	vst v63  }
0x48: {  	v0 =	vor.u32 v3, v5;
	s16 =	smov.u32 s15;
	v8 =	vmul.u32 $0x1D500, v2;
	v2 =	vand.u32 $0x80, v4  }
0x49: {  	s17 =	sadd.s32 $0x10, s17;
	v9 =	vand.u32 $0xFFFFFF00, v6  }
0x4a: {  	v3 =	vand.u32 $0x7F, v7;
	v6 =	vshrl.u32 v1, $0x1;
	v5 =	vadd.s32 v8, v9;
	(ifvalue) =	ssetifvalue $0x7FFFFFFF;
	v4 =	vmovc v1;
	v1 =	vld.msk [tilespmem:s17+$0x0 ss:$0x1], $0xffff  }
.Ltmp4:
0x4b: {  	_ = 	snop;
	(pc) =	sbr.rel .LBB2_4-.Ltmp4, $1  }
0x4c: {  	_ =	sdelay $0x3  }
.LBB2_6:
0x4d: {  	_ =	sfence.sel $0x180000  }
0x4e: {  	s2 =	simm.s32 $0x2;
	[bflag:$0x0] =	sbarrier.arrive $0xFFFF  }
0x4f: {  	s30 =	simm.s32 $0x3;
	[sflag:s2] =	ssyncpa.u1 $0x1  }
0x50: {  	s31 =	simm.s32 $0x1;
	[sflag:s30] =	ssyncpa.u1 $0x1  }
0x51: {  	[sflag:s31] =	ssyncpa.u1 $0x1  }
0x52: {  	p0 =	sne.s32 s1, $0x0;
	_ =	strace $0x90000047  }
0x53: {  	s0 =	sadd.s32 @!p0 $0x100000, s0;
	[bflag:$0x2] =	sbarrier.arrive $0xFFFF  }
0x54: {  	[sflag:s0] =	ssyncadd.tile.s32 @!p0 $0x1;
	_ =	shalt  }
.Lfunc_end2:
_tile_overlayer_lowered:
.L_overlay_start_2:
0x55: {  	(tag) =	ssettag $0x2  }
0x56: {  	s0 =	rddreg [dreg:$0x0];
	s2 =	stileid.u32  }
0x57: {  	s1 =	rddreg [dreg:$0x1];
	p0 =	sne.s32 s2, $0x0  }
0x58: {  	s3 =	rddreg [dreg:$0x2];
	[bflag:$0x3] =	sbarrier.arrive $0xFFFF;
	s2 =	simm.s32 @!p0 $0x1C01  }
0x59: {  	[timem:s3], [sflag:s2] =	dma.local @!p0 [hbm:s0], s1  }
0x5a: {  	s0 =	simm.s32 @!p0 $0x1  }
0x5b: {  	_ =	swait.ge @!p0 [sflag:s0], s1  }
0x5c: {  	s1 =	ssub.s32 @!p0 $0x0, s1;
	[sflag:s0] =	ssyncset.done @!p0 $0x0  }
0x5d: {  	[sflag:s0] =	ssyncadd.s32 @!p0 s1  }
0x5e: {  	[bflag:$0x3] =	sbarrier.arrive $0xFFFF  }
0x5f: {  	_ =	shalt  }

</sc_bundles>
